<compile_context>
chip_gen: v7x
topology: tpu7x:2x2x1
jax: 0.10.2.dev20260603
libtpu: 0.0.44.dev20260713+nightly
codegen_flags: <defaults>
</compile_context>

<pallas_src>
import functools

import jax
import jax.numpy as jnp
from jax import lax
from jax.experimental import pallas as pl
from jax.experimental.pallas import tpu as pltpu
from jax.experimental.pallas import tpu_sc as plsc

N = 10000
E = 320000
D = 128
G = 64

NC = 2
NS = 16
NW = NC * NS
EPW = E // NW
EPB = 80
RPS = 624
REM = N - NS * RPS
ZR = 48


NCH = EPW // EPB
NBUF = 4
HALF = NBUF // 2
LOOP_HI = ((NCH + NBUF - 1) // NBUF) * NBUF


def _seg_sum_kernel(x_hbm, ei_hbm, out_hbm, agg_s, src_b, dst_b, rows_b,
                    semis, semid, semg, sems):
    c = lax.axis_index("c")
    s = lax.axis_index("s")
    wid = s * NC + c

    @pl.loop(0, ZR)
    def _(r):
        @pl.loop(0, D, step=16)
        def _(cc):
            rows_b[0, r, pl.ds(cc, 16)] = jnp.zeros((16,), jnp.float32)

    @pl.loop(0, RPS, step=ZR)
    def _(j):
        pltpu.sync_copy(rows_b.at[0, pl.ds(0, ZR)],
                        agg_s.at[pl.ds(s * RPS + j, ZR)])

    @pl.when(s == 0)
    def _():
        pltpu.sync_copy(rows_b.at[0, pl.ds(0, REM)],
                        agg_s.at[pl.ds(NS * RPS, REM)])

    base0 = wid * EPW

    def issue_src(ch, k):
        @pl.when(ch < NCH)
        def _():
            pltpu.async_copy(ei_hbm.at[pl.ds(base0 + ch * EPB, EPB)],
                             src_b.at[k], semis.at[k])

    def issue_dst(ch, k):
        @pl.when(ch < NCH)
        def _():
            pltpu.async_copy(ei_hbm.at[pl.ds(E + base0 + ch * EPB, EPB)],
                             dst_b.at[k], semid.at[k])

    def issue_g(ch, k):
        @pl.when(ch < NCH)
        def _():
            pltpu.make_async_copy(
                ei_hbm.at[pl.ds(base0 + ch * EPB, EPB)], src_b.at[k],
                semis.at[k]).wait()
            pltpu.async_copy(x_hbm.at[src_b.at[k]], rows_b.at[k],
                             semg.at[k])

    def issue_s(ch, k):
        @pl.when(ch < NCH)
        def _():
            pltpu.make_async_copy(
                ei_hbm.at[pl.ds(E + base0 + ch * EPB, EPB)], dst_b.at[k],
                semid.at[k]).wait()
            pltpu.make_async_copy(x_hbm.at[src_b.at[k]], rows_b.at[k],
                                  semg.at[k]).wait()
            pltpu.async_copy(rows_b.at[k], agg_s.at[dst_b.at[k]],
                             sems.at[k], add=True)

    def wait_s(ch, k):
        @pl.when(ch < NCH)
        def _():
            pltpu.make_async_copy(rows_b.at[k], agg_s.at[dst_b.at[k]],
                                  sems.at[k]).wait()

    for k in range(NBUF):
        issue_src(k, k)
        issue_dst(k, k)
    for k in range(NBUF):
        issue_g(k, k)

    plsc.subcore_barrier()

    @pl.loop(0, LOOP_HI, step=NBUF)
    def _(j):
        for k in range(HALF):
            issue_s(j + k, k)
        for k in range(HALF):
            issue_src(j + NBUF + k, k)
        for k in range(HALF, NBUF):
            issue_s(j + k, k)
        for k in range(HALF, NBUF):
            issue_src(j + NBUF + k, k)
        for k in range(HALF):
            wait_s(j + k, k)
            issue_dst(j + NBUF + k, k)
            issue_g(j + NBUF + k, k)
        for k in range(HALF, NBUF):
            wait_s(j + k, k)
            issue_dst(j + NBUF + k, k)
            issue_g(j + NBUF + k, k)

    plsc.subcore_barrier()

    pltpu.sync_copy(agg_s.at[pl.ds(s * RPS, RPS)],
                    out_hbm.at[c, pl.ds(s * RPS, RPS)])

    @pl.when(s == 0)
    def _():
        pltpu.sync_copy(agg_s.at[pl.ds(NS * RPS, REM)],
                        out_hbm.at[c, pl.ds(NS * RPS, REM)])


def _seg_sum(x):
    mesh = plsc.VectorSubcoreMesh(core_axis_name="c", subcore_axis_name="s")
    return functools.partial(
        pl.kernel,
        mesh=mesh,
        out_type=jax.ShapeDtypeStruct((NC, N, D), jnp.float32),
        scratch_types=[
            pltpu.VMEM_SHARED((N, D), jnp.float32),
            pltpu.VMEM((NBUF, EPB), jnp.int32),
            pltpu.VMEM((NBUF, EPB), jnp.int32),
            pltpu.VMEM((NBUF, EPB, D), jnp.float32),
            pltpu.SemaphoreType.DMA((NBUF,)),
            pltpu.SemaphoreType.DMA((NBUF,)),
            pltpu.SemaphoreType.DMA((NBUF,)),
            pltpu.SemaphoreType.DMA((NBUF,)),
        ],
    )(_seg_sum_kernel)(x[0], x[1].reshape(-1))


BLK = 2000


def _pre_body(x_ref, ws_ref, b_ref, o_ref):
    o_ref[...] = jnp.dot(x_ref[...], ws_ref[...],
                         preferred_element_type=jnp.float32) + b_ref[...]


def _tc_pre(x, ws, b):
    return pl.pallas_call(
        _pre_body,
        grid=(N // BLK,),
        in_specs=[
            pl.BlockSpec((BLK, D), lambda i: (i, 0)),
            pl.BlockSpec((D, D), lambda i: (0, 0)),
            pl.BlockSpec((1, D), lambda i: (0, 0)),
        ],
        out_specs=pl.BlockSpec((BLK, D), lambda i: (i, 0)),
        out_shape=jax.ShapeDtypeStruct((N, D), jnp.float32),
    )(x, ws, b.reshape(1, D))


def _post_body(agg_ref, xs_ref, wr_ref, o_ref):
    a = agg_ref[0] + agg_ref[1]
    acc = jnp.dot(a, wr_ref[...], preferred_element_type=jnp.float32)
    o_ref[...] = jnp.maximum(acc + xs_ref[...], 0.0)


def _tc_post(agg, xs, wr):
    return pl.pallas_call(
        _post_body,
        grid=(N // BLK,),
        in_specs=[
            pl.BlockSpec((NC, BLK, D), lambda i: (0, i, 0)),
            pl.BlockSpec((BLK, D), lambda i: (i, 0)),
            pl.BlockSpec((D, D), lambda i: (0, 0)),
        ],
        out_specs=pl.BlockSpec((BLK, D), lambda i: (i, 0)),
        out_shape=jax.ShapeDtypeStruct((N, D), jnp.float32),
    )(agg, xs, wr)


def _final_body(agg_ref, xs_ref, wr_ref, batch_ref, wlin_ref, blin_ref,
                o_ref, pooled, counts):
    i = pl.program_id(0)

    @pl.when(i == 0)
    def _():
        pooled[...] = jnp.zeros_like(pooled)
        counts[...] = jnp.zeros_like(counts)

    a = agg_ref[0] + agg_ref[1]
    h = jnp.dot(a, wr_ref[...], preferred_element_type=jnp.float32)
    h = h + xs_ref[...]

    bvec = batch_ref[...].reshape(1, BLK)
    onehot = (lax.broadcasted_iota(jnp.int32, (G, BLK), 0) == bvec)
    onehot = onehot.astype(jnp.float32)
    pooled[...] += jnp.dot(onehot, h, preferred_element_type=jnp.float32)
    counts[...] += jnp.dot(onehot, jnp.ones((BLK, D), jnp.float32),
                           preferred_element_type=jnp.float32)

    @pl.when(i == pl.num_programs(0) - 1)
    def _():
        pm = pooled[...] / jnp.maximum(counts[...], 1.0)
        o_ref[...] = jnp.dot(pm, wlin_ref[...],
                             preferred_element_type=jnp.float32) + blin_ref[...]


def _tc_final(agg, xs, wr, batch, wlin_pad, blin_pad):
    return pl.pallas_call(
        _final_body,
        grid=(N // BLK,),
        in_specs=[
            pl.BlockSpec((NC, BLK, D), lambda i: (0, i, 0)),
            pl.BlockSpec((BLK, D), lambda i: (i, 0)),
            pl.BlockSpec((D, D), lambda i: (0, 0)),
            pl.BlockSpec((1, 1, BLK), lambda i: (i, 0, 0)),
            pl.BlockSpec((D, D), lambda i: (0, 0)),
            pl.BlockSpec((1, D), lambda i: (0, 0)),
        ],
        out_specs=pl.BlockSpec((G, D), lambda i: (0, 0)),
        out_shape=jax.ShapeDtypeStruct((G, D), jnp.float32),
        scratch_shapes=[
            pltpu.VMEM((G, D), jnp.float32),
            pltpu.VMEM((G, D), jnp.float32),
        ],
    )(agg, xs, wr, batch.reshape(N // BLK, 1, BLK), wlin_pad, blin_pad)


def kernel(x, edge_index, batch, W1r, W1s, b1, W2r, W2s, b2, W3r, W3s, b3,
           Wlin, blin):
    C = Wlin.shape[1]
    wlin_pad = jnp.zeros((D, D), jnp.float32).at[:, :C].set(Wlin)
    blin_pad = jnp.zeros((1, D), jnp.float32).at[0, :C].set(blin)

    xs1 = _tc_pre(x, W1s, b1)
    agg = _seg_sum((x, edge_index))
    h1 = _tc_post(agg, xs1, W1r)
    xs2 = _tc_pre(h1, W2s, b2)
    agg = _seg_sum((h1, edge_index))
    h2 = _tc_post(agg, xs2, W2r)
    xs3 = _tc_pre(h2, W3s, b3)
    agg = _seg_sum((h2, edge_index))
    out = _tc_final(agg, xs3, W3r, batch, wlin_pad, blin_pad)
    return out[:, :C]

# --- scband reference (transcript-rebuilt; emitter-appended) ---
"""Pipeline reference for scband-gcn-16621523435856 (READ-ONLY COPY).

The authoritative reference and input builder live on the scoring server;
editing this copy changes nothing except your own understanding.
"""

import jax, jax.numpy as jnp
import numpy as np

N = 10000
E = 320000
D = 128
H = 128
C = 10
G = 64


def setup_inputs(seed: int = 0) -> dict:
    key = jax.random.key(seed)
    ks = jax.random.split(key, 16)
    x = jax.random.normal(ks[0], (N, D), dtype=jnp.float32)
    edge_index = jax.random.randint(ks[1], (2, E), 0, N)
    batch = jnp.sort(jax.random.randint(ks[2], (N,), 0, G))
    s1 = 1.0 / np.sqrt(D)
    s2 = 1.0 / np.sqrt(H)
    W1r = jax.random.normal(ks[3], (D, H), dtype=jnp.float32) * s1
    W1s = jax.random.normal(ks[4], (D, H), dtype=jnp.float32) * s1
    b1 = jnp.zeros((H,), dtype=jnp.float32)
    W2r = jax.random.normal(ks[5], (H, H), dtype=jnp.float32) * s2
    W2s = jax.random.normal(ks[6], (H, H), dtype=jnp.float32) * s2
    b2 = jnp.zeros((H,), dtype=jnp.float32)
    W3r = jax.random.normal(ks[7], (H, H), dtype=jnp.float32) * s2
    W3s = jax.random.normal(ks[8], (H, H), dtype=jnp.float32) * s2
    b3 = jnp.zeros((H,), dtype=jnp.float32)
    Wlin = jax.random.normal(ks[9], (H, C), dtype=jnp.float32) * s2
    blin = jnp.zeros((C,), dtype=jnp.float32)
    return {"x": x, "edge_index": edge_index, "batch": batch,
            "W1r": W1r, "W1s": W1s, "b1": b1,
            "W2r": W2r, "W2s": W2s, "b2": b2,
            "W3r": W3r, "W3s": W3s, "b3": b3,
            "Wlin": Wlin, "blin": blin}


def _graph_conv(x, edge_index, Wr, Ws, b):
    # PyG GraphConv: out_i = lin_root(x_i) + lin_rel(sum_{j in N(i)} x_j)
    src = edge_index[0]
    dst = edge_index[1]
    agg = jax.ops.segment_sum(x[src], dst, num_segments=x.shape[0])
    return agg @ Wr + x @ Ws + b


def reference(x, edge_index, batch, W1r, W1s, b1, W2r, W2s, b2, W3r, W3s, b3, Wlin, blin):
    h = jax.nn.relu(_graph_conv(x, edge_index, W1r, W1s, b1))
    h = jax.nn.relu(_graph_conv(h, edge_index, W2r, W2s, b2))
    h = _graph_conv(h, edge_index, W3r, W3s, b3)
    # global_mean_pool over graph ids in `batch`
    sums = jax.ops.segment_sum(h, batch, num_segments=G)
    counts = jax.ops.segment_sum(jnp.ones((h.shape[0], 1), dtype=h.dtype), batch, num_segments=G)
    pooled = sums / jnp.maximum(counts, 1.0)
    # dropout is identity in eval mode
    return pooled @ Wlin + blin

if __name__ == "__main__":
    import jax
    _d = setup_inputs()
    print(jax.jit(kernel)(*tuple(_d.values())))

</pallas_src>

<mosaic_0001>
#map = affine_map<(d0, d1) -> (0, 0)>
#map1 = affine_map<(d0, d1) -> (0)>
#map2 = affine_map<(d0, d1) -> (0, 0, 0)>
module attributes {stable_mosaic.version = 14 : i64} {
  func.func @_seg_sum_kernel(%arg0: i32, %arg1: i32, %arg2: memref<10000x128xf32, #tpu.memory_space<hbm>>, %arg3: memref<640000xi32, #tpu.memory_space<hbm>>, %arg4: memref<2x10000x128xf32, #tpu.memory_space<hbm>>, %arg5: memref<10000x128xf32, #tpu.memory_space<vmem_shared>>, %arg6: memref<4x80xi32, #tpu.memory_space<vmem>>, %arg7: memref<4x80xi32, #tpu.memory_space<vmem>>, %arg8: memref<4x80x128xf32, #tpu.memory_space<vmem>>, %arg9: memref<4x!tpu.dma_semaphore, #tpu.memory_space<semaphore_mem>>, %arg10: memref<4x!tpu.dma_semaphore, #tpu.memory_space<semaphore_mem>>, %arg11: memref<4x!tpu.dma_semaphore, #tpu.memory_space<semaphore_mem>>, %arg12: memref<4x!tpu.dma_semaphore, #tpu.memory_space<semaphore_mem>>) attributes {dimension_semantics = [#tpu.dimension_semantics<core_parallel>, #tpu.dimension_semantics<subcore_parallel>], iteration_bounds = array<i64: 2, 16>, scalar_prefetch = 0 : i64, scratch_operands = 8 : i64, tpu.core_type = #tpu.core_type<sc_vector_subcore>, window_params = [{transform_indices = #map}, {transform_indices = #map1}, {transform_indices = #map2}]} {
    %mul3A = arith.constant 2 : i32
    %mul3A_0 = arith.muli %arg1, %mul3A : i32
    %add3A = arith.addi %mul3A_0, %arg0 : i32
    %scan3A = arith.constant 0 : i32
    %scan3A_1 = arith.constant 48 : i32
    %scan3A_2 = arith.addi %scan3A, %scan3A_1 : i32
    %scan3A_3 = arith.constant 1 : i32
    scf.for %scan3A_263 = %scan3A to %scan3A_2 step %scan3A_3  : i32 {
      %mul3A_264 = arith.constant 1 : i32
      %mul3A_265 = arith.muli %scan3A_263, %mul3A_264 : i32
      %add3A_266 = arith.constant 0 : i32
      %add3A_267 = arith.addi %add3A_266, %mul3A_265 : i32
      %scan3A_268 = arith.constant 0 : i32
      %scan3A_269 = arith.constant 8 : i32
      %scan3A_270 = arith.addi %scan3A_268, %scan3A_269 : i32
      %scan3A_271 = arith.constant 1 : i32
      scf.for %scan3A_273 = %scan3A_268 to %scan3A_270 step %scan3A_271  : i32 {
        %mul3A_274 = arith.constant 16 : i32
        %mul3A_275 = arith.muli %scan3A_273, %mul3A_274 : i32
        %add3A_276 = arith.constant 0 : i32
        %add3A_277 = arith.addi %add3A_276, %mul3A_275 : i32
        %broadcast_in_dim3A = arith.constant 0.000000e+00 : f32
        %broadcast_in_dim3A_278 = vector.broadcast %broadcast_in_dim3A : f32 to vector<16xf32>
        %swap3A = arith.constant 0 : i32
        %swap3A_279 = arith.index_cast %swap3A : i32 to index
        %swap3A_280 = arith.index_cast %add3A_267 : i32 to index
        %swap3A_281 = arith.index_cast %add3A_277 : i32 to index
        %swap3A_282 = tpu.vector_load %arg8[%swap3A_279, %swap3A_280, %swap3A_281] {strides = array<i32>} : memref<4x80x128xf32, #tpu.memory_space<vmem>>, vector<1x1x16xf32>,
        %swap3A_283 = vector.shape_cast %swap3A_282 : vector<1x1x16xf32> to vector<16xf32>
        %swap3A_284 = vector.shape_cast %broadcast_in_dim3A_278 : vector<16xf32> to vector<1x1x16xf32>
        tpu.vector_store %arg8[%swap3A_279, %swap3A_280, %swap3A_281], %swap3A_284 {strides = array<i32>} : memref<4x80x128xf32, #tpu.memory_space<vmem>>, vector<1x1x16xf32>,
      }
      %scan3A_272 = arith.constant 8 : i32
    }
    %scan3A_4 = arith.constant 48 : i32
    %scan3A_5 = arith.constant 0 : i32
    %scan3A_6 = arith.constant 13 : i32
    %scan3A_7 = arith.addi %scan3A_5, %scan3A_6 : i32
    %scan3A_8 = arith.constant 1 : i32
    scf.for %scan3A_263 = %scan3A_5 to %scan3A_7 step %scan3A_8  : i32 {
      %mul3A_264 = arith.constant 48 : i32
      %mul3A_265 = arith.muli %scan3A_263, %mul3A_264 : i32
      %add3A_266 = arith.constant 0 : i32
      %add3A_267 = arith.addi %add3A_266, %mul3A_265 : i32
      %mul3A_268 = arith.constant 624 : i32
      %mul3A_269 = arith.muli %arg1, %mul3A_268 : i32
      %add3A_270 = arith.addi %mul3A_269, %add3A_267 : i32
      %run_scoped3A = arith.constant 0 : i32
      "tpu.region"() ({
        %run_scoped3A_271 = tpu.sem_alloc : memref<!tpu.dma_semaphore, #tpu.memory_space<semaphore_mem>>
        %dma_start3A_272 = arith.constant 0 : i32
        %dma_start3A_273 = arith.constant 0 : i32
        %dma_start3A_274 = tpu.memref_slice %arg8[%run_scoped3A, %dma_start3A_272, %dma_start3A_273] : memref<4x80x128xf32, #tpu.memory_space<vmem>> -> memref<1x48x128xf32, #tpu.memory_space<vmem>>
        %dma_start3A_275 = tpu.memref_squeeze %dma_start3A_274 : memref<1x48x128xf32, #tpu.memory_space<vmem>> -> memref<48x128xf32, #tpu.memory_space<vmem>>
        %dma_start3A_276 = arith.constant 0 : i32
        %dma_start3A_277 = tpu.memref_slice %arg5[%add3A_270, %dma_start3A_276] : memref<10000x128xf32, #tpu.memory_space<vmem_shared>> -> memref<48x128xf32, #tpu.memory_space<vmem_shared>>
        %dma_start3A_278 = arith.constant 0 : i32
        %dma_start3A_279 = tpu.memref_slice %arg5[%add3A_270, %dma_start3A_278] : memref<10000x128xf32, #tpu.memory_space<vmem_shared>> -> memref<48x128xf32, #tpu.memory_space<vmem_shared>>
        %dma_start3A_280 = arith.constant 0 : i32
        %dma_start3A_281 = arith.constant 0 : i32
        %dma_start3A_282 = tpu.memref_slice %arg8[%run_scoped3A, %dma_start3A_280, %dma_start3A_281] : memref<4x80x128xf32, #tpu.memory_space<vmem>> -> memref<1x48x128xf32, #tpu.memory_space<vmem>>
        %dma_start3A_283 = tpu.memref_squeeze %dma_start3A_282 : memref<1x48x128xf32, #tpu.memory_space<vmem>> -> memref<48x128xf32, #tpu.memory_space<vmem>>
        tpu.enqueue_dma source(%dma_start3A_283 : memref<48x128xf32, #tpu.memory_space<vmem>>) target(%dma_start3A_279 : memref<48x128xf32, #tpu.memory_space<vmem_shared>>) target_semaphore(%run_scoped3A_271 : memref<!tpu.dma_semaphore, #tpu.memory_space<semaphore_mem>>)
        %dma_wait3A_284 = arith.constant 0 : i32
        %dma_wait3A_285 = arith.constant 0 : i32
        %dma_wait3A_286 = tpu.memref_slice %arg8[%run_scoped3A, %dma_wait3A_284, %dma_wait3A_285] : memref<4x80x128xf32, #tpu.memory_space<vmem>> -> memref<1x48x128xf32, #tpu.memory_space<vmem>>
        %dma_wait3A_287 = tpu.memref_squeeze %dma_wait3A_286 : memref<1x48x128xf32, #tpu.memory_space<vmem>> -> memref<48x128xf32, #tpu.memory_space<vmem>>
        %dma_wait3A_288 = arith.constant 0 : i32
        %dma_wait3A_289 = tpu.memref_slice %arg5[%add3A_270, %dma_wait3A_288] : memref<10000x128xf32, #tpu.memory_space<vmem_shared>> -> memref<48x128xf32, #tpu.memory_space<vmem_shared>>
        %dma_wait3A_290 = arith.constant 0 : i32
        %dma_wait3A_291 = tpu.memref_slice %arg5[%add3A_270, %dma_wait3A_290] : memref<10000x128xf32, #tpu.memory_space<vmem_shared>> -> memref<48x128xf32, #tpu.memory_space<vmem_shared>>
        %dma_wait3A_292 = arith.constant 0 : i32
        %dma_wait3A_293 = arith.constant 0 : i32
        %dma_wait3A_294 = tpu.memref_slice %arg8[%run_scoped3A, %dma_wait3A_292, %dma_wait3A_293] : memref<4x80x128xf32, #tpu.memory_space<vmem>> -> memref<1x48x128xf32, #tpu.memory_space<vmem>>
        %dma_wait3A_295 = tpu.memref_squeeze %dma_wait3A_294 : memref<1x48x128xf32, #tpu.memory_space<vmem>> -> memref<48x128xf32, #tpu.memory_space<vmem>>
        tpu.wait_dma2 semaphore(%run_scoped3A_271 : memref<!tpu.dma_semaphore, #tpu.memory_space<semaphore_mem>>) src(%dma_wait3A_295 : memref<48x128xf32, #tpu.memory_space<vmem>>) dst(%dma_wait3A_291 : memref<48x128xf32, #tpu.memory_space<vmem_shared>>)
        tpu.yield
      }) : () -> ()
    }
    %scan3A_9 = arith.constant 13 : i32
    %eq3A = arith.constant 0 : i32
    %eq3A_10 = arith.cmpi eq, %arg1, %eq3A : i32
    %convert_element_type3A = arith.extui %eq3A_10 : i1 to i32
    %cond3A = arith.constant 0 : i32
    %cond3A_11 = arith.cmpi ne, %convert_element_type3A, %cond3A : i32
    scf.if %cond3A_11 {
      %run_scoped3A = arith.constant 0 : i32
      "tpu.region"() ({
        %run_scoped3A_263 = tpu.sem_alloc : memref<!tpu.dma_semaphore, #tpu.memory_space<semaphore_mem>>
        %dma_start3A_264 = arith.constant 0 : i32
        %dma_start3A_265 = arith.constant 0 : i32
        %dma_start3A_266 = tpu.memref_slice %arg8[%run_scoped3A, %dma_start3A_264, %dma_start3A_265] : memref<4x80x128xf32, #tpu.memory_space<vmem>> -> memref<1x16x128xf32, #tpu.memory_space<vmem>>
        %dma_start3A_267 = tpu.memref_squeeze %dma_start3A_266 : memref<1x16x128xf32, #tpu.memory_space<vmem>> -> memref<16x128xf32, #tpu.memory_space<vmem>>
        %dma_start3A_268 = arith.constant 9984 : i32
        %dma_start3A_269 = arith.constant 0 : i32
        %dma_start3A_270 = tpu.memref_slice %arg5[%dma_start3A_268, %dma_start3A_269] : memref<10000x128xf32, #tpu.memory_space<vmem_shared>> -> memref<16x128xf32, #tpu.memory_space<vmem_shared>>
        %dma_start3A_271 = arith.constant 9984 : i32
        %dma_start3A_272 = arith.constant 0 : i32
        %dma_start3A_273 = tpu.memref_slice %arg5[%dma_start3A_271, %dma_start3A_272] : memref<10000x128xf32, #tpu.memory_space<vmem_shared>> -> memref<16x128xf32, #tpu.memory_space<vmem_shared>>
        %dma_start3A_274 = arith.constant 0 : i32
        %dma_start3A_275 = arith.constant 0 : i32
        %dma_start3A_276 = tpu.memref_slice %arg8[%run_scoped3A, %dma_start3A_274, %dma_start3A_275] : memref<4x80x128xf32, #tpu.memory_space<vmem>> -> memref<1x16x128xf32, #tpu.memory_space<vmem>>
        %dma_start3A_277 = tpu.memref_squeeze %dma_start3A_276 : memref<1x16x128xf32, #tpu.memory_space<vmem>> -> memref<16x128xf32, #tpu.memory_space<vmem>>
        tpu.enqueue_dma source(%dma_start3A_277 : memref<16x128xf32, #tpu.memory_space<vmem>>) target(%dma_start3A_273 : memref<16x128xf32, #tpu.memory_space<vmem_shared>>) target_semaphore(%run_scoped3A_263 : memref<!tpu.dma_semaphore, #tpu.memory_space<semaphore_mem>>)
        %dma_wait3A_278 = arith.constant 0 : i32
        %dma_wait3A_279 = arith.constant 0 : i32
        %dma_wait3A_280 = tpu.memref_slice %arg8[%run_scoped3A, %dma_wait3A_278, %dma_wait3A_279] : memref<4x80x128xf32, #tpu.memory_space<vmem>> -> memref<1x16x128xf32, #tpu.memory_space<vmem>>
        %dma_wait3A_281 = tpu.memref_squeeze %dma_wait3A_280 : memref<1x16x128xf32, #tpu.memory_space<vmem>> -> memref<16x128xf32, #tpu.memory_space<vmem>>
        %dma_wait3A_282 = arith.constant 9984 : i32
        %dma_wait3A_283 = arith.constant 0 : i32
        %dma_wait3A_284 = tpu.memref_slice %arg5[%dma_wait3A_282, %dma_wait3A_283] : memref<10000x128xf32, #tpu.memory_space<vmem_shared>> -> memref<16x128xf32, #tpu.memory_space<vmem_shared>>
        %dma_wait3A_285 = arith.constant 9984 : i32
        %dma_wait3A_286 = arith.constant 0 : i32
        %dma_wait3A_287 = tpu.memref_slice %arg5[%dma_wait3A_285, %dma_wait3A_286] : memref<10000x128xf32, #tpu.memory_space<vmem_shared>> -> memref<16x128xf32, #tpu.memory_space<vmem_shared>>
        %dma_wait3A_288 = arith.constant 0 : i32
        %dma_wait3A_289 = arith.constant 0 : i32
        %dma_wait3A_290 = tpu.memref_slice %arg8[%run_scoped3A, %dma_wait3A_288, %dma_wait3A_289] : memref<4x80x128xf32, #tpu.memory_space<vmem>> -> memref<1x16x128xf32, #tpu.memory_space<vmem>>
        %dma_wait3A_291 = tpu.memref_squeeze %dma_wait3A_290 : memref<1x16x128xf32, #tpu.memory_space<vmem>> -> memref<16x128xf32, #tpu.memory_space<vmem>>
        tpu.wait_dma2 semaphore(%run_scoped3A_263 : memref<!tpu.dma_semaphore, #tpu.memory_space<semaphore_mem>>) src(%dma_wait3A_291 : memref<16x128xf32, #tpu.memory_space<vmem>>) dst(%dma_wait3A_287 : memref<16x128xf32, #tpu.memory_space<vmem_shared>>)
        tpu.yield
      }) : () -> ()
    } else {
    }
    %mul3A_12 = arith.constant 10000 : i32
    %mul3A_13 = arith.muli %add3A, %mul3A_12 : i32
    %add3A_14 = arith.constant 0 : i32
    %add3A_15 = arith.addi %mul3A_13, %add3A_14 : i32
    %dma_start3A = arith.constant 0 : i32
    %dma_start3A_16 = arith.constant 0 : i32
    %dma_start3A_17 = arith.constant 0 : i32
    %dma_start3A_18 = tpu.memref_slice %arg6[%dma_start3A, %dma_start3A_17] : memref<4x80xi32, #tpu.memory_space<vmem>> -> memref<1x80xi32, #tpu.memory_space<vmem>>
    %dma_start3A_19 = tpu.memref_squeeze %dma_start3A_18 : memref<1x80xi32, #tpu.memory_space<vmem>> -> memref<80xi32, #tpu.memory_space<vmem>>
    %dma_start3A_20 = tpu.memref_slice %arg3[%add3A_15] : memref<640000xi32, #tpu.memory_space<hbm>> -> memref<80xi32, #tpu.memory_space<hbm>>
    %dma_start3A_21 = tpu.memref_slice %arg9[%dma_start3A_16] : memref<4x!tpu.dma_semaphore, #tpu.memory_space<semaphore_mem>> -> memref<1x!tpu.dma_semaphore, #tpu.memory_space<semaphore_mem>>
    %dma_start3A_22 = tpu.memref_squeeze %dma_start3A_21 : memref<1x!tpu.dma_semaphore, #tpu.memory_space<semaphore_mem>> -> memref<!tpu.dma_semaphore, #tpu.memory_space<semaphore_mem>>
    %dma_start3A_23 = arith.constant 0 : i32
    %dma_start3A_24 = tpu.memref_slice %arg6[%dma_start3A, %dma_start3A_23] : memref<4x80xi32, #tpu.memory_space<vmem>> -> memref<1x80xi32, #tpu.memory_space<vmem>>
    %dma_start3A_25 = tpu.memref_squeeze %dma_start3A_24 : memref<1x80xi32, #tpu.memory_space<vmem>> -> memref<80xi32, #tpu.memory_space<vmem>>
    %dma_start3A_26 = tpu.memref_slice %arg3[%add3A_15] : memref<640000xi32, #tpu.memory_space<hbm>> -> memref<80xi32, #tpu.memory_space<hbm>>
    tpu.enqueue_dma source(%dma_start3A_26 : memref<80xi32, #tpu.memory_space<hbm>>) target(%dma_start3A_25 : memref<80xi32, #tpu.memory_space<vmem>>) target_semaphore(%dma_start3A_22 : memref<!tpu.dma_semaphore, #tpu.memory_space<semaphore_mem>>)
    %add3A_27 = arith.constant 320000 : i32
    %add3A_28 = arith.addi %add3A_27, %mul3A_13 : i32
    %add3A_29 = arith.constant 0 : i32
    %add3A_30 = arith.addi %add3A_28, %add3A_29 : i32
    %dma_start3A_31 = arith.constant 0 : i32
    %dma_start3A_32 = arith.constant 0 : i32
    %dma_start3A_33 = arith.constant 0 : i32
    %dma_start3A_34 = tpu.memref_slice %arg7[%dma_start3A_31, %dma_start3A_33] : memref<4x80xi32, #tpu.memory_space<vmem>> -> memref<1x80xi32, #tpu.memory_space<vmem>>
    %dma_start3A_35 = tpu.memref_squeeze %dma_start3A_34 : memref<1x80xi32, #tpu.memory_space<vmem>> -> memref<80xi32, #tpu.memory_space<vmem>>
    %dma_start3A_36 = tpu.memref_slice %arg3[%add3A_30] : memref<640000xi32, #tpu.memory_space<hbm>> -> memref<80xi32, #tpu.memory_space<hbm>>
    %dma_start3A_37 = tpu.memref_slice %arg10[%dma_start3A_32] : memref<4x!tpu.dma_semaphore, #tpu.memory_space<semaphore_mem>> -> memref<1x!tpu.dma_semaphore, #tpu.memory_space<semaphore_mem>>
    %dma_start3A_38 = tpu.memref_squeeze %dma_start3A_37 : memref<1x!tpu.dma_semaphore, #tpu.memory_space<semaphore_mem>> -> memref<!tpu.dma_semaphore, #tpu.memory_space<semaphore_mem>>
    %dma_start3A_39 = arith.constant 0 : i32
    %dma_start3A_40 = tpu.memref_slice %arg7[%dma_start3A_31, %dma_start3A_39] : memref<4x80xi32, #tpu.memory_space<vmem>> -> memref<1x80xi32, #tpu.memory_space<vmem>>
    %dma_start3A_41 = tpu.memref_squeeze %dma_start3A_40 : memref<1x80xi32, #tpu.memory_space<vmem>> -> memref<80xi32, #tpu.memory_space<vmem>>
    %dma_start3A_42 = tpu.memref_slice %arg3[%add3A_30] : memref<640000xi32, #tpu.memory_space<hbm>> -> memref<80xi32, #tpu.memory_space<hbm>>
    tpu.enqueue_dma source(%dma_start3A_42 : memref<80xi32, #tpu.memory_space<hbm>>) target(%dma_start3A_41 : memref<80xi32, #tpu.memory_space<vmem>>) target_semaphore(%dma_start3A_38 : memref<!tpu.dma_semaphore, #tpu.memory_space<semaphore_mem>>)
    %add3A_43 = arith.constant 80 : i32
    %add3A_44 = arith.addi %mul3A_13, %add3A_43 : i32
    %dma_start3A_45 = arith.constant 1 : i32
    %dma_start3A_46 = arith.constant 1 : i32
    %dma_start3A_47 = arith.constant 0 : i32
    %dma_start3A_48 = tpu.memref_slice %arg6[%dma_start3A_45, %dma_start3A_47] : memref<4x80xi32, #tpu.memory_space<vmem>> -> memref<1x80xi32, #tpu.memory_space<vmem>>
    %dma_start3A_49 = tpu.memref_squeeze %dma_start3A_48 : memref<1x80xi32, #tpu.memory_space<vmem>> -> memref<80xi32, #tpu.memory_space<vmem>>
    %dma_start3A_50 = tpu.memref_slice %arg3[%add3A_44] : memref<640000xi32, #tpu.memory_space<hbm>> -> memref<80xi32, #tpu.memory_space<hbm>>
    %dma_start3A_51 = tpu.memref_slice %arg9[%dma_start3A_46] : memref<4x!tpu.dma_semaphore, #tpu.memory_space<semaphore_mem>> -> memref<1x!tpu.dma_semaphore, #tpu.memory_space<semaphore_mem>>
    %dma_start3A_52 = tpu.memref_squeeze %dma_start3A_51 : memref<1x!tpu.dma_semaphore, #tpu.memory_space<semaphore_mem>> -> memref<!tpu.dma_semaphore, #tpu.memory_space<semaphore_mem>>
    %dma_start3A_53 = arith.constant 0 : i32
    %dma_start3A_54 = tpu.memref_slice %arg6[%dma_start3A_45, %dma_start3A_53] : memref<4x80xi32, #tpu.memory_space<vmem>> -> memref<1x80xi32, #tpu.memory_space<vmem>>
    %dma_start3A_55 = tpu.memref_squeeze %dma_start3A_54 : memref<1x80xi32, #tpu.memory_space<vmem>> -> memref<80xi32, #tpu.memory_space<vmem>>
    %dma_start3A_56 = tpu.memref_slice %arg3[%add3A_44] : memref<640000xi32, #tpu.memory_space<hbm>> -> memref<80xi32, #tpu.memory_space<hbm>>
    tpu.enqueue_dma source(%dma_start3A_56 : memref<80xi32, #tpu.memory_space<hbm>>) target(%dma_start3A_55 : memref<80xi32, #tpu.memory_space<vmem>>) target_semaphore(%dma_start3A_52 : memref<!tpu.dma_semaphore, #tpu.memory_space<semaphore_mem>>)
    %add3A_57 = arith.constant 320000 : i32
    %add3A_58 = arith.addi %add3A_57, %mul3A_13 : i32
    %add3A_59 = arith.constant 80 : i32
    %add3A_60 = arith.addi %add3A_58, %add3A_59 : i32
    %dma_start3A_61 = arith.constant 1 : i32
    %dma_start3A_62 = arith.constant 1 : i32
    %dma_start3A_63 = arith.constant 0 : i32
    %dma_start3A_64 = tpu.memref_slice %arg7[%dma_start3A_61, %dma_start3A_63] : memref<4x80xi32, #tpu.memory_space<vmem>> -> memref<1x80xi32, #tpu.memory_space<vmem>>
    %dma_start3A_65 = tpu.memref_squeeze %dma_start3A_64 : memref<1x80xi32, #tpu.memory_space<vmem>> -> memref<80xi32, #tpu.memory_space<vmem>>
    %dma_start3A_66 = tpu.memref_slice %arg3[%add3A_60] : memref<640000xi32, #tpu.memory_space<hbm>> -> memref<80xi32, #tpu.memory_space<hbm>>
    %dma_start3A_67 = tpu.memref_slice %arg10[%dma_start3A_62] : memref<4x!tpu.dma_semaphore, #tpu.memory_space<semaphore_mem>> -> memref<1x!tpu.dma_semaphore, #tpu.memory_space<semaphore_mem>>
    %dma_start3A_68 = tpu.memref_squeeze %dma_start3A_67 : memref<1x!tpu.dma_semaphore, #tpu.memory_space<semaphore_mem>> -> memref<!tpu.dma_semaphore, #tpu.memory_space<semaphore_mem>>
    %dma_start3A_69 = arith.constant 0 : i32
    %dma_start3A_70 = tpu.memref_slice %arg7[%dma_start3A_61, %dma_start3A_69] : memref<4x80xi32, #tpu.memory_space<vmem>> -> memref<1x80xi32, #tpu.memory_space<vmem>>
    %dma_start3A_71 = tpu.memref_squeeze %dma_start3A_70 : memref<1x80xi32, #tpu.memory_space<vmem>> -> memref<80xi32, #tpu.memory_space<vmem>>
    %dma_start3A_72 = tpu.memref_slice %arg3[%add3A_60] : memref<640000xi32, #tpu.memory_space<hbm>> -> memref<80xi32, #tpu.memory_space<hbm>>
    tpu.enqueue_dma source(%dma_start3A_72 : memref<80xi32, #tpu.memory_space<hbm>>) target(%dma_start3A_71 : memref<80xi32, #tpu.memory_space<vmem>>) target_semaphore(%dma_start3A_68 : memref<!tpu.dma_semaphore, #tpu.memory_space<semaphore_mem>>)
    %add3A_73 = arith.constant 160 : i32
    %add3A_74 = arith.addi %mul3A_13, %add3A_73 : i32
    %dma_start3A_75 = arith.constant 2 : i32
    %dma_start3A_76 = arith.constant 2 : i32
    %dma_start3A_77 = arith.constant 0 : i32
    %dma_start3A_78 = tpu.memref_slice %arg6[%dma_start3A_75, %dma_start3A_77] : memref<4x80xi32, #tpu.memory_space<vmem>> -> memref<1x80xi32, #tpu.memory_space<vmem>>
    %dma_start3A_79 = tpu.memref_squeeze %dma_start3A_78 : memref<1x80xi32, #tpu.memory_space<vmem>> -> memref<80xi32, #tpu.memory_space<vmem>>
    %dma_start3A_80 = tpu.memref_slice %arg3[%add3A_74] : memref<640000xi32, #tpu.memory_space<hbm>> -> memref<80xi32, #tpu.memory_space<hbm>>
    %dma_start3A_81 = tpu.memref_slice %arg9[%dma_start3A_76] : memref<4x!tpu.dma_semaphore, #tpu.memory_space<semaphore_mem>> -> memref<1x!tpu.dma_semaphore, #tpu.memory_space<semaphore_mem>>
    %dma_start3A_82 = tpu.memref_squeeze %dma_start3A_81 : memref<1x!tpu.dma_semaphore, #tpu.memory_space<semaphore_mem>> -> memref<!tpu.dma_semaphore, #tpu.memory_space<semaphore_mem>>
    %dma_start3A_83 = arith.constant 0 : i32
    %dma_start3A_84 = tpu.memref_slice %arg6[%dma_start3A_75, %dma_start3A_83] : memref<4x80xi32, #tpu.memory_space<vmem>> -> memref<1x80xi32, #tpu.memory_space<vmem>>
    %dma_start3A_85 = tpu.memref_squeeze %dma_start3A_84 : memref<1x80xi32, #tpu.memory_space<vmem>> -> memref<80xi32, #tpu.memory_space<vmem>>
    %dma_start3A_86 = tpu.memref_slice %arg3[%add3A_74] : memref<640000xi32, #tpu.memory_space<hbm>> -> memref<80xi32, #tpu.memory_space<hbm>>
    tpu.enqueue_dma source(%dma_start3A_86 : memref<80xi32, #tpu.memory_space<hbm>>) target(%dma_start3A_85 : memref<80xi32, #tpu.memory_space<vmem>>) target_semaphore(%dma_start3A_82 : memref<!tpu.dma_semaphore, #tpu.memory_space<semaphore_mem>>)
    %add3A_87 = arith.constant 320000 : i32
    %add3A_88 = arith.addi %add3A_87, %mul3A_13 : i32
    %add3A_89 = arith.constant 160 : i32
    %add3A_90 = arith.addi %add3A_88, %add3A_89 : i32
    %dma_start3A_91 = arith.constant 2 : i32
    %dma_start3A_92 = arith.constant 2 : i32
    %dma_start3A_93 = arith.constant 0 : i32
    %dma_start3A_94 = tpu.memref_slice %arg7[%dma_start3A_91, %dma_start3A_93] : memref<4x80xi32, #tpu.memory_space<vmem>> -> memref<1x80xi32, #tpu.memory_space<vmem>>
    %dma_start3A_95 = tpu.memref_squeeze %dma_start3A_94 : memref<1x80xi32, #tpu.memory_space<vmem>> -> memref<80xi32, #tpu.memory_space<vmem>>
    %dma_start3A_96 = tpu.memref_slice %arg3[%add3A_90] : memref<640000xi32, #tpu.memory_space<hbm>> -> memref<80xi32, #tpu.memory_space<hbm>>
    %dma_start3A_97 = tpu.memref_slice %arg10[%dma_start3A_92] : memref<4x!tpu.dma_semaphore, #tpu.memory_space<semaphore_mem>> -> memref<1x!tpu.dma_semaphore, #tpu.memory_space<semaphore_mem>>
    %dma_start3A_98 = tpu.memref_squeeze %dma_start3A_97 : memref<1x!tpu.dma_semaphore, #tpu.memory_space<semaphore_mem>> -> memref<!tpu.dma_semaphore, #tpu.memory_space<semaphore_mem>>
    %dma_start3A_99 = arith.constant 0 : i32
    %dma_start3A_100 = tpu.memref_slice %arg7[%dma_start3A_91, %dma_start3A_99] : memref<4x80xi32, #tpu.memory_space<vmem>> -> memref<1x80xi32, #tpu.memory_space<vmem>>
    %dma_start3A_101 = tpu.memref_squeeze %dma_start3A_100 : memref<1x80xi32, #tpu.memory_space<vmem>> -> memref<80xi32, #tpu.memory_space<vmem>>
    %dma_start3A_102 = tpu.memref_slice %arg3[%add3A_90] : memref<640000xi32, #tpu.memory_space<hbm>> -> memref<80xi32, #tpu.memory_space<hbm>>
    tpu.enqueue_dma source(%dma_start3A_102 : memref<80xi32, #tpu.memory_space<hbm>>) target(%dma_start3A_101 : memref<80xi32, #tpu.memory_space<vmem>>) target_semaphore(%dma_start3A_98 : memref<!tpu.dma_semaphore, #tpu.memory_space<semaphore_mem>>)
    %add3A_103 = arith.constant 240 : i32
    %add3A_104 = arith.addi %mul3A_13, %add3A_103 : i32
    %dma_start3A_105 = arith.constant 3 : i32
    %dma_start3A_106 = arith.constant 3 : i32
    %dma_start3A_107 = arith.constant 0 : i32
    %dma_start3A_108 = tpu.memref_slice %arg6[%dma_start3A_105, %dma_start3A_107] : memref<4x80xi32, #tpu.memory_space<vmem>> -> memref<1x80xi32, #tpu.memory_space<vmem>>
    %dma_start3A_109 = tpu.memref_squeeze %dma_start3A_108 : memref<1x80xi32, #tpu.memory_space<vmem>> -> memref<80xi32, #tpu.memory_space<vmem>>
    %dma_start3A_110 = tpu.memref_slice %arg3[%add3A_104] : memref<640000xi32, #tpu.memory_space<hbm>> -> memref<80xi32, #tpu.memory_space<hbm>>
    %dma_start3A_111 = tpu.memref_slice %arg9[%dma_start3A_106] : memref<4x!tpu.dma_semaphore, #tpu.memory_space<semaphore_mem>> -> memref<1x!tpu.dma_semaphore, #tpu.memory_space<semaphore_mem>>
    %dma_start3A_112 = tpu.memref_squeeze %dma_start3A_111 : memref<1x!tpu.dma_semaphore, #tpu.memory_space<semaphore_mem>> -> memref<!tpu.dma_semaphore, #tpu.memory_space<semaphore_mem>>
    %dma_start3A_113 = arith.constant 0 : i32
    %dma_start3A_114 = tpu.memref_slice %arg6[%dma_start3A_105, %dma_start3A_113] : memref<4x80xi32, #tpu.memory_space<vmem>> -> memref<1x80xi32, #tpu.memory_space<vmem>>
    %dma_start3A_115 = tpu.memref_squeeze %dma_start3A_114 : memref<1x80xi32, #tpu.memory_space<vmem>> -> memref<80xi32, #tpu.memory_space<vmem>>
    %dma_start3A_116 = tpu.memref_slice %arg3[%add3A_104] : memref<640000xi32, #tpu.memory_space<hbm>> -> memref<80xi32, #tpu.memory_space<hbm>>
    tpu.enqueue_dma source(%dma_start3A_116 : memref<80xi32, #tpu.memory_space<hbm>>) target(%dma_start3A_115 : memref<80xi32, #tpu.memory_space<vmem>>) target_semaphore(%dma_start3A_112 : memref<!tpu.dma_semaphore, #tpu.memory_space<semaphore_mem>>)
    %add3A_117 = arith.constant 320000 : i32
    %add3A_118 = arith.addi %add3A_117, %mul3A_13 : i32
    %add3A_119 = arith.constant 240 : i32
    %add3A_120 = arith.addi %add3A_118, %add3A_119 : i32
    %dma_start3A_121 = arith.constant 3 : i32
    %dma_start3A_122 = arith.constant 3 : i32
    %dma_start3A_123 = arith.constant 0 : i32
    %dma_start3A_124 = tpu.memref_slice %arg7[%dma_start3A_121, %dma_start3A_123] : memref<4x80xi32, #tpu.memory_space<vmem>> -> memref<1x80xi32, #tpu.memory_space<vmem>>
    %dma_start3A_125 = tpu.memref_squeeze %dma_start3A_124 : memref<1x80xi32, #tpu.memory_space<vmem>> -> memref<80xi32, #tpu.memory_space<vmem>>
    %dma_start3A_126 = tpu.memref_slice %arg3[%add3A_120] : memref<640000xi32, #tpu.memory_space<hbm>> -> memref<80xi32, #tpu.memory_space<hbm>>
    %dma_start3A_127 = tpu.memref_slice %arg10[%dma_start3A_122] : memref<4x!tpu.dma_semaphore, #tpu.memory_space<semaphore_mem>> -> memref<1x!tpu.dma_semaphore, #tpu.memory_space<semaphore_mem>>
    %dma_start3A_128 = tpu.memref_squeeze %dma_start3A_127 : memref<1x!tpu.dma_semaphore, #tpu.memory_space<semaphore_mem>> -> memref<!tpu.dma_semaphore, #tpu.memory_space<semaphore_mem>>
    %dma_start3A_129 = arith.constant 0 : i32
    %dma_start3A_130 = tpu.memref_slice %arg7[%dma_start3A_121, %dma_start3A_129] : memref<4x80xi32, #tpu.memory_space<vmem>> -> memref<1x80xi32, #tpu.memory_space<vmem>>
    %dma_start3A_131 = tpu.memref_squeeze %dma_start3A_130 : memref<1x80xi32, #tpu.memory_space<vmem>> -> memref<80xi32, #tpu.memory_space<vmem>>
    %dma_start3A_132 = tpu.memref_slice %arg3[%add3A_120] : memref<640000xi32, #tpu.memory_space<hbm>> -> memref<80xi32, #tpu.memory_space<hbm>>
    tpu.enqueue_dma source(%dma_start3A_132 : memref<80xi32, #tpu.memory_space<hbm>>) target(%dma_start3A_131 : memref<80xi32, #tpu.memory_space<vmem>>) target_semaphore(%dma_start3A_128 : memref<!tpu.dma_semaphore, #tpu.memory_space<semaphore_mem>>)
    %add3A_133 = arith.constant 0 : i32
    %add3A_134 = arith.addi %mul3A_13, %add3A_133 : i32
    %dma_wait3A = arith.constant 0 : i32
    %dma_wait3A_135 = arith.constant 0 : i32
    %dma_wait3A_136 = arith.constant 0 : i32
    %dma_wait3A_137 = tpu.memref_slice %arg6[%dma_wait3A, %dma_wait3A_136] : memref<4x80xi32, #tpu.memory_space<vmem>> -> memref<1x80xi32, #tpu.memory_space<vmem>>
    %dma_wait3A_138 = tpu.memref_squeeze %dma_wait3A_137 : memref<1x80xi32, #tpu.memory_space<vmem>> -> memref<80xi32, #tpu.memory_space<vmem>>
    %dma_wait3A_139 = tpu.memref_slice %arg3[%add3A_134] : memref<640000xi32, #tpu.memory_space<hbm>> -> memref<80xi32, #tpu.memory_space<hbm>>
    %dma_wait3A_140 = tpu.memref_slice %arg9[%dma_wait3A_135] : memref<4x!tpu.dma_semaphore, #tpu.memory_space<semaphore_mem>> -> memref<1x!tpu.dma_semaphore, #tpu.memory_space<semaphore_mem>>
    %dma_wait3A_141 = tpu.memref_squeeze %dma_wait3A_140 : memref<1x!tpu.dma_semaphore, #tpu.memory_space<semaphore_mem>> -> memref<!tpu.dma_semaphore, #tpu.memory_space<semaphore_mem>>
    %dma_wait3A_142 = arith.constant 0 : i32
    %dma_wait3A_143 = tpu.memref_slice %arg6[%dma_wait3A, %dma_wait3A_142] : memref<4x80xi32, #tpu.memory_space<vmem>> -> memref<1x80xi32, #tpu.memory_space<vmem>>
    %dma_wait3A_144 = tpu.memref_squeeze %dma_wait3A_143 : memref<1x80xi32, #tpu.memory_space<vmem>> -> memref<80xi32, #tpu.memory_space<vmem>>
    %dma_wait3A_145 = tpu.memref_slice %arg3[%add3A_134] : memref<640000xi32, #tpu.memory_space<hbm>> -> memref<80xi32, #tpu.memory_space<hbm>>
    tpu.wait_dma2 semaphore(%dma_wait3A_141 : memref<!tpu.dma_semaphore, #tpu.memory_space<semaphore_mem>>) src(%dma_wait3A_145 : memref<80xi32, #tpu.memory_space<hbm>>) dst(%dma_wait3A_144 : memref<80xi32, #tpu.memory_space<vmem>>)
    %dma_start3A_146 = arith.constant 0 : i32
    %dma_start3A_147 = arith.constant 0 : i32
    %dma_start3A_148 = arith.constant 0 : i32
    %dma_start3A_149 = arith.constant 0 : i32
    %dma_start3A_150 = arith.constant 0 : i32
    %dma_start3A_151 = tpu.memref_slice %arg8[%dma_start3A_147, %dma_start3A_149, %dma_start3A_150] : memref<4x80x128xf32, #tpu.memory_space<vmem>> -> memref<1x80x128xf32, #tpu.memory_space<vmem>>
    %dma_start3A_152 = tpu.memref_squeeze %dma_start3A_151 : memref<1x80x128xf32, #tpu.memory_space<vmem>> -> memref<80x128xf32, #tpu.memory_space<vmem>>
    %dma_start3A_153 = arith.constant 0 : i32
    %dma_start3A_154 = tpu.memref_slice %arg6[%dma_start3A_146, %dma_start3A_153] : memref<4x80xi32, #tpu.memory_space<vmem>> -> memref<1x80xi32, #tpu.memory_space<vmem>>
    %dma_start3A_155 = tpu.memref_squeeze %dma_start3A_154 : memref<1x80xi32, #tpu.memory_space<vmem>> -> memref<80xi32, #tpu.memory_space<vmem>>
    %dma_start3A_156 = arith.constant 0 : i32
    %dma_start3A_157 = arith.constant 0 : i32
    %dma_start3A_158 = tpu.memref_slice %arg2[%dma_start3A_156, %dma_start3A_157] : memref<10000x128xf32, #tpu.memory_space<hbm>> -> memref<10000x128xf32, #tpu.memory_space<hbm>>
    %dma_start3A_159 = tpu.memref_slice %arg11[%dma_start3A_148] : memref<4x!tpu.dma_semaphore, #tpu.memory_space<semaphore_mem>> -> memref<1x!tpu.dma_semaphore, #tpu.memory_space<semaphore_mem>>
    %dma_start3A_160 = tpu.memref_squeeze %dma_start3A_159 : memref<1x!tpu.dma_semaphore, #tpu.memory_space<semaphore_mem>> -> memref<!tpu.dma_semaphore, #tpu.memory_space<semaphore_mem>>
    tpu.enqueue_indirect_dma source(%dma_start3A_158 : memref<10000x128xf32, #tpu.memory_space<hbm>>) target(%dma_start3A_152 : memref<80x128xf32, #tpu.memory_space<vmem>>) offsets(%dma_start3A_155 : memref<80xi32, #tpu.memory_space<vmem>>) semaphore(%dma_start3A_160 : memref<!tpu.dma_semaphore, #tpu.memory_space<semaphore_mem>>)
    %add3A_161 = arith.constant 80 : i32
    %add3A_162 = arith.addi %mul3A_13, %add3A_161 : i32
    %dma_wait3A_163 = arith.constant 1 : i32
    %dma_wait3A_164 = arith.constant 1 : i32
    %dma_wait3A_165 = arith.constant 0 : i32
    %dma_wait3A_166 = tpu.memref_slice %arg6[%dma_wait3A_163, %dma_wait3A_165] : memref<4x80xi32, #tpu.memory_space<vmem>> -> memref<1x80xi32, #tpu.memory_space<vmem>>
    %dma_wait3A_167 = tpu.memref_squeeze %dma_wait3A_166 : memref<1x80xi32, #tpu.memory_space<vmem>> -> memref<80xi32, #tpu.memory_space<vmem>>
    %dma_wait3A_168 = tpu.memref_slice %arg3[%add3A_162] : memref<640000xi32, #tpu.memory_space<hbm>> -> memref<80xi32, #tpu.memory_space<hbm>>
    %dma_wait3A_169 = tpu.memref_slice %arg9[%dma_wait3A_164] : memref<4x!tpu.dma_semaphore, #tpu.memory_space<semaphore_mem>> -> memref<1x!tpu.dma_semaphore, #tpu.memory_space<semaphore_mem>>
    %dma_wait3A_170 = tpu.memref_squeeze %dma_wait3A_169 : memref<1x!tpu.dma_semaphore, #tpu.memory_space<semaphore_mem>> -> memref<!tpu.dma_semaphore, #tpu.memory_space<semaphore_mem>>
    %dma_wait3A_171 = arith.constant 0 : i32
    %dma_wait3A_172 = tpu.memref_slice %arg6[%dma_wait3A_163, %dma_wait3A_171] : memref<4x80xi32, #tpu.memory_space<vmem>> -> memref<1x80xi32, #tpu.memory_space<vmem>>
    %dma_wait3A_173 = tpu.memref_squeeze %dma_wait3A_172 : memref<1x80xi32, #tpu.memory_space<vmem>> -> memref<80xi32, #tpu.memory_space<vmem>>
    %dma_wait3A_174 = tpu.memref_slice %arg3[%add3A_162] : memref<640000xi32, #tpu.memory_space<hbm>> -> memref<80xi32, #tpu.memory_space<hbm>>
    tpu.wait_dma2 semaphore(%dma_wait3A_170 : memref<!tpu.dma_semaphore, #tpu.memory_space<semaphore_mem>>) src(%dma_wait3A_174 : memref<80xi32, #tpu.memory_space<hbm>>) dst(%dma_wait3A_173 : memref<80xi32, #tpu.memory_space<vmem>>)
    %dma_start3A_175 = arith.constant 1 : i32
    %dma_start3A_176 = arith.constant 1 : i32
    %dma_start3A_177 = arith.constant 1 : i32
    %dma_start3A_178 = arith.constant 0 : i32
    %dma_start3A_179 = arith.constant 0 : i32
    %dma_start3A_180 = tpu.memref_slice %arg8[%dma_start3A_176, %dma_start3A_178, %dma_start3A_179] : memref<4x80x128xf32, #tpu.memory_space<vmem>> -> memref<1x80x128xf32, #tpu.memory_space<vmem>>
    %dma_start3A_181 = tpu.memref_squeeze %dma_start3A_180 : memref<1x80x128xf32, #tpu.memory_space<vmem>> -> memref<80x128xf32, #tpu.memory_space<vmem>>
    %dma_start3A_182 = arith.constant 0 : i32
    %dma_start3A_183 = tpu.memref_slice %arg6[%dma_start3A_175, %dma_start3A_182] : memref<4x80xi32, #tpu.memory_space<vmem>> -> memref<1x80xi32, #tpu.memory_space<vmem>>
    %dma_start3A_184 = tpu.memref_squeeze %dma_start3A_183 : memref<1x80xi32, #tpu.memory_space<vmem>> -> memref<80xi32, #tpu.memory_space<vmem>>
    %dma_start3A_185 = arith.constant 0 : i32
    %dma_start3A_186 = arith.constant 0 : i32
    %dma_start3A_187 = tpu.memref_slice %arg2[%dma_start3A_185, %dma_start3A_186] : memref<10000x128xf32, #tpu.memory_space<hbm>> -> memref<10000x128xf32, #tpu.memory_space<hbm>>
    %dma_start3A_188 = tpu.memref_slice %arg11[%dma_start3A_177] : memref<4x!tpu.dma_semaphore, #tpu.memory_space<semaphore_mem>> -> memref<1x!tpu.dma_semaphore, #tpu.memory_space<semaphore_mem>>
    %dma_start3A_189 = tpu.memref_squeeze %dma_start3A_188 : memref<1x!tpu.dma_semaphore, #tpu.memory_space<semaphore_mem>> -> memref<!tpu.dma_semaphore, #tpu.memory_space<semaphore_mem>>
    tpu.enqueue_indirect_dma source(%dma_start3A_187 : memref<10000x128xf32, #tpu.memory_space<hbm>>) target(%dma_start3A_181 : memref<80x128xf32, #tpu.memory_space<vmem>>) offsets(%dma_start3A_184 : memref<80xi32, #tpu.memory_space<vmem>>) semaphore(%dma_start3A_189 : memref<!tpu.dma_semaphore, #tpu.memory_space<semaphore_mem>>)
    %add3A_190 = arith.constant 160 : i32
    %add3A_191 = arith.addi %mul3A_13, %add3A_190 : i32
    %dma_wait3A_192 = arith.constant 2 : i32
    %dma_wait3A_193 = arith.constant 2 : i32
    %dma_wait3A_194 = arith.constant 0 : i32
    %dma_wait3A_195 = tpu.memref_slice %arg6[%dma_wait3A_192, %dma_wait3A_194] : memref<4x80xi32, #tpu.memory_space<vmem>> -> memref<1x80xi32, #tpu.memory_space<vmem>>
    %dma_wait3A_196 = tpu.memref_squeeze %dma_wait3A_195 : memref<1x80xi32, #tpu.memory_space<vmem>> -> memref<80xi32, #tpu.memory_space<vmem>>
    %dma_wait3A_197 = tpu.memref_slice %arg3[%add3A_191] : memref<640000xi32, #tpu.memory_space<hbm>> -> memref<80xi32, #tpu.memory_space<hbm>>
    %dma_wait3A_198 = tpu.memref_slice %arg9[%dma_wait3A_193] : memref<4x!tpu.dma_semaphore, #tpu.memory_space<semaphore_mem>> -> memref<1x!tpu.dma_semaphore, #tpu.memory_space<semaphore_mem>>
    %dma_wait3A_199 = tpu.memref_squeeze %dma_wait3A_198 : memref<1x!tpu.dma_semaphore, #tpu.memory_space<semaphore_mem>> -> memref<!tpu.dma_semaphore, #tpu.memory_space<semaphore_mem>>
    %dma_wait3A_200 = arith.constant 0 : i32
    %dma_wait3A_201 = tpu.memref_slice %arg6[%dma_wait3A_192, %dma_wait3A_200] : memref<4x80xi32, #tpu.memory_space<vmem>> -> memref<1x80xi32, #tpu.memory_space<vmem>>
    %dma_wait3A_202 = tpu.memref_squeeze %dma_wait3A_201 : memref<1x80xi32, #tpu.memory_space<vmem>> -> memref<80xi32, #tpu.memory_space<vmem>>
    %dma_wait3A_203 = tpu.memref_slice %arg3[%add3A_191] : memref<640000xi32, #tpu.memory_space<hbm>> -> memref<80xi32, #tpu.memory_space<hbm>>
    tpu.wait_dma2 semaphore(%dma_wait3A_199 : memref<!tpu.dma_semaphore, #tpu.memory_space<semaphore_mem>>) src(%dma_wait3A_203 : memref<80xi32, #tpu.memory_space<hbm>>) dst(%dma_wait3A_202 : memref<80xi32, #tpu.memory_space<vmem>>)
    %dma_start3A_204 = arith.constant 2 : i32
    %dma_start3A_205 = arith.constant 2 : i32
    %dma_start3A_206 = arith.constant 2 : i32
    %dma_start3A_207 = arith.constant 0 : i32
    %dma_start3A_208 = arith.constant 0 : i32
    %dma_start3A_209 = tpu.memref_slice %arg8[%dma_start3A_205, %dma_start3A_207, %dma_start3A_208] : memref<4x80x128xf32, #tpu.memory_space<vmem>> -> memref<1x80x128xf32, #tpu.memory_space<vmem>>
    %dma_start3A_210 = tpu.memref_squeeze %dma_start3A_209 : memref<1x80x128xf32, #tpu.memory_space<vmem>> -> memref<80x128xf32, #tpu.memory_space<vmem>>
    %dma_start3A_211 = arith.constant 0 : i32
    %dma_start3A_212 = tpu.memref_slice %arg6[%dma_start3A_204, %dma_start3A_211] : memref<4x80xi32, #tpu.memory_space<vmem>> -> memref<1x80xi32, #tpu.memory_space<vmem>>
    %dma_start3A_213 = tpu.memref_squeeze %dma_start3A_212 : memref<1x80xi32, #tpu.memory_space<vmem>> -> memref<80xi32, #tpu.memory_space<vmem>>
    %dma_start3A_214 = arith.constant 0 : i32
    %dma_start3A_215 = arith.constant 0 : i32
    %dma_start3A_216 = tpu.memref_slice %arg2[%dma_start3A_214, %dma_start3A_215] : memref<10000x128xf32, #tpu.memory_space<hbm>> -> memref<10000x128xf32, #tpu.memory_space<hbm>>
    %dma_start3A_217 = tpu.memref_slice %arg11[%dma_start3A_206] : memref<4x!tpu.dma_semaphore, #tpu.memory_space<semaphore_mem>> -> memref<1x!tpu.dma_semaphore, #tpu.memory_space<semaphore_mem>>
    %dma_start3A_218 = tpu.memref_squeeze %dma_start3A_217 : memref<1x!tpu.dma_semaphore, #tpu.memory_space<semaphore_mem>> -> memref<!tpu.dma_semaphore, #tpu.memory_space<semaphore_mem>>
    tpu.enqueue_indirect_dma source(%dma_start3A_216 : memref<10000x128xf32, #tpu.memory_space<hbm>>) target(%dma_start3A_210 : memref<80x128xf32, #tpu.memory_space<vmem>>) offsets(%dma_start3A_213 : memref<80xi32, #tpu.memory_space<vmem>>) semaphore(%dma_start3A_218 : memref<!tpu.dma_semaphore, #tpu.memory_space<semaphore_mem>>)
    %add3A_219 = arith.constant 240 : i32
    %add3A_220 = arith.addi %mul3A_13, %add3A_219 : i32
    %dma_wait3A_221 = arith.constant 3 : i32
    %dma_wait3A_222 = arith.constant 3 : i32
    %dma_wait3A_223 = arith.constant 0 : i32
    %dma_wait3A_224 = tpu.memref_slice %arg6[%dma_wait3A_221, %dma_wait3A_223] : memref<4x80xi32, #tpu.memory_space<vmem>> -> memref<1x80xi32, #tpu.memory_space<vmem>>
    %dma_wait3A_225 = tpu.memref_squeeze %dma_wait3A_224 : memref<1x80xi32, #tpu.memory_space<vmem>> -> memref<80xi32, #tpu.memory_space<vmem>>
    %dma_wait3A_226 = tpu.memref_slice %arg3[%add3A_220] : memref<640000xi32, #tpu.memory_space<hbm>> -> memref<80xi32, #tpu.memory_space<hbm>>
    %dma_wait3A_227 = tpu.memref_slice %arg9[%dma_wait3A_222] : memref<4x!tpu.dma_semaphore, #tpu.memory_space<semaphore_mem>> -> memref<1x!tpu.dma_semaphore, #tpu.memory_space<semaphore_mem>>
    %dma_wait3A_228 = tpu.memref_squeeze %dma_wait3A_227 : memref<1x!tpu.dma_semaphore, #tpu.memory_space<semaphore_mem>> -> memref<!tpu.dma_semaphore, #tpu.memory_space<semaphore_mem>>
    %dma_wait3A_229 = arith.constant 0 : i32
    %dma_wait3A_230 = tpu.memref_slice %arg6[%dma_wait3A_221, %dma_wait3A_229] : memref<4x80xi32, #tpu.memory_space<vmem>> -> memref<1x80xi32, #tpu.memory_space<vmem>>
    %dma_wait3A_231 = tpu.memref_squeeze %dma_wait3A_230 : memref<1x80xi32, #tpu.memory_space<vmem>> -> memref<80xi32, #tpu.memory_space<vmem>>
    %dma_wait3A_232 = tpu.memref_slice %arg3[%add3A_220] : memref<640000xi32, #tpu.memory_space<hbm>> -> memref<80xi32, #tpu.memory_space<hbm>>
    tpu.wait_dma2 semaphore(%dma_wait3A_228 : memref<!tpu.dma_semaphore, #tpu.memory_space<semaphore_mem>>) src(%dma_wait3A_232 : memref<80xi32, #tpu.memory_space<hbm>>) dst(%dma_wait3A_231 : memref<80xi32, #tpu.memory_space<vmem>>)
    %dma_start3A_233 = arith.constant 3 : i32
    %dma_start3A_234 = arith.constant 3 : i32
    %dma_start3A_235 = arith.constant 3 : i32
    %dma_start3A_236 = arith.constant 0 : i32
    %dma_start3A_237 = arith.constant 0 : i32
    %dma_start3A_238 = tpu.memref_slice %arg8[%dma_start3A_234, %dma_start3A_236, %dma_start3A_237] : memref<4x80x128xf32, #tpu.memory_space<vmem>> -> memref<1x80x128xf32, #tpu.memory_space<vmem>>
    %dma_start3A_239 = tpu.memref_squeeze %dma_start3A_238 : memref<1x80x128xf32, #tpu.memory_space<vmem>> -> memref<80x128xf32, #tpu.memory_space<vmem>>
    %dma_start3A_240 = arith.constant 0 : i32
    %dma_start3A_241 = tpu.memref_slice %arg6[%dma_start3A_233, %dma_start3A_240] : memref<4x80xi32, #tpu.memory_space<vmem>> -> memref<1x80xi32, #tpu.memory_space<vmem>>
    %dma_start3A_242 = tpu.memref_squeeze %dma_start3A_241 : memref<1x80xi32, #tpu.memory_space<vmem>> -> memref<80xi32, #tpu.memory_space<vmem>>
    %dma_start3A_243 = arith.constant 0 : i32
    %dma_start3A_244 = arith.constant 0 : i32
    %dma_start3A_245 = tpu.memref_slice %arg2[%dma_start3A_243, %dma_start3A_244] : memref<10000x128xf32, #tpu.memory_space<hbm>> -> memref<10000x128xf32, #tpu.memory_space<hbm>>
    %dma_start3A_246 = tpu.memref_slice %arg11[%dma_start3A_235] : memref<4x!tpu.dma_semaphore, #tpu.memory_space<semaphore_mem>> -> memref<1x!tpu.dma_semaphore, #tpu.memory_space<semaphore_mem>>
    %dma_start3A_247 = tpu.memref_squeeze %dma_start3A_246 : memref<1x!tpu.dma_semaphore, #tpu.memory_space<semaphore_mem>> -> memref<!tpu.dma_semaphore, #tpu.memory_space<semaphore_mem>>
    tpu.enqueue_indirect_dma source(%dma_start3A_245 : memref<10000x128xf32, #tpu.memory_space<hbm>>) target(%dma_start3A_239 : memref<80x128xf32, #tpu.memory_space<vmem>>) offsets(%dma_start3A_242 : memref<80xi32, #tpu.memory_space<vmem>>) semaphore(%dma_start3A_247 : memref<!tpu.dma_semaphore, #tpu.memory_space<semaphore_mem>>)
    %barrier3A = arith.constant 0 : index
    tpu.barrier barrier_id(%barrier3A)
    %scan3A_248 = arith.constant 0 : i32
    %scan3A_249 = arith.constant 32 : i32
    %scan3A_250 = arith.addi %scan3A_248, %scan3A_249 : i32
    %scan3A_251 = arith.constant 1 : i32
    scf.for %scan3A_263 = %scan3A_248 to %scan3A_250 step %scan3A_251  : i32 {
      %mul3A_264 = arith.constant 4 : i32
      %mul3A_265 = arith.muli %scan3A_263, %mul3A_264 : i32
      %add3A_266 = arith.constant 0 : i32
      %add3A_267 = arith.addi %add3A_266, %mul3A_265 : i32
      %add3A_268 = arith.constant 0 : i32
      %add3A_269 = arith.addi %add3A_267, %add3A_268 : i32
      %lt3A = arith.constant 125 : i32
      %lt3A_270 = arith.cmpi slt, %add3A_269, %lt3A : i32
      %convert_element_type3A_271 = arith.extui %lt3A_270 : i1 to i32
      %cond3A_272 = arith.constant 0 : i32
      %cond3A_273 = arith.cmpi ne, %convert_element_type3A_271, %cond3A_272 : i32
      scf.if %cond3A_273 {
        %add3A_431 = arith.constant 320000 : i32
        %add3A_432 = arith.addi %add3A_431, %mul3A_13 : i32
        %mul3A_433 = arith.constant 80 : i32
        %mul3A_434 = arith.muli %add3A_269, %mul3A_433 : i32
        %add3A_435 = arith.addi %add3A_432, %mul3A_434 : i32
        %dma_wait3A_436 = arith.constant 0 : i32
        %dma_wait3A_437 = arith.constant 0 : i32
        %dma_wait3A_438 = arith.constant 0 : i32
        %dma_wait3A_439 = tpu.memref_slice %arg7[%dma_wait3A_436, %dma_wait3A_438] : memref<4x80xi32, #tpu.memory_space<vmem>> -> memref<1x80xi32, #tpu.memory_space<vmem>>
        %dma_wait3A_440 = tpu.memref_squeeze %dma_wait3A_439 : memref<1x80xi32, #tpu.memory_space<vmem>> -> memref<80xi32, #tpu.memory_space<vmem>>
        %dma_wait3A_441 = tpu.memref_slice %arg3[%add3A_435] : memref<640000xi32, #tpu.memory_space<hbm>> -> memref<80xi32, #tpu.memory_space<hbm>>
        %dma_wait3A_442 = tpu.memref_slice %arg10[%dma_wait3A_437] : memref<4x!tpu.dma_semaphore, #tpu.memory_space<semaphore_mem>> -> memref<1x!tpu.dma_semaphore, #tpu.memory_space<semaphore_mem>>
        %dma_wait3A_443 = tpu.memref_squeeze %dma_wait3A_442 : memref<1x!tpu.dma_semaphore, #tpu.memory_space<semaphore_mem>> -> memref<!tpu.dma_semaphore, #tpu.memory_space<semaphore_mem>>
        %dma_wait3A_444 = arith.constant 0 : i32
        %dma_wait3A_445 = tpu.memref_slice %arg7[%dma_wait3A_436, %dma_wait3A_444] : memref<4x80xi32, #tpu.memory_space<vmem>> -> memref<1x80xi32, #tpu.memory_space<vmem>>
        %dma_wait3A_446 = tpu.memref_squeeze %dma_wait3A_445 : memref<1x80xi32, #tpu.memory_space<vmem>> -> memref<80xi32, #tpu.memory_space<vmem>>
        %dma_wait3A_447 = tpu.memref_slice %arg3[%add3A_435] : memref<640000xi32, #tpu.memory_space<hbm>> -> memref<80xi32, #tpu.memory_space<hbm>>
        tpu.wait_dma2 semaphore(%dma_wait3A_443 : memref<!tpu.dma_semaphore, #tpu.memory_space<semaphore_mem>>) src(%dma_wait3A_447 : memref<80xi32, #tpu.memory_space<hbm>>) dst(%dma_wait3A_446 : memref<80xi32, #tpu.memory_space<vmem>>)
        %dma_wait3A_448 = arith.constant 0 : i32
        %dma_wait3A_449 = arith.constant 0 : i32
        %dma_wait3A_450 = arith.constant 0 : i32
        %dma_wait3A_451 = arith.constant 0 : i32
        %dma_wait3A_452 = arith.constant 0 : i32
        %dma_wait3A_453 = tpu.memref_slice %arg8[%dma_wait3A_449, %dma_wait3A_451, %dma_wait3A_452] : memref<4x80x128xf32, #tpu.memory_space<vmem>> -> memref<1x80x128xf32, #tpu.memory_space<vmem>>
        %dma_wait3A_454 = tpu.memref_squeeze %dma_wait3A_453 : memref<1x80x128xf32, #tpu.memory_space<vmem>> -> memref<80x128xf32, #tpu.memory_space<vmem>>
        %dma_wait3A_455 = arith.constant 0 : i32
        %dma_wait3A_456 = tpu.memref_slice %arg6[%dma_wait3A_448, %dma_wait3A_455] : memref<4x80xi32, #tpu.memory_space<vmem>> -> memref<1x80xi32, #tpu.memory_space<vmem>>
        %dma_wait3A_457 = tpu.memref_squeeze %dma_wait3A_456 : memref<1x80xi32, #tpu.memory_space<vmem>> -> memref<80xi32, #tpu.memory_space<vmem>>
        %dma_wait3A_458 = arith.constant 0 : i32
        %dma_wait3A_459 = arith.constant 0 : i32
        %dma_wait3A_460 = tpu.memref_slice %arg2[%dma_wait3A_458, %dma_wait3A_459] : memref<10000x128xf32, #tpu.memory_space<hbm>> -> memref<10000x128xf32, #tpu.memory_space<hbm>>
        %dma_wait3A_461 = tpu.memref_slice %arg11[%dma_wait3A_450] : memref<4x!tpu.dma_semaphore, #tpu.memory_space<semaphore_mem>> -> memref<1x!tpu.dma_semaphore, #tpu.memory_space<semaphore_mem>>
        %dma_wait3A_462 = tpu.memref_squeeze %dma_wait3A_461 : memref<1x!tpu.dma_semaphore, #tpu.memory_space<semaphore_mem>> -> memref<!tpu.dma_semaphore, #tpu.memory_space<semaphore_mem>>
        tpu.wait_indirect_dma semaphore(%dma_wait3A_462 : memref<!tpu.dma_semaphore, #tpu.memory_space<semaphore_mem>>) src(%dma_wait3A_460 : memref<10000x128xf32, #tpu.memory_space<hbm>>) dst(%dma_wait3A_454 : memref<80x128xf32, #tpu.memory_space<vmem>>)
        %dma_start3A_463 = arith.constant 0 : i32
        %dma_start3A_464 = arith.constant 0 : i32
        %dma_start3A_465 = arith.constant 0 : i32
        %dma_start3A_466 = arith.constant 0 : i32
        %dma_start3A_467 = arith.constant 0 : i32
        %dma_start3A_468 = tpu.memref_slice %arg8[%dma_start3A_463, %dma_start3A_466, %dma_start3A_467] : memref<4x80x128xf32, #tpu.memory_space<vmem>> -> memref<1x80x128xf32, #tpu.memory_space<vmem>>
        %dma_start3A_469 = tpu.memref_squeeze %dma_start3A_468 : memref<1x80x128xf32, #tpu.memory_space<vmem>> -> memref<80x128xf32, #tpu.memory_space<vmem>>
        %dma_start3A_470 = arith.constant 0 : i32
        %dma_start3A_471 = tpu.memref_slice %arg7[%dma_start3A_464, %dma_start3A_470] : memref<4x80xi32, #tpu.memory_space<vmem>> -> memref<1x80xi32, #tpu.memory_space<vmem>>
        %dma_start3A_472 = tpu.memref_squeeze %dma_start3A_471 : memref<1x80xi32, #tpu.memory_space<vmem>> -> memref<80xi32, #tpu.memory_space<vmem>>
        %dma_start3A_473 = arith.constant 0 : i32
        %dma_start3A_474 = arith.constant 0 : i32
        %dma_start3A_475 = tpu.memref_slice %arg5[%dma_start3A_473, %dma_start3A_474] : memref<10000x128xf32, #tpu.memory_space<vmem_shared>> -> memref<10000x128xf32, #tpu.memory_space<vmem_shared>>
        %dma_start3A_476 = tpu.memref_slice %arg12[%dma_start3A_465] : memref<4x!tpu.dma_semaphore, #tpu.memory_space<semaphore_mem>> -> memref<1x!tpu.dma_semaphore, #tpu.memory_space<semaphore_mem>>
        %dma_start3A_477 = tpu.memref_squeeze %dma_start3A_476 : memref<1x!tpu.dma_semaphore, #tpu.memory_space<semaphore_mem>> -> memref<!tpu.dma_semaphore, #tpu.memory_space<semaphore_mem>>
        tpu.enqueue_indirect_dma source(%dma_start3A_469 : memref<80x128xf32, #tpu.memory_space<vmem>>) target(%dma_start3A_475 : memref<10000x128xf32, #tpu.memory_space<vmem_shared>>) offsets(%dma_start3A_472 : memref<80xi32, #tpu.memory_space<vmem>>) semaphore(%dma_start3A_477 : memref<!tpu.dma_semaphore, #tpu.memory_space<semaphore_mem>>) {add = true}
      } else {
      }
      %add3A_274 = arith.constant 1 : i32
      %add3A_275 = arith.addi %add3A_267, %add3A_274 : i32
      %lt3A_276 = arith.constant 125 : i32
      %lt3A_277 = arith.cmpi slt, %add3A_275, %lt3A_276 : i32
      %convert_element_type3A_278 = arith.extui %lt3A_277 : i1 to i32
      %cond3A_279 = arith.constant 0 : i32
      %cond3A_280 = arith.cmpi ne, %convert_element_type3A_278, %cond3A_279 : i32
      scf.if %cond3A_280 {
        %add3A_431 = arith.constant 320000 : i32
        %add3A_432 = arith.addi %add3A_431, %mul3A_13 : i32
        %mul3A_433 = arith.constant 80 : i32
        %mul3A_434 = arith.muli %add3A_275, %mul3A_433 : i32
        %add3A_435 = arith.addi %add3A_432, %mul3A_434 : i32
        %dma_wait3A_436 = arith.constant 1 : i32
        %dma_wait3A_437 = arith.constant 1 : i32
        %dma_wait3A_438 = arith.constant 0 : i32
        %dma_wait3A_439 = tpu.memref_slice %arg7[%dma_wait3A_436, %dma_wait3A_438] : memref<4x80xi32, #tpu.memory_space<vmem>> -> memref<1x80xi32, #tpu.memory_space<vmem>>
        %dma_wait3A_440 = tpu.memref_squeeze %dma_wait3A_439 : memref<1x80xi32, #tpu.memory_space<vmem>> -> memref<80xi32, #tpu.memory_space<vmem>>
        %dma_wait3A_441 = tpu.memref_slice %arg3[%add3A_435] : memref<640000xi32, #tpu.memory_space<hbm>> -> memref<80xi32, #tpu.memory_space<hbm>>
        %dma_wait3A_442 = tpu.memref_slice %arg10[%dma_wait3A_437] : memref<4x!tpu.dma_semaphore, #tpu.memory_space<semaphore_mem>> -> memref<1x!tpu.dma_semaphore, #tpu.memory_space<semaphore_mem>>
        %dma_wait3A_443 = tpu.memref_squeeze %dma_wait3A_442 : memref<1x!tpu.dma_semaphore, #tpu.memory_space<semaphore_mem>> -> memref<!tpu.dma_semaphore, #tpu.memory_space<semaphore_mem>>
        %dma_wait3A_444 = arith.constant 0 : i32
        %dma_wait3A_445 = tpu.memref_slice %arg7[%dma_wait3A_436, %dma_wait3A_444] : memref<4x80xi32, #tpu.memory_space<vmem>> -> memref<1x80xi32, #tpu.memory_space<vmem>>
        %dma_wait3A_446 = tpu.memref_squeeze %dma_wait3A_445 : memref<1x80xi32, #tpu.memory_space<vmem>> -> memref<80xi32, #tpu.memory_space<vmem>>
        %dma_wait3A_447 = tpu.memref_slice %arg3[%add3A_435] : memref<640000xi32, #tpu.memory_space<hbm>> -> memref<80xi32, #tpu.memory_space<hbm>>
        tpu.wait_dma2 semaphore(%dma_wait3A_443 : memref<!tpu.dma_semaphore, #tpu.memory_space<semaphore_mem>>) src(%dma_wait3A_447 : memref<80xi32, #tpu.memory_space<hbm>>) dst(%dma_wait3A_446 : memref<80xi32, #tpu.memory_space<vmem>>)
        %dma_wait3A_448 = arith.constant 1 : i32
        %dma_wait3A_449 = arith.constant 1 : i32
        %dma_wait3A_450 = arith.constant 1 : i32
        %dma_wait3A_451 = arith.constant 0 : i32
        %dma_wait3A_452 = arith.constant 0 : i32
        %dma_wait3A_453 = tpu.memref_slice %arg8[%dma_wait3A_449, %dma_wait3A_451, %dma_wait3A_452] : memref<4x80x128xf32, #tpu.memory_space<vmem>> -> memref<1x80x128xf32, #tpu.memory_space<vmem>>
        %dma_wait3A_454 = tpu.memref_squeeze %dma_wait3A_453 : memref<1x80x128xf32, #tpu.memory_space<vmem>> -> memref<80x128xf32, #tpu.memory_space<vmem>>
        %dma_wait3A_455 = arith.constant 0 : i32
        %dma_wait3A_456 = tpu.memref_slice %arg6[%dma_wait3A_448, %dma_wait3A_455] : memref<4x80xi32, #tpu.memory_space<vmem>> -> memref<1x80xi32, #tpu.memory_space<vmem>>
        %dma_wait3A_457 = tpu.memref_squeeze %dma_wait3A_456 : memref<1x80xi32, #tpu.memory_space<vmem>> -> memref<80xi32, #tpu.memory_space<vmem>>
        %dma_wait3A_458 = arith.constant 0 : i32
        %dma_wait3A_459 = arith.constant 0 : i32
        %dma_wait3A_460 = tpu.memref_slice %arg2[%dma_wait3A_458, %dma_wait3A_459] : memref<10000x128xf32, #tpu.memory_space<hbm>> -> memref<10000x128xf32, #tpu.memory_space<hbm>>
        %dma_wait3A_461 = tpu.memref_slice %arg11[%dma_wait3A_450] : memref<4x!tpu.dma_semaphore, #tpu.memory_space<semaphore_mem>> -> memref<1x!tpu.dma_semaphore, #tpu.memory_space<semaphore_mem>>
        %dma_wait3A_462 = tpu.memref_squeeze %dma_wait3A_461 : memref<1x!tpu.dma_semaphore, #tpu.memory_space<semaphore_mem>> -> memref<!tpu.dma_semaphore, #tpu.memory_space<semaphore_mem>>
        tpu.wait_indirect_dma semaphore(%dma_wait3A_462 : memref<!tpu.dma_semaphore, #tpu.memory_space<semaphore_mem>>) src(%dma_wait3A_460 : memref<10000x128xf32, #tpu.memory_space<hbm>>) dst(%dma_wait3A_454 : memref<80x128xf32, #tpu.memory_space<vmem>>)
        %dma_start3A_463 = arith.constant 1 : i32
        %dma_start3A_464 = arith.constant 1 : i32
        %dma_start3A_465 = arith.constant 1 : i32
        %dma_start3A_466 = arith.constant 0 : i32
        %dma_start3A_467 = arith.constant 0 : i32
        %dma_start3A_468 = tpu.memref_slice %arg8[%dma_start3A_463, %dma_start3A_466, %dma_start3A_467] : memref<4x80x128xf32, #tpu.memory_space<vmem>> -> memref<1x80x128xf32, #tpu.memory_space<vmem>>
        %dma_start3A_469 = tpu.memref_squeeze %dma_start3A_468 : memref<1x80x128xf32, #tpu.memory_space<vmem>> -> memref<80x128xf32, #tpu.memory_space<vmem>>
        %dma_start3A_470 = arith.constant 0 : i32
        %dma_start3A_471 = tpu.memref_slice %arg7[%dma_start3A_464, %dma_start3A_470] : memref<4x80xi32, #tpu.memory_space<vmem>> -> memref<1x80xi32, #tpu.memory_space<vmem>>
        %dma_start3A_472 = tpu.memref_squeeze %dma_start3A_471 : memref<1x80xi32, #tpu.memory_space<vmem>> -> memref<80xi32, #tpu.memory_space<vmem>>
        %dma_start3A_473 = arith.constant 0 : i32
        %dma_start3A_474 = arith.constant 0 : i32
        %dma_start3A_475 = tpu.memref_slice %arg5[%dma_start3A_473, %dma_start3A_474] : memref<10000x128xf32, #tpu.memory_space<vmem_shared>> -> memref<10000x128xf32, #tpu.memory_space<vmem_shared>>
        %dma_start3A_476 = tpu.memref_slice %arg12[%dma_start3A_465] : memref<4x!tpu.dma_semaphore, #tpu.memory_space<semaphore_mem>> -> memref<1x!tpu.dma_semaphore, #tpu.memory_space<semaphore_mem>>
        %dma_start3A_477 = tpu.memref_squeeze %dma_start3A_476 : memref<1x!tpu.dma_semaphore, #tpu.memory_space<semaphore_mem>> -> memref<!tpu.dma_semaphore, #tpu.memory_space<semaphore_mem>>
        tpu.enqueue_indirect_dma source(%dma_start3A_469 : memref<80x128xf32, #tpu.memory_space<vmem>>) target(%dma_start3A_475 : memref<10000x128xf32, #tpu.memory_space<vmem_shared>>) offsets(%dma_start3A_472 : memref<80xi32, #tpu.memory_space<vmem>>) semaphore(%dma_start3A_477 : memref<!tpu.dma_semaphore, #tpu.memory_space<semaphore_mem>>) {add = true}
      } else {
      }
      %add3A_281 = arith.constant 4 : i32
      %add3A_282 = arith.addi %add3A_267, %add3A_281 : i32
      %add3A_283 = arith.constant 0 : i32
      %add3A_284 = arith.addi %add3A_282, %add3A_283 : i32
      %lt3A_285 = arith.constant 125 : i32
      %lt3A_286 = arith.cmpi slt, %add3A_284, %lt3A_285 : i32
      %convert_element_type3A_287 = arith.extui %lt3A_286 : i1 to i32
      %cond3A_288 = arith.constant 0 : i32
      %cond3A_289 = arith.cmpi ne, %convert_element_type3A_287, %cond3A_288 : i32
      scf.if %cond3A_289 {
        %mul3A_431 = arith.constant 80 : i32
        %mul3A_432 = arith.muli %add3A_284, %mul3A_431 : i32
        %add3A_433 = arith.addi %mul3A_13, %mul3A_432 : i32
        %dma_start3A_434 = arith.constant 0 : i32
        %dma_start3A_435 = arith.constant 0 : i32
        %dma_start3A_436 = arith.constant 0 : i32
        %dma_start3A_437 = tpu.memref_slice %arg6[%dma_start3A_434, %dma_start3A_436] : memref<4x80xi32, #tpu.memory_space<vmem>> -> memref<1x80xi32, #tpu.memory_space<vmem>>
        %dma_start3A_438 = tpu.memref_squeeze %dma_start3A_437 : memref<1x80xi32, #tpu.memory_space<vmem>> -> memref<80xi32, #tpu.memory_space<vmem>>
        %dma_start3A_439 = tpu.memref_slice %arg3[%add3A_433] : memref<640000xi32, #tpu.memory_space<hbm>> -> memref<80xi32, #tpu.memory_space<hbm>>
        %dma_start3A_440 = tpu.memref_slice %arg9[%dma_start3A_435] : memref<4x!tpu.dma_semaphore, #tpu.memory_space<semaphore_mem>> -> memref<1x!tpu.dma_semaphore, #tpu.memory_space<semaphore_mem>>
        %dma_start3A_441 = tpu.memref_squeeze %dma_start3A_440 : memref<1x!tpu.dma_semaphore, #tpu.memory_space<semaphore_mem>> -> memref<!tpu.dma_semaphore, #tpu.memory_space<semaphore_mem>>
        %dma_start3A_442 = arith.constant 0 : i32
        %dma_start3A_443 = tpu.memref_slice %arg6[%dma_start3A_434, %dma_start3A_442] : memref<4x80xi32, #tpu.memory_space<vmem>> -> memref<1x80xi32, #tpu.memory_space<vmem>>
        %dma_start3A_444 = tpu.memref_squeeze %dma_start3A_443 : memref<1x80xi32, #tpu.memory_space<vmem>> -> memref<80xi32, #tpu.memory_space<vmem>>
        %dma_start3A_445 = tpu.memref_slice %arg3[%add3A_433] : memref<640000xi32, #tpu.memory_space<hbm>> -> memref<80xi32, #tpu.memory_space<hbm>>
        tpu.enqueue_dma source(%dma_start3A_445 : memref<80xi32, #tpu.memory_space<hbm>>) target(%dma_start3A_444 : memref<80xi32, #tpu.memory_space<vmem>>) target_semaphore(%dma_start3A_441 : memref<!tpu.dma_semaphore, #tpu.memory_space<semaphore_mem>>)
      } else {
      }
      %add3A_290 = arith.constant 4 : i32
      %add3A_291 = arith.addi %add3A_267, %add3A_290 : i32
      %add3A_292 = arith.constant 1 : i32
      %add3A_293 = arith.addi %add3A_291, %add3A_292 : i32
      %lt3A_294 = arith.constant 125 : i32
      %lt3A_295 = arith.cmpi slt, %add3A_293, %lt3A_294 : i32
      %convert_element_type3A_296 = arith.extui %lt3A_295 : i1 to i32
      %cond3A_297 = arith.constant 0 : i32
      %cond3A_298 = arith.cmpi ne, %convert_element_type3A_296, %cond3A_297 : i32
      scf.if %cond3A_298 {
        %mul3A_431 = arith.constant 80 : i32
        %mul3A_432 = arith.muli %add3A_293, %mul3A_431 : i32
        %add3A_433 = arith.addi %mul3A_13, %mul3A_432 : i32
        %dma_start3A_434 = arith.constant 1 : i32
        %dma_start3A_435 = arith.constant 1 : i32
        %dma_start3A_436 = arith.constant 0 : i32
        %dma_start3A_437 = tpu.memref_slice %arg6[%dma_start3A_434, %dma_start3A_436] : memref<4x80xi32, #tpu.memory_space<vmem>> -> memref<1x80xi32, #tpu.memory_space<vmem>>
        %dma_start3A_438 = tpu.memref_squeeze %dma_start3A_437 : memref<1x80xi32, #tpu.memory_space<vmem>> -> memref<80xi32, #tpu.memory_space<vmem>>
        %dma_start3A_439 = tpu.memref_slice %arg3[%add3A_433] : memref<640000xi32, #tpu.memory_space<hbm>> -> memref<80xi32, #tpu.memory_space<hbm>>
        %dma_start3A_440 = tpu.memref_slice %arg9[%dma_start3A_435] : memref<4x!tpu.dma_semaphore, #tpu.memory_space<semaphore_mem>> -> memref<1x!tpu.dma_semaphore, #tpu.memory_space<semaphore_mem>>
        %dma_start3A_441 = tpu.memref_squeeze %dma_start3A_440 : memref<1x!tpu.dma_semaphore, #tpu.memory_space<semaphore_mem>> -> memref<!tpu.dma_semaphore, #tpu.memory_space<semaphore_mem>>
        %dma_start3A_442 = arith.constant 0 : i32
        %dma_start3A_443 = tpu.memref_slice %arg6[%dma_start3A_434, %dma_start3A_442] : memref<4x80xi32, #tpu.memory_space<vmem>> -> memref<1x80xi32, #tpu.memory_space<vmem>>
        %dma_start3A_444 = tpu.memref_squeeze %dma_start3A_443 : memref<1x80xi32, #tpu.memory_space<vmem>> -> memref<80xi32, #tpu.memory_space<vmem>>
        %dma_start3A_445 = tpu.memref_slice %arg3[%add3A_433] : memref<640000xi32, #tpu.memory_space<hbm>> -> memref<80xi32, #tpu.memory_space<hbm>>
        tpu.enqueue_dma source(%dma_start3A_445 : memref<80xi32, #tpu.memory_space<hbm>>) target(%dma_start3A_444 : memref<80xi32, #tpu.memory_space<vmem>>) target_semaphore(%dma_start3A_441 : memref<!tpu.dma_semaphore, #tpu.memory_space<semaphore_mem>>)
      } else {
      }
      %add3A_299 = arith.constant 2 : i32
      %add3A_300 = arith.addi %add3A_267, %add3A_299 : i32
      %lt3A_301 = arith.constant 125 : i32
      %lt3A_302 = arith.cmpi slt, %add3A_300, %lt3A_301 : i32
      %convert_element_type3A_303 = arith.extui %lt3A_302 : i1 to i32
      %cond3A_304 = arith.constant 0 : i32
      %cond3A_305 = arith.cmpi ne, %convert_element_type3A_303, %cond3A_304 : i32
      scf.if %cond3A_305 {
        %add3A_431 = arith.constant 320000 : i32
        %add3A_432 = arith.addi %add3A_431, %mul3A_13 : i32
        %mul3A_433 = arith.constant 80 : i32
        %mul3A_434 = arith.muli %add3A_300, %mul3A_433 : i32
        %add3A_435 = arith.addi %add3A_432, %mul3A_434 : i32
        %dma_wait3A_436 = arith.constant 2 : i32
        %dma_wait3A_437 = arith.constant 2 : i32
        %dma_wait3A_438 = arith.constant 0 : i32
        %dma_wait3A_439 = tpu.memref_slice %arg7[%dma_wait3A_436, %dma_wait3A_438] : memref<4x80xi32, #tpu.memory_space<vmem>> -> memref<1x80xi32, #tpu.memory_space<vmem>>
        %dma_wait3A_440 = tpu.memref_squeeze %dma_wait3A_439 : memref<1x80xi32, #tpu.memory_space<vmem>> -> memref<80xi32, #tpu.memory_space<vmem>>
        %dma_wait3A_441 = tpu.memref_slice %arg3[%add3A_435] : memref<640000xi32, #tpu.memory_space<hbm>> -> memref<80xi32, #tpu.memory_space<hbm>>
        %dma_wait3A_442 = tpu.memref_slice %arg10[%dma_wait3A_437] : memref<4x!tpu.dma_semaphore, #tpu.memory_space<semaphore_mem>> -> memref<1x!tpu.dma_semaphore, #tpu.memory_space<semaphore_mem>>
        %dma_wait3A_443 = tpu.memref_squeeze %dma_wait3A_442 : memref<1x!tpu.dma_semaphore, #tpu.memory_space<semaphore_mem>> -> memref<!tpu.dma_semaphore, #tpu.memory_space<semaphore_mem>>
        %dma_wait3A_444 = arith.constant 0 : i32
        %dma_wait3A_445 = tpu.memref_slice %arg7[%dma_wait3A_436, %dma_wait3A_444] : memref<4x80xi32, #tpu.memory_space<vmem>> -> memref<1x80xi32, #tpu.memory_space<vmem>>
        %dma_wait3A_446 = tpu.memref_squeeze %dma_wait3A_445 : memref<1x80xi32, #tpu.memory_space<vmem>> -> memref<80xi32, #tpu.memory_space<vmem>>
        %dma_wait3A_447 = tpu.memref_slice %arg3[%add3A_435] : memref<640000xi32, #tpu.memory_space<hbm>> -> memref<80xi32, #tpu.memory_space<hbm>>
        tpu.wait_dma2 semaphore(%dma_wait3A_443 : memref<!tpu.dma_semaphore, #tpu.memory_space<semaphore_mem>>) src(%dma_wait3A_447 : memref<80xi32, #tpu.memory_space<hbm>>) dst(%dma_wait3A_446 : memref<80xi32, #tpu.memory_space<vmem>>)
        %dma_wait3A_448 = arith.constant 2 : i32
        %dma_wait3A_449 = arith.constant 2 : i32
        %dma_wait3A_450 = arith.constant 2 : i32
        %dma_wait3A_451 = arith.constant 0 : i32
        %dma_wait3A_452 = arith.constant 0 : i32
        %dma_wait3A_453 = tpu.memref_slice %arg8[%dma_wait3A_449, %dma_wait3A_451, %dma_wait3A_452] : memref<4x80x128xf32, #tpu.memory_space<vmem>> -> memref<1x80x128xf32, #tpu.memory_space<vmem>>
        %dma_wait3A_454 = tpu.memref_squeeze %dma_wait3A_453 : memref<1x80x128xf32, #tpu.memory_space<vmem>> -> memref<80x128xf32, #tpu.memory_space<vmem>>
        %dma_wait3A_455 = arith.constant 0 : i32
        %dma_wait3A_456 = tpu.memref_slice %arg6[%dma_wait3A_448, %dma_wait3A_455] : memref<4x80xi32, #tpu.memory_space<vmem>> -> memref<1x80xi32, #tpu.memory_space<vmem>>
        %dma_wait3A_457 = tpu.memref_squeeze %dma_wait3A_456 : memref<1x80xi32, #tpu.memory_space<vmem>> -> memref<80xi32, #tpu.memory_space<vmem>>
        %dma_wait3A_458 = arith.constant 0 : i32
        %dma_wait3A_459 = arith.constant 0 : i32
        %dma_wait3A_460 = tpu.memref_slice %arg2[%dma_wait3A_458, %dma_wait3A_459] : memref<10000x128xf32, #tpu.memory_space<hbm>> -> memref<10000x128xf32, #tpu.memory_space<hbm>>
        %dma_wait3A_461 = tpu.memref_slice %arg11[%dma_wait3A_450] : memref<4x!tpu.dma_semaphore, #tpu.memory_space<semaphore_mem>> -> memref<1x!tpu.dma_semaphore, #tpu.memory_space<semaphore_mem>>
        %dma_wait3A_462 = tpu.memref_squeeze %dma_wait3A_461 : memref<1x!tpu.dma_semaphore, #tpu.memory_space<semaphore_mem>> -> memref<!tpu.dma_semaphore, #tpu.memory_space<semaphore_mem>>
        tpu.wait_indirect_dma semaphore(%dma_wait3A_462 : memref<!tpu.dma_semaphore, #tpu.memory_space<semaphore_mem>>) src(%dma_wait3A_460 : memref<10000x128xf32, #tpu.memory_space<hbm>>) dst(%dma_wait3A_454 : memref<80x128xf32, #tpu.memory_space<vmem>>)
        %dma_start3A_463 = arith.constant 2 : i32
        %dma_start3A_464 = arith.constant 2 : i32
        %dma_start3A_465 = arith.constant 2 : i32
        %dma_start3A_466 = arith.constant 0 : i32
        %dma_start3A_467 = arith.constant 0 : i32
        %dma_start3A_468 = tpu.memref_slice %arg8[%dma_start3A_463, %dma_start3A_466, %dma_start3A_467] : memref<4x80x128xf32, #tpu.memory_space<vmem>> -> memref<1x80x128xf32, #tpu.memory_space<vmem>>
        %dma_start3A_469 = tpu.memref_squeeze %dma_start3A_468 : memref<1x80x128xf32, #tpu.memory_space<vmem>> -> memref<80x128xf32, #tpu.memory_space<vmem>>
        %dma_start3A_470 = arith.constant 0 : i32
        %dma_start3A_471 = tpu.memref_slice %arg7[%dma_start3A_464, %dma_start3A_470] : memref<4x80xi32, #tpu.memory_space<vmem>> -> memref<1x80xi32, #tpu.memory_space<vmem>>
        %dma_start3A_472 = tpu.memref_squeeze %dma_start3A_471 : memref<1x80xi32, #tpu.memory_space<vmem>> -> memref<80xi32, #tpu.memory_space<vmem>>
        %dma_start3A_473 = arith.constant 0 : i32
        %dma_start3A_474 = arith.constant 0 : i32
        %dma_start3A_475 = tpu.memref_slice %arg5[%dma_start3A_473, %dma_start3A_474] : memref<10000x128xf32, #tpu.memory_space<vmem_shared>> -> memref<10000x128xf32, #tpu.memory_space<vmem_shared>>
        %dma_start3A_476 = tpu.memref_slice %arg12[%dma_start3A_465] : memref<4x!tpu.dma_semaphore, #tpu.memory_space<semaphore_mem>> -> memref<1x!tpu.dma_semaphore, #tpu.memory_space<semaphore_mem>>
        %dma_start3A_477 = tpu.memref_squeeze %dma_start3A_476 : memref<1x!tpu.dma_semaphore, #tpu.memory_space<semaphore_mem>> -> memref<!tpu.dma_semaphore, #tpu.memory_space<semaphore_mem>>
        tpu.enqueue_indirect_dma source(%dma_start3A_469 : memref<80x128xf32, #tpu.memory_space<vmem>>) target(%dma_start3A_475 : memref<10000x128xf32, #tpu.memory_space<vmem_shared>>) offsets(%dma_start3A_472 : memref<80xi32, #tpu.memory_space<vmem>>) semaphore(%dma_start3A_477 : memref<!tpu.dma_semaphore, #tpu.memory_space<semaphore_mem>>) {add = true}
      } else {
      }
      %add3A_306 = arith.constant 3 : i32
      %add3A_307 = arith.addi %add3A_267, %add3A_306 : i32
      %lt3A_308 = arith.constant 125 : i32
      %lt3A_309 = arith.cmpi slt, %add3A_307, %lt3A_308 : i32
      %convert_element_type3A_310 = arith.extui %lt3A_309 : i1 to i32
      %cond3A_311 = arith.constant 0 : i32
      %cond3A_312 = arith.cmpi ne, %convert_element_type3A_310, %cond3A_311 : i32
      scf.if %cond3A_312 {
        %add3A_431 = arith.constant 320000 : i32
        %add3A_432 = arith.addi %add3A_431, %mul3A_13 : i32
        %mul3A_433 = arith.constant 80 : i32
        %mul3A_434 = arith.muli %add3A_307, %mul3A_433 : i32
        %add3A_435 = arith.addi %add3A_432, %mul3A_434 : i32
        %dma_wait3A_436 = arith.constant 3 : i32
        %dma_wait3A_437 = arith.constant 3 : i32
        %dma_wait3A_438 = arith.constant 0 : i32
        %dma_wait3A_439 = tpu.memref_slice %arg7[%dma_wait3A_436, %dma_wait3A_438] : memref<4x80xi32, #tpu.memory_space<vmem>> -> memref<1x80xi32, #tpu.memory_space<vmem>>
        %dma_wait3A_440 = tpu.memref_squeeze %dma_wait3A_439 : memref<1x80xi32, #tpu.memory_space<vmem>> -> memref<80xi32, #tpu.memory_space<vmem>>
        %dma_wait3A_441 = tpu.memref_slice %arg3[%add3A_435] : memref<640000xi32, #tpu.memory_space<hbm>> -> memref<80xi32, #tpu.memory_space<hbm>>
        %dma_wait3A_442 = tpu.memref_slice %arg10[%dma_wait3A_437] : memref<4x!tpu.dma_semaphore, #tpu.memory_space<semaphore_mem>> -> memref<1x!tpu.dma_semaphore, #tpu.memory_space<semaphore_mem>>
        %dma_wait3A_443 = tpu.memref_squeeze %dma_wait3A_442 : memref<1x!tpu.dma_semaphore, #tpu.memory_space<semaphore_mem>> -> memref<!tpu.dma_semaphore, #tpu.memory_space<semaphore_mem>>
        %dma_wait3A_444 = arith.constant 0 : i32
        %dma_wait3A_445 = tpu.memref_slice %arg7[%dma_wait3A_436, %dma_wait3A_444] : memref<4x80xi32, #tpu.memory_space<vmem>> -> memref<1x80xi32, #tpu.memory_space<vmem>>
        %dma_wait3A_446 = tpu.memref_squeeze %dma_wait3A_445 : memref<1x80xi32, #tpu.memory_space<vmem>> -> memref<80xi32, #tpu.memory_space<vmem>>
        %dma_wait3A_447 = tpu.memref_slice %arg3[%add3A_435] : memref<640000xi32, #tpu.memory_space<hbm>> -> memref<80xi32, #tpu.memory_space<hbm>>
        tpu.wait_dma2 semaphore(%dma_wait3A_443 : memref<!tpu.dma_semaphore, #tpu.memory_space<semaphore_mem>>) src(%dma_wait3A_447 : memref<80xi32, #tpu.memory_space<hbm>>) dst(%dma_wait3A_446 : memref<80xi32, #tpu.memory_space<vmem>>)
        %dma_wait3A_448 = arith.constant 3 : i32
        %dma_wait3A_449 = arith.constant 3 : i32
        %dma_wait3A_450 = arith.constant 3 : i32
        %dma_wait3A_451 = arith.constant 0 : i32
        %dma_wait3A_452 = arith.constant 0 : i32
        %dma_wait3A_453 = tpu.memref_slice %arg8[%dma_wait3A_449, %dma_wait3A_451, %dma_wait3A_452] : memref<4x80x128xf32, #tpu.memory_space<vmem>> -> memref<1x80x128xf32, #tpu.memory_space<vmem>>
        %dma_wait3A_454 = tpu.memref_squeeze %dma_wait3A_453 : memref<1x80x128xf32, #tpu.memory_space<vmem>> -> memref<80x128xf32, #tpu.memory_space<vmem>>
        %dma_wait3A_455 = arith.constant 0 : i32
        %dma_wait3A_456 = tpu.memref_slice %arg6[%dma_wait3A_448, %dma_wait3A_455] : memref<4x80xi32, #tpu.memory_space<vmem>> -> memref<1x80xi32, #tpu.memory_space<vmem>>
        %dma_wait3A_457 = tpu.memref_squeeze %dma_wait3A_456 : memref<1x80xi32, #tpu.memory_space<vmem>> -> memref<80xi32, #tpu.memory_space<vmem>>
        %dma_wait3A_458 = arith.constant 0 : i32
        %dma_wait3A_459 = arith.constant 0 : i32
        %dma_wait3A_460 = tpu.memref_slice %arg2[%dma_wait3A_458, %dma_wait3A_459] : memref<10000x128xf32, #tpu.memory_space<hbm>> -> memref<10000x128xf32, #tpu.memory_space<hbm>>
        %dma_wait3A_461 = tpu.memref_slice %arg11[%dma_wait3A_450] : memref<4x!tpu.dma_semaphore, #tpu.memory_space<semaphore_mem>> -> memref<1x!tpu.dma_semaphore, #tpu.memory_space<semaphore_mem>>
        %dma_wait3A_462 = tpu.memref_squeeze %dma_wait3A_461 : memref<1x!tpu.dma_semaphore, #tpu.memory_space<semaphore_mem>> -> memref<!tpu.dma_semaphore, #tpu.memory_space<semaphore_mem>>
        tpu.wait_indirect_dma semaphore(%dma_wait3A_462 : memref<!tpu.dma_semaphore, #tpu.memory_space<semaphore_mem>>) src(%dma_wait3A_460 : memref<10000x128xf32, #tpu.memory_space<hbm>>) dst(%dma_wait3A_454 : memref<80x128xf32, #tpu.memory_space<vmem>>)
        %dma_start3A_463 = arith.constant 3 : i32
        %dma_start3A_464 = arith.constant 3 : i32
        %dma_start3A_465 = arith.constant 3 : i32
        %dma_start3A_466 = arith.constant 0 : i32
        %dma_start3A_467 = arith.constant 0 : i32
        %dma_start3A_468 = tpu.memref_slice %arg8[%dma_start3A_463, %dma_start3A_466, %dma_start3A_467] : memref<4x80x128xf32, #tpu.memory_space<vmem>> -> memref<1x80x128xf32, #tpu.memory_space<vmem>>
        %dma_start3A_469 = tpu.memref_squeeze %dma_start3A_468 : memref<1x80x128xf32, #tpu.memory_space<vmem>> -> memref<80x128xf32, #tpu.memory_space<vmem>>
        %dma_start3A_470 = arith.constant 0 : i32
        %dma_start3A_471 = tpu.memref_slice %arg7[%dma_start3A_464, %dma_start3A_470] : memref<4x80xi32, #tpu.memory_space<vmem>> -> memref<1x80xi32, #tpu.memory_space<vmem>>
        %dma_start3A_472 = tpu.memref_squeeze %dma_start3A_471 : memref<1x80xi32, #tpu.memory_space<vmem>> -> memref<80xi32, #tpu.memory_space<vmem>>
        %dma_start3A_473 = arith.constant 0 : i32
        %dma_start3A_474 = arith.constant 0 : i32
        %dma_start3A_475 = tpu.memref_slice %arg5[%dma_start3A_473, %dma_start3A_474] : memref<10000x128xf32, #tpu.memory_space<vmem_shared>> -> memref<10000x128xf32, #tpu.memory_space<vmem_shared>>
        %dma_start3A_476 = tpu.memref_slice %arg12[%dma_start3A_465] : memref<4x!tpu.dma_semaphore, #tpu.memory_space<semaphore_mem>> -> memref<1x!tpu.dma_semaphore, #tpu.memory_space<semaphore_mem>>
        %dma_start3A_477 = tpu.memref_squeeze %dma_start3A_476 : memref<1x!tpu.dma_semaphore, #tpu.memory_space<semaphore_mem>> -> memref<!tpu.dma_semaphore, #tpu.memory_space<semaphore_mem>>
        tpu.enqueue_indirect_dma source(%dma_start3A_469 : memref<80x128xf32, #tpu.memory_space<vmem>>) target(%dma_start3A_475 : memref<10000x128xf32, #tpu.memory_space<vmem_shared>>) offsets(%dma_start3A_472 : memref<80xi32, #tpu.memory_space<vmem>>) semaphore(%dma_start3A_477 : memref<!tpu.dma_semaphore, #tpu.memory_space<semaphore_mem>>) {add = true}
      } else {
      }
      %add3A_313 = arith.constant 4 : i32
      %add3A_314 = arith.addi %add3A_267, %add3A_313 : i32
      %add3A_315 = arith.constant 2 : i32
      %add3A_316 = arith.addi %add3A_314, %add3A_315 : i32
      %lt3A_317 = arith.constant 125 : i32
      %lt3A_318 = arith.cmpi slt, %add3A_316, %lt3A_317 : i32
      %convert_element_type3A_319 = arith.extui %lt3A_318 : i1 to i32
      %cond3A_320 = arith.constant 0 : i32
      %cond3A_321 = arith.cmpi ne, %convert_element_type3A_319, %cond3A_320 : i32
      scf.if %cond3A_321 {
        %mul3A_431 = arith.constant 80 : i32
        %mul3A_432 = arith.muli %add3A_316, %mul3A_431 : i32
        %add3A_433 = arith.addi %mul3A_13, %mul3A_432 : i32
        %dma_start3A_434 = arith.constant 2 : i32
        %dma_start3A_435 = arith.constant 2 : i32
        %dma_start3A_436 = arith.constant 0 : i32
        %dma_start3A_437 = tpu.memref_slice %arg6[%dma_start3A_434, %dma_start3A_436] : memref<4x80xi32, #tpu.memory_space<vmem>> -> memref<1x80xi32, #tpu.memory_space<vmem>>
        %dma_start3A_438 = tpu.memref_squeeze %dma_start3A_437 : memref<1x80xi32, #tpu.memory_space<vmem>> -> memref<80xi32, #tpu.memory_space<vmem>>
        %dma_start3A_439 = tpu.memref_slice %arg3[%add3A_433] : memref<640000xi32, #tpu.memory_space<hbm>> -> memref<80xi32, #tpu.memory_space<hbm>>
        %dma_start3A_440 = tpu.memref_slice %arg9[%dma_start3A_435] : memref<4x!tpu.dma_semaphore, #tpu.memory_space<semaphore_mem>> -> memref<1x!tpu.dma_semaphore, #tpu.memory_space<semaphore_mem>>
        %dma_start3A_441 = tpu.memref_squeeze %dma_start3A_440 : memref<1x!tpu.dma_semaphore, #tpu.memory_space<semaphore_mem>> -> memref<!tpu.dma_semaphore, #tpu.memory_space<semaphore_mem>>
        %dma_start3A_442 = arith.constant 0 : i32
        %dma_start3A_443 = tpu.memref_slice %arg6[%dma_start3A_434, %dma_start3A_442] : memref<4x80xi32, #tpu.memory_space<vmem>> -> memref<1x80xi32, #tpu.memory_space<vmem>>
        %dma_start3A_444 = tpu.memref_squeeze %dma_start3A_443 : memref<1x80xi32, #tpu.memory_space<vmem>> -> memref<80xi32, #tpu.memory_space<vmem>>
        %dma_start3A_445 = tpu.memref_slice %arg3[%add3A_433] : memref<640000xi32, #tpu.memory_space<hbm>> -> memref<80xi32, #tpu.memory_space<hbm>>
        tpu.enqueue_dma source(%dma_start3A_445 : memref<80xi32, #tpu.memory_space<hbm>>) target(%dma_start3A_444 : memref<80xi32, #tpu.memory_space<vmem>>) target_semaphore(%dma_start3A_441 : memref<!tpu.dma_semaphore, #tpu.memory_space<semaphore_mem>>)
      } else {
      }
      %add3A_322 = arith.constant 4 : i32
      %add3A_323 = arith.addi %add3A_267, %add3A_322 : i32
      %add3A_324 = arith.constant 3 : i32
      %add3A_325 = arith.addi %add3A_323, %add3A_324 : i32
      %lt3A_326 = arith.constant 125 : i32
      %lt3A_327 = arith.cmpi slt, %add3A_325, %lt3A_326 : i32
      %convert_element_type3A_328 = arith.extui %lt3A_327 : i1 to i32
      %cond3A_329 = arith.constant 0 : i32
      %cond3A_330 = arith.cmpi ne, %convert_element_type3A_328, %cond3A_329 : i32
      scf.if %cond3A_330 {
        %mul3A_431 = arith.constant 80 : i32
        %mul3A_432 = arith.muli %add3A_325, %mul3A_431 : i32
        %add3A_433 = arith.addi %mul3A_13, %mul3A_432 : i32
        %dma_start3A_434 = arith.constant 3 : i32
        %dma_start3A_435 = arith.constant 3 : i32
        %dma_start3A_436 = arith.constant 0 : i32
        %dma_start3A_437 = tpu.memref_slice %arg6[%dma_start3A_434, %dma_start3A_436] : memref<4x80xi32, #tpu.memory_space<vmem>> -> memref<1x80xi32, #tpu.memory_space<vmem>>
        %dma_start3A_438 = tpu.memref_squeeze %dma_start3A_437 : memref<1x80xi32, #tpu.memory_space<vmem>> -> memref<80xi32, #tpu.memory_space<vmem>>
        %dma_start3A_439 = tpu.memref_slice %arg3[%add3A_433] : memref<640000xi32, #tpu.memory_space<hbm>> -> memref<80xi32, #tpu.memory_space<hbm>>
        %dma_start3A_440 = tpu.memref_slice %arg9[%dma_start3A_435] : memref<4x!tpu.dma_semaphore, #tpu.memory_space<semaphore_mem>> -> memref<1x!tpu.dma_semaphore, #tpu.memory_space<semaphore_mem>>
        %dma_start3A_441 = tpu.memref_squeeze %dma_start3A_440 : memref<1x!tpu.dma_semaphore, #tpu.memory_space<semaphore_mem>> -> memref<!tpu.dma_semaphore, #tpu.memory_space<semaphore_mem>>
        %dma_start3A_442 = arith.constant 0 : i32
        %dma_start3A_443 = tpu.memref_slice %arg6[%dma_start3A_434, %dma_start3A_442] : memref<4x80xi32, #tpu.memory_space<vmem>> -> memref<1x80xi32, #tpu.memory_space<vmem>>
        %dma_start3A_444 = tpu.memref_squeeze %dma_start3A_443 : memref<1x80xi32, #tpu.memory_space<vmem>> -> memref<80xi32, #tpu.memory_space<vmem>>
        %dma_start3A_445 = tpu.memref_slice %arg3[%add3A_433] : memref<640000xi32, #tpu.memory_space<hbm>> -> memref<80xi32, #tpu.memory_space<hbm>>
        tpu.enqueue_dma source(%dma_start3A_445 : memref<80xi32, #tpu.memory_space<hbm>>) target(%dma_start3A_444 : memref<80xi32, #tpu.memory_space<vmem>>) target_semaphore(%dma_start3A_441 : memref<!tpu.dma_semaphore, #tpu.memory_space<semaphore_mem>>)
      } else {
      }
      %add3A_331 = arith.constant 0 : i32
      %add3A_332 = arith.addi %add3A_267, %add3A_331 : i32
      %lt3A_333 = arith.constant 125 : i32
      %lt3A_334 = arith.cmpi slt, %add3A_332, %lt3A_333 : i32
      %convert_element_type3A_335 = arith.extui %lt3A_334 : i1 to i32
      %cond3A_336 = arith.constant 0 : i32
      %cond3A_337 = arith.cmpi ne, %convert_element_type3A_335, %cond3A_336 : i32
      scf.if %cond3A_337 {
        %dma_wait3A_431 = arith.constant 0 : i32
        %dma_wait3A_432 = arith.constant 0 : i32
        %dma_wait3A_433 = arith.constant 0 : i32
        %dma_wait3A_434 = arith.constant 0 : i32
        %dma_wait3A_435 = arith.constant 0 : i32
        %dma_wait3A_436 = tpu.memref_slice %arg8[%dma_wait3A_431, %dma_wait3A_434, %dma_wait3A_435] : memref<4x80x128xf32, #tpu.memory_space<vmem>> -> memref<1x80x128xf32, #tpu.memory_space<vmem>>
        %dma_wait3A_437 = tpu.memref_squeeze %dma_wait3A_436 : memref<1x80x128xf32, #tpu.memory_space<vmem>> -> memref<80x128xf32, #tpu.memory_space<vmem>>
        %dma_wait3A_438 = arith.constant 0 : i32
        %dma_wait3A_439 = tpu.memref_slice %arg7[%dma_wait3A_432, %dma_wait3A_438] : memref<4x80xi32, #tpu.memory_space<vmem>> -> memref<1x80xi32, #tpu.memory_space<vmem>>
        %dma_wait3A_440 = tpu.memref_squeeze %dma_wait3A_439 : memref<1x80xi32, #tpu.memory_space<vmem>> -> memref<80xi32, #tpu.memory_space<vmem>>
        %dma_wait3A_441 = arith.constant 0 : i32
        %dma_wait3A_442 = arith.constant 0 : i32
        %dma_wait3A_443 = tpu.memref_slice %arg5[%dma_wait3A_441, %dma_wait3A_442] : memref<10000x128xf32, #tpu.memory_space<vmem_shared>> -> memref<10000x128xf32, #tpu.memory_space<vmem_shared>>
        %dma_wait3A_444 = tpu.memref_slice %arg12[%dma_wait3A_433] : memref<4x!tpu.dma_semaphore, #tpu.memory_space<semaphore_mem>> -> memref<1x!tpu.dma_semaphore, #tpu.memory_space<semaphore_mem>>
        %dma_wait3A_445 = tpu.memref_squeeze %dma_wait3A_444 : memref<1x!tpu.dma_semaphore, #tpu.memory_space<semaphore_mem>> -> memref<!tpu.dma_semaphore, #tpu.memory_space<semaphore_mem>>
        tpu.wait_indirect_dma semaphore(%dma_wait3A_445 : memref<!tpu.dma_semaphore, #tpu.memory_space<semaphore_mem>>) src(%dma_wait3A_437 : memref<80x128xf32, #tpu.memory_space<vmem>>) dst(%dma_wait3A_443 : memref<10000x128xf32, #tpu.memory_space<vmem_shared>>)
      } else {
      }
      %add3A_338 = arith.constant 4 : i32
      %add3A_339 = arith.addi %add3A_267, %add3A_338 : i32
      %add3A_340 = arith.constant 0 : i32
      %add3A_341 = arith.addi %add3A_339, %add3A_340 : i32
      %lt3A_342 = arith.constant 125 : i32
      %lt3A_343 = arith.cmpi slt, %add3A_341, %lt3A_342 : i32
      %convert_element_type3A_344 = arith.extui %lt3A_343 : i1 to i32
      %cond3A_345 = arith.constant 0 : i32
      %cond3A_346 = arith.cmpi ne, %convert_element_type3A_344, %cond3A_345 : i32
      scf.if %cond3A_346 {
        %add3A_431 = arith.constant 320000 : i32
        %add3A_432 = arith.addi %add3A_431, %mul3A_13 : i32
        %mul3A_433 = arith.constant 80 : i32
        %mul3A_434 = arith.muli %add3A_341, %mul3A_433 : i32
        %add3A_435 = arith.addi %add3A_432, %mul3A_434 : i32
        %dma_start3A_436 = arith.constant 0 : i32
        %dma_start3A_437 = arith.constant 0 : i32
        %dma_start3A_438 = arith.constant 0 : i32
        %dma_start3A_439 = tpu.memref_slice %arg7[%dma_start3A_436, %dma_start3A_438] : memref<4x80xi32, #tpu.memory_space<vmem>> -> memref<1x80xi32, #tpu.memory_space<vmem>>
        %dma_start3A_440 = tpu.memref_squeeze %dma_start3A_439 : memref<1x80xi32, #tpu.memory_space<vmem>> -> memref<80xi32, #tpu.memory_space<vmem>>
        %dma_start3A_441 = tpu.memref_slice %arg3[%add3A_435] : memref<640000xi32, #tpu.memory_space<hbm>> -> memref<80xi32, #tpu.memory_space<hbm>>
        %dma_start3A_442 = tpu.memref_slice %arg10[%dma_start3A_437] : memref<4x!tpu.dma_semaphore, #tpu.memory_space<semaphore_mem>> -> memref<1x!tpu.dma_semaphore, #tpu.memory_space<semaphore_mem>>
        %dma_start3A_443 = tpu.memref_squeeze %dma_start3A_442 : memref<1x!tpu.dma_semaphore, #tpu.memory_space<semaphore_mem>> -> memref<!tpu.dma_semaphore, #tpu.memory_space<semaphore_mem>>
        %dma_start3A_444 = arith.constant 0 : i32
        %dma_start3A_445 = tpu.memref_slice %arg7[%dma_start3A_436, %dma_start3A_444] : memref<4x80xi32, #tpu.memory_space<vmem>> -> memref<1x80xi32, #tpu.memory_space<vmem>>
        %dma_start3A_446 = tpu.memref_squeeze %dma_start3A_445 : memref<1x80xi32, #tpu.memory_space<vmem>> -> memref<80xi32, #tpu.memory_space<vmem>>
        %dma_start3A_447 = tpu.memref_slice %arg3[%add3A_435] : memref<640000xi32, #tpu.memory_space<hbm>> -> memref<80xi32, #tpu.memory_space<hbm>>
        tpu.enqueue_dma source(%dma_start3A_447 : memref<80xi32, #tpu.memory_space<hbm>>) target(%dma_start3A_446 : memref<80xi32, #tpu.memory_space<vmem>>) target_semaphore(%dma_start3A_443 : memref<!tpu.dma_semaphore, #tpu.memory_space<semaphore_mem>>)
      } else {
      }
      %add3A_347 = arith.constant 4 : i32
      %add3A_348 = arith.addi %add3A_267, %add3A_347 : i32
      %add3A_349 = arith.constant 0 : i32
      %add3A_350 = arith.addi %add3A_348, %add3A_349 : i32
      %lt3A_351 = arith.constant 125 : i32
      %lt3A_352 = arith.cmpi slt, %add3A_350, %lt3A_351 : i32
      %convert_element_type3A_353 = arith.extui %lt3A_352 : i1 to i32
      %cond3A_354 = arith.constant 0 : i32
      %cond3A_355 = arith.cmpi ne, %convert_element_type3A_353, %cond3A_354 : i32
      scf.if %cond3A_355 {
        %mul3A_431 = arith.constant 80 : i32
        %mul3A_432 = arith.muli %add3A_350, %mul3A_431 : i32
        %add3A_433 = arith.addi %mul3A_13, %mul3A_432 : i32
        %dma_wait3A_434 = arith.constant 0 : i32
        %dma_wait3A_435 = arith.constant 0 : i32
        %dma_wait3A_436 = arith.constant 0 : i32
        %dma_wait3A_437 = tpu.memref_slice %arg6[%dma_wait3A_434, %dma_wait3A_436] : memref<4x80xi32, #tpu.memory_space<vmem>> -> memref<1x80xi32, #tpu.memory_space<vmem>>
        %dma_wait3A_438 = tpu.memref_squeeze %dma_wait3A_437 : memref<1x80xi32, #tpu.memory_space<vmem>> -> memref<80xi32, #tpu.memory_space<vmem>>
        %dma_wait3A_439 = tpu.memref_slice %arg3[%add3A_433] : memref<640000xi32, #tpu.memory_space<hbm>> -> memref<80xi32, #tpu.memory_space<hbm>>
        %dma_wait3A_440 = tpu.memref_slice %arg9[%dma_wait3A_435] : memref<4x!tpu.dma_semaphore, #tpu.memory_space<semaphore_mem>> -> memref<1x!tpu.dma_semaphore, #tpu.memory_space<semaphore_mem>>
        %dma_wait3A_441 = tpu.memref_squeeze %dma_wait3A_440 : memref<1x!tpu.dma_semaphore, #tpu.memory_space<semaphore_mem>> -> memref<!tpu.dma_semaphore, #tpu.memory_space<semaphore_mem>>
        %dma_wait3A_442 = arith.constant 0 : i32
        %dma_wait3A_443 = tpu.memref_slice %arg6[%dma_wait3A_434, %dma_wait3A_442] : memref<4x80xi32, #tpu.memory_space<vmem>> -> memref<1x80xi32, #tpu.memory_space<vmem>>
        %dma_wait3A_444 = tpu.memref_squeeze %dma_wait3A_443 : memref<1x80xi32, #tpu.memory_space<vmem>> -> memref<80xi32, #tpu.memory_space<vmem>>
        %dma_wait3A_445 = tpu.memref_slice %arg3[%add3A_433] : memref<640000xi32, #tpu.memory_space<hbm>> -> memref<80xi32, #tpu.memory_space<hbm>>
        tpu.wait_dma2 semaphore(%dma_wait3A_441 : memref<!tpu.dma_semaphore, #tpu.memory_space<semaphore_mem>>) src(%dma_wait3A_445 : memref<80xi32, #tpu.memory_space<hbm>>) dst(%dma_wait3A_444 : memref<80xi32, #tpu.memory_space<vmem>>)
        %dma_start3A_446 = arith.constant 0 : i32
        %dma_start3A_447 = arith.constant 0 : i32
        %dma_start3A_448 = arith.constant 0 : i32
        %dma_start3A_449 = arith.constant 0 : i32
        %dma_start3A_450 = arith.constant 0 : i32
        %dma_start3A_451 = tpu.memref_slice %arg8[%dma_start3A_447, %dma_start3A_449, %dma_start3A_450] : memref<4x80x128xf32, #tpu.memory_space<vmem>> -> memref<1x80x128xf32, #tpu.memory_space<vmem>>
        %dma_start3A_452 = tpu.memref_squeeze %dma_start3A_451 : memref<1x80x128xf32, #tpu.memory_space<vmem>> -> memref<80x128xf32, #tpu.memory_space<vmem>>
        %dma_start3A_453 = arith.constant 0 : i32
        %dma_start3A_454 = tpu.memref_slice %arg6[%dma_start3A_446, %dma_start3A_453] : memref<4x80xi32, #tpu.memory_space<vmem>> -> memref<1x80xi32, #tpu.memory_space<vmem>>
        %dma_start3A_455 = tpu.memref_squeeze %dma_start3A_454 : memref<1x80xi32, #tpu.memory_space<vmem>> -> memref<80xi32, #tpu.memory_space<vmem>>
        %dma_start3A_456 = arith.constant 0 : i32
        %dma_start3A_457 = arith.constant 0 : i32
        %dma_start3A_458 = tpu.memref_slice %arg2[%dma_start3A_456, %dma_start3A_457] : memref<10000x128xf32, #tpu.memory_space<hbm>> -> memref<10000x128xf32, #tpu.memory_space<hbm>>
        %dma_start3A_459 = tpu.memref_slice %arg11[%dma_start3A_448] : memref<4x!tpu.dma_semaphore, #tpu.memory_space<semaphore_mem>> -> memref<1x!tpu.dma_semaphore, #tpu.memory_space<semaphore_mem>>
        %dma_start3A_460 = tpu.memref_squeeze %dma_start3A_459 : memref<1x!tpu.dma_semaphore, #tpu.memory_space<semaphore_mem>> -> memref<!tpu.dma_semaphore, #tpu.memory_space<semaphore_mem>>
        tpu.enqueue_indirect_dma source(%dma_start3A_458 : memref<10000x128xf32, #tpu.memory_space<hbm>>) target(%dma_start3A_452 : memref<80x128xf32, #tpu.memory_space<vmem>>) offsets(%dma_start3A_455 : memref<80xi32, #tpu.memory_space<vmem>>) semaphore(%dma_start3A_460 : memref<!tpu.dma_semaphore, #tpu.memory_space<semaphore_mem>>)
      } else {
      }
      %add3A_356 = arith.constant 1 : i32
      %add3A_357 = arith.addi %add3A_267, %add3A_356 : i32
      %lt3A_358 = arith.constant 125 : i32
      %lt3A_359 = arith.cmpi slt, %add3A_357, %lt3A_358 : i32
      %convert_element_type3A_360 = arith.extui %lt3A_359 : i1 to i32
      %cond3A_361 = arith.constant 0 : i32
      %cond3A_362 = arith.cmpi ne, %convert_element_type3A_360, %cond3A_361 : i32
      scf.if %cond3A_362 {
        %dma_wait3A_431 = arith.constant 1 : i32
        %dma_wait3A_432 = arith.constant 1 : i32
        %dma_wait3A_433 = arith.constant 1 : i32
        %dma_wait3A_434 = arith.constant 0 : i32
        %dma_wait3A_435 = arith.constant 0 : i32
        %dma_wait3A_436 = tpu.memref_slice %arg8[%dma_wait3A_431, %dma_wait3A_434, %dma_wait3A_435] : memref<4x80x128xf32, #tpu.memory_space<vmem>> -> memref<1x80x128xf32, #tpu.memory_space<vmem>>
        %dma_wait3A_437 = tpu.memref_squeeze %dma_wait3A_436 : memref<1x80x128xf32, #tpu.memory_space<vmem>> -> memref<80x128xf32, #tpu.memory_space<vmem>>
        %dma_wait3A_438 = arith.constant 0 : i32
        %dma_wait3A_439 = tpu.memref_slice %arg7[%dma_wait3A_432, %dma_wait3A_438] : memref<4x80xi32, #tpu.memory_space<vmem>> -> memref<1x80xi32, #tpu.memory_space<vmem>>
        %dma_wait3A_440 = tpu.memref_squeeze %dma_wait3A_439 : memref<1x80xi32, #tpu.memory_space<vmem>> -> memref<80xi32, #tpu.memory_space<vmem>>
        %dma_wait3A_441 = arith.constant 0 : i32
        %dma_wait3A_442 = arith.constant 0 : i32
        %dma_wait3A_443 = tpu.memref_slice %arg5[%dma_wait3A_441, %dma_wait3A_442] : memref<10000x128xf32, #tpu.memory_space<vmem_shared>> -> memref<10000x128xf32, #tpu.memory_space<vmem_shared>>
        %dma_wait3A_444 = tpu.memref_slice %arg12[%dma_wait3A_433] : memref<4x!tpu.dma_semaphore, #tpu.memory_space<semaphore_mem>> -> memref<1x!tpu.dma_semaphore, #tpu.memory_space<semaphore_mem>>
        %dma_wait3A_445 = tpu.memref_squeeze %dma_wait3A_444 : memref<1x!tpu.dma_semaphore, #tpu.memory_space<semaphore_mem>> -> memref<!tpu.dma_semaphore, #tpu.memory_space<semaphore_mem>>
        tpu.wait_indirect_dma semaphore(%dma_wait3A_445 : memref<!tpu.dma_semaphore, #tpu.memory_space<semaphore_mem>>) src(%dma_wait3A_437 : memref<80x128xf32, #tpu.memory_space<vmem>>) dst(%dma_wait3A_443 : memref<10000x128xf32, #tpu.memory_space<vmem_shared>>)
      } else {
      }
      %add3A_363 = arith.constant 4 : i32
      %add3A_364 = arith.addi %add3A_267, %add3A_363 : i32
      %add3A_365 = arith.constant 1 : i32
      %add3A_366 = arith.addi %add3A_364, %add3A_365 : i32
      %lt3A_367 = arith.constant 125 : i32
      %lt3A_368 = arith.cmpi slt, %add3A_366, %lt3A_367 : i32
      %convert_element_type3A_369 = arith.extui %lt3A_368 : i1 to i32
      %cond3A_370 = arith.constant 0 : i32
      %cond3A_371 = arith.cmpi ne, %convert_element_type3A_369, %cond3A_370 : i32
      scf.if %cond3A_371 {
        %add3A_431 = arith.constant 320000 : i32
        %add3A_432 = arith.addi %add3A_431, %mul3A_13 : i32
        %mul3A_433 = arith.constant 80 : i32
        %mul3A_434 = arith.muli %add3A_366, %mul3A_433 : i32
        %add3A_435 = arith.addi %add3A_432, %mul3A_434 : i32
        %dma_start3A_436 = arith.constant 1 : i32
        %dma_start3A_437 = arith.constant 1 : i32
        %dma_start3A_438 = arith.constant 0 : i32
        %dma_start3A_439 = tpu.memref_slice %arg7[%dma_start3A_436, %dma_start3A_438] : memref<4x80xi32, #tpu.memory_space<vmem>> -> memref<1x80xi32, #tpu.memory_space<vmem>>
        %dma_start3A_440 = tpu.memref_squeeze %dma_start3A_439 : memref<1x80xi32, #tpu.memory_space<vmem>> -> memref<80xi32, #tpu.memory_space<vmem>>
        %dma_start3A_441 = tpu.memref_slice %arg3[%add3A_435] : memref<640000xi32, #tpu.memory_space<hbm>> -> memref<80xi32, #tpu.memory_space<hbm>>
        %dma_start3A_442 = tpu.memref_slice %arg10[%dma_start3A_437] : memref<4x!tpu.dma_semaphore, #tpu.memory_space<semaphore_mem>> -> memref<1x!tpu.dma_semaphore, #tpu.memory_space<semaphore_mem>>
        %dma_start3A_443 = tpu.memref_squeeze %dma_start3A_442 : memref<1x!tpu.dma_semaphore, #tpu.memory_space<semaphore_mem>> -> memref<!tpu.dma_semaphore, #tpu.memory_space<semaphore_mem>>
        %dma_start3A_444 = arith.constant 0 : i32
        %dma_start3A_445 = tpu.memref_slice %arg7[%dma_start3A_436, %dma_start3A_444] : memref<4x80xi32, #tpu.memory_space<vmem>> -> memref<1x80xi32, #tpu.memory_space<vmem>>
        %dma_start3A_446 = tpu.memref_squeeze %dma_start3A_445 : memref<1x80xi32, #tpu.memory_space<vmem>> -> memref<80xi32, #tpu.memory_space<vmem>>
        %dma_start3A_447 = tpu.memref_slice %arg3[%add3A_435] : memref<640000xi32, #tpu.memory_space<hbm>> -> memref<80xi32, #tpu.memory_space<hbm>>
        tpu.enqueue_dma source(%dma_start3A_447 : memref<80xi32, #tpu.memory_space<hbm>>) target(%dma_start3A_446 : memref<80xi32, #tpu.memory_space<vmem>>) target_semaphore(%dma_start3A_443 : memref<!tpu.dma_semaphore, #tpu.memory_space<semaphore_mem>>)
      } else {
      }
      %add3A_372 = arith.constant 4 : i32
      %add3A_373 = arith.addi %add3A_267, %add3A_372 : i32
      %add3A_374 = arith.constant 1 : i32
      %add3A_375 = arith.addi %add3A_373, %add3A_374 : i32
      %lt3A_376 = arith.constant 125 : i32
      %lt3A_377 = arith.cmpi slt, %add3A_375, %lt3A_376 : i32
      %convert_element_type3A_378 = arith.extui %lt3A_377 : i1 to i32
      %cond3A_379 = arith.constant 0 : i32
      %cond3A_380 = arith.cmpi ne, %convert_element_type3A_378, %cond3A_379 : i32
      scf.if %cond3A_380 {
        %mul3A_431 = arith.constant 80 : i32
        %mul3A_432 = arith.muli %add3A_375, %mul3A_431 : i32
        %add3A_433 = arith.addi %mul3A_13, %mul3A_432 : i32
        %dma_wait3A_434 = arith.constant 1 : i32
        %dma_wait3A_435 = arith.constant 1 : i32
        %dma_wait3A_436 = arith.constant 0 : i32
        %dma_wait3A_437 = tpu.memref_slice %arg6[%dma_wait3A_434, %dma_wait3A_436] : memref<4x80xi32, #tpu.memory_space<vmem>> -> memref<1x80xi32, #tpu.memory_space<vmem>>
        %dma_wait3A_438 = tpu.memref_squeeze %dma_wait3A_437 : memref<1x80xi32, #tpu.memory_space<vmem>> -> memref<80xi32, #tpu.memory_space<vmem>>
        %dma_wait3A_439 = tpu.memref_slice %arg3[%add3A_433] : memref<640000xi32, #tpu.memory_space<hbm>> -> memref<80xi32, #tpu.memory_space<hbm>>
        %dma_wait3A_440 = tpu.memref_slice %arg9[%dma_wait3A_435] : memref<4x!tpu.dma_semaphore, #tpu.memory_space<semaphore_mem>> -> memref<1x!tpu.dma_semaphore, #tpu.memory_space<semaphore_mem>>
        %dma_wait3A_441 = tpu.memref_squeeze %dma_wait3A_440 : memref<1x!tpu.dma_semaphore, #tpu.memory_space<semaphore_mem>> -> memref<!tpu.dma_semaphore, #tpu.memory_space<semaphore_mem>>
        %dma_wait3A_442 = arith.constant 0 : i32
        %dma_wait3A_443 = tpu.memref_slice %arg6[%dma_wait3A_434, %dma_wait3A_442] : memref<4x80xi32, #tpu.memory_space<vmem>> -> memref<1x80xi32, #tpu.memory_space<vmem>>
        %dma_wait3A_444 = tpu.memref_squeeze %dma_wait3A_443 : memref<1x80xi32, #tpu.memory_space<vmem>> -> memref<80xi32, #tpu.memory_space<vmem>>
        %dma_wait3A_445 = tpu.memref_slice %arg3[%add3A_433] : memref<640000xi32, #tpu.memory_space<hbm>> -> memref<80xi32, #tpu.memory_space<hbm>>
        tpu.wait_dma2 semaphore(%dma_wait3A_441 : memref<!tpu.dma_semaphore, #tpu.memory_space<semaphore_mem>>) src(%dma_wait3A_445 : memref<80xi32, #tpu.memory_space<hbm>>) dst(%dma_wait3A_444 : memref<80xi32, #tpu.memory_space<vmem>>)
        %dma_start3A_446 = arith.constant 1 : i32
        %dma_start3A_447 = arith.constant 1 : i32
        %dma_start3A_448 = arith.constant 1 : i32
        %dma_start3A_449 = arith.constant 0 : i32
        %dma_start3A_450 = arith.constant 0 : i32
        %dma_start3A_451 = tpu.memref_slice %arg8[%dma_start3A_447, %dma_start3A_449, %dma_start3A_450] : memref<4x80x128xf32, #tpu.memory_space<vmem>> -> memref<1x80x128xf32, #tpu.memory_space<vmem>>
        %dma_start3A_452 = tpu.memref_squeeze %dma_start3A_451 : memref<1x80x128xf32, #tpu.memory_space<vmem>> -> memref<80x128xf32, #tpu.memory_space<vmem>>
        %dma_start3A_453 = arith.constant 0 : i32
        %dma_start3A_454 = tpu.memref_slice %arg6[%dma_start3A_446, %dma_start3A_453] : memref<4x80xi32, #tpu.memory_space<vmem>> -> memref<1x80xi32, #tpu.memory_space<vmem>>
        %dma_start3A_455 = tpu.memref_squeeze %dma_start3A_454 : memref<1x80xi32, #tpu.memory_space<vmem>> -> memref<80xi32, #tpu.memory_space<vmem>>
        %dma_start3A_456 = arith.constant 0 : i32
        %dma_start3A_457 = arith.constant 0 : i32
        %dma_start3A_458 = tpu.memref_slice %arg2[%dma_start3A_456, %dma_start3A_457] : memref<10000x128xf32, #tpu.memory_space<hbm>> -> memref<10000x128xf32, #tpu.memory_space<hbm>>
        %dma_start3A_459 = tpu.memref_slice %arg11[%dma_start3A_448] : memref<4x!tpu.dma_semaphore, #tpu.memory_space<semaphore_mem>> -> memref<1x!tpu.dma_semaphore, #tpu.memory_space<semaphore_mem>>
        %dma_start3A_460 = tpu.memref_squeeze %dma_start3A_459 : memref<1x!tpu.dma_semaphore, #tpu.memory_space<semaphore_mem>> -> memref<!tpu.dma_semaphore, #tpu.memory_space<semaphore_mem>>
        tpu.enqueue_indirect_dma source(%dma_start3A_458 : memref<10000x128xf32, #tpu.memory_space<hbm>>) target(%dma_start3A_452 : memref<80x128xf32, #tpu.memory_space<vmem>>) offsets(%dma_start3A_455 : memref<80xi32, #tpu.memory_space<vmem>>) semaphore(%dma_start3A_460 : memref<!tpu.dma_semaphore, #tpu.memory_space<semaphore_mem>>)
      } else {
      }
      %add3A_381 = arith.constant 2 : i32
      %add3A_382 = arith.addi %add3A_267, %add3A_381 : i32
      %lt3A_383 = arith.constant 125 : i32
      %lt3A_384 = arith.cmpi slt, %add3A_382, %lt3A_383 : i32
      %convert_element_type3A_385 = arith.extui %lt3A_384 : i1 to i32
      %cond3A_386 = arith.constant 0 : i32
      %cond3A_387 = arith.cmpi ne, %convert_element_type3A_385, %cond3A_386 : i32
      scf.if %cond3A_387 {
        %dma_wait3A_431 = arith.constant 2 : i32
        %dma_wait3A_432 = arith.constant 2 : i32
        %dma_wait3A_433 = arith.constant 2 : i32
        %dma_wait3A_434 = arith.constant 0 : i32
        %dma_wait3A_435 = arith.constant 0 : i32
        %dma_wait3A_436 = tpu.memref_slice %arg8[%dma_wait3A_431, %dma_wait3A_434, %dma_wait3A_435] : memref<4x80x128xf32, #tpu.memory_space<vmem>> -> memref<1x80x128xf32, #tpu.memory_space<vmem>>
        %dma_wait3A_437 = tpu.memref_squeeze %dma_wait3A_436 : memref<1x80x128xf32, #tpu.memory_space<vmem>> -> memref<80x128xf32, #tpu.memory_space<vmem>>
        %dma_wait3A_438 = arith.constant 0 : i32
        %dma_wait3A_439 = tpu.memref_slice %arg7[%dma_wait3A_432, %dma_wait3A_438] : memref<4x80xi32, #tpu.memory_space<vmem>> -> memref<1x80xi32, #tpu.memory_space<vmem>>
        %dma_wait3A_440 = tpu.memref_squeeze %dma_wait3A_439 : memref<1x80xi32, #tpu.memory_space<vmem>> -> memref<80xi32, #tpu.memory_space<vmem>>
        %dma_wait3A_441 = arith.constant 0 : i32
        %dma_wait3A_442 = arith.constant 0 : i32
        %dma_wait3A_443 = tpu.memref_slice %arg5[%dma_wait3A_441, %dma_wait3A_442] : memref<10000x128xf32, #tpu.memory_space<vmem_shared>> -> memref<10000x128xf32, #tpu.memory_space<vmem_shared>>
        %dma_wait3A_444 = tpu.memref_slice %arg12[%dma_wait3A_433] : memref<4x!tpu.dma_semaphore, #tpu.memory_space<semaphore_mem>> -> memref<1x!tpu.dma_semaphore, #tpu.memory_space<semaphore_mem>>
        %dma_wait3A_445 = tpu.memref_squeeze %dma_wait3A_444 : memref<1x!tpu.dma_semaphore, #tpu.memory_space<semaphore_mem>> -> memref<!tpu.dma_semaphore, #tpu.memory_space<semaphore_mem>>
        tpu.wait_indirect_dma semaphore(%dma_wait3A_445 : memref<!tpu.dma_semaphore, #tpu.memory_space<semaphore_mem>>) src(%dma_wait3A_437 : memref<80x128xf32, #tpu.memory_space<vmem>>) dst(%dma_wait3A_443 : memref<10000x128xf32, #tpu.memory_space<vmem_shared>>)
      } else {
      }
      %add3A_388 = arith.constant 4 : i32
      %add3A_389 = arith.addi %add3A_267, %add3A_388 : i32
      %add3A_390 = arith.constant 2 : i32
      %add3A_391 = arith.addi %add3A_389, %add3A_390 : i32
      %lt3A_392 = arith.constant 125 : i32
      %lt3A_393 = arith.cmpi slt, %add3A_391, %lt3A_392 : i32
      %convert_element_type3A_394 = arith.extui %lt3A_393 : i1 to i32
      %cond3A_395 = arith.constant 0 : i32
      %cond3A_396 = arith.cmpi ne, %convert_element_type3A_394, %cond3A_395 : i32
      scf.if %cond3A_396 {
        %add3A_431 = arith.constant 320000 : i32
        %add3A_432 = arith.addi %add3A_431, %mul3A_13 : i32
        %mul3A_433 = arith.constant 80 : i32
        %mul3A_434 = arith.muli %add3A_391, %mul3A_433 : i32
        %add3A_435 = arith.addi %add3A_432, %mul3A_434 : i32
        %dma_start3A_436 = arith.constant 2 : i32
        %dma_start3A_437 = arith.constant 2 : i32
        %dma_start3A_438 = arith.constant 0 : i32
        %dma_start3A_439 = tpu.memref_slice %arg7[%dma_start3A_436, %dma_start3A_438] : memref<4x80xi32, #tpu.memory_space<vmem>> -> memref<1x80xi32, #tpu.memory_space<vmem>>
        %dma_start3A_440 = tpu.memref_squeeze %dma_start3A_439 : memref<1x80xi32, #tpu.memory_space<vmem>> -> memref<80xi32, #tpu.memory_space<vmem>>
        %dma_start3A_441 = tpu.memref_slice %arg3[%add3A_435] : memref<640000xi32, #tpu.memory_space<hbm>> -> memref<80xi32, #tpu.memory_space<hbm>>
        %dma_start3A_442 = tpu.memref_slice %arg10[%dma_start3A_437] : memref<4x!tpu.dma_semaphore, #tpu.memory_space<semaphore_mem>> -> memref<1x!tpu.dma_semaphore, #tpu.memory_space<semaphore_mem>>
        %dma_start3A_443 = tpu.memref_squeeze %dma_start3A_442 : memref<1x!tpu.dma_semaphore, #tpu.memory_space<semaphore_mem>> -> memref<!tpu.dma_semaphore, #tpu.memory_space<semaphore_mem>>
        %dma_start3A_444 = arith.constant 0 : i32
        %dma_start3A_445 = tpu.memref_slice %arg7[%dma_start3A_436, %dma_start3A_444] : memref<4x80xi32, #tpu.memory_space<vmem>> -> memref<1x80xi32, #tpu.memory_space<vmem>>
        %dma_start3A_446 = tpu.memref_squeeze %dma_start3A_445 : memref<1x80xi32, #tpu.memory_space<vmem>> -> memref<80xi32, #tpu.memory_space<vmem>>
        %dma_start3A_447 = tpu.memref_slice %arg3[%add3A_435] : memref<640000xi32, #tpu.memory_space<hbm>> -> memref<80xi32, #tpu.memory_space<hbm>>
        tpu.enqueue_dma source(%dma_start3A_447 : memref<80xi32, #tpu.memory_space<hbm>>) target(%dma_start3A_446 : memref<80xi32, #tpu.memory_space<vmem>>) target_semaphore(%dma_start3A_443 : memref<!tpu.dma_semaphore, #tpu.memory_space<semaphore_mem>>)
      } else {
      }
      %add3A_397 = arith.constant 4 : i32
      %add3A_398 = arith.addi %add3A_267, %add3A_397 : i32
      %add3A_399 = arith.constant 2 : i32
      %add3A_400 = arith.addi %add3A_398, %add3A_399 : i32
      %lt3A_401 = arith.constant 125 : i32
      %lt3A_402 = arith.cmpi slt, %add3A_400, %lt3A_401 : i32
      %convert_element_type3A_403 = arith.extui %lt3A_402 : i1 to i32
      %cond3A_404 = arith.constant 0 : i32
      %cond3A_405 = arith.cmpi ne, %convert_element_type3A_403, %cond3A_404 : i32
      scf.if %cond3A_405 {
        %mul3A_431 = arith.constant 80 : i32
        %mul3A_432 = arith.muli %add3A_400, %mul3A_431 : i32
        %add3A_433 = arith.addi %mul3A_13, %mul3A_432 : i32
        %dma_wait3A_434 = arith.constant 2 : i32
        %dma_wait3A_435 = arith.constant 2 : i32
        %dma_wait3A_436 = arith.constant 0 : i32
        %dma_wait3A_437 = tpu.memref_slice %arg6[%dma_wait3A_434, %dma_wait3A_436] : memref<4x80xi32, #tpu.memory_space<vmem>> -> memref<1x80xi32, #tpu.memory_space<vmem>>
        %dma_wait3A_438 = tpu.memref_squeeze %dma_wait3A_437 : memref<1x80xi32, #tpu.memory_space<vmem>> -> memref<80xi32, #tpu.memory_space<vmem>>
        %dma_wait3A_439 = tpu.memref_slice %arg3[%add3A_433] : memref<640000xi32, #tpu.memory_space<hbm>> -> memref<80xi32, #tpu.memory_space<hbm>>
        %dma_wait3A_440 = tpu.memref_slice %arg9[%dma_wait3A_435] : memref<4x!tpu.dma_semaphore, #tpu.memory_space<semaphore_mem>> -> memref<1x!tpu.dma_semaphore, #tpu.memory_space<semaphore_mem>>
        %dma_wait3A_441 = tpu.memref_squeeze %dma_wait3A_440 : memref<1x!tpu.dma_semaphore, #tpu.memory_space<semaphore_mem>> -> memref<!tpu.dma_semaphore, #tpu.memory_space<semaphore_mem>>
        %dma_wait3A_442 = arith.constant 0 : i32
        %dma_wait3A_443 = tpu.memref_slice %arg6[%dma_wait3A_434, %dma_wait3A_442] : memref<4x80xi32, #tpu.memory_space<vmem>> -> memref<1x80xi32, #tpu.memory_space<vmem>>
        %dma_wait3A_444 = tpu.memref_squeeze %dma_wait3A_443 : memref<1x80xi32, #tpu.memory_space<vmem>> -> memref<80xi32, #tpu.memory_space<vmem>>
        %dma_wait3A_445 = tpu.memref_slice %arg3[%add3A_433] : memref<640000xi32, #tpu.memory_space<hbm>> -> memref<80xi32, #tpu.memory_space<hbm>>
        tpu.wait_dma2 semaphore(%dma_wait3A_441 : memref<!tpu.dma_semaphore, #tpu.memory_space<semaphore_mem>>) src(%dma_wait3A_445 : memref<80xi32, #tpu.memory_space<hbm>>) dst(%dma_wait3A_444 : memref<80xi32, #tpu.memory_space<vmem>>)
        %dma_start3A_446 = arith.constant 2 : i32
        %dma_start3A_447 = arith.constant 2 : i32
        %dma_start3A_448 = arith.constant 2 : i32
        %dma_start3A_449 = arith.constant 0 : i32
        %dma_start3A_450 = arith.constant 0 : i32
        %dma_start3A_451 = tpu.memref_slice %arg8[%dma_start3A_447, %dma_start3A_449, %dma_start3A_450] : memref<4x80x128xf32, #tpu.memory_space<vmem>> -> memref<1x80x128xf32, #tpu.memory_space<vmem>>
        %dma_start3A_452 = tpu.memref_squeeze %dma_start3A_451 : memref<1x80x128xf32, #tpu.memory_space<vmem>> -> memref<80x128xf32, #tpu.memory_space<vmem>>
        %dma_start3A_453 = arith.constant 0 : i32
        %dma_start3A_454 = tpu.memref_slice %arg6[%dma_start3A_446, %dma_start3A_453] : memref<4x80xi32, #tpu.memory_space<vmem>> -> memref<1x80xi32, #tpu.memory_space<vmem>>
        %dma_start3A_455 = tpu.memref_squeeze %dma_start3A_454 : memref<1x80xi32, #tpu.memory_space<vmem>> -> memref<80xi32, #tpu.memory_space<vmem>>
        %dma_start3A_456 = arith.constant 0 : i32
        %dma_start3A_457 = arith.constant 0 : i32
        %dma_start3A_458 = tpu.memref_slice %arg2[%dma_start3A_456, %dma_start3A_457] : memref<10000x128xf32, #tpu.memory_space<hbm>> -> memref<10000x128xf32, #tpu.memory_space<hbm>>
        %dma_start3A_459 = tpu.memref_slice %arg11[%dma_start3A_448] : memref<4x!tpu.dma_semaphore, #tpu.memory_space<semaphore_mem>> -> memref<1x!tpu.dma_semaphore, #tpu.memory_space<semaphore_mem>>
        %dma_start3A_460 = tpu.memref_squeeze %dma_start3A_459 : memref<1x!tpu.dma_semaphore, #tpu.memory_space<semaphore_mem>> -> memref<!tpu.dma_semaphore, #tpu.memory_space<semaphore_mem>>
        tpu.enqueue_indirect_dma source(%dma_start3A_458 : memref<10000x128xf32, #tpu.memory_space<hbm>>) target(%dma_start3A_452 : memref<80x128xf32, #tpu.memory_space<vmem>>) offsets(%dma_start3A_455 : memref<80xi32, #tpu.memory_space<vmem>>) semaphore(%dma_start3A_460 : memref<!tpu.dma_semaphore, #tpu.memory_space<semaphore_mem>>)
      } else {
      }
      %add3A_406 = arith.constant 3 : i32
      %add3A_407 = arith.addi %add3A_267, %add3A_406 : i32
      %lt3A_408 = arith.constant 125 : i32
      %lt3A_409 = arith.cmpi slt, %add3A_407, %lt3A_408 : i32
      %convert_element_type3A_410 = arith.extui %lt3A_409 : i1 to i32
      %cond3A_411 = arith.constant 0 : i32
      %cond3A_412 = arith.cmpi ne, %convert_element_type3A_410, %cond3A_411 : i32
      scf.if %cond3A_412 {
        %dma_wait3A_431 = arith.constant 3 : i32
        %dma_wait3A_432 = arith.constant 3 : i32
        %dma_wait3A_433 = arith.constant 3 : i32
        %dma_wait3A_434 = arith.constant 0 : i32
        %dma_wait3A_435 = arith.constant 0 : i32
        %dma_wait3A_436 = tpu.memref_slice %arg8[%dma_wait3A_431, %dma_wait3A_434, %dma_wait3A_435] : memref<4x80x128xf32, #tpu.memory_space<vmem>> -> memref<1x80x128xf32, #tpu.memory_space<vmem>>
        %dma_wait3A_437 = tpu.memref_squeeze %dma_wait3A_436 : memref<1x80x128xf32, #tpu.memory_space<vmem>> -> memref<80x128xf32, #tpu.memory_space<vmem>>
        %dma_wait3A_438 = arith.constant 0 : i32
        %dma_wait3A_439 = tpu.memref_slice %arg7[%dma_wait3A_432, %dma_wait3A_438] : memref<4x80xi32, #tpu.memory_space<vmem>> -> memref<1x80xi32, #tpu.memory_space<vmem>>
        %dma_wait3A_440 = tpu.memref_squeeze %dma_wait3A_439 : memref<1x80xi32, #tpu.memory_space<vmem>> -> memref<80xi32, #tpu.memory_space<vmem>>
        %dma_wait3A_441 = arith.constant 0 : i32
        %dma_wait3A_442 = arith.constant 0 : i32
        %dma_wait3A_443 = tpu.memref_slice %arg5[%dma_wait3A_441, %dma_wait3A_442] : memref<10000x128xf32, #tpu.memory_space<vmem_shared>> -> memref<10000x128xf32, #tpu.memory_space<vmem_shared>>
        %dma_wait3A_444 = tpu.memref_slice %arg12[%dma_wait3A_433] : memref<4x!tpu.dma_semaphore, #tpu.memory_space<semaphore_mem>> -> memref<1x!tpu.dma_semaphore, #tpu.memory_space<semaphore_mem>>
        %dma_wait3A_445 = tpu.memref_squeeze %dma_wait3A_444 : memref<1x!tpu.dma_semaphore, #tpu.memory_space<semaphore_mem>> -> memref<!tpu.dma_semaphore, #tpu.memory_space<semaphore_mem>>
        tpu.wait_indirect_dma semaphore(%dma_wait3A_445 : memref<!tpu.dma_semaphore, #tpu.memory_space<semaphore_mem>>) src(%dma_wait3A_437 : memref<80x128xf32, #tpu.memory_space<vmem>>) dst(%dma_wait3A_443 : memref<10000x128xf32, #tpu.memory_space<vmem_shared>>)
      } else {
      }
      %add3A_413 = arith.constant 4 : i32
      %add3A_414 = arith.addi %add3A_267, %add3A_413 : i32
      %add3A_415 = arith.constant 3 : i32
      %add3A_416 = arith.addi %add3A_414, %add3A_415 : i32
      %lt3A_417 = arith.constant 125 : i32
      %lt3A_418 = arith.cmpi slt, %add3A_416, %lt3A_417 : i32
      %convert_element_type3A_419 = arith.extui %lt3A_418 : i1 to i32
      %cond3A_420 = arith.constant 0 : i32
      %cond3A_421 = arith.cmpi ne, %convert_element_type3A_419, %cond3A_420 : i32
      scf.if %cond3A_421 {
        %add3A_431 = arith.constant 320000 : i32
        %add3A_432 = arith.addi %add3A_431, %mul3A_13 : i32
        %mul3A_433 = arith.constant 80 : i32
        %mul3A_434 = arith.muli %add3A_416, %mul3A_433 : i32
        %add3A_435 = arith.addi %add3A_432, %mul3A_434 : i32
        %dma_start3A_436 = arith.constant 3 : i32
        %dma_start3A_437 = arith.constant 3 : i32
        %dma_start3A_438 = arith.constant 0 : i32
        %dma_start3A_439 = tpu.memref_slice %arg7[%dma_start3A_436, %dma_start3A_438] : memref<4x80xi32, #tpu.memory_space<vmem>> -> memref<1x80xi32, #tpu.memory_space<vmem>>
        %dma_start3A_440 = tpu.memref_squeeze %dma_start3A_439 : memref<1x80xi32, #tpu.memory_space<vmem>> -> memref<80xi32, #tpu.memory_space<vmem>>
        %dma_start3A_441 = tpu.memref_slice %arg3[%add3A_435] : memref<640000xi32, #tpu.memory_space<hbm>> -> memref<80xi32, #tpu.memory_space<hbm>>
        %dma_start3A_442 = tpu.memref_slice %arg10[%dma_start3A_437] : memref<4x!tpu.dma_semaphore, #tpu.memory_space<semaphore_mem>> -> memref<1x!tpu.dma_semaphore, #tpu.memory_space<semaphore_mem>>
        %dma_start3A_443 = tpu.memref_squeeze %dma_start3A_442 : memref<1x!tpu.dma_semaphore, #tpu.memory_space<semaphore_mem>> -> memref<!tpu.dma_semaphore, #tpu.memory_space<semaphore_mem>>
        %dma_start3A_444 = arith.constant 0 : i32
        %dma_start3A_445 = tpu.memref_slice %arg7[%dma_start3A_436, %dma_start3A_444] : memref<4x80xi32, #tpu.memory_space<vmem>> -> memref<1x80xi32, #tpu.memory_space<vmem>>
        %dma_start3A_446 = tpu.memref_squeeze %dma_start3A_445 : memref<1x80xi32, #tpu.memory_space<vmem>> -> memref<80xi32, #tpu.memory_space<vmem>>
        %dma_start3A_447 = tpu.memref_slice %arg3[%add3A_435] : memref<640000xi32, #tpu.memory_space<hbm>> -> memref<80xi32, #tpu.memory_space<hbm>>
        tpu.enqueue_dma source(%dma_start3A_447 : memref<80xi32, #tpu.memory_space<hbm>>) target(%dma_start3A_446 : memref<80xi32, #tpu.memory_space<vmem>>) target_semaphore(%dma_start3A_443 : memref<!tpu.dma_semaphore, #tpu.memory_space<semaphore_mem>>)
      } else {
      }
      %add3A_422 = arith.constant 4 : i32
      %add3A_423 = arith.addi %add3A_267, %add3A_422 : i32
      %add3A_424 = arith.constant 3 : i32
      %add3A_425 = arith.addi %add3A_423, %add3A_424 : i32
      %lt3A_426 = arith.constant 125 : i32
      %lt3A_427 = arith.cmpi slt, %add3A_425, %lt3A_426 : i32
      %convert_element_type3A_428 = arith.extui %lt3A_427 : i1 to i32
      %cond3A_429 = arith.constant 0 : i32
      %cond3A_430 = arith.cmpi ne, %convert_element_type3A_428, %cond3A_429 : i32
      scf.if %cond3A_430 {
        %mul3A_431 = arith.constant 80 : i32
        %mul3A_432 = arith.muli %add3A_425, %mul3A_431 : i32
        %add3A_433 = arith.addi %mul3A_13, %mul3A_432 : i32
        %dma_wait3A_434 = arith.constant 3 : i32
        %dma_wait3A_435 = arith.constant 3 : i32
        %dma_wait3A_436 = arith.constant 0 : i32
        %dma_wait3A_437 = tpu.memref_slice %arg6[%dma_wait3A_434, %dma_wait3A_436] : memref<4x80xi32, #tpu.memory_space<vmem>> -> memref<1x80xi32, #tpu.memory_space<vmem>>
        %dma_wait3A_438 = tpu.memref_squeeze %dma_wait3A_437 : memref<1x80xi32, #tpu.memory_space<vmem>> -> memref<80xi32, #tpu.memory_space<vmem>>
        %dma_wait3A_439 = tpu.memref_slice %arg3[%add3A_433] : memref<640000xi32, #tpu.memory_space<hbm>> -> memref<80xi32, #tpu.memory_space<hbm>>
        %dma_wait3A_440 = tpu.memref_slice %arg9[%dma_wait3A_435] : memref<4x!tpu.dma_semaphore, #tpu.memory_space<semaphore_mem>> -> memref<1x!tpu.dma_semaphore, #tpu.memory_space<semaphore_mem>>
        %dma_wait3A_441 = tpu.memref_squeeze %dma_wait3A_440 : memref<1x!tpu.dma_semaphore, #tpu.memory_space<semaphore_mem>> -> memref<!tpu.dma_semaphore, #tpu.memory_space<semaphore_mem>>
        %dma_wait3A_442 = arith.constant 0 : i32
        %dma_wait3A_443 = tpu.memref_slice %arg6[%dma_wait3A_434, %dma_wait3A_442] : memref<4x80xi32, #tpu.memory_space<vmem>> -> memref<1x80xi32, #tpu.memory_space<vmem>>
        %dma_wait3A_444 = tpu.memref_squeeze %dma_wait3A_443 : memref<1x80xi32, #tpu.memory_space<vmem>> -> memref<80xi32, #tpu.memory_space<vmem>>
        %dma_wait3A_445 = tpu.memref_slice %arg3[%add3A_433] : memref<640000xi32, #tpu.memory_space<hbm>> -> memref<80xi32, #tpu.memory_space<hbm>>
        tpu.wait_dma2 semaphore(%dma_wait3A_441 : memref<!tpu.dma_semaphore, #tpu.memory_space<semaphore_mem>>) src(%dma_wait3A_445 : memref<80xi32, #tpu.memory_space<hbm>>) dst(%dma_wait3A_444 : memref<80xi32, #tpu.memory_space<vmem>>)
        %dma_start3A_446 = arith.constant 3 : i32
        %dma_start3A_447 = arith.constant 3 : i32
        %dma_start3A_448 = arith.constant 3 : i32
        %dma_start3A_449 = arith.constant 0 : i32
        %dma_start3A_450 = arith.constant 0 : i32
        %dma_start3A_451 = tpu.memref_slice %arg8[%dma_start3A_447, %dma_start3A_449, %dma_start3A_450] : memref<4x80x128xf32, #tpu.memory_space<vmem>> -> memref<1x80x128xf32, #tpu.memory_space<vmem>>
        %dma_start3A_452 = tpu.memref_squeeze %dma_start3A_451 : memref<1x80x128xf32, #tpu.memory_space<vmem>> -> memref<80x128xf32, #tpu.memory_space<vmem>>
        %dma_start3A_453 = arith.constant 0 : i32
        %dma_start3A_454 = tpu.memref_slice %arg6[%dma_start3A_446, %dma_start3A_453] : memref<4x80xi32, #tpu.memory_space<vmem>> -> memref<1x80xi32, #tpu.memory_space<vmem>>
        %dma_start3A_455 = tpu.memref_squeeze %dma_start3A_454 : memref<1x80xi32, #tpu.memory_space<vmem>> -> memref<80xi32, #tpu.memory_space<vmem>>
        %dma_start3A_456 = arith.constant 0 : i32
        %dma_start3A_457 = arith.constant 0 : i32
        %dma_start3A_458 = tpu.memref_slice %arg2[%dma_start3A_456, %dma_start3A_457] : memref<10000x128xf32, #tpu.memory_space<hbm>> -> memref<10000x128xf32, #tpu.memory_space<hbm>>
        %dma_start3A_459 = tpu.memref_slice %arg11[%dma_start3A_448] : memref<4x!tpu.dma_semaphore, #tpu.memory_space<semaphore_mem>> -> memref<1x!tpu.dma_semaphore, #tpu.memory_space<semaphore_mem>>
        %dma_start3A_460 = tpu.memref_squeeze %dma_start3A_459 : memref<1x!tpu.dma_semaphore, #tpu.memory_space<semaphore_mem>> -> memref<!tpu.dma_semaphore, #tpu.memory_space<semaphore_mem>>
        tpu.enqueue_indirect_dma source(%dma_start3A_458 : memref<10000x128xf32, #tpu.memory_space<hbm>>) target(%dma_start3A_452 : memref<80x128xf32, #tpu.memory_space<vmem>>) offsets(%dma_start3A_455 : memref<80xi32, #tpu.memory_space<vmem>>) semaphore(%dma_start3A_460 : memref<!tpu.dma_semaphore, #tpu.memory_space<semaphore_mem>>)
      } else {
      }
    }
    %scan3A_252 = arith.constant 32 : i32
    %barrier3A_253 = arith.constant 0 : index
    tpu.barrier barrier_id(%barrier3A_253)
    %mul3A_254 = arith.constant 624 : i32
    %mul3A_255 = arith.muli %arg1, %mul3A_254 : i32
    %mul3A_256 = arith.constant 624 : i32
    %mul3A_257 = arith.muli %arg1, %mul3A_256 : i32
    "tpu.region"() ({
      %run_scoped3A = tpu.sem_alloc : memref<!tpu.dma_semaphore, #tpu.memory_space<semaphore_mem>>
      %dma_start3A_263 = arith.constant 0 : i32
      %dma_start3A_264 = tpu.memref_slice %arg4[%arg0, %mul3A_257, %dma_start3A_263] : memref<2x10000x128xf32, #tpu.memory_space<hbm>> -> memref<1x624x128xf32, #tpu.memory_space<hbm>>
      %dma_start3A_265 = tpu.memref_squeeze %dma_start3A_264 : memref<1x624x128xf32, #tpu.memory_space<hbm>> -> memref<624x128xf32, #tpu.memory_space<hbm>>
      %dma_start3A_266 = arith.constant 0 : i32
      %dma_start3A_267 = tpu.memref_slice %arg5[%mul3A_255, %dma_start3A_266] : memref<10000x128xf32, #tpu.memory_space<vmem_shared>> -> memref<624x128xf32, #tpu.memory_space<vmem_shared>>
      tpu.enqueue_dma source(%dma_start3A_267 : memref<624x128xf32, #tpu.memory_space<vmem_shared>>) target(%dma_start3A_265 : memref<624x128xf32, #tpu.memory_space<hbm>>) target_semaphore(%run_scoped3A : memref<!tpu.dma_semaphore, #tpu.memory_space<semaphore_mem>>)
      %dma_wait3A_268 = arith.constant 0 : i32
      %dma_wait3A_269 = tpu.memref_slice %arg4[%arg0, %mul3A_257, %dma_wait3A_268] : memref<2x10000x128xf32, #tpu.memory_space<hbm>> -> memref<1x624x128xf32, #tpu.memory_space<hbm>>
      %dma_wait3A_270 = tpu.memref_squeeze %dma_wait3A_269 : memref<1x624x128xf32, #tpu.memory_space<hbm>> -> memref<624x128xf32, #tpu.memory_space<hbm>>
      %dma_wait3A_271 = arith.constant 0 : i32
      %dma_wait3A_272 = tpu.memref_slice %arg5[%mul3A_255, %dma_wait3A_271] : memref<10000x128xf32, #tpu.memory_space<vmem_shared>> -> memref<624x128xf32, #tpu.memory_space<vmem_shared>>
      tpu.wait_dma2 semaphore(%run_scoped3A : memref<!tpu.dma_semaphore, #tpu.memory_space<semaphore_mem>>) src(%dma_wait3A_272 : memref<624x128xf32, #tpu.memory_space<vmem_shared>>) dst(%dma_wait3A_270 : memref<624x128xf32, #tpu.memory_space<hbm>>)
      tpu.yield
    }) : () -> ()
    %eq3A_258 = arith.constant 0 : i32
    %eq3A_259 = arith.cmpi eq, %arg1, %eq3A_258 : i32
    %convert_element_type3A_260 = arith.extui %eq3A_259 : i1 to i32
    %cond3A_261 = arith.constant 0 : i32
    %cond3A_262 = arith.cmpi ne, %convert_element_type3A_260, %cond3A_261 : i32
    scf.if %cond3A_262 {
      "tpu.region"() ({
        %run_scoped3A = tpu.sem_alloc : memref<!tpu.dma_semaphore, #tpu.memory_space<semaphore_mem>>
        %dma_start3A_263 = arith.constant 9984 : i32
        %dma_start3A_264 = arith.constant 0 : i32
        %dma_start3A_265 = tpu.memref_slice %arg4[%arg0, %dma_start3A_263, %dma_start3A_264] : memref<2x10000x128xf32, #tpu.memory_space<hbm>> -> memref<1x16x128xf32, #tpu.memory_space<hbm>>
        %dma_start3A_266 = tpu.memref_squeeze %dma_start3A_265 : memref<1x16x128xf32, #tpu.memory_space<hbm>> -> memref<16x128xf32, #tpu.memory_space<hbm>>
        %dma_start3A_267 = arith.constant 9984 : i32
        %dma_start3A_268 = arith.constant 0 : i32
        %dma_start3A_269 = tpu.memref_slice %arg5[%dma_start3A_267, %dma_start3A_268] : memref<10000x128xf32, #tpu.memory_space<vmem_shared>> -> memref<16x128xf32, #tpu.memory_space<vmem_shared>>
        tpu.enqueue_dma source(%dma_start3A_269 : memref<16x128xf32, #tpu.memory_space<vmem_shared>>) target(%dma_start3A_266 : memref<16x128xf32, #tpu.memory_space<hbm>>) target_semaphore(%run_scoped3A : memref<!tpu.dma_semaphore, #tpu.memory_space<semaphore_mem>>)
        %dma_wait3A_270 = arith.constant 9984 : i32
        %dma_wait3A_271 = arith.constant 0 : i32
        %dma_wait3A_272 = tpu.memref_slice %arg4[%arg0, %dma_wait3A_270, %dma_wait3A_271] : memref<2x10000x128xf32, #tpu.memory_space<hbm>> -> memref<1x16x128xf32, #tpu.memory_space<hbm>>
        %dma_wait3A_273 = tpu.memref_squeeze %dma_wait3A_272 : memref<1x16x128xf32, #tpu.memory_space<hbm>> -> memref<16x128xf32, #tpu.memory_space<hbm>>
        %dma_wait3A_274 = arith.constant 9984 : i32
        %dma_wait3A_275 = arith.constant 0 : i32
        %dma_wait3A_276 = tpu.memref_slice %arg5[%dma_wait3A_274, %dma_wait3A_275] : memref<10000x128xf32, #tpu.memory_space<vmem_shared>> -> memref<16x128xf32, #tpu.memory_space<vmem_shared>>
        tpu.wait_dma2 semaphore(%run_scoped3A : memref<!tpu.dma_semaphore, #tpu.memory_space<semaphore_mem>>) src(%dma_wait3A_276 : memref<16x128xf32, #tpu.memory_space<vmem_shared>>) dst(%dma_wait3A_273 : memref<16x128xf32, #tpu.memory_space<hbm>>)
        tpu.yield
      }) : () -> ()
    } else {
    }
    return
  }
}

#map = affine_map<(d0, d1) -> (0, 0)>
#map1 = affine_map<(d0, d1) -> (0)>
#map2 = affine_map<(d0, d1) -> (0, 0, 0)>
module attributes {stable_mosaic.version = 14 : i64} {
  func.func @_seg_sum_kernel(%arg0: i32, %arg1: i32, %arg2: memref<10000x128xf32, #tpu.memory_space<hbm>>, %arg3: memref<640000xi32, #tpu.memory_space<hbm>>, %arg4: memref<2x10000x128xf32, #tpu.memory_space<hbm>>, %arg5: memref<10000x128xf32, #tpu.memory_space<vmem_shared>>, %arg6: memref<4x80xi32, #tpu.memory_space<vmem>>, %arg7: memref<4x80xi32, #tpu.memory_space<vmem>>, %arg8: memref<4x80x128xf32, #tpu.memory_space<vmem>>, %arg9: memref<4x!tpu.dma_semaphore, #tpu.memory_space<semaphore_mem>>, %arg10: memref<4x!tpu.dma_semaphore, #tpu.memory_space<semaphore_mem>>, %arg11: memref<4x!tpu.dma_semaphore, #tpu.memory_space<semaphore_mem>>, %arg12: memref<4x!tpu.dma_semaphore, #tpu.memory_space<semaphore_mem>>) attributes {dimension_semantics = [#tpu.dimension_semantics<core_parallel>, #tpu.dimension_semantics<subcore_parallel>], iteration_bounds = array<i64: 2, 16>, scalar_prefetch = 0 : i64, scratch_operands = 8 : i64, tpu.core_type = #tpu.core_type<sc_vector_subcore>, window_params = [{transform_indices = #map}, {transform_indices = #map1}, {transform_indices = #map2}]} {
    %mul3A = arith.constant 2 : i32
    %mul3A_0 = arith.muli %arg1, %mul3A : i32
    %add3A = arith.addi %mul3A_0, %arg0 : i32
    %scan3A = arith.constant 0 : i32
    %scan3A_1 = arith.constant 48 : i32
    %scan3A_2 = arith.addi %scan3A, %scan3A_1 : i32
    %scan3A_3 = arith.constant 1 : i32
    scf.for %scan3A_263 = %scan3A to %scan3A_2 step %scan3A_3  : i32 {
      %mul3A_264 = arith.constant 1 : i32
      %mul3A_265 = arith.muli %scan3A_263, %mul3A_264 : i32
      %add3A_266 = arith.constant 0 : i32
      %add3A_267 = arith.addi %add3A_266, %mul3A_265 : i32
      %scan3A_268 = arith.constant 0 : i32
      %scan3A_269 = arith.constant 8 : i32
      %scan3A_270 = arith.addi %scan3A_268, %scan3A_269 : i32
      %scan3A_271 = arith.constant 1 : i32
      scf.for %scan3A_273 = %scan3A_268 to %scan3A_270 step %scan3A_271  : i32 {
        %mul3A_274 = arith.constant 16 : i32
        %mul3A_275 = arith.muli %scan3A_273, %mul3A_274 : i32
        %add3A_276 = arith.constant 0 : i32
        %add3A_277 = arith.addi %add3A_276, %mul3A_275 : i32
        %broadcast_in_dim3A = arith.constant 0.000000e+00 : f32
        %broadcast_in_dim3A_278 = vector.broadcast %broadcast_in_dim3A : f32 to vector<16xf32>
        %swap3A = arith.constant 0 : i32
        %swap3A_279 = arith.index_cast %swap3A : i32 to index
        %swap3A_280 = arith.index_cast %add3A_267 : i32 to index
        %swap3A_281 = arith.index_cast %add3A_277 : i32 to index
        %swap3A_282 = tpu.vector_load %arg8[%swap3A_279, %swap3A_280, %swap3A_281] {strides = array<i32>} : memref<4x80x128xf32, #tpu.memory_space<vmem>>, vector<1x1x16xf32>,
        %swap3A_283 = vector.shape_cast %swap3A_282 : vector<1x1x16xf32> to vector<16xf32>
        %swap3A_284 = vector.shape_cast %broadcast_in_dim3A_278 : vector<16xf32> to vector<1x1x16xf32>
        tpu.vector_store %arg8[%swap3A_279, %swap3A_280, %swap3A_281], %swap3A_284 {strides = array<i32>} : memref<4x80x128xf32, #tpu.memory_space<vmem>>, vector<1x1x16xf32>,
      }
      %scan3A_272 = arith.constant 8 : i32
    }
    %scan3A_4 = arith.constant 48 : i32
    %scan3A_5 = arith.constant 0 : i32
    %scan3A_6 = arith.constant 13 : i32
    %scan3A_7 = arith.addi %scan3A_5, %scan3A_6 : i32
    %scan3A_8 = arith.constant 1 : i32
    scf.for %scan3A_263 = %scan3A_5 to %scan3A_7 step %scan3A_8  : i32 {
      %mul3A_264 = arith.constant 48 : i32
      %mul3A_265 = arith.muli %scan3A_263, %mul3A_264 : i32
      %add3A_266 = arith.constant 0 : i32
      %add3A_267 = arith.addi %add3A_266, %mul3A_265 : i32
      %mul3A_268 = arith.constant 624 : i32
      %mul3A_269 = arith.muli %arg1, %mul3A_268 : i32
      %add3A_270 = arith.addi %mul3A_269, %add3A_267 : i32
      %run_scoped3A = arith.constant 0 : i32
      "tpu.region"() ({
        %run_scoped3A_271 = tpu.sem_alloc : memref<!tpu.dma_semaphore, #tpu.memory_space<semaphore_mem>>
        %dma_start3A_272 = arith.constant 0 : i32
        %dma_start3A_273 = arith.constant 0 : i32
        %dma_start3A_274 = tpu.memref_slice %arg8[%run_scoped3A, %dma_start3A_272, %dma_start3A_273] : memref<4x80x128xf32, #tpu.memory_space<vmem>> -> memref<1x48x128xf32, #tpu.memory_space<vmem>>
        %dma_start3A_275 = tpu.memref_squeeze %dma_start3A_274 : memref<1x48x128xf32, #tpu.memory_space<vmem>> -> memref<48x128xf32, #tpu.memory_space<vmem>>
        %dma_start3A_276 = arith.constant 0 : i32
        %dma_start3A_277 = tpu.memref_slice %arg5[%add3A_270, %dma_start3A_276] : memref<10000x128xf32, #tpu.memory_space<vmem_shared>> -> memref<48x128xf32, #tpu.memory_space<vmem_shared>>
        %dma_start3A_278 = arith.constant 0 : i32
        %dma_start3A_279 = tpu.memref_slice %arg5[%add3A_270, %dma_start3A_278] : memref<10000x128xf32, #tpu.memory_space<vmem_shared>> -> memref<48x128xf32, #tpu.memory_space<vmem_shared>>
        %dma_start3A_280 = arith.constant 0 : i32
        %dma_start3A_281 = arith.constant 0 : i32
        %dma_start3A_282 = tpu.memref_slice %arg8[%run_scoped3A, %dma_start3A_280, %dma_start3A_281] : memref<4x80x128xf32, #tpu.memory_space<vmem>> -> memref<1x48x128xf32, #tpu.memory_space<vmem>>
        %dma_start3A_283 = tpu.memref_squeeze %dma_start3A_282 : memref<1x48x128xf32, #tpu.memory_space<vmem>> -> memref<48x128xf32, #tpu.memory_space<vmem>>
        tpu.enqueue_dma source(%dma_start3A_283 : memref<48x128xf32, #tpu.memory_space<vmem>>) target(%dma_start3A_279 : memref<48x128xf32, #tpu.memory_space<vmem_shared>>) target_semaphore(%run_scoped3A_271 : memref<!tpu.dma_semaphore, #tpu.memory_space<semaphore_mem>>)
        %dma_wait3A_284 = arith.constant 0 : i32
        %dma_wait3A_285 = arith.constant 0 : i32
        %dma_wait3A_286 = tpu.memref_slice %arg8[%run_scoped3A, %dma_wait3A_284, %dma_wait3A_285] : memref<4x80x128xf32, #tpu.memory_space<vmem>> -> memref<1x48x128xf32, #tpu.memory_space<vmem>>
        %dma_wait3A_287 = tpu.memref_squeeze %dma_wait3A_286 : memref<1x48x128xf32, #tpu.memory_space<vmem>> -> memref<48x128xf32, #tpu.memory_space<vmem>>
        %dma_wait3A_288 = arith.constant 0 : i32
        %dma_wait3A_289 = tpu.memref_slice %arg5[%add3A_270, %dma_wait3A_288] : memref<10000x128xf32, #tpu.memory_space<vmem_shared>> -> memref<48x128xf32, #tpu.memory_space<vmem_shared>>
        %dma_wait3A_290 = arith.constant 0 : i32
        %dma_wait3A_291 = tpu.memref_slice %arg5[%add3A_270, %dma_wait3A_290] : memref<10000x128xf32, #tpu.memory_space<vmem_shared>> -> memref<48x128xf32, #tpu.memory_space<vmem_shared>>
        %dma_wait3A_292 = arith.constant 0 : i32
        %dma_wait3A_293 = arith.constant 0 : i32
        %dma_wait3A_294 = tpu.memref_slice %arg8[%run_scoped3A, %dma_wait3A_292, %dma_wait3A_293] : memref<4x80x128xf32, #tpu.memory_space<vmem>> -> memref<1x48x128xf32, #tpu.memory_space<vmem>>
        %dma_wait3A_295 = tpu.memref_squeeze %dma_wait3A_294 : memref<1x48x128xf32, #tpu.memory_space<vmem>> -> memref<48x128xf32, #tpu.memory_space<vmem>>
        tpu.wait_dma2 semaphore(%run_scoped3A_271 : memref<!tpu.dma_semaphore, #tpu.memory_space<semaphore_mem>>) src(%dma_wait3A_295 : memref<48x128xf32, #tpu.memory_space<vmem>>) dst(%dma_wait3A_291 : memref<48x128xf32, #tpu.memory_space<vmem_shared>>)
        tpu.yield
      }) : () -> ()
    }
    %scan3A_9 = arith.constant 13 : i32
    %eq3A = arith.constant 0 : i32
    %eq3A_10 = arith.cmpi eq, %arg1, %eq3A : i32
    %convert_element_type3A = arith.extui %eq3A_10 : i1 to i32
    %cond3A = arith.constant 0 : i32
    %cond3A_11 = arith.cmpi ne, %convert_element_type3A, %cond3A : i32
    scf.if %cond3A_11 {
      %run_scoped3A = arith.constant 0 : i32
      "tpu.region"() ({
        %run_scoped3A_263 = tpu.sem_alloc : memref<!tpu.dma_semaphore, #tpu.memory_space<semaphore_mem>>
        %dma_start3A_264 = arith.constant 0 : i32
        %dma_start3A_265 = arith.constant 0 : i32
        %dma_start3A_266 = tpu.memref_slice %arg8[%run_scoped3A, %dma_start3A_264, %dma_start3A_265] : memref<4x80x128xf32, #tpu.memory_space<vmem>> -> memref<1x16x128xf32, #tpu.memory_space<vmem>>
        %dma_start3A_267 = tpu.memref_squeeze %dma_start3A_266 : memref<1x16x128xf32, #tpu.memory_space<vmem>> -> memref<16x128xf32, #tpu.memory_space<vmem>>
        %dma_start3A_268 = arith.constant 9984 : i32
        %dma_start3A_269 = arith.constant 0 : i32
        %dma_start3A_270 = tpu.memref_slice %arg5[%dma_start3A_268, %dma_start3A_269] : memref<10000x128xf32, #tpu.memory_space<vmem_shared>> -> memref<16x128xf32, #tpu.memory_space<vmem_shared>>
        %dma_start3A_271 = arith.constant 9984 : i32
        %dma_start3A_272 = arith.constant 0 : i32
        %dma_start3A_273 = tpu.memref_slice %arg5[%dma_start3A_271, %dma_start3A_272] : memref<10000x128xf32, #tpu.memory_space<vmem_shared>> -> memref<16x128xf32, #tpu.memory_space<vmem_shared>>
        %dma_start3A_274 = arith.constant 0 : i32
        %dma_start3A_275 = arith.constant 0 : i32
        %dma_start3A_276 = tpu.memref_slice %arg8[%run_scoped3A, %dma_start3A_274, %dma_start3A_275] : memref<4x80x128xf32, #tpu.memory_space<vmem>> -> memref<1x16x128xf32, #tpu.memory_space<vmem>>
        %dma_start3A_277 = tpu.memref_squeeze %dma_start3A_276 : memref<1x16x128xf32, #tpu.memory_space<vmem>> -> memref<16x128xf32, #tpu.memory_space<vmem>>
        tpu.enqueue_dma source(%dma_start3A_277 : memref<16x128xf32, #tpu.memory_space<vmem>>) target(%dma_start3A_273 : memref<16x128xf32, #tpu.memory_space<vmem_shared>>) target_semaphore(%run_scoped3A_263 : memref<!tpu.dma_semaphore, #tpu.memory_space<semaphore_mem>>)
        %dma_wait3A_278 = arith.constant 0 : i32
        %dma_wait3A_279 = arith.constant 0 : i32
        %dma_wait3A_280 = tpu.memref_slice %arg8[%run_scoped3A, %dma_wait3A_278, %dma_wait3A_279] : memref<4x80x128xf32, #tpu.memory_space<vmem>> -> memref<1x16x128xf32, #tpu.memory_space<vmem>>
        %dma_wait3A_281 = tpu.memref_squeeze %dma_wait3A_280 : memref<1x16x128xf32, #tpu.memory_space<vmem>> -> memref<16x128xf32, #tpu.memory_space<vmem>>
        %dma_wait3A_282 = arith.constant 9984 : i32
        %dma_wait3A_283 = arith.constant 0 : i32
        %dma_wait3A_284 = tpu.memref_slice %arg5[%dma_wait3A_282, %dma_wait3A_283] : memref<10000x128xf32, #tpu.memory_space<vmem_shared>> -> memref<16x128xf32, #tpu.memory_space<vmem_shared>>
        %dma_wait3A_285 = arith.constant 9984 : i32
        %dma_wait3A_286 = arith.constant 0 : i32
        %dma_wait3A_287 = tpu.memref_slice %arg5[%dma_wait3A_285, %dma_wait3A_286] : memref<10000x128xf32, #tpu.memory_space<vmem_shared>> -> memref<16x128xf32, #tpu.memory_space<vmem_shared>>
        %dma_wait3A_288 = arith.constant 0 : i32
        %dma_wait3A_289 = arith.constant 0 : i32
        %dma_wait3A_290 = tpu.memref_slice %arg8[%run_scoped3A, %dma_wait3A_288, %dma_wait3A_289] : memref<4x80x128xf32, #tpu.memory_space<vmem>> -> memref<1x16x128xf32, #tpu.memory_space<vmem>>
        %dma_wait3A_291 = tpu.memref_squeeze %dma_wait3A_290 : memref<1x16x128xf32, #tpu.memory_space<vmem>> -> memref<16x128xf32, #tpu.memory_space<vmem>>
        tpu.wait_dma2 semaphore(%run_scoped3A_263 : memref<!tpu.dma_semaphore, #tpu.memory_space<semaphore_mem>>) src(%dma_wait3A_291 : memref<16x128xf32, #tpu.memory_space<vmem>>) dst(%dma_wait3A_287 : memref<16x128xf32, #tpu.memory_space<vmem_shared>>)
        tpu.yield
      }) : () -> ()
    } else {
    }
    %mul3A_12 = arith.constant 10000 : i32
    %mul3A_13 = arith.muli %add3A, %mul3A_12 : i32
    %add3A_14 = arith.constant 0 : i32
    %add3A_15 = arith.addi %mul3A_13, %add3A_14 : i32
    %dma_start3A = arith.constant 0 : i32
    %dma_start3A_16 = arith.constant 0 : i32
    %dma_start3A_17 = arith.constant 0 : i32
    %dma_start3A_18 = tpu.memref_slice %arg6[%dma_start3A, %dma_start3A_17] : memref<4x80xi32, #tpu.memory_space<vmem>> -> memref<1x80xi32, #tpu.memory_space<vmem>>
    %dma_start3A_19 = tpu.memref_squeeze %dma_start3A_18 : memref<1x80xi32, #tpu.memory_space<vmem>> -> memref<80xi32, #tpu.memory_space<vmem>>
    %dma_start3A_20 = tpu.memref_slice %arg3[%add3A_15] : memref<640000xi32, #tpu.memory_space<hbm>> -> memref<80xi32, #tpu.memory_space<hbm>>
    %dma_start3A_21 = tpu.memref_slice %arg9[%dma_start3A_16] : memref<4x!tpu.dma_semaphore, #tpu.memory_space<semaphore_mem>> -> memref<1x!tpu.dma_semaphore, #tpu.memory_space<semaphore_mem>>
    %dma_start3A_22 = tpu.memref_squeeze %dma_start3A_21 : memref<1x!tpu.dma_semaphore, #tpu.memory_space<semaphore_mem>> -> memref<!tpu.dma_semaphore, #tpu.memory_space<semaphore_mem>>
    %dma_start3A_23 = arith.constant 0 : i32
    %dma_start3A_24 = tpu.memref_slice %arg6[%dma_start3A, %dma_start3A_23] : memref<4x80xi32, #tpu.memory_space<vmem>> -> memref<1x80xi32, #tpu.memory_space<vmem>>
    %dma_start3A_25 = tpu.memref_squeeze %dma_start3A_24 : memref<1x80xi32, #tpu.memory_space<vmem>> -> memref<80xi32, #tpu.memory_space<vmem>>
    %dma_start3A_26 = tpu.memref_slice %arg3[%add3A_15] : memref<640000xi32, #tpu.memory_space<hbm>> -> memref<80xi32, #tpu.memory_space<hbm>>
    tpu.enqueue_dma source(%dma_start3A_26 : memref<80xi32, #tpu.memory_space<hbm>>) target(%dma_start3A_25 : memref<80xi32, #tpu.memory_space<vmem>>) target_semaphore(%dma_start3A_22 : memref<!tpu.dma_semaphore, #tpu.memory_space<semaphore_mem>>)
    %add3A_27 = arith.constant 320000 : i32
    %add3A_28 = arith.addi %add3A_27, %mul3A_13 : i32
    %add3A_29 = arith.constant 0 : i32
    %add3A_30 = arith.addi %add3A_28, %add3A_29 : i32
    %dma_start3A_31 = arith.constant 0 : i32
    %dma_start3A_32 = arith.constant 0 : i32
    %dma_start3A_33 = arith.constant 0 : i32
    %dma_start3A_34 = tpu.memref_slice %arg7[%dma_start3A_31, %dma_start3A_33] : memref<4x80xi32, #tpu.memory_space<vmem>> -> memref<1x80xi32, #tpu.memory_space<vmem>>
    %dma_start3A_35 = tpu.memref_squeeze %dma_start3A_34 : memref<1x80xi32, #tpu.memory_space<vmem>> -> memref<80xi32, #tpu.memory_space<vmem>>
    %dma_start3A_36 = tpu.memref_slice %arg3[%add3A_30] : memref<640000xi32, #tpu.memory_space<hbm>> -> memref<80xi32, #tpu.memory_space<hbm>>
    %dma_start3A_37 = tpu.memref_slice %arg10[%dma_start3A_32] : memref<4x!tpu.dma_semaphore, #tpu.memory_space<semaphore_mem>> -> memref<1x!tpu.dma_semaphore, #tpu.memory_space<semaphore_mem>>
    %dma_start3A_38 = tpu.memref_squeeze %dma_start3A_37 : memref<1x!tpu.dma_semaphore, #tpu.memory_space<semaphore_mem>> -> memref<!tpu.dma_semaphore, #tpu.memory_space<semaphore_mem>>
    %dma_start3A_39 = arith.constant 0 : i32
    %dma_start3A_40 = tpu.memref_slice %arg7[%dma_start3A_31, %dma_start3A_39] : memref<4x80xi32, #tpu.memory_space<vmem>> -> memref<1x80xi32, #tpu.memory_space<vmem>>
    %dma_start3A_41 = tpu.memref_squeeze %dma_start3A_40 : memref<1x80xi32, #tpu.memory_space<vmem>> -> memref<80xi32, #tpu.memory_space<vmem>>
    %dma_start3A_42 = tpu.memref_slice %arg3[%add3A_30] : memref<640000xi32, #tpu.memory_space<hbm>> -> memref<80xi32, #tpu.memory_space<hbm>>
    tpu.enqueue_dma source(%dma_start3A_42 : memref<80xi32, #tpu.memory_space<hbm>>) target(%dma_start3A_41 : memref<80xi32, #tpu.memory_space<vmem>>) target_semaphore(%dma_start3A_38 : memref<!tpu.dma_semaphore, #tpu.memory_space<semaphore_mem>>)
    %add3A_43 = arith.constant 80 : i32
    %add3A_44 = arith.addi %mul3A_13, %add3A_43 : i32
    %dma_start3A_45 = arith.constant 1 : i32
    %dma_start3A_46 = arith.constant 1 : i32
    %dma_start3A_47 = arith.constant 0 : i32
    %dma_start3A_48 = tpu.memref_slice %arg6[%dma_start3A_45, %dma_start3A_47] : memref<4x80xi32, #tpu.memory_space<vmem>> -> memref<1x80xi32, #tpu.memory_space<vmem>>
    %dma_start3A_49 = tpu.memref_squeeze %dma_start3A_48 : memref<1x80xi32, #tpu.memory_space<vmem>> -> memref<80xi32, #tpu.memory_space<vmem>>
    %dma_start3A_50 = tpu.memref_slice %arg3[%add3A_44] : memref<640000xi32, #tpu.memory_space<hbm>> -> memref<80xi32, #tpu.memory_space<hbm>>
    %dma_start3A_51 = tpu.memref_slice %arg9[%dma_start3A_46] : memref<4x!tpu.dma_semaphore, #tpu.memory_space<semaphore_mem>> -> memref<1x!tpu.dma_semaphore, #tpu.memory_space<semaphore_mem>>
    %dma_start3A_52 = tpu.memref_squeeze %dma_start3A_51 : memref<1x!tpu.dma_semaphore, #tpu.memory_space<semaphore_mem>> -> memref<!tpu.dma_semaphore, #tpu.memory_space<semaphore_mem>>
    %dma_start3A_53 = arith.constant 0 : i32
    %dma_start3A_54 = tpu.memref_slice %arg6[%dma_start3A_45, %dma_start3A_53] : memref<4x80xi32, #tpu.memory_space<vmem>> -> memref<1x80xi32, #tpu.memory_space<vmem>>
    %dma_start3A_55 = tpu.memref_squeeze %dma_start3A_54 : memref<1x80xi32, #tpu.memory_space<vmem>> -> memref<80xi32, #tpu.memory_space<vmem>>
    %dma_start3A_56 = tpu.memref_slice %arg3[%add3A_44] : memref<640000xi32, #tpu.memory_space<hbm>> -> memref<80xi32, #tpu.memory_space<hbm>>
    tpu.enqueue_dma source(%dma_start3A_56 : memref<80xi32, #tpu.memory_space<hbm>>) target(%dma_start3A_55 : memref<80xi32, #tpu.memory_space<vmem>>) target_semaphore(%dma_start3A_52 : memref<!tpu.dma_semaphore, #tpu.memory_space<semaphore_mem>>)
    %add3A_57 = arith.constant 320000 : i32
    %add3A_58 = arith.addi %add3A_57, %mul3A_13 : i32
    %add3A_59 = arith.constant 80 : i32
    %add3A_60 = arith.addi %add3A_58, %add3A_59 : i32
    %dma_start3A_61 = arith.constant 1 : i32
    %dma_start3A_62 = arith.constant 1 : i32
    %dma_start3A_63 = arith.constant 0 : i32
    %dma_start3A_64 = tpu.memref_slice %arg7[%dma_start3A_61, %dma_start3A_63] : memref<4x80xi32, #tpu.memory_space<vmem>> -> memref<1x80xi32, #tpu.memory_space<vmem>>
    %dma_start3A_65 = tpu.memref_squeeze %dma_start3A_64 : memref<1x80xi32, #tpu.memory_space<vmem>> -> memref<80xi32, #tpu.memory_space<vmem>>
    %dma_start3A_66 = tpu.memref_slice %arg3[%add3A_60] : memref<640000xi32, #tpu.memory_space<hbm>> -> memref<80xi32, #tpu.memory_space<hbm>>
    %dma_start3A_67 = tpu.memref_slice %arg10[%dma_start3A_62] : memref<4x!tpu.dma_semaphore, #tpu.memory_space<semaphore_mem>> -> memref<1x!tpu.dma_semaphore, #tpu.memory_space<semaphore_mem>>
    %dma_start3A_68 = tpu.memref_squeeze %dma_start3A_67 : memref<1x!tpu.dma_semaphore, #tpu.memory_space<semaphore_mem>> -> memref<!tpu.dma_semaphore, #tpu.memory_space<semaphore_mem>>
    %dma_start3A_69 = arith.constant 0 : i32
    %dma_start3A_70 = tpu.memref_slice %arg7[%dma_start3A_61, %dma_start3A_69] : memref<4x80xi32, #tpu.memory_space<vmem>> -> memref<1x80xi32, #tpu.memory_space<vmem>>
    %dma_start3A_71 = tpu.memref_squeeze %dma_start3A_70 : memref<1x80xi32, #tpu.memory_space<vmem>> -> memref<80xi32, #tpu.memory_space<vmem>>
    %dma_start3A_72 = tpu.memref_slice %arg3[%add3A_60] : memref<640000xi32, #tpu.memory_space<hbm>> -> memref<80xi32, #tpu.memory_space<hbm>>
    tpu.enqueue_dma source(%dma_start3A_72 : memref<80xi32, #tpu.memory_space<hbm>>) target(%dma_start3A_71 : memref<80xi32, #tpu.memory_space<vmem>>) target_semaphore(%dma_start3A_68 : memref<!tpu.dma_semaphore, #tpu.memory_space<semaphore_mem>>)
    %add3A_73 = arith.constant 160 : i32
    %add3A_74 = arith.addi %mul3A_13, %add3A_73 : i32
    %dma_start3A_75 = arith.constant 2 : i32
    %dma_start3A_76 = arith.constant 2 : i32
    %dma_start3A_77 = arith.constant 0 : i32
    %dma_start3A_78 = tpu.memref_slice %arg6[%dma_start3A_75, %dma_start3A_77] : memref<4x80xi32, #tpu.memory_space<vmem>> -> memref<1x80xi32, #tpu.memory_space<vmem>>
    %dma_start3A_79 = tpu.memref_squeeze %dma_start3A_78 : memref<1x80xi32, #tpu.memory_space<vmem>> -> memref<80xi32, #tpu.memory_space<vmem>>
    %dma_start3A_80 = tpu.memref_slice %arg3[%add3A_74] : memref<640000xi32, #tpu.memory_space<hbm>> -> memref<80xi32, #tpu.memory_space<hbm>>
    %dma_start3A_81 = tpu.memref_slice %arg9[%dma_start3A_76] : memref<4x!tpu.dma_semaphore, #tpu.memory_space<semaphore_mem>> -> memref<1x!tpu.dma_semaphore, #tpu.memory_space<semaphore_mem>>
    %dma_start3A_82 = tpu.memref_squeeze %dma_start3A_81 : memref<1x!tpu.dma_semaphore, #tpu.memory_space<semaphore_mem>> -> memref<!tpu.dma_semaphore, #tpu.memory_space<semaphore_mem>>
    %dma_start3A_83 = arith.constant 0 : i32
    %dma_start3A_84 = tpu.memref_slice %arg6[%dma_start3A_75, %dma_start3A_83] : memref<4x80xi32, #tpu.memory_space<vmem>> -> memref<1x80xi32, #tpu.memory_space<vmem>>
    %dma_start3A_85 = tpu.memref_squeeze %dma_start3A_84 : memref<1x80xi32, #tpu.memory_space<vmem>> -> memref<80xi32, #tpu.memory_space<vmem>>
    %dma_start3A_86 = tpu.memref_slice %arg3[%add3A_74] : memref<640000xi32, #tpu.memory_space<hbm>> -> memref<80xi32, #tpu.memory_space<hbm>>
    tpu.enqueue_dma source(%dma_start3A_86 : memref<80xi32, #tpu.memory_space<hbm>>) target(%dma_start3A_85 : memref<80xi32, #tpu.memory_space<vmem>>) target_semaphore(%dma_start3A_82 : memref<!tpu.dma_semaphore, #tpu.memory_space<semaphore_mem>>)
    %add3A_87 = arith.constant 320000 : i32
    %add3A_88 = arith.addi %add3A_87, %mul3A_13 : i32
    %add3A_89 = arith.constant 160 : i32
    %add3A_90 = arith.addi %add3A_88, %add3A_89 : i32
    %dma_start3A_91 = arith.constant 2 : i32
    %dma_start3A_92 = arith.constant 2 : i32
    %dma_start3A_93 = arith.constant 0 : i32
    %dma_start3A_94 = tpu.memref_slice %arg7[%dma_start3A_91, %dma_start3A_93] : memref<4x80xi32, #tpu.memory_space<vmem>> -> memref<1x80xi32, #tpu.memory_space<vmem>>
    %dma_start3A_95 = tpu.memref_squeeze %dma_start3A_94 : memref<1x80xi32, #tpu.memory_space<vmem>> -> memref<80xi32, #tpu.memory_space<vmem>>
    %dma_start3A_96 = tpu.memref_slice %arg3[%add3A_90] : memref<640000xi32, #tpu.memory_space<hbm>> -> memref<80xi32, #tpu.memory_space<hbm>>
    %dma_start3A_97 = tpu.memref_slice %arg10[%dma_start3A_92] : memref<4x!tpu.dma_semaphore, #tpu.memory_space<semaphore_mem>> -> memref<1x!tpu.dma_semaphore, #tpu.memory_space<semaphore_mem>>
    %dma_start3A_98 = tpu.memref_squeeze %dma_start3A_97 : memref<1x!tpu.dma_semaphore, #tpu.memory_space<semaphore_mem>> -> memref<!tpu.dma_semaphore, #tpu.memory_space<semaphore_mem>>
    %dma_start3A_99 = arith.constant 0 : i32
    %dma_start3A_100 = tpu.memref_slice %arg7[%dma_start3A_91, %dma_start3A_99] : memref<4x80xi32, #tpu.memory_space<vmem>> -> memref<1x80xi32, #tpu.memory_space<vmem>>
    %dma_start3A_101 = tpu.memref_squeeze %dma_start3A_100 : memref<1x80xi32, #tpu.memory_space<vmem>> -> memref<80xi32, #tpu.memory_space<vmem>>
    %dma_start3A_102 = tpu.memref_slice %arg3[%add3A_90] : memref<640000xi32, #tpu.memory_space<hbm>> -> memref<80xi32, #tpu.memory_space<hbm>>
    tpu.enqueue_dma source(%dma_start3A_102 : memref<80xi32, #tpu.memory_space<hbm>>) target(%dma_start3A_101 : memref<80xi32, #tpu.memory_space<vmem>>) target_semaphore(%dma_start3A_98 : memref<!tpu.dma_semaphore, #tpu.memory_space<semaphore_mem>>)
    %add3A_103 = arith.constant 240 : i32
    %add3A_104 = arith.addi %mul3A_13, %add3A_103 : i32
    %dma_start3A_105 = arith.constant 3 : i32
    %dma_start3A_106 = arith.constant 3 : i32
    %dma_start3A_107 = arith.constant 0 : i32
    %dma_start3A_108 = tpu.memref_slice %arg6[%dma_start3A_105, %dma_start3A_107] : memref<4x80xi32, #tpu.memory_space<vmem>> -> memref<1x80xi32, #tpu.memory_space<vmem>>
    %dma_start3A_109 = tpu.memref_squeeze %dma_start3A_108 : memref<1x80xi32, #tpu.memory_space<vmem>> -> memref<80xi32, #tpu.memory_space<vmem>>
    %dma_start3A_110 = tpu.memref_slice %arg3[%add3A_104] : memref<640000xi32, #tpu.memory_space<hbm>> -> memref<80xi32, #tpu.memory_space<hbm>>
    %dma_start3A_111 = tpu.memref_slice %arg9[%dma_start3A_106] : memref<4x!tpu.dma_semaphore, #tpu.memory_space<semaphore_mem>> -> memref<1x!tpu.dma_semaphore, #tpu.memory_space<semaphore_mem>>
    %dma_start3A_112 = tpu.memref_squeeze %dma_start3A_111 : memref<1x!tpu.dma_semaphore, #tpu.memory_space<semaphore_mem>> -> memref<!tpu.dma_semaphore, #tpu.memory_space<semaphore_mem>>
    %dma_start3A_113 = arith.constant 0 : i32
    %dma_start3A_114 = tpu.memref_slice %arg6[%dma_start3A_105, %dma_start3A_113] : memref<4x80xi32, #tpu.memory_space<vmem>> -> memref<1x80xi32, #tpu.memory_space<vmem>>
    %dma_start3A_115 = tpu.memref_squeeze %dma_start3A_114 : memref<1x80xi32, #tpu.memory_space<vmem>> -> memref<80xi32, #tpu.memory_space<vmem>>
    %dma_start3A_116 = tpu.memref_slice %arg3[%add3A_104] : memref<640000xi32, #tpu.memory_space<hbm>> -> memref<80xi32, #tpu.memory_space<hbm>>
    tpu.enqueue_dma source(%dma_start3A_116 : memref<80xi32, #tpu.memory_space<hbm>>) target(%dma_start3A_115 : memref<80xi32, #tpu.memory_space<vmem>>) target_semaphore(%dma_start3A_112 : memref<!tpu.dma_semaphore, #tpu.memory_space<semaphore_mem>>)
    %add3A_117 = arith.constant 320000 : i32
    %add3A_118 = arith.addi %add3A_117, %mul3A_13 : i32
    %add3A_119 = arith.constant 240 : i32
    %add3A_120 = arith.addi %add3A_118, %add3A_119 : i32
    %dma_start3A_121 = arith.constant 3 : i32
    %dma_start3A_122 = arith.constant 3 : i32
    %dma_start3A_123 = arith.constant 0 : i32
    %dma_start3A_124 = tpu.memref_slice %arg7[%dma_start3A_121, %dma_start3A_123] : memref<4x80xi32, #tpu.memory_space<vmem>> -> memref<1x80xi32, #tpu.memory_space<vmem>>
    %dma_start3A_125 = tpu.memref_squeeze %dma_start3A_124 : memref<1x80xi32, #tpu.memory_space<vmem>> -> memref<80xi32, #tpu.memory_space<vmem>>
    %dma_start3A_126 = tpu.memref_slice %arg3[%add3A_120] : memref<640000xi32, #tpu.memory_space<hbm>> -> memref<80xi32, #tpu.memory_space<hbm>>
    %dma_start3A_127 = tpu.memref_slice %arg10[%dma_start3A_122] : memref<4x!tpu.dma_semaphore, #tpu.memory_space<semaphore_mem>> -> memref<1x!tpu.dma_semaphore, #tpu.memory_space<semaphore_mem>>
    %dma_start3A_128 = tpu.memref_squeeze %dma_start3A_127 : memref<1x!tpu.dma_semaphore, #tpu.memory_space<semaphore_mem>> -> memref<!tpu.dma_semaphore, #tpu.memory_space<semaphore_mem>>
    %dma_start3A_129 = arith.constant 0 : i32
    %dma_start3A_130 = tpu.memref_slice %arg7[%dma_start3A_121, %dma_start3A_129] : memref<4x80xi32, #tpu.memory_space<vmem>> -> memref<1x80xi32, #tpu.memory_space<vmem>>
    %dma_start3A_131 = tpu.memref_squeeze %dma_start3A_130 : memref<1x80xi32, #tpu.memory_space<vmem>> -> memref<80xi32, #tpu.memory_space<vmem>>
    %dma_start3A_132 = tpu.memref_slice %arg3[%add3A_120] : memref<640000xi32, #tpu.memory_space<hbm>> -> memref<80xi32, #tpu.memory_space<hbm>>
    tpu.enqueue_dma source(%dma_start3A_132 : memref<80xi32, #tpu.memory_space<hbm>>) target(%dma_start3A_131 : memref<80xi32, #tpu.memory_space<vmem>>) target_semaphore(%dma_start3A_128 : memref<!tpu.dma_semaphore, #tpu.memory_space<semaphore_mem>>)
    %add3A_133 = arith.constant 0 : i32
    %add3A_134 = arith.addi %mul3A_13, %add3A_133 : i32
    %dma_wait3A = arith.constant 0 : i32
    %dma_wait3A_135 = arith.constant 0 : i32
    %dma_wait3A_136 = arith.constant 0 : i32
    %dma_wait3A_137 = tpu.memref_slice %arg6[%dma_wait3A, %dma_wait3A_136] : memref<4x80xi32, #tpu.memory_space<vmem>> -> memref<1x80xi32, #tpu.memory_space<vmem>>
    %dma_wait3A_138 = tpu.memref_squeeze %dma_wait3A_137 : memref<1x80xi32, #tpu.memory_space<vmem>> -> memref<80xi32, #tpu.memory_space<vmem>>
    %dma_wait3A_139 = tpu.memref_slice %arg3[%add3A_134] : memref<640000xi32, #tpu.memory_space<hbm>> -> memref<80xi32, #tpu.memory_space<hbm>>
    %dma_wait3A_140 = tpu.memref_slice %arg9[%dma_wait3A_135] : memref<4x!tpu.dma_semaphore, #tpu.memory_space<semaphore_mem>> -> memref<1x!tpu.dma_semaphore, #tpu.memory_space<semaphore_mem>>
    %dma_wait3A_141 = tpu.memref_squeeze %dma_wait3A_140 : memref<1x!tpu.dma_semaphore, #tpu.memory_space<semaphore_mem>> -> memref<!tpu.dma_semaphore, #tpu.memory_space<semaphore_mem>>
    %dma_wait3A_142 = arith.constant 0 : i32
    %dma_wait3A_143 = tpu.memref_slice %arg6[%dma_wait3A, %dma_wait3A_142] : memref<4x80xi32, #tpu.memory_space<vmem>> -> memref<1x80xi32, #tpu.memory_space<vmem>>
    %dma_wait3A_144 = tpu.memref_squeeze %dma_wait3A_143 : memref<1x80xi32, #tpu.memory_space<vmem>> -> memref<80xi32, #tpu.memory_space<vmem>>
    %dma_wait3A_145 = tpu.memref_slice %arg3[%add3A_134] : memref<640000xi32, #tpu.memory_space<hbm>> -> memref<80xi32, #tpu.memory_space<hbm>>
    tpu.wait_dma2 semaphore(%dma_wait3A_141 : memref<!tpu.dma_semaphore, #tpu.memory_space<semaphore_mem>>) src(%dma_wait3A_145 : memref<80xi32, #tpu.memory_space<hbm>>) dst(%dma_wait3A_144 : memref<80xi32, #tpu.memory_space<vmem>>)
    %dma_start3A_146 = arith.constant 0 : i32
    %dma_start3A_147 = arith.constant 0 : i32
    %dma_start3A_148 = arith.constant 0 : i32
    %dma_start3A_149 = arith.constant 0 : i32
    %dma_start3A_150 = arith.constant 0 : i32
    %dma_start3A_151 = tpu.memref_slice %arg8[%dma_start3A_147, %dma_start3A_149, %dma_start3A_150] : memref<4x80x128xf32, #tpu.memory_space<vmem>> -> memref<1x80x128xf32, #tpu.memory_space<vmem>>
    %dma_start3A_152 = tpu.memref_squeeze %dma_start3A_151 : memref<1x80x128xf32, #tpu.memory_space<vmem>> -> memref<80x128xf32, #tpu.memory_space<vmem>>
    %dma_start3A_153 = arith.constant 0 : i32
    %dma_start3A_154 = tpu.memref_slice %arg6[%dma_start3A_146, %dma_start3A_153] : memref<4x80xi32, #tpu.memory_space<vmem>> -> memref<1x80xi32, #tpu.memory_space<vmem>>
    %dma_start3A_155 = tpu.memref_squeeze %dma_start3A_154 : memref<1x80xi32, #tpu.memory_space<vmem>> -> memref<80xi32, #tpu.memory_space<vmem>>
    %dma_start3A_156 = arith.constant 0 : i32
    %dma_start3A_157 = arith.constant 0 : i32
    %dma_start3A_158 = tpu.memref_slice %arg2[%dma_start3A_156, %dma_start3A_157] : memref<10000x128xf32, #tpu.memory_space<hbm>> -> memref<10000x128xf32, #tpu.memory_space<hbm>>
    %dma_start3A_159 = tpu.memref_slice %arg11[%dma_start3A_148] : memref<4x!tpu.dma_semaphore, #tpu.memory_space<semaphore_mem>> -> memref<1x!tpu.dma_semaphore, #tpu.memory_space<semaphore_mem>>
    %dma_start3A_160 = tpu.memref_squeeze %dma_start3A_159 : memref<1x!tpu.dma_semaphore, #tpu.memory_space<semaphore_mem>> -> memref<!tpu.dma_semaphore, #tpu.memory_space<semaphore_mem>>
    tpu.enqueue_indirect_dma source(%dma_start3A_158 : memref<10000x128xf32, #tpu.memory_space<hbm>>) target(%dma_start3A_152 : memref<80x128xf32, #tpu.memory_space<vmem>>) offsets(%dma_start3A_155 : memref<80xi32, #tpu.memory_space<vmem>>) semaphore(%dma_start3A_160 : memref<!tpu.dma_semaphore, #tpu.memory_space<semaphore_mem>>)
    %add3A_161 = arith.constant 80 : i32
    %add3A_162 = arith.addi %mul3A_13, %add3A_161 : i32
    %dma_wait3A_163 = arith.constant 1 : i32
    %dma_wait3A_164 = arith.constant 1 : i32
    %dma_wait3A_165 = arith.constant 0 : i32
    %dma_wait3A_166 = tpu.memref_slice %arg6[%dma_wait3A_163, %dma_wait3A_165] : memref<4x80xi32, #tpu.memory_space<vmem>> -> memref<1x80xi32, #tpu.memory_space<vmem>>
    %dma_wait3A_167 = tpu.memref_squeeze %dma_wait3A_166 : memref<1x80xi32, #tpu.memory_space<vmem>> -> memref<80xi32, #tpu.memory_space<vmem>>
    %dma_wait3A_168 = tpu.memref_slice %arg3[%add3A_162] : memref<640000xi32, #tpu.memory_space<hbm>> -> memref<80xi32, #tpu.memory_space<hbm>>
    %dma_wait3A_169 = tpu.memref_slice %arg9[%dma_wait3A_164] : memref<4x!tpu.dma_semaphore, #tpu.memory_space<semaphore_mem>> -> memref<1x!tpu.dma_semaphore, #tpu.memory_space<semaphore_mem>>
    %dma_wait3A_170 = tpu.memref_squeeze %dma_wait3A_169 : memref<1x!tpu.dma_semaphore, #tpu.memory_space<semaphore_mem>> -> memref<!tpu.dma_semaphore, #tpu.memory_space<semaphore_mem>>
    %dma_wait3A_171 = arith.constant 0 : i32
    %dma_wait3A_172 = tpu.memref_slice %arg6[%dma_wait3A_163, %dma_wait3A_171] : memref<4x80xi32, #tpu.memory_space<vmem>> -> memref<1x80xi32, #tpu.memory_space<vmem>>
    %dma_wait3A_173 = tpu.memref_squeeze %dma_wait3A_172 : memref<1x80xi32, #tpu.memory_space<vmem>> -> memref<80xi32, #tpu.memory_space<vmem>>
    %dma_wait3A_174 = tpu.memref_slice %arg3[%add3A_162] : memref<640000xi32, #tpu.memory_space<hbm>> -> memref<80xi32, #tpu.memory_space<hbm>>
    tpu.wait_dma2 semaphore(%dma_wait3A_170 : memref<!tpu.dma_semaphore, #tpu.memory_space<semaphore_mem>>) src(%dma_wait3A_174 : memref<80xi32, #tpu.memory_space<hbm>>) dst(%dma_wait3A_173 : memref<80xi32, #tpu.memory_space<vmem>>)
    %dma_start3A_175 = arith.constant 1 : i32
    %dma_start3A_176 = arith.constant 1 : i32
    %dma_start3A_177 = arith.constant 1 : i32
    %dma_start3A_178 = arith.constant 0 : i32
    %dma_start3A_179 = arith.constant 0 : i32
    %dma_start3A_180 = tpu.memref_slice %arg8[%dma_start3A_176, %dma_start3A_178, %dma_start3A_179] : memref<4x80x128xf32, #tpu.memory_space<vmem>> -> memref<1x80x128xf32, #tpu.memory_space<vmem>>
    %dma_start3A_181 = tpu.memref_squeeze %dma_start3A_180 : memref<1x80x128xf32, #tpu.memory_space<vmem>> -> memref<80x128xf32, #tpu.memory_space<vmem>>
    %dma_start3A_182 = arith.constant 0 : i32
    %dma_start3A_183 = tpu.memref_slice %arg6[%dma_start3A_175, %dma_start3A_182] : memref<4x80xi32, #tpu.memory_space<vmem>> -> memref<1x80xi32, #tpu.memory_space<vmem>>
    %dma_start3A_184 = tpu.memref_squeeze %dma_start3A_183 : memref<1x80xi32, #tpu.memory_space<vmem>> -> memref<80xi32, #tpu.memory_space<vmem>>
    %dma_start3A_185 = arith.constant 0 : i32
    %dma_start3A_186 = arith.constant 0 : i32
    %dma_start3A_187 = tpu.memref_slice %arg2[%dma_start3A_185, %dma_start3A_186] : memref<10000x128xf32, #tpu.memory_space<hbm>> -> memref<10000x128xf32, #tpu.memory_space<hbm>>
    %dma_start3A_188 = tpu.memref_slice %arg11[%dma_start3A_177] : memref<4x!tpu.dma_semaphore, #tpu.memory_space<semaphore_mem>> -> memref<1x!tpu.dma_semaphore, #tpu.memory_space<semaphore_mem>>
    %dma_start3A_189 = tpu.memref_squeeze %dma_start3A_188 : memref<1x!tpu.dma_semaphore, #tpu.memory_space<semaphore_mem>> -> memref<!tpu.dma_semaphore, #tpu.memory_space<semaphore_mem>>
    tpu.enqueue_indirect_dma source(%dma_start3A_187 : memref<10000x128xf32, #tpu.memory_space<hbm>>) target(%dma_start3A_181 : memref<80x128xf32, #tpu.memory_space<vmem>>) offsets(%dma_start3A_184 : memref<80xi32, #tpu.memory_space<vmem>>) semaphore(%dma_start3A_189 : memref<!tpu.dma_semaphore, #tpu.memory_space<semaphore_mem>>)
    %add3A_190 = arith.constant 160 : i32
    %add3A_191 = arith.addi %mul3A_13, %add3A_190 : i32
    %dma_wait3A_192 = arith.constant 2 : i32
    %dma_wait3A_193 = arith.constant 2 : i32
    %dma_wait3A_194 = arith.constant 0 : i32
    %dma_wait3A_195 = tpu.memref_slice %arg6[%dma_wait3A_192, %dma_wait3A_194] : memref<4x80xi32, #tpu.memory_space<vmem>> -> memref<1x80xi32, #tpu.memory_space<vmem>>
    %dma_wait3A_196 = tpu.memref_squeeze %dma_wait3A_195 : memref<1x80xi32, #tpu.memory_space<vmem>> -> memref<80xi32, #tpu.memory_space<vmem>>
    %dma_wait3A_197 = tpu.memref_slice %arg3[%add3A_191] : memref<640000xi32, #tpu.memory_space<hbm>> -> memref<80xi32, #tpu.memory_space<hbm>>
    %dma_wait3A_198 = tpu.memref_slice %arg9[%dma_wait3A_193] : memref<4x!tpu.dma_semaphore, #tpu.memory_space<semaphore_mem>> -> memref<1x!tpu.dma_semaphore, #tpu.memory_space<semaphore_mem>>
    %dma_wait3A_199 = tpu.memref_squeeze %dma_wait3A_198 : memref<1x!tpu.dma_semaphore, #tpu.memory_space<semaphore_mem>> -> memref<!tpu.dma_semaphore, #tpu.memory_space<semaphore_mem>>
    %dma_wait3A_200 = arith.constant 0 : i32
    %dma_wait3A_201 = tpu.memref_slice %arg6[%dma_wait3A_192, %dma_wait3A_200] : memref<4x80xi32, #tpu.memory_space<vmem>> -> memref<1x80xi32, #tpu.memory_space<vmem>>
    %dma_wait3A_202 = tpu.memref_squeeze %dma_wait3A_201 : memref<1x80xi32, #tpu.memory_space<vmem>> -> memref<80xi32, #tpu.memory_space<vmem>>
    %dma_wait3A_203 = tpu.memref_slice %arg3[%add3A_191] : memref<640000xi32, #tpu.memory_space<hbm>> -> memref<80xi32, #tpu.memory_space<hbm>>
    tpu.wait_dma2 semaphore(%dma_wait3A_199 : memref<!tpu.dma_semaphore, #tpu.memory_space<semaphore_mem>>) src(%dma_wait3A_203 : memref<80xi32, #tpu.memory_space<hbm>>) dst(%dma_wait3A_202 : memref<80xi32, #tpu.memory_space<vmem>>)
    %dma_start3A_204 = arith.constant 2 : i32
    %dma_start3A_205 = arith.constant 2 : i32
    %dma_start3A_206 = arith.constant 2 : i32
    %dma_start3A_207 = arith.constant 0 : i32
    %dma_start3A_208 = arith.constant 0 : i32
    %dma_start3A_209 = tpu.memref_slice %arg8[%dma_start3A_205, %dma_start3A_207, %dma_start3A_208] : memref<4x80x128xf32, #tpu.memory_space<vmem>> -> memref<1x80x128xf32, #tpu.memory_space<vmem>>
    %dma_start3A_210 = tpu.memref_squeeze %dma_start3A_209 : memref<1x80x128xf32, #tpu.memory_space<vmem>> -> memref<80x128xf32, #tpu.memory_space<vmem>>
    %dma_start3A_211 = arith.constant 0 : i32
    %dma_start3A_212 = tpu.memref_slice %arg6[%dma_start3A_204, %dma_start3A_211] : memref<4x80xi32, #tpu.memory_space<vmem>> -> memref<1x80xi32, #tpu.memory_space<vmem>>
    %dma_start3A_213 = tpu.memref_squeeze %dma_start3A_212 : memref<1x80xi32, #tpu.memory_space<vmem>> -> memref<80xi32, #tpu.memory_space<vmem>>
    %dma_start3A_214 = arith.constant 0 : i32
    %dma_start3A_215 = arith.constant 0 : i32
    %dma_start3A_216 = tpu.memref_slice %arg2[%dma_start3A_214, %dma_start3A_215] : memref<10000x128xf32, #tpu.memory_space<hbm>> -> memref<10000x128xf32, #tpu.memory_space<hbm>>
    %dma_start3A_217 = tpu.memref_slice %arg11[%dma_start3A_206] : memref<4x!tpu.dma_semaphore, #tpu.memory_space<semaphore_mem>> -> memref<1x!tpu.dma_semaphore, #tpu.memory_space<semaphore_mem>>
    %dma_start3A_218 = tpu.memref_squeeze %dma_start3A_217 : memref<1x!tpu.dma_semaphore, #tpu.memory_space<semaphore_mem>> -> memref<!tpu.dma_semaphore, #tpu.memory_space<semaphore_mem>>
    tpu.enqueue_indirect_dma source(%dma_start3A_216 : memref<10000x128xf32, #tpu.memory_space<hbm>>) target(%dma_start3A_210 : memref<80x128xf32, #tpu.memory_space<vmem>>) offsets(%dma_start3A_213 : memref<80xi32, #tpu.memory_space<vmem>>) semaphore(%dma_start3A_218 : memref<!tpu.dma_semaphore, #tpu.memory_space<semaphore_mem>>)
    %add3A_219 = arith.constant 240 : i32
    %add3A_220 = arith.addi %mul3A_13, %add3A_219 : i32
    %dma_wait3A_221 = arith.constant 3 : i32
    %dma_wait3A_222 = arith.constant 3 : i32
    %dma_wait3A_223 = arith.constant 0 : i32
    %dma_wait3A_224 = tpu.memref_slice %arg6[%dma_wait3A_221, %dma_wait3A_223] : memref<4x80xi32, #tpu.memory_space<vmem>> -> memref<1x80xi32, #tpu.memory_space<vmem>>
    %dma_wait3A_225 = tpu.memref_squeeze %dma_wait3A_224 : memref<1x80xi32, #tpu.memory_space<vmem>> -> memref<80xi32, #tpu.memory_space<vmem>>
    %dma_wait3A_226 = tpu.memref_slice %arg3[%add3A_220] : memref<640000xi32, #tpu.memory_space<hbm>> -> memref<80xi32, #tpu.memory_space<hbm>>
    %dma_wait3A_227 = tpu.memref_slice %arg9[%dma_wait3A_222] : memref<4x!tpu.dma_semaphore, #tpu.memory_space<semaphore_mem>> -> memref<1x!tpu.dma_semaphore, #tpu.memory_space<semaphore_mem>>
    %dma_wait3A_228 = tpu.memref_squeeze %dma_wait3A_227 : memref<1x!tpu.dma_semaphore, #tpu.memory_space<semaphore_mem>> -> memref<!tpu.dma_semaphore, #tpu.memory_space<semaphore_mem>>
    %dma_wait3A_229 = arith.constant 0 : i32
    %dma_wait3A_230 = tpu.memref_slice %arg6[%dma_wait3A_221, %dma_wait3A_229] : memref<4x80xi32, #tpu.memory_space<vmem>> -> memref<1x80xi32, #tpu.memory_space<vmem>>
    %dma_wait3A_231 = tpu.memref_squeeze %dma_wait3A_230 : memref<1x80xi32, #tpu.memory_space<vmem>> -> memref<80xi32, #tpu.memory_space<vmem>>
    %dma_wait3A_232 = tpu.memref_slice %arg3[%add3A_220] : memref<640000xi32, #tpu.memory_space<hbm>> -> memref<80xi32, #tpu.memory_space<hbm>>
    tpu.wait_dma2 semaphore(%dma_wait3A_228 : memref<!tpu.dma_semaphore, #tpu.memory_space<semaphore_mem>>) src(%dma_wait3A_232 : memref<80xi32, #tpu.memory_space<hbm>>) dst(%dma_wait3A_231 : memref<80xi32, #tpu.memory_space<vmem>>)
    %dma_start3A_233 = arith.constant 3 : i32
    %dma_start3A_234 = arith.constant 3 : i32
    %dma_start3A_235 = arith.constant 3 : i32
    %dma_start3A_236 = arith.constant 0 : i32
    %dma_start3A_237 = arith.constant 0 : i32
    %dma_start3A_238 = tpu.memref_slice %arg8[%dma_start3A_234, %dma_start3A_236, %dma_start3A_237] : memref<4x80x128xf32, #tpu.memory_space<vmem>> -> memref<1x80x128xf32, #tpu.memory_space<vmem>>
    %dma_start3A_239 = tpu.memref_squeeze %dma_start3A_238 : memref<1x80x128xf32, #tpu.memory_space<vmem>> -> memref<80x128xf32, #tpu.memory_space<vmem>>
    %dma_start3A_240 = arith.constant 0 : i32
    %dma_start3A_241 = tpu.memref_slice %arg6[%dma_start3A_233, %dma_start3A_240] : memref<4x80xi32, #tpu.memory_space<vmem>> -> memref<1x80xi32, #tpu.memory_space<vmem>>
    %dma_start3A_242 = tpu.memref_squeeze %dma_start3A_241 : memref<1x80xi32, #tpu.memory_space<vmem>> -> memref<80xi32, #tpu.memory_space<vmem>>
    %dma_start3A_243 = arith.constant 0 : i32
    %dma_start3A_244 = arith.constant 0 : i32
    %dma_start3A_245 = tpu.memref_slice %arg2[%dma_start3A_243, %dma_start3A_244] : memref<10000x128xf32, #tpu.memory_space<hbm>> -> memref<10000x128xf32, #tpu.memory_space<hbm>>
    %dma_start3A_246 = tpu.memref_slice %arg11[%dma_start3A_235] : memref<4x!tpu.dma_semaphore, #tpu.memory_space<semaphore_mem>> -> memref<1x!tpu.dma_semaphore, #tpu.memory_space<semaphore_mem>>
    %dma_start3A_247 = tpu.memref_squeeze %dma_start3A_246 : memref<1x!tpu.dma_semaphore, #tpu.memory_space<semaphore_mem>> -> memref<!tpu.dma_semaphore, #tpu.memory_space<semaphore_mem>>
    tpu.enqueue_indirect_dma source(%dma_start3A_245 : memref<10000x128xf32, #tpu.memory_space<hbm>>) target(%dma_start3A_239 : memref<80x128xf32, #tpu.memory_space<vmem>>) offsets(%dma_start3A_242 : memref<80xi32, #tpu.memory_space<vmem>>) semaphore(%dma_start3A_247 : memref<!tpu.dma_semaphore, #tpu.memory_space<semaphore_mem>>)
    %barrier3A = arith.constant 0 : index
    tpu.barrier barrier_id(%barrier3A)
    %scan3A_248 = arith.constant 0 : i32
    %scan3A_249 = arith.constant 32 : i32
    %scan3A_250 = arith.addi %scan3A_248, %scan3A_249 : i32
    %scan3A_251 = arith.constant 1 : i32
    scf.for %scan3A_263 = %scan3A_248 to %scan3A_250 step %scan3A_251  : i32 {
      %mul3A_264 = arith.constant 4 : i32
      %mul3A_265 = arith.muli %scan3A_263, %mul3A_264 : i32
      %add3A_266 = arith.constant 0 : i32
      %add3A_267 = arith.addi %add3A_266, %mul3A_265 : i32
      %add3A_268 = arith.constant 0 : i32
      %add3A_269 = arith.addi %add3A_267, %add3A_268 : i32
      %lt3A = arith.constant 125 : i32
      %lt3A_270 = arith.cmpi slt, %add3A_269, %lt3A : i32
      %convert_element_type3A_271 = arith.extui %lt3A_270 : i1 to i32
      %cond3A_272 = arith.constant 0 : i32
      %cond3A_273 = arith.cmpi ne, %convert_element_type3A_271, %cond3A_272 : i32
      scf.if %cond3A_273 {
        %add3A_431 = arith.constant 320000 : i32
        %add3A_432 = arith.addi %add3A_431, %mul3A_13 : i32
        %mul3A_433 = arith.constant 80 : i32
        %mul3A_434 = arith.muli %add3A_269, %mul3A_433 : i32
        %add3A_435 = arith.addi %add3A_432, %mul3A_434 : i32
        %dma_wait3A_436 = arith.constant 0 : i32
        %dma_wait3A_437 = arith.constant 0 : i32
        %dma_wait3A_438 = arith.constant 0 : i32
        %dma_wait3A_439 = tpu.memref_slice %arg7[%dma_wait3A_436, %dma_wait3A_438] : memref<4x80xi32, #tpu.memory_space<vmem>> -> memref<1x80xi32, #tpu.memory_space<vmem>>
        %dma_wait3A_440 = tpu.memref_squeeze %dma_wait3A_439 : memref<1x80xi32, #tpu.memory_space<vmem>> -> memref<80xi32, #tpu.memory_space<vmem>>
        %dma_wait3A_441 = tpu.memref_slice %arg3[%add3A_435] : memref<640000xi32, #tpu.memory_space<hbm>> -> memref<80xi32, #tpu.memory_space<hbm>>
        %dma_wait3A_442 = tpu.memref_slice %arg10[%dma_wait3A_437] : memref<4x!tpu.dma_semaphore, #tpu.memory_space<semaphore_mem>> -> memref<1x!tpu.dma_semaphore, #tpu.memory_space<semaphore_mem>>
        %dma_wait3A_443 = tpu.memref_squeeze %dma_wait3A_442 : memref<1x!tpu.dma_semaphore, #tpu.memory_space<semaphore_mem>> -> memref<!tpu.dma_semaphore, #tpu.memory_space<semaphore_mem>>
        %dma_wait3A_444 = arith.constant 0 : i32
        %dma_wait3A_445 = tpu.memref_slice %arg7[%dma_wait3A_436, %dma_wait3A_444] : memref<4x80xi32, #tpu.memory_space<vmem>> -> memref<1x80xi32, #tpu.memory_space<vmem>>
        %dma_wait3A_446 = tpu.memref_squeeze %dma_wait3A_445 : memref<1x80xi32, #tpu.memory_space<vmem>> -> memref<80xi32, #tpu.memory_space<vmem>>
        %dma_wait3A_447 = tpu.memref_slice %arg3[%add3A_435] : memref<640000xi32, #tpu.memory_space<hbm>> -> memref<80xi32, #tpu.memory_space<hbm>>
        tpu.wait_dma2 semaphore(%dma_wait3A_443 : memref<!tpu.dma_semaphore, #tpu.memory_space<semaphore_mem>>) src(%dma_wait3A_447 : memref<80xi32, #tpu.memory_space<hbm>>) dst(%dma_wait3A_446 : memref<80xi32, #tpu.memory_space<vmem>>)
        %dma_wait3A_448 = arith.constant 0 : i32
        %dma_wait3A_449 = arith.constant 0 : i32
        %dma_wait3A_450 = arith.constant 0 : i32
        %dma_wait3A_451 = arith.constant 0 : i32
        %dma_wait3A_452 = arith.constant 0 : i32
        %dma_wait3A_453 = tpu.memref_slice %arg8[%dma_wait3A_449, %dma_wait3A_451, %dma_wait3A_452] : memref<4x80x128xf32, #tpu.memory_space<vmem>> -> memref<1x80x128xf32, #tpu.memory_space<vmem>>
        %dma_wait3A_454 = tpu.memref_squeeze %dma_wait3A_453 : memref<1x80x128xf32, #tpu.memory_space<vmem>> -> memref<80x128xf32, #tpu.memory_space<vmem>>
        %dma_wait3A_455 = arith.constant 0 : i32
        %dma_wait3A_456 = tpu.memref_slice %arg6[%dma_wait3A_448, %dma_wait3A_455] : memref<4x80xi32, #tpu.memory_space<vmem>> -> memref<1x80xi32, #tpu.memory_space<vmem>>
        %dma_wait3A_457 = tpu.memref_squeeze %dma_wait3A_456 : memref<1x80xi32, #tpu.memory_space<vmem>> -> memref<80xi32, #tpu.memory_space<vmem>>
        %dma_wait3A_458 = arith.constant 0 : i32
        %dma_wait3A_459 = arith.constant 0 : i32
        %dma_wait3A_460 = tpu.memref_slice %arg2[%dma_wait3A_458, %dma_wait3A_459] : memref<10000x128xf32, #tpu.memory_space<hbm>> -> memref<10000x128xf32, #tpu.memory_space<hbm>>
        %dma_wait3A_461 = tpu.memref_slice %arg11[%dma_wait3A_450] : memref<4x!tpu.dma_semaphore, #tpu.memory_space<semaphore_mem>> -> memref<1x!tpu.dma_semaphore, #tpu.memory_space<semaphore_mem>>
        %dma_wait3A_462 = tpu.memref_squeeze %dma_wait3A_461 : memref<1x!tpu.dma_semaphore, #tpu.memory_space<semaphore_mem>> -> memref<!tpu.dma_semaphore, #tpu.memory_space<semaphore_mem>>
        tpu.wait_indirect_dma semaphore(%dma_wait3A_462 : memref<!tpu.dma_semaphore, #tpu.memory_space<semaphore_mem>>) src(%dma_wait3A_460 : memref<10000x128xf32, #tpu.memory_space<hbm>>) dst(%dma_wait3A_454 : memref<80x128xf32, #tpu.memory_space<vmem>>)
        %dma_start3A_463 = arith.constant 0 : i32
        %dma_start3A_464 = arith.constant 0 : i32
        %dma_start3A_465 = arith.constant 0 : i32
        %dma_start3A_466 = arith.constant 0 : i32
        %dma_start3A_467 = arith.constant 0 : i32
        %dma_start3A_468 = tpu.memref_slice %arg8[%dma_start3A_463, %dma_start3A_466, %dma_start3A_467] : memref<4x80x128xf32, #tpu.memory_space<vmem>> -> memref<1x80x128xf32, #tpu.memory_space<vmem>>
        %dma_start3A_469 = tpu.memref_squeeze %dma_start3A_468 : memref<1x80x128xf32, #tpu.memory_space<vmem>> -> memref<80x128xf32, #tpu.memory_space<vmem>>
        %dma_start3A_470 = arith.constant 0 : i32
        %dma_start3A_471 = tpu.memref_slice %arg7[%dma_start3A_464, %dma_start3A_470] : memref<4x80xi32, #tpu.memory_space<vmem>> -> memref<1x80xi32, #tpu.memory_space<vmem>>
        %dma_start3A_472 = tpu.memref_squeeze %dma_start3A_471 : memref<1x80xi32, #tpu.memory_space<vmem>> -> memref<80xi32, #tpu.memory_space<vmem>>
        %dma_start3A_473 = arith.constant 0 : i32
        %dma_start3A_474 = arith.constant 0 : i32
        %dma_start3A_475 = tpu.memref_slice %arg5[%dma_start3A_473, %dma_start3A_474] : memref<10000x128xf32, #tpu.memory_space<vmem_shared>> -> memref<10000x128xf32, #tpu.memory_space<vmem_shared>>
        %dma_start3A_476 = tpu.memref_slice %arg12[%dma_start3A_465] : memref<4x!tpu.dma_semaphore, #tpu.memory_space<semaphore_mem>> -> memref<1x!tpu.dma_semaphore, #tpu.memory_space<semaphore_mem>>
        %dma_start3A_477 = tpu.memref_squeeze %dma_start3A_476 : memref<1x!tpu.dma_semaphore, #tpu.memory_space<semaphore_mem>> -> memref<!tpu.dma_semaphore, #tpu.memory_space<semaphore_mem>>
        tpu.enqueue_indirect_dma source(%dma_start3A_469 : memref<80x128xf32, #tpu.memory_space<vmem>>) target(%dma_start3A_475 : memref<10000x128xf32, #tpu.memory_space<vmem_shared>>) offsets(%dma_start3A_472 : memref<80xi32, #tpu.memory_space<vmem>>) semaphore(%dma_start3A_477 : memref<!tpu.dma_semaphore, #tpu.memory_space<semaphore_mem>>) {add = true}
      } else {
      }
      %add3A_274 = arith.constant 1 : i32
      %add3A_275 = arith.addi %add3A_267, %add3A_274 : i32
      %lt3A_276 = arith.constant 125 : i32
      %lt3A_277 = arith.cmpi slt, %add3A_275, %lt3A_276 : i32
      %convert_element_type3A_278 = arith.extui %lt3A_277 : i1 to i32
      %cond3A_279 = arith.constant 0 : i32
      %cond3A_280 = arith.cmpi ne, %convert_element_type3A_278, %cond3A_279 : i32
      scf.if %cond3A_280 {
        %add3A_431 = arith.constant 320000 : i32
        %add3A_432 = arith.addi %add3A_431, %mul3A_13 : i32
        %mul3A_433 = arith.constant 80 : i32
        %mul3A_434 = arith.muli %add3A_275, %mul3A_433 : i32
        %add3A_435 = arith.addi %add3A_432, %mul3A_434 : i32
        %dma_wait3A_436 = arith.constant 1 : i32
        %dma_wait3A_437 = arith.constant 1 : i32
        %dma_wait3A_438 = arith.constant 0 : i32
        %dma_wait3A_439 = tpu.memref_slice %arg7[%dma_wait3A_436, %dma_wait3A_438] : memref<4x80xi32, #tpu.memory_space<vmem>> -> memref<1x80xi32, #tpu.memory_space<vmem>>
        %dma_wait3A_440 = tpu.memref_squeeze %dma_wait3A_439 : memref<1x80xi32, #tpu.memory_space<vmem>> -> memref<80xi32, #tpu.memory_space<vmem>>
        %dma_wait3A_441 = tpu.memref_slice %arg3[%add3A_435] : memref<640000xi32, #tpu.memory_space<hbm>> -> memref<80xi32, #tpu.memory_space<hbm>>
        %dma_wait3A_442 = tpu.memref_slice %arg10[%dma_wait3A_437] : memref<4x!tpu.dma_semaphore, #tpu.memory_space<semaphore_mem>> -> memref<1x!tpu.dma_semaphore, #tpu.memory_space<semaphore_mem>>
        %dma_wait3A_443 = tpu.memref_squeeze %dma_wait3A_442 : memref<1x!tpu.dma_semaphore, #tpu.memory_space<semaphore_mem>> -> memref<!tpu.dma_semaphore, #tpu.memory_space<semaphore_mem>>
        %dma_wait3A_444 = arith.constant 0 : i32
        %dma_wait3A_445 = tpu.memref_slice %arg7[%dma_wait3A_436, %dma_wait3A_444] : memref<4x80xi32, #tpu.memory_space<vmem>> -> memref<1x80xi32, #tpu.memory_space<vmem>>
        %dma_wait3A_446 = tpu.memref_squeeze %dma_wait3A_445 : memref<1x80xi32, #tpu.memory_space<vmem>> -> memref<80xi32, #tpu.memory_space<vmem>>
        %dma_wait3A_447 = tpu.memref_slice %arg3[%add3A_435] : memref<640000xi32, #tpu.memory_space<hbm>> -> memref<80xi32, #tpu.memory_space<hbm>>
        tpu.wait_dma2 semaphore(%dma_wait3A_443 : memref<!tpu.dma_semaphore, #tpu.memory_space<semaphore_mem>>) src(%dma_wait3A_447 : memref<80xi32, #tpu.memory_space<hbm>>) dst(%dma_wait3A_446 : memref<80xi32, #tpu.memory_space<vmem>>)
        %dma_wait3A_448 = arith.constant 1 : i32
        %dma_wait3A_449 = arith.constant 1 : i32
        %dma_wait3A_450 = arith.constant 1 : i32
        %dma_wait3A_451 = arith.constant 0 : i32
        %dma_wait3A_452 = arith.constant 0 : i32
        %dma_wait3A_453 = tpu.memref_slice %arg8[%dma_wait3A_449, %dma_wait3A_451, %dma_wait3A_452] : memref<4x80x128xf32, #tpu.memory_space<vmem>> -> memref<1x80x128xf32, #tpu.memory_space<vmem>>
        %dma_wait3A_454 = tpu.memref_squeeze %dma_wait3A_453 : memref<1x80x128xf32, #tpu.memory_space<vmem>> -> memref<80x128xf32, #tpu.memory_space<vmem>>
        %dma_wait3A_455 = arith.constant 0 : i32
        %dma_wait3A_456 = tpu.memref_slice %arg6[%dma_wait3A_448, %dma_wait3A_455] : memref<4x80xi32, #tpu.memory_space<vmem>> -> memref<1x80xi32, #tpu.memory_space<vmem>>
        %dma_wait3A_457 = tpu.memref_squeeze %dma_wait3A_456 : memref<1x80xi32, #tpu.memory_space<vmem>> -> memref<80xi32, #tpu.memory_space<vmem>>
        %dma_wait3A_458 = arith.constant 0 : i32
        %dma_wait3A_459 = arith.constant 0 : i32
        %dma_wait3A_460 = tpu.memref_slice %arg2[%dma_wait3A_458, %dma_wait3A_459] : memref<10000x128xf32, #tpu.memory_space<hbm>> -> memref<10000x128xf32, #tpu.memory_space<hbm>>
        %dma_wait3A_461 = tpu.memref_slice %arg11[%dma_wait3A_450] : memref<4x!tpu.dma_semaphore, #tpu.memory_space<semaphore_mem>> -> memref<1x!tpu.dma_semaphore, #tpu.memory_space<semaphore_mem>>
        %dma_wait3A_462 = tpu.memref_squeeze %dma_wait3A_461 : memref<1x!tpu.dma_semaphore, #tpu.memory_space<semaphore_mem>> -> memref<!tpu.dma_semaphore, #tpu.memory_space<semaphore_mem>>
        tpu.wait_indirect_dma semaphore(%dma_wait3A_462 : memref<!tpu.dma_semaphore, #tpu.memory_space<semaphore_mem>>) src(%dma_wait3A_460 : memref<10000x128xf32, #tpu.memory_space<hbm>>) dst(%dma_wait3A_454 : memref<80x128xf32, #tpu.memory_space<vmem>>)
        %dma_start3A_463 = arith.constant 1 : i32
        %dma_start3A_464 = arith.constant 1 : i32
        %dma_start3A_465 = arith.constant 1 : i32
        %dma_start3A_466 = arith.constant 0 : i32
        %dma_start3A_467 = arith.constant 0 : i32
        %dma_start3A_468 = tpu.memref_slice %arg8[%dma_start3A_463, %dma_start3A_466, %dma_start3A_467] : memref<4x80x128xf32, #tpu.memory_space<vmem>> -> memref<1x80x128xf32, #tpu.memory_space<vmem>>
        %dma_start3A_469 = tpu.memref_squeeze %dma_start3A_468 : memref<1x80x128xf32, #tpu.memory_space<vmem>> -> memref<80x128xf32, #tpu.memory_space<vmem>>
        %dma_start3A_470 = arith.constant 0 : i32
        %dma_start3A_471 = tpu.memref_slice %arg7[%dma_start3A_464, %dma_start3A_470] : memref<4x80xi32, #tpu.memory_space<vmem>> -> memref<1x80xi32, #tpu.memory_space<vmem>>
        %dma_start3A_472 = tpu.memref_squeeze %dma_start3A_471 : memref<1x80xi32, #tpu.memory_space<vmem>> -> memref<80xi32, #tpu.memory_space<vmem>>
        %dma_start3A_473 = arith.constant 0 : i32
        %dma_start3A_474 = arith.constant 0 : i32
        %dma_start3A_475 = tpu.memref_slice %arg5[%dma_start3A_473, %dma_start3A_474] : memref<10000x128xf32, #tpu.memory_space<vmem_shared>> -> memref<10000x128xf32, #tpu.memory_space<vmem_shared>>
        %dma_start3A_476 = tpu.memref_slice %arg12[%dma_start3A_465] : memref<4x!tpu.dma_semaphore, #tpu.memory_space<semaphore_mem>> -> memref<1x!tpu.dma_semaphore, #tpu.memory_space<semaphore_mem>>
        %dma_start3A_477 = tpu.memref_squeeze %dma_start3A_476 : memref<1x!tpu.dma_semaphore, #tpu.memory_space<semaphore_mem>> -> memref<!tpu.dma_semaphore, #tpu.memory_space<semaphore_mem>>
        tpu.enqueue_indirect_dma source(%dma_start3A_469 : memref<80x128xf32, #tpu.memory_space<vmem>>) target(%dma_start3A_475 : memref<10000x128xf32, #tpu.memory_space<vmem_shared>>) offsets(%dma_start3A_472 : memref<80xi32, #tpu.memory_space<vmem>>) semaphore(%dma_start3A_477 : memref<!tpu.dma_semaphore, #tpu.memory_space<semaphore_mem>>) {add = true}
      } else {
      }
      %add3A_281 = arith.constant 4 : i32
      %add3A_282 = arith.addi %add3A_267, %add3A_281 : i32
      %add3A_283 = arith.constant 0 : i32
      %add3A_284 = arith.addi %add3A_282, %add3A_283 : i32
      %lt3A_285 = arith.constant 125 : i32
      %lt3A_286 = arith.cmpi slt, %add3A_284, %lt3A_285 : i32
      %convert_element_type3A_287 = arith.extui %lt3A_286 : i1 to i32
      %cond3A_288 = arith.constant 0 : i32
      %cond3A_289 = arith.cmpi ne, %convert_element_type3A_287, %cond3A_288 : i32
      scf.if %cond3A_289 {
        %mul3A_431 = arith.constant 80 : i32
        %mul3A_432 = arith.muli %add3A_284, %mul3A_431 : i32
        %add3A_433 = arith.addi %mul3A_13, %mul3A_432 : i32
        %dma_start3A_434 = arith.constant 0 : i32
        %dma_start3A_435 = arith.constant 0 : i32
        %dma_start3A_436 = arith.constant 0 : i32
        %dma_start3A_437 = tpu.memref_slice %arg6[%dma_start3A_434, %dma_start3A_436] : memref<4x80xi32, #tpu.memory_space<vmem>> -> memref<1x80xi32, #tpu.memory_space<vmem>>
        %dma_start3A_438 = tpu.memref_squeeze %dma_start3A_437 : memref<1x80xi32, #tpu.memory_space<vmem>> -> memref<80xi32, #tpu.memory_space<vmem>>
        %dma_start3A_439 = tpu.memref_slice %arg3[%add3A_433] : memref<640000xi32, #tpu.memory_space<hbm>> -> memref<80xi32, #tpu.memory_space<hbm>>
        %dma_start3A_440 = tpu.memref_slice %arg9[%dma_start3A_435] : memref<4x!tpu.dma_semaphore, #tpu.memory_space<semaphore_mem>> -> memref<1x!tpu.dma_semaphore, #tpu.memory_space<semaphore_mem>>
        %dma_start3A_441 = tpu.memref_squeeze %dma_start3A_440 : memref<1x!tpu.dma_semaphore, #tpu.memory_space<semaphore_mem>> -> memref<!tpu.dma_semaphore, #tpu.memory_space<semaphore_mem>>
        %dma_start3A_442 = arith.constant 0 : i32
        %dma_start3A_443 = tpu.memref_slice %arg6[%dma_start3A_434, %dma_start3A_442] : memref<4x80xi32, #tpu.memory_space<vmem>> -> memref<1x80xi32, #tpu.memory_space<vmem>>
        %dma_start3A_444 = tpu.memref_squeeze %dma_start3A_443 : memref<1x80xi32, #tpu.memory_space<vmem>> -> memref<80xi32, #tpu.memory_space<vmem>>
        %dma_start3A_445 = tpu.memref_slice %arg3[%add3A_433] : memref<640000xi32, #tpu.memory_space<hbm>> -> memref<80xi32, #tpu.memory_space<hbm>>
        tpu.enqueue_dma source(%dma_start3A_445 : memref<80xi32, #tpu.memory_space<hbm>>) target(%dma_start3A_444 : memref<80xi32, #tpu.memory_space<vmem>>) target_semaphore(%dma_start3A_441 : memref<!tpu.dma_semaphore, #tpu.memory_space<semaphore_mem>>)
      } else {
      }
      %add3A_290 = arith.constant 4 : i32
      %add3A_291 = arith.addi %add3A_267, %add3A_290 : i32
      %add3A_292 = arith.constant 1 : i32
      %add3A_293 = arith.addi %add3A_291, %add3A_292 : i32
      %lt3A_294 = arith.constant 125 : i32
      %lt3A_295 = arith.cmpi slt, %add3A_293, %lt3A_294 : i32
      %convert_element_type3A_296 = arith.extui %lt3A_295 : i1 to i32
      %cond3A_297 = arith.constant 0 : i32
      %cond3A_298 = arith.cmpi ne, %convert_element_type3A_296, %cond3A_297 : i32
      scf.if %cond3A_298 {
        %mul3A_431 = arith.constant 80 : i32
        %mul3A_432 = arith.muli %add3A_293, %mul3A_431 : i32
        %add3A_433 = arith.addi %mul3A_13, %mul3A_432 : i32
        %dma_start3A_434 = arith.constant 1 : i32
        %dma_start3A_435 = arith.constant 1 : i32
        %dma_start3A_436 = arith.constant 0 : i32
        %dma_start3A_437 = tpu.memref_slice %arg6[%dma_start3A_434, %dma_start3A_436] : memref<4x80xi32, #tpu.memory_space<vmem>> -> memref<1x80xi32, #tpu.memory_space<vmem>>
        %dma_start3A_438 = tpu.memref_squeeze %dma_start3A_437 : memref<1x80xi32, #tpu.memory_space<vmem>> -> memref<80xi32, #tpu.memory_space<vmem>>
        %dma_start3A_439 = tpu.memref_slice %arg3[%add3A_433] : memref<640000xi32, #tpu.memory_space<hbm>> -> memref<80xi32, #tpu.memory_space<hbm>>
        %dma_start3A_440 = tpu.memref_slice %arg9[%dma_start3A_435] : memref<4x!tpu.dma_semaphore, #tpu.memory_space<semaphore_mem>> -> memref<1x!tpu.dma_semaphore, #tpu.memory_space<semaphore_mem>>
        %dma_start3A_441 = tpu.memref_squeeze %dma_start3A_440 : memref<1x!tpu.dma_semaphore, #tpu.memory_space<semaphore_mem>> -> memref<!tpu.dma_semaphore, #tpu.memory_space<semaphore_mem>>
        %dma_start3A_442 = arith.constant 0 : i32
        %dma_start3A_443 = tpu.memref_slice %arg6[%dma_start3A_434, %dma_start3A_442] : memref<4x80xi32, #tpu.memory_space<vmem>> -> memref<1x80xi32, #tpu.memory_space<vmem>>
        %dma_start3A_444 = tpu.memref_squeeze %dma_start3A_443 : memref<1x80xi32, #tpu.memory_space<vmem>> -> memref<80xi32, #tpu.memory_space<vmem>>
        %dma_start3A_445 = tpu.memref_slice %arg3[%add3A_433] : memref<640000xi32, #tpu.memory_space<hbm>> -> memref<80xi32, #tpu.memory_space<hbm>>
        tpu.enqueue_dma source(%dma_start3A_445 : memref<80xi32, #tpu.memory_space<hbm>>) target(%dma_start3A_444 : memref<80xi32, #tpu.memory_space<vmem>>) target_semaphore(%dma_start3A_441 : memref<!tpu.dma_semaphore, #tpu.memory_space<semaphore_mem>>)
      } else {
      }
      %add3A_299 = arith.constant 2 : i32
      %add3A_300 = arith.addi %add3A_267, %add3A_299 : i32
      %lt3A_301 = arith.constant 125 : i32
      %lt3A_302 = arith.cmpi slt, %add3A_300, %lt3A_301 : i32
      %convert_element_type3A_303 = arith.extui %lt3A_302 : i1 to i32
      %cond3A_304 = arith.constant 0 : i32
      %cond3A_305 = arith.cmpi ne, %convert_element_type3A_303, %cond3A_304 : i32
      scf.if %cond3A_305 {
        %add3A_431 = arith.constant 320000 : i32
        %add3A_432 = arith.addi %add3A_431, %mul3A_13 : i32
        %mul3A_433 = arith.constant 80 : i32
        %mul3A_434 = arith.muli %add3A_300, %mul3A_433 : i32
        %add3A_435 = arith.addi %add3A_432, %mul3A_434 : i32
        %dma_wait3A_436 = arith.constant 2 : i32
        %dma_wait3A_437 = arith.constant 2 : i32
        %dma_wait3A_438 = arith.constant 0 : i32
        %dma_wait3A_439 = tpu.memref_slice %arg7[%dma_wait3A_436, %dma_wait3A_438] : memref<4x80xi32, #tpu.memory_space<vmem>> -> memref<1x80xi32, #tpu.memory_space<vmem>>
        %dma_wait3A_440 = tpu.memref_squeeze %dma_wait3A_439 : memref<1x80xi32, #tpu.memory_space<vmem>> -> memref<80xi32, #tpu.memory_space<vmem>>
        %dma_wait3A_441 = tpu.memref_slice %arg3[%add3A_435] : memref<640000xi32, #tpu.memory_space<hbm>> -> memref<80xi32, #tpu.memory_space<hbm>>
        %dma_wait3A_442 = tpu.memref_slice %arg10[%dma_wait3A_437] : memref<4x!tpu.dma_semaphore, #tpu.memory_space<semaphore_mem>> -> memref<1x!tpu.dma_semaphore, #tpu.memory_space<semaphore_mem>>
        %dma_wait3A_443 = tpu.memref_squeeze %dma_wait3A_442 : memref<1x!tpu.dma_semaphore, #tpu.memory_space<semaphore_mem>> -> memref<!tpu.dma_semaphore, #tpu.memory_space<semaphore_mem>>
        %dma_wait3A_444 = arith.constant 0 : i32
        %dma_wait3A_445 = tpu.memref_slice %arg7[%dma_wait3A_436, %dma_wait3A_444] : memref<4x80xi32, #tpu.memory_space<vmem>> -> memref<1x80xi32, #tpu.memory_space<vmem>>
        %dma_wait3A_446 = tpu.memref_squeeze %dma_wait3A_445 : memref<1x80xi32, #tpu.memory_space<vmem>> -> memref<80xi32, #tpu.memory_space<vmem>>
        %dma_wait3A_447 = tpu.memref_slice %arg3[%add3A_435] : memref<640000xi32, #tpu.memory_space<hbm>> -> memref<80xi32, #tpu.memory_space<hbm>>
        tpu.wait_dma2 semaphore(%dma_wait3A_443 : memref<!tpu.dma_semaphore, #tpu.memory_space<semaphore_mem>>) src(%dma_wait3A_447 : memref<80xi32, #tpu.memory_space<hbm>>) dst(%dma_wait3A_446 : memref<80xi32, #tpu.memory_space<vmem>>)
        %dma_wait3A_448 = arith.constant 2 : i32
        %dma_wait3A_449 = arith.constant 2 : i32
        %dma_wait3A_450 = arith.constant 2 : i32
        %dma_wait3A_451 = arith.constant 0 : i32
        %dma_wait3A_452 = arith.constant 0 : i32
        %dma_wait3A_453 = tpu.memref_slice %arg8[%dma_wait3A_449, %dma_wait3A_451, %dma_wait3A_452] : memref<4x80x128xf32, #tpu.memory_space<vmem>> -> memref<1x80x128xf32, #tpu.memory_space<vmem>>
        %dma_wait3A_454 = tpu.memref_squeeze %dma_wait3A_453 : memref<1x80x128xf32, #tpu.memory_space<vmem>> -> memref<80x128xf32, #tpu.memory_space<vmem>>
        %dma_wait3A_455 = arith.constant 0 : i32
        %dma_wait3A_456 = tpu.memref_slice %arg6[%dma_wait3A_448, %dma_wait3A_455] : memref<4x80xi32, #tpu.memory_space<vmem>> -> memref<1x80xi32, #tpu.memory_space<vmem>>
        %dma_wait3A_457 = tpu.memref_squeeze %dma_wait3A_456 : memref<1x80xi32, #tpu.memory_space<vmem>> -> memref<80xi32, #tpu.memory_space<vmem>>
        %dma_wait3A_458 = arith.constant 0 : i32
        %dma_wait3A_459 = arith.constant 0 : i32
        %dma_wait3A_460 = tpu.memref_slice %arg2[%dma_wait3A_458, %dma_wait3A_459] : memref<10000x128xf32, #tpu.memory_space<hbm>> -> memref<10000x128xf32, #tpu.memory_space<hbm>>
        %dma_wait3A_461 = tpu.memref_slice %arg11[%dma_wait3A_450] : memref<4x!tpu.dma_semaphore, #tpu.memory_space<semaphore_mem>> -> memref<1x!tpu.dma_semaphore, #tpu.memory_space<semaphore_mem>>
        %dma_wait3A_462 = tpu.memref_squeeze %dma_wait3A_461 : memref<1x!tpu.dma_semaphore, #tpu.memory_space<semaphore_mem>> -> memref<!tpu.dma_semaphore, #tpu.memory_space<semaphore_mem>>
        tpu.wait_indirect_dma semaphore(%dma_wait3A_462 : memref<!tpu.dma_semaphore, #tpu.memory_space<semaphore_mem>>) src(%dma_wait3A_460 : memref<10000x128xf32, #tpu.memory_space<hbm>>) dst(%dma_wait3A_454 : memref<80x128xf32, #tpu.memory_space<vmem>>)
        %dma_start3A_463 = arith.constant 2 : i32
        %dma_start3A_464 = arith.constant 2 : i32
        %dma_start3A_465 = arith.constant 2 : i32
        %dma_start3A_466 = arith.constant 0 : i32
        %dma_start3A_467 = arith.constant 0 : i32
        %dma_start3A_468 = tpu.memref_slice %arg8[%dma_start3A_463, %dma_start3A_466, %dma_start3A_467] : memref<4x80x128xf32, #tpu.memory_space<vmem>> -> memref<1x80x128xf32, #tpu.memory_space<vmem>>
        %dma_start3A_469 = tpu.memref_squeeze %dma_start3A_468 : memref<1x80x128xf32, #tpu.memory_space<vmem>> -> memref<80x128xf32, #tpu.memory_space<vmem>>
        %dma_start3A_470 = arith.constant 0 : i32
        %dma_start3A_471 = tpu.memref_slice %arg7[%dma_start3A_464, %dma_start3A_470] : memref<4x80xi32, #tpu.memory_space<vmem>> -> memref<1x80xi32, #tpu.memory_space<vmem>>
        %dma_start3A_472 = tpu.memref_squeeze %dma_start3A_471 : memref<1x80xi32, #tpu.memory_space<vmem>> -> memref<80xi32, #tpu.memory_space<vmem>>
        %dma_start3A_473 = arith.constant 0 : i32
        %dma_start3A_474 = arith.constant 0 : i32
        %dma_start3A_475 = tpu.memref_slice %arg5[%dma_start3A_473, %dma_start3A_474] : memref<10000x128xf32, #tpu.memory_space<vmem_shared>> -> memref<10000x128xf32, #tpu.memory_space<vmem_shared>>
        %dma_start3A_476 = tpu.memref_slice %arg12[%dma_start3A_465] : memref<4x!tpu.dma_semaphore, #tpu.memory_space<semaphore_mem>> -> memref<1x!tpu.dma_semaphore, #tpu.memory_space<semaphore_mem>>
        %dma_start3A_477 = tpu.memref_squeeze %dma_start3A_476 : memref<1x!tpu.dma_semaphore, #tpu.memory_space<semaphore_mem>> -> memref<!tpu.dma_semaphore, #tpu.memory_space<semaphore_mem>>
        tpu.enqueue_indirect_dma source(%dma_start3A_469 : memref<80x128xf32, #tpu.memory_space<vmem>>) target(%dma_start3A_475 : memref<10000x128xf32, #tpu.memory_space<vmem_shared>>) offsets(%dma_start3A_472 : memref<80xi32, #tpu.memory_space<vmem>>) semaphore(%dma_start3A_477 : memref<!tpu.dma_semaphore, #tpu.memory_space<semaphore_mem>>) {add = true}
      } else {
      }
      %add3A_306 = arith.constant 3 : i32
      %add3A_307 = arith.addi %add3A_267, %add3A_306 : i32
      %lt3A_308 = arith.constant 125 : i32
      %lt3A_309 = arith.cmpi slt, %add3A_307, %lt3A_308 : i32
      %convert_element_type3A_310 = arith.extui %lt3A_309 : i1 to i32
      %cond3A_311 = arith.constant 0 : i32
      %cond3A_312 = arith.cmpi ne, %convert_element_type3A_310, %cond3A_311 : i32
      scf.if %cond3A_312 {
        %add3A_431 = arith.constant 320000 : i32
        %add3A_432 = arith.addi %add3A_431, %mul3A_13 : i32
        %mul3A_433 = arith.constant 80 : i32
        %mul3A_434 = arith.muli %add3A_307, %mul3A_433 : i32
        %add3A_435 = arith.addi %add3A_432, %mul3A_434 : i32
        %dma_wait3A_436 = arith.constant 3 : i32
        %dma_wait3A_437 = arith.constant 3 : i32
        %dma_wait3A_438 = arith.constant 0 : i32
        %dma_wait3A_439 = tpu.memref_slice %arg7[%dma_wait3A_436, %dma_wait3A_438] : memref<4x80xi32, #tpu.memory_space<vmem>> -> memref<1x80xi32, #tpu.memory_space<vmem>>
        %dma_wait3A_440 = tpu.memref_squeeze %dma_wait3A_439 : memref<1x80xi32, #tpu.memory_space<vmem>> -> memref<80xi32, #tpu.memory_space<vmem>>
        %dma_wait3A_441 = tpu.memref_slice %arg3[%add3A_435] : memref<640000xi32, #tpu.memory_space<hbm>> -> memref<80xi32, #tpu.memory_space<hbm>>
        %dma_wait3A_442 = tpu.memref_slice %arg10[%dma_wait3A_437] : memref<4x!tpu.dma_semaphore, #tpu.memory_space<semaphore_mem>> -> memref<1x!tpu.dma_semaphore, #tpu.memory_space<semaphore_mem>>
        %dma_wait3A_443 = tpu.memref_squeeze %dma_wait3A_442 : memref<1x!tpu.dma_semaphore, #tpu.memory_space<semaphore_mem>> -> memref<!tpu.dma_semaphore, #tpu.memory_space<semaphore_mem>>
        %dma_wait3A_444 = arith.constant 0 : i32
        %dma_wait3A_445 = tpu.memref_slice %arg7[%dma_wait3A_436, %dma_wait3A_444] : memref<4x80xi32, #tpu.memory_space<vmem>> -> memref<1x80xi32, #tpu.memory_space<vmem>>
        %dma_wait3A_446 = tpu.memref_squeeze %dma_wait3A_445 : memref<1x80xi32, #tpu.memory_space<vmem>> -> memref<80xi32, #tpu.memory_space<vmem>>
        %dma_wait3A_447 = tpu.memref_slice %arg3[%add3A_435] : memref<640000xi32, #tpu.memory_space<hbm>> -> memref<80xi32, #tpu.memory_space<hbm>>
        tpu.wait_dma2 semaphore(%dma_wait3A_443 : memref<!tpu.dma_semaphore, #tpu.memory_space<semaphore_mem>>) src(%dma_wait3A_447 : memref<80xi32, #tpu.memory_space<hbm>>) dst(%dma_wait3A_446 : memref<80xi32, #tpu.memory_space<vmem>>)
        %dma_wait3A_448 = arith.constant 3 : i32
        %dma_wait3A_449 = arith.constant 3 : i32
        %dma_wait3A_450 = arith.constant 3 : i32
        %dma_wait3A_451 = arith.constant 0 : i32
        %dma_wait3A_452 = arith.constant 0 : i32
        %dma_wait3A_453 = tpu.memref_slice %arg8[%dma_wait3A_449, %dma_wait3A_451, %dma_wait3A_452] : memref<4x80x128xf32, #tpu.memory_space<vmem>> -> memref<1x80x128xf32, #tpu.memory_space<vmem>>
        %dma_wait3A_454 = tpu.memref_squeeze %dma_wait3A_453 : memref<1x80x128xf32, #tpu.memory_space<vmem>> -> memref<80x128xf32, #tpu.memory_space<vmem>>
        %dma_wait3A_455 = arith.constant 0 : i32
        %dma_wait3A_456 = tpu.memref_slice %arg6[%dma_wait3A_448, %dma_wait3A_455] : memref<4x80xi32, #tpu.memory_space<vmem>> -> memref<1x80xi32, #tpu.memory_space<vmem>>
        %dma_wait3A_457 = tpu.memref_squeeze %dma_wait3A_456 : memref<1x80xi32, #tpu.memory_space<vmem>> -> memref<80xi32, #tpu.memory_space<vmem>>
        %dma_wait3A_458 = arith.constant 0 : i32
        %dma_wait3A_459 = arith.constant 0 : i32
        %dma_wait3A_460 = tpu.memref_slice %arg2[%dma_wait3A_458, %dma_wait3A_459] : memref<10000x128xf32, #tpu.memory_space<hbm>> -> memref<10000x128xf32, #tpu.memory_space<hbm>>
        %dma_wait3A_461 = tpu.memref_slice %arg11[%dma_wait3A_450] : memref<4x!tpu.dma_semaphore, #tpu.memory_space<semaphore_mem>> -> memref<1x!tpu.dma_semaphore, #tpu.memory_space<semaphore_mem>>
        %dma_wait3A_462 = tpu.memref_squeeze %dma_wait3A_461 : memref<1x!tpu.dma_semaphore, #tpu.memory_space<semaphore_mem>> -> memref<!tpu.dma_semaphore, #tpu.memory_space<semaphore_mem>>
        tpu.wait_indirect_dma semaphore(%dma_wait3A_462 : memref<!tpu.dma_semaphore, #tpu.memory_space<semaphore_mem>>) src(%dma_wait3A_460 : memref<10000x128xf32, #tpu.memory_space<hbm>>) dst(%dma_wait3A_454 : memref<80x128xf32, #tpu.memory_space<vmem>>)
        %dma_start3A_463 = arith.constant 3 : i32
        %dma_start3A_464 = arith.constant 3 : i32
        %dma_start3A_465 = arith.constant 3 : i32
        %dma_start3A_466 = arith.constant 0 : i32
        %dma_start3A_467 = arith.constant 0 : i32
        %dma_start3A_468 = tpu.memref_slice %arg8[%dma_start3A_463, %dma_start3A_466, %dma_start3A_467] : memref<4x80x128xf32, #tpu.memory_space<vmem>> -> memref<1x80x128xf32, #tpu.memory_space<vmem>>
        %dma_start3A_469 = tpu.memref_squeeze %dma_start3A_468 : memref<1x80x128xf32, #tpu.memory_space<vmem>> -> memref<80x128xf32, #tpu.memory_space<vmem>>
        %dma_start3A_470 = arith.constant 0 : i32
        %dma_start3A_471 = tpu.memref_slice %arg7[%dma_start3A_464, %dma_start3A_470] : memref<4x80xi32, #tpu.memory_space<vmem>> -> memref<1x80xi32, #tpu.memory_space<vmem>>
        %dma_start3A_472 = tpu.memref_squeeze %dma_start3A_471 : memref<1x80xi32, #tpu.memory_space<vmem>> -> memref<80xi32, #tpu.memory_space<vmem>>
        %dma_start3A_473 = arith.constant 0 : i32
        %dma_start3A_474 = arith.constant 0 : i32
        %dma_start3A_475 = tpu.memref_slice %arg5[%dma_start3A_473, %dma_start3A_474] : memref<10000x128xf32, #tpu.memory_space<vmem_shared>> -> memref<10000x128xf32, #tpu.memory_space<vmem_shared>>
        %dma_start3A_476 = tpu.memref_slice %arg12[%dma_start3A_465] : memref<4x!tpu.dma_semaphore, #tpu.memory_space<semaphore_mem>> -> memref<1x!tpu.dma_semaphore, #tpu.memory_space<semaphore_mem>>
        %dma_start3A_477 = tpu.memref_squeeze %dma_start3A_476 : memref<1x!tpu.dma_semaphore, #tpu.memory_space<semaphore_mem>> -> memref<!tpu.dma_semaphore, #tpu.memory_space<semaphore_mem>>
        tpu.enqueue_indirect_dma source(%dma_start3A_469 : memref<80x128xf32, #tpu.memory_space<vmem>>) target(%dma_start3A_475 : memref<10000x128xf32, #tpu.memory_space<vmem_shared>>) offsets(%dma_start3A_472 : memref<80xi32, #tpu.memory_space<vmem>>) semaphore(%dma_start3A_477 : memref<!tpu.dma_semaphore, #tpu.memory_space<semaphore_mem>>) {add = true}
      } else {
      }
      %add3A_313 = arith.constant 4 : i32
      %add3A_314 = arith.addi %add3A_267, %add3A_313 : i32
      %add3A_315 = arith.constant 2 : i32
      %add3A_316 = arith.addi %add3A_314, %add3A_315 : i32
      %lt3A_317 = arith.constant 125 : i32
      %lt3A_318 = arith.cmpi slt, %add3A_316, %lt3A_317 : i32
      %convert_element_type3A_319 = arith.extui %lt3A_318 : i1 to i32
      %cond3A_320 = arith.constant 0 : i32
      %cond3A_321 = arith.cmpi ne, %convert_element_type3A_319, %cond3A_320 : i32
      scf.if %cond3A_321 {
        %mul3A_431 = arith.constant 80 : i32
        %mul3A_432 = arith.muli %add3A_316, %mul3A_431 : i32
        %add3A_433 = arith.addi %mul3A_13, %mul3A_432 : i32
        %dma_start3A_434 = arith.constant 2 : i32
        %dma_start3A_435 = arith.constant 2 : i32
        %dma_start3A_436 = arith.constant 0 : i32
        %dma_start3A_437 = tpu.memref_slice %arg6[%dma_start3A_434, %dma_start3A_436] : memref<4x80xi32, #tpu.memory_space<vmem>> -> memref<1x80xi32, #tpu.memory_space<vmem>>
        %dma_start3A_438 = tpu.memref_squeeze %dma_start3A_437 : memref<1x80xi32, #tpu.memory_space<vmem>> -> memref<80xi32, #tpu.memory_space<vmem>>
        %dma_start3A_439 = tpu.memref_slice %arg3[%add3A_433] : memref<640000xi32, #tpu.memory_space<hbm>> -> memref<80xi32, #tpu.memory_space<hbm>>
        %dma_start3A_440 = tpu.memref_slice %arg9[%dma_start3A_435] : memref<4x!tpu.dma_semaphore, #tpu.memory_space<semaphore_mem>> -> memref<1x!tpu.dma_semaphore, #tpu.memory_space<semaphore_mem>>
        %dma_start3A_441 = tpu.memref_squeeze %dma_start3A_440 : memref<1x!tpu.dma_semaphore, #tpu.memory_space<semaphore_mem>> -> memref<!tpu.dma_semaphore, #tpu.memory_space<semaphore_mem>>
        %dma_start3A_442 = arith.constant 0 : i32
        %dma_start3A_443 = tpu.memref_slice %arg6[%dma_start3A_434, %dma_start3A_442] : memref<4x80xi32, #tpu.memory_space<vmem>> -> memref<1x80xi32, #tpu.memory_space<vmem>>
        %dma_start3A_444 = tpu.memref_squeeze %dma_start3A_443 : memref<1x80xi32, #tpu.memory_space<vmem>> -> memref<80xi32, #tpu.memory_space<vmem>>
        %dma_start3A_445 = tpu.memref_slice %arg3[%add3A_433] : memref<640000xi32, #tpu.memory_space<hbm>> -> memref<80xi32, #tpu.memory_space<hbm>>
        tpu.enqueue_dma source(%dma_start3A_445 : memref<80xi32, #tpu.memory_space<hbm>>) target(%dma_start3A_444 : memref<80xi32, #tpu.memory_space<vmem>>) target_semaphore(%dma_start3A_441 : memref<!tpu.dma_semaphore, #tpu.memory_space<semaphore_mem>>)
      } else {
      }
      %add3A_322 = arith.constant 4 : i32
      %add3A_323 = arith.addi %add3A_267, %add3A_322 : i32
      %add3A_324 = arith.constant 3 : i32
      %add3A_325 = arith.addi %add3A_323, %add3A_324 : i32
      %lt3A_326 = arith.constant 125 : i32
      %lt3A_327 = arith.cmpi slt, %add3A_325, %lt3A_326 : i32
      %convert_element_type3A_328 = arith.extui %lt3A_327 : i1 to i32
      %cond3A_329 = arith.constant 0 : i32
      %cond3A_330 = arith.cmpi ne, %convert_element_type3A_328, %cond3A_329 : i32
      scf.if %cond3A_330 {
        %mul3A_431 = arith.constant 80 : i32
        %mul3A_432 = arith.muli %add3A_325, %mul3A_431 : i32
        %add3A_433 = arith.addi %mul3A_13, %mul3A_432 : i32
        %dma_start3A_434 = arith.constant 3 : i32
        %dma_start3A_435 = arith.constant 3 : i32
        %dma_start3A_436 = arith.constant 0 : i32
        %dma_start3A_437 = tpu.memref_slice %arg6[%dma_start3A_434, %dma_start3A_436] : memref<4x80xi32, #tpu.memory_space<vmem>> -> memref<1x80xi32, #tpu.memory_space<vmem>>
        %dma_start3A_438 = tpu.memref_squeeze %dma_start3A_437 : memref<1x80xi32, #tpu.memory_space<vmem>> -> memref<80xi32, #tpu.memory_space<vmem>>
        %dma_start3A_439 = tpu.memref_slice %arg3[%add3A_433] : memref<640000xi32, #tpu.memory_space<hbm>> -> memref<80xi32, #tpu.memory_space<hbm>>
        %dma_start3A_440 = tpu.memref_slice %arg9[%dma_start3A_435] : memref<4x!tpu.dma_semaphore, #tpu.memory_space<semaphore_mem>> -> memref<1x!tpu.dma_semaphore, #tpu.memory_space<semaphore_mem>>
        %dma_start3A_441 = tpu.memref_squeeze %dma_start3A_440 : memref<1x!tpu.dma_semaphore, #tpu.memory_space<semaphore_mem>> -> memref<!tpu.dma_semaphore, #tpu.memory_space<semaphore_mem>>
        %dma_start3A_442 = arith.constant 0 : i32
        %dma_start3A_443 = tpu.memref_slice %arg6[%dma_start3A_434, %dma_start3A_442] : memref<4x80xi32, #tpu.memory_space<vmem>> -> memref<1x80xi32, #tpu.memory_space<vmem>>
        %dma_start3A_444 = tpu.memref_squeeze %dma_start3A_443 : memref<1x80xi32, #tpu.memory_space<vmem>> -> memref<80xi32, #tpu.memory_space<vmem>>
        %dma_start3A_445 = tpu.memref_slice %arg3[%add3A_433] : memref<640000xi32, #tpu.memory_space<hbm>> -> memref<80xi32, #tpu.memory_space<hbm>>
        tpu.enqueue_dma source(%dma_start3A_445 : memref<80xi32, #tpu.memory_space<hbm>>) target(%dma_start3A_444 : memref<80xi32, #tpu.memory_space<vmem>>) target_semaphore(%dma_start3A_441 : memref<!tpu.dma_semaphore, #tpu.memory_space<semaphore_mem>>)
      } else {
      }
      %add3A_331 = arith.constant 0 : i32
      %add3A_332 = arith.addi %add3A_267, %add3A_331 : i32
      %lt3A_333 = arith.constant 125 : i32
      %lt3A_334 = arith.cmpi slt, %add3A_332, %lt3A_333 : i32
      %convert_element_type3A_335 = arith.extui %lt3A_334 : i1 to i32
      %cond3A_336 = arith.constant 0 : i32
      %cond3A_337 = arith.cmpi ne, %convert_element_type3A_335, %cond3A_336 : i32
      scf.if %cond3A_337 {
        %dma_wait3A_431 = arith.constant 0 : i32
        %dma_wait3A_432 = arith.constant 0 : i32
        %dma_wait3A_433 = arith.constant 0 : i32
        %dma_wait3A_434 = arith.constant 0 : i32
        %dma_wait3A_435 = arith.constant 0 : i32
        %dma_wait3A_436 = tpu.memref_slice %arg8[%dma_wait3A_431, %dma_wait3A_434, %dma_wait3A_435] : memref<4x80x128xf32, #tpu.memory_space<vmem>> -> memref<1x80x128xf32, #tpu.memory_space<vmem>>
        %dma_wait3A_437 = tpu.memref_squeeze %dma_wait3A_436 : memref<1x80x128xf32, #tpu.memory_space<vmem>> -> memref<80x128xf32, #tpu.memory_space<vmem>>
        %dma_wait3A_438 = arith.constant 0 : i32
        %dma_wait3A_439 = tpu.memref_slice %arg7[%dma_wait3A_432, %dma_wait3A_438] : memref<4x80xi32, #tpu.memory_space<vmem>> -> memref<1x80xi32, #tpu.memory_space<vmem>>
        %dma_wait3A_440 = tpu.memref_squeeze %dma_wait3A_439 : memref<1x80xi32, #tpu.memory_space<vmem>> -> memref<80xi32, #tpu.memory_space<vmem>>
        %dma_wait3A_441 = arith.constant 0 : i32
        %dma_wait3A_442 = arith.constant 0 : i32
        %dma_wait3A_443 = tpu.memref_slice %arg5[%dma_wait3A_441, %dma_wait3A_442] : memref<10000x128xf32, #tpu.memory_space<vmem_shared>> -> memref<10000x128xf32, #tpu.memory_space<vmem_shared>>
        %dma_wait3A_444 = tpu.memref_slice %arg12[%dma_wait3A_433] : memref<4x!tpu.dma_semaphore, #tpu.memory_space<semaphore_mem>> -> memref<1x!tpu.dma_semaphore, #tpu.memory_space<semaphore_mem>>
        %dma_wait3A_445 = tpu.memref_squeeze %dma_wait3A_444 : memref<1x!tpu.dma_semaphore, #tpu.memory_space<semaphore_mem>> -> memref<!tpu.dma_semaphore, #tpu.memory_space<semaphore_mem>>
        tpu.wait_indirect_dma semaphore(%dma_wait3A_445 : memref<!tpu.dma_semaphore, #tpu.memory_space<semaphore_mem>>) src(%dma_wait3A_437 : memref<80x128xf32, #tpu.memory_space<vmem>>) dst(%dma_wait3A_443 : memref<10000x128xf32, #tpu.memory_space<vmem_shared>>)
      } else {
      }
      %add3A_338 = arith.constant 4 : i32
      %add3A_339 = arith.addi %add3A_267, %add3A_338 : i32
      %add3A_340 = arith.constant 0 : i32
      %add3A_341 = arith.addi %add3A_339, %add3A_340 : i32
      %lt3A_342 = arith.constant 125 : i32
      %lt3A_343 = arith.cmpi slt, %add3A_341, %lt3A_342 : i32
      %convert_element_type3A_344 = arith.extui %lt3A_343 : i1 to i32
      %cond3A_345 = arith.constant 0 : i32
      %cond3A_346 = arith.cmpi ne, %convert_element_type3A_344, %cond3A_345 : i32
      scf.if %cond3A_346 {
        %add3A_431 = arith.constant 320000 : i32
        %add3A_432 = arith.addi %add3A_431, %mul3A_13 : i32
        %mul3A_433 = arith.constant 80 : i32
        %mul3A_434 = arith.muli %add3A_341, %mul3A_433 : i32
        %add3A_435 = arith.addi %add3A_432, %mul3A_434 : i32
        %dma_start3A_436 = arith.constant 0 : i32
        %dma_start3A_437 = arith.constant 0 : i32
        %dma_start3A_438 = arith.constant 0 : i32
        %dma_start3A_439 = tpu.memref_slice %arg7[%dma_start3A_436, %dma_start3A_438] : memref<4x80xi32, #tpu.memory_space<vmem>> -> memref<1x80xi32, #tpu.memory_space<vmem>>
        %dma_start3A_440 = tpu.memref_squeeze %dma_start3A_439 : memref<1x80xi32, #tpu.memory_space<vmem>> -> memref<80xi32, #tpu.memory_space<vmem>>
        %dma_start3A_441 = tpu.memref_slice %arg3[%add3A_435] : memref<640000xi32, #tpu.memory_space<hbm>> -> memref<80xi32, #tpu.memory_space<hbm>>
        %dma_start3A_442 = tpu.memref_slice %arg10[%dma_start3A_437] : memref<4x!tpu.dma_semaphore, #tpu.memory_space<semaphore_mem>> -> memref<1x!tpu.dma_semaphore, #tpu.memory_space<semaphore_mem>>
        %dma_start3A_443 = tpu.memref_squeeze %dma_start3A_442 : memref<1x!tpu.dma_semaphore, #tpu.memory_space<semaphore_mem>> -> memref<!tpu.dma_semaphore, #tpu.memory_space<semaphore_mem>>
        %dma_start3A_444 = arith.constant 0 : i32
        %dma_start3A_445 = tpu.memref_slice %arg7[%dma_start3A_436, %dma_start3A_444] : memref<4x80xi32, #tpu.memory_space<vmem>> -> memref<1x80xi32, #tpu.memory_space<vmem>>
        %dma_start3A_446 = tpu.memref_squeeze %dma_start3A_445 : memref<1x80xi32, #tpu.memory_space<vmem>> -> memref<80xi32, #tpu.memory_space<vmem>>
        %dma_start3A_447 = tpu.memref_slice %arg3[%add3A_435] : memref<640000xi32, #tpu.memory_space<hbm>> -> memref<80xi32, #tpu.memory_space<hbm>>
        tpu.enqueue_dma source(%dma_start3A_447 : memref<80xi32, #tpu.memory_space<hbm>>) target(%dma_start3A_446 : memref<80xi32, #tpu.memory_space<vmem>>) target_semaphore(%dma_start3A_443 : memref<!tpu.dma_semaphore, #tpu.memory_space<semaphore_mem>>)
      } else {
      }
      %add3A_347 = arith.constant 4 : i32
      %add3A_348 = arith.addi %add3A_267, %add3A_347 : i32
      %add3A_349 = arith.constant 0 : i32
      %add3A_350 = arith.addi %add3A_348, %add3A_349 : i32
      %lt3A_351 = arith.constant 125 : i32
      %lt3A_352 = arith.cmpi slt, %add3A_350, %lt3A_351 : i32
      %convert_element_type3A_353 = arith.extui %lt3A_352 : i1 to i32
      %cond3A_354 = arith.constant 0 : i32
      %cond3A_355 = arith.cmpi ne, %convert_element_type3A_353, %cond3A_354 : i32
      scf.if %cond3A_355 {
        %mul3A_431 = arith.constant 80 : i32
        %mul3A_432 = arith.muli %add3A_350, %mul3A_431 : i32
        %add3A_433 = arith.addi %mul3A_13, %mul3A_432 : i32
        %dma_wait3A_434 = arith.constant 0 : i32
        %dma_wait3A_435 = arith.constant 0 : i32
        %dma_wait3A_436 = arith.constant 0 : i32
        %dma_wait3A_437 = tpu.memref_slice %arg6[%dma_wait3A_434, %dma_wait3A_436] : memref<4x80xi32, #tpu.memory_space<vmem>> -> memref<1x80xi32, #tpu.memory_space<vmem>>
        %dma_wait3A_438 = tpu.memref_squeeze %dma_wait3A_437 : memref<1x80xi32, #tpu.memory_space<vmem>> -> memref<80xi32, #tpu.memory_space<vmem>>
        %dma_wait3A_439 = tpu.memref_slice %arg3[%add3A_433] : memref<640000xi32, #tpu.memory_space<hbm>> -> memref<80xi32, #tpu.memory_space<hbm>>
        %dma_wait3A_440 = tpu.memref_slice %arg9[%dma_wait3A_435] : memref<4x!tpu.dma_semaphore, #tpu.memory_space<semaphore_mem>> -> memref<1x!tpu.dma_semaphore, #tpu.memory_space<semaphore_mem>>
        %dma_wait3A_441 = tpu.memref_squeeze %dma_wait3A_440 : memref<1x!tpu.dma_semaphore, #tpu.memory_space<semaphore_mem>> -> memref<!tpu.dma_semaphore, #tpu.memory_space<semaphore_mem>>
        %dma_wait3A_442 = arith.constant 0 : i32
        %dma_wait3A_443 = tpu.memref_slice %arg6[%dma_wait3A_434, %dma_wait3A_442] : memref<4x80xi32, #tpu.memory_space<vmem>> -> memref<1x80xi32, #tpu.memory_space<vmem>>
        %dma_wait3A_444 = tpu.memref_squeeze %dma_wait3A_443 : memref<1x80xi32, #tpu.memory_space<vmem>> -> memref<80xi32, #tpu.memory_space<vmem>>
        %dma_wait3A_445 = tpu.memref_slice %arg3[%add3A_433] : memref<640000xi32, #tpu.memory_space<hbm>> -> memref<80xi32, #tpu.memory_space<hbm>>
        tpu.wait_dma2 semaphore(%dma_wait3A_441 : memref<!tpu.dma_semaphore, #tpu.memory_space<semaphore_mem>>) src(%dma_wait3A_445 : memref<80xi32, #tpu.memory_space<hbm>>) dst(%dma_wait3A_444 : memref<80xi32, #tpu.memory_space<vmem>>)
        %dma_start3A_446 = arith.constant 0 : i32
        %dma_start3A_447 = arith.constant 0 : i32
        %dma_start3A_448 = arith.constant 0 : i32
        %dma_start3A_449 = arith.constant 0 : i32
        %dma_start3A_450 = arith.constant 0 : i32
        %dma_start3A_451 = tpu.memref_slice %arg8[%dma_start3A_447, %dma_start3A_449, %dma_start3A_450] : memref<4x80x128xf32, #tpu.memory_space<vmem>> -> memref<1x80x128xf32, #tpu.memory_space<vmem>>
        %dma_start3A_452 = tpu.memref_squeeze %dma_start3A_451 : memref<1x80x128xf32, #tpu.memory_space<vmem>> -> memref<80x128xf32, #tpu.memory_space<vmem>>
        %dma_start3A_453 = arith.constant 0 : i32
        %dma_start3A_454 = tpu.memref_slice %arg6[%dma_start3A_446, %dma_start3A_453] : memref<4x80xi32, #tpu.memory_space<vmem>> -> memref<1x80xi32, #tpu.memory_space<vmem>>
        %dma_start3A_455 = tpu.memref_squeeze %dma_start3A_454 : memref<1x80xi32, #tpu.memory_space<vmem>> -> memref<80xi32, #tpu.memory_space<vmem>>
        %dma_start3A_456 = arith.constant 0 : i32
        %dma_start3A_457 = arith.constant 0 : i32
        %dma_start3A_458 = tpu.memref_slice %arg2[%dma_start3A_456, %dma_start3A_457] : memref<10000x128xf32, #tpu.memory_space<hbm>> -> memref<10000x128xf32, #tpu.memory_space<hbm>>
        %dma_start3A_459 = tpu.memref_slice %arg11[%dma_start3A_448] : memref<4x!tpu.dma_semaphore, #tpu.memory_space<semaphore_mem>> -> memref<1x!tpu.dma_semaphore, #tpu.memory_space<semaphore_mem>>
        %dma_start3A_460 = tpu.memref_squeeze %dma_start3A_459 : memref<1x!tpu.dma_semaphore, #tpu.memory_space<semaphore_mem>> -> memref<!tpu.dma_semaphore, #tpu.memory_space<semaphore_mem>>
        tpu.enqueue_indirect_dma source(%dma_start3A_458 : memref<10000x128xf32, #tpu.memory_space<hbm>>) target(%dma_start3A_452 : memref<80x128xf32, #tpu.memory_space<vmem>>) offsets(%dma_start3A_455 : memref<80xi32, #tpu.memory_space<vmem>>) semaphore(%dma_start3A_460 : memref<!tpu.dma_semaphore, #tpu.memory_space<semaphore_mem>>)
      } else {
      }
      %add3A_356 = arith.constant 1 : i32
      %add3A_357 = arith.addi %add3A_267, %add3A_356 : i32
      %lt3A_358 = arith.constant 125 : i32
      %lt3A_359 = arith.cmpi slt, %add3A_357, %lt3A_358 : i32
      %convert_element_type3A_360 = arith.extui %lt3A_359 : i1 to i32
      %cond3A_361 = arith.constant 0 : i32
      %cond3A_362 = arith.cmpi ne, %convert_element_type3A_360, %cond3A_361 : i32
      scf.if %cond3A_362 {
        %dma_wait3A_431 = arith.constant 1 : i32
        %dma_wait3A_432 = arith.constant 1 : i32
        %dma_wait3A_433 = arith.constant 1 : i32
        %dma_wait3A_434 = arith.constant 0 : i32
        %dma_wait3A_435 = arith.constant 0 : i32
        %dma_wait3A_436 = tpu.memref_slice %arg8[%dma_wait3A_431, %dma_wait3A_434, %dma_wait3A_435] : memref<4x80x128xf32, #tpu.memory_space<vmem>> -> memref<1x80x128xf32, #tpu.memory_space<vmem>>
        %dma_wait3A_437 = tpu.memref_squeeze %dma_wait3A_436 : memref<1x80x128xf32, #tpu.memory_space<vmem>> -> memref<80x128xf32, #tpu.memory_space<vmem>>
        %dma_wait3A_438 = arith.constant 0 : i32
        %dma_wait3A_439 = tpu.memref_slice %arg7[%dma_wait3A_432, %dma_wait3A_438] : memref<4x80xi32, #tpu.memory_space<vmem>> -> memref<1x80xi32, #tpu.memory_space<vmem>>
        %dma_wait3A_440 = tpu.memref_squeeze %dma_wait3A_439 : memref<1x80xi32, #tpu.memory_space<vmem>> -> memref<80xi32, #tpu.memory_space<vmem>>
        %dma_wait3A_441 = arith.constant 0 : i32
        %dma_wait3A_442 = arith.constant 0 : i32
        %dma_wait3A_443 = tpu.memref_slice %arg5[%dma_wait3A_441, %dma_wait3A_442] : memref<10000x128xf32, #tpu.memory_space<vmem_shared>> -> memref<10000x128xf32, #tpu.memory_space<vmem_shared>>
        %dma_wait3A_444 = tpu.memref_slice %arg12[%dma_wait3A_433] : memref<4x!tpu.dma_semaphore, #tpu.memory_space<semaphore_mem>> -> memref<1x!tpu.dma_semaphore, #tpu.memory_space<semaphore_mem>>
        %dma_wait3A_445 = tpu.memref_squeeze %dma_wait3A_444 : memref<1x!tpu.dma_semaphore, #tpu.memory_space<semaphore_mem>> -> memref<!tpu.dma_semaphore, #tpu.memory_space<semaphore_mem>>
        tpu.wait_indirect_dma semaphore(%dma_wait3A_445 : memref<!tpu.dma_semaphore, #tpu.memory_space<semaphore_mem>>) src(%dma_wait3A_437 : memref<80x128xf32, #tpu.memory_space<vmem>>) dst(%dma_wait3A_443 : memref<10000x128xf32, #tpu.memory_space<vmem_shared>>)
      } else {
      }
      %add3A_363 = arith.constant 4 : i32
      %add3A_364 = arith.addi %add3A_267, %add3A_363 : i32
      %add3A_365 = arith.constant 1 : i32
      %add3A_366 = arith.addi %add3A_364, %add3A_365 : i32
      %lt3A_367 = arith.constant 125 : i32
      %lt3A_368 = arith.cmpi slt, %add3A_366, %lt3A_367 : i32
      %convert_element_type3A_369 = arith.extui %lt3A_368 : i1 to i32
      %cond3A_370 = arith.constant 0 : i32
      %cond3A_371 = arith.cmpi ne, %convert_element_type3A_369, %cond3A_370 : i32
      scf.if %cond3A_371 {
        %add3A_431 = arith.constant 320000 : i32
        %add3A_432 = arith.addi %add3A_431, %mul3A_13 : i32
        %mul3A_433 = arith.constant 80 : i32
        %mul3A_434 = arith.muli %add3A_366, %mul3A_433 : i32
        %add3A_435 = arith.addi %add3A_432, %mul3A_434 : i32
        %dma_start3A_436 = arith.constant 1 : i32
        %dma_start3A_437 = arith.constant 1 : i32
        %dma_start3A_438 = arith.constant 0 : i32
        %dma_start3A_439 = tpu.memref_slice %arg7[%dma_start3A_436, %dma_start3A_438] : memref<4x80xi32, #tpu.memory_space<vmem>> -> memref<1x80xi32, #tpu.memory_space<vmem>>
        %dma_start3A_440 = tpu.memref_squeeze %dma_start3A_439 : memref<1x80xi32, #tpu.memory_space<vmem>> -> memref<80xi32, #tpu.memory_space<vmem>>
        %dma_start3A_441 = tpu.memref_slice %arg3[%add3A_435] : memref<640000xi32, #tpu.memory_space<hbm>> -> memref<80xi32, #tpu.memory_space<hbm>>
        %dma_start3A_442 = tpu.memref_slice %arg10[%dma_start3A_437] : memref<4x!tpu.dma_semaphore, #tpu.memory_space<semaphore_mem>> -> memref<1x!tpu.dma_semaphore, #tpu.memory_space<semaphore_mem>>
        %dma_start3A_443 = tpu.memref_squeeze %dma_start3A_442 : memref<1x!tpu.dma_semaphore, #tpu.memory_space<semaphore_mem>> -> memref<!tpu.dma_semaphore, #tpu.memory_space<semaphore_mem>>
        %dma_start3A_444 = arith.constant 0 : i32
        %dma_start3A_445 = tpu.memref_slice %arg7[%dma_start3A_436, %dma_start3A_444] : memref<4x80xi32, #tpu.memory_space<vmem>> -> memref<1x80xi32, #tpu.memory_space<vmem>>
        %dma_start3A_446 = tpu.memref_squeeze %dma_start3A_445 : memref<1x80xi32, #tpu.memory_space<vmem>> -> memref<80xi32, #tpu.memory_space<vmem>>
        %dma_start3A_447 = tpu.memref_slice %arg3[%add3A_435] : memref<640000xi32, #tpu.memory_space<hbm>> -> memref<80xi32, #tpu.memory_space<hbm>>
        tpu.enqueue_dma source(%dma_start3A_447 : memref<80xi32, #tpu.memory_space<hbm>>) target(%dma_start3A_446 : memref<80xi32, #tpu.memory_space<vmem>>) target_semaphore(%dma_start3A_443 : memref<!tpu.dma_semaphore, #tpu.memory_space<semaphore_mem>>)
      } else {
      }
      %add3A_372 = arith.constant 4 : i32
      %add3A_373 = arith.addi %add3A_267, %add3A_372 : i32
      %add3A_374 = arith.constant 1 : i32
      %add3A_375 = arith.addi %add3A_373, %add3A_374 : i32
      %lt3A_376 = arith.constant 125 : i32
      %lt3A_377 = arith.cmpi slt, %add3A_375, %lt3A_376 : i32
      %convert_element_type3A_378 = arith.extui %lt3A_377 : i1 to i32
      %cond3A_379 = arith.constant 0 : i32
      %cond3A_380 = arith.cmpi ne, %convert_element_type3A_378, %cond3A_379 : i32
      scf.if %cond3A_380 {
        %mul3A_431 = arith.constant 80 : i32
        %mul3A_432 = arith.muli %add3A_375, %mul3A_431 : i32
        %add3A_433 = arith.addi %mul3A_13, %mul3A_432 : i32
        %dma_wait3A_434 = arith.constant 1 : i32
        %dma_wait3A_435 = arith.constant 1 : i32
        %dma_wait3A_436 = arith.constant 0 : i32
        %dma_wait3A_437 = tpu.memref_slice %arg6[%dma_wait3A_434, %dma_wait3A_436] : memref<4x80xi32, #tpu.memory_space<vmem>> -> memref<1x80xi32, #tpu.memory_space<vmem>>
        %dma_wait3A_438 = tpu.memref_squeeze %dma_wait3A_437 : memref<1x80xi32, #tpu.memory_space<vmem>> -> memref<80xi32, #tpu.memory_space<vmem>>
        %dma_wait3A_439 = tpu.memref_slice %arg3[%add3A_433] : memref<640000xi32, #tpu.memory_space<hbm>> -> memref<80xi32, #tpu.memory_space<hbm>>
        %dma_wait3A_440 = tpu.memref_slice %arg9[%dma_wait3A_435] : memref<4x!tpu.dma_semaphore, #tpu.memory_space<semaphore_mem>> -> memref<1x!tpu.dma_semaphore, #tpu.memory_space<semaphore_mem>>
        %dma_wait3A_441 = tpu.memref_squeeze %dma_wait3A_440 : memref<1x!tpu.dma_semaphore, #tpu.memory_space<semaphore_mem>> -> memref<!tpu.dma_semaphore, #tpu.memory_space<semaphore_mem>>
        %dma_wait3A_442 = arith.constant 0 : i32
        %dma_wait3A_443 = tpu.memref_slice %arg6[%dma_wait3A_434, %dma_wait3A_442] : memref<4x80xi32, #tpu.memory_space<vmem>> -> memref<1x80xi32, #tpu.memory_space<vmem>>
        %dma_wait3A_444 = tpu.memref_squeeze %dma_wait3A_443 : memref<1x80xi32, #tpu.memory_space<vmem>> -> memref<80xi32, #tpu.memory_space<vmem>>
        %dma_wait3A_445 = tpu.memref_slice %arg3[%add3A_433] : memref<640000xi32, #tpu.memory_space<hbm>> -> memref<80xi32, #tpu.memory_space<hbm>>
        tpu.wait_dma2 semaphore(%dma_wait3A_441 : memref<!tpu.dma_semaphore, #tpu.memory_space<semaphore_mem>>) src(%dma_wait3A_445 : memref<80xi32, #tpu.memory_space<hbm>>) dst(%dma_wait3A_444 : memref<80xi32, #tpu.memory_space<vmem>>)
        %dma_start3A_446 = arith.constant 1 : i32
        %dma_start3A_447 = arith.constant 1 : i32
        %dma_start3A_448 = arith.constant 1 : i32
        %dma_start3A_449 = arith.constant 0 : i32
        %dma_start3A_450 = arith.constant 0 : i32
        %dma_start3A_451 = tpu.memref_slice %arg8[%dma_start3A_447, %dma_start3A_449, %dma_start3A_450] : memref<4x80x128xf32, #tpu.memory_space<vmem>> -> memref<1x80x128xf32, #tpu.memory_space<vmem>>
        %dma_start3A_452 = tpu.memref_squeeze %dma_start3A_451 : memref<1x80x128xf32, #tpu.memory_space<vmem>> -> memref<80x128xf32, #tpu.memory_space<vmem>>
        %dma_start3A_453 = arith.constant 0 : i32
        %dma_start3A_454 = tpu.memref_slice %arg6[%dma_start3A_446, %dma_start3A_453] : memref<4x80xi32, #tpu.memory_space<vmem>> -> memref<1x80xi32, #tpu.memory_space<vmem>>
        %dma_start3A_455 = tpu.memref_squeeze %dma_start3A_454 : memref<1x80xi32, #tpu.memory_space<vmem>> -> memref<80xi32, #tpu.memory_space<vmem>>
        %dma_start3A_456 = arith.constant 0 : i32
        %dma_start3A_457 = arith.constant 0 : i32
        %dma_start3A_458 = tpu.memref_slice %arg2[%dma_start3A_456, %dma_start3A_457] : memref<10000x128xf32, #tpu.memory_space<hbm>> -> memref<10000x128xf32, #tpu.memory_space<hbm>>
        %dma_start3A_459 = tpu.memref_slice %arg11[%dma_start3A_448] : memref<4x!tpu.dma_semaphore, #tpu.memory_space<semaphore_mem>> -> memref<1x!tpu.dma_semaphore, #tpu.memory_space<semaphore_mem>>
        %dma_start3A_460 = tpu.memref_squeeze %dma_start3A_459 : memref<1x!tpu.dma_semaphore, #tpu.memory_space<semaphore_mem>> -> memref<!tpu.dma_semaphore, #tpu.memory_space<semaphore_mem>>
        tpu.enqueue_indirect_dma source(%dma_start3A_458 : memref<10000x128xf32, #tpu.memory_space<hbm>>) target(%dma_start3A_452 : memref<80x128xf32, #tpu.memory_space<vmem>>) offsets(%dma_start3A_455 : memref<80xi32, #tpu.memory_space<vmem>>) semaphore(%dma_start3A_460 : memref<!tpu.dma_semaphore, #tpu.memory_space<semaphore_mem>>)
      } else {
      }
      %add3A_381 = arith.constant 2 : i32
      %add3A_382 = arith.addi %add3A_267, %add3A_381 : i32
      %lt3A_383 = arith.constant 125 : i32
      %lt3A_384 = arith.cmpi slt, %add3A_382, %lt3A_383 : i32
      %convert_element_type3A_385 = arith.extui %lt3A_384 : i1 to i32
      %cond3A_386 = arith.constant 0 : i32
      %cond3A_387 = arith.cmpi ne, %convert_element_type3A_385, %cond3A_386 : i32
      scf.if %cond3A_387 {
        %dma_wait3A_431 = arith.constant 2 : i32
        %dma_wait3A_432 = arith.constant 2 : i32
        %dma_wait3A_433 = arith.constant 2 : i32
        %dma_wait3A_434 = arith.constant 0 : i32
        %dma_wait3A_435 = arith.constant 0 : i32
        %dma_wait3A_436 = tpu.memref_slice %arg8[%dma_wait3A_431, %dma_wait3A_434, %dma_wait3A_435] : memref<4x80x128xf32, #tpu.memory_space<vmem>> -> memref<1x80x128xf32, #tpu.memory_space<vmem>>
        %dma_wait3A_437 = tpu.memref_squeeze %dma_wait3A_436 : memref<1x80x128xf32, #tpu.memory_space<vmem>> -> memref<80x128xf32, #tpu.memory_space<vmem>>
        %dma_wait3A_438 = arith.constant 0 : i32
        %dma_wait3A_439 = tpu.memref_slice %arg7[%dma_wait3A_432, %dma_wait3A_438] : memref<4x80xi32, #tpu.memory_space<vmem>> -> memref<1x80xi32, #tpu.memory_space<vmem>>
        %dma_wait3A_440 = tpu.memref_squeeze %dma_wait3A_439 : memref<1x80xi32, #tpu.memory_space<vmem>> -> memref<80xi32, #tpu.memory_space<vmem>>
        %dma_wait3A_441 = arith.constant 0 : i32
        %dma_wait3A_442 = arith.constant 0 : i32
        %dma_wait3A_443 = tpu.memref_slice %arg5[%dma_wait3A_441, %dma_wait3A_442] : memref<10000x128xf32, #tpu.memory_space<vmem_shared>> -> memref<10000x128xf32, #tpu.memory_space<vmem_shared>>
        %dma_wait3A_444 = tpu.memref_slice %arg12[%dma_wait3A_433] : memref<4x!tpu.dma_semaphore, #tpu.memory_space<semaphore_mem>> -> memref<1x!tpu.dma_semaphore, #tpu.memory_space<semaphore_mem>>
        %dma_wait3A_445 = tpu.memref_squeeze %dma_wait3A_444 : memref<1x!tpu.dma_semaphore, #tpu.memory_space<semaphore_mem>> -> memref<!tpu.dma_semaphore, #tpu.memory_space<semaphore_mem>>
        tpu.wait_indirect_dma semaphore(%dma_wait3A_445 : memref<!tpu.dma_semaphore, #tpu.memory_space<semaphore_mem>>) src(%dma_wait3A_437 : memref<80x128xf32, #tpu.memory_space<vmem>>) dst(%dma_wait3A_443 : memref<10000x128xf32, #tpu.memory_space<vmem_shared>>)
      } else {
      }
      %add3A_388 = arith.constant 4 : i32
      %add3A_389 = arith.addi %add3A_267, %add3A_388 : i32
      %add3A_390 = arith.constant 2 : i32
      %add3A_391 = arith.addi %add3A_389, %add3A_390 : i32
      %lt3A_392 = arith.constant 125 : i32
      %lt3A_393 = arith.cmpi slt, %add3A_391, %lt3A_392 : i32
      %convert_element_type3A_394 = arith.extui %lt3A_393 : i1 to i32
      %cond3A_395 = arith.constant 0 : i32
      %cond3A_396 = arith.cmpi ne, %convert_element_type3A_394, %cond3A_395 : i32
      scf.if %cond3A_396 {
        %add3A_431 = arith.constant 320000 : i32
        %add3A_432 = arith.addi %add3A_431, %mul3A_13 : i32
        %mul3A_433 = arith.constant 80 : i32
        %mul3A_434 = arith.muli %add3A_391, %mul3A_433 : i32
        %add3A_435 = arith.addi %add3A_432, %mul3A_434 : i32
        %dma_start3A_436 = arith.constant 2 : i32
        %dma_start3A_437 = arith.constant 2 : i32
        %dma_start3A_438 = arith.constant 0 : i32
        %dma_start3A_439 = tpu.memref_slice %arg7[%dma_start3A_436, %dma_start3A_438] : memref<4x80xi32, #tpu.memory_space<vmem>> -> memref<1x80xi32, #tpu.memory_space<vmem>>
        %dma_start3A_440 = tpu.memref_squeeze %dma_start3A_439 : memref<1x80xi32, #tpu.memory_space<vmem>> -> memref<80xi32, #tpu.memory_space<vmem>>
        %dma_start3A_441 = tpu.memref_slice %arg3[%add3A_435] : memref<640000xi32, #tpu.memory_space<hbm>> -> memref<80xi32, #tpu.memory_space<hbm>>
        %dma_start3A_442 = tpu.memref_slice %arg10[%dma_start3A_437] : memref<4x!tpu.dma_semaphore, #tpu.memory_space<semaphore_mem>> -> memref<1x!tpu.dma_semaphore, #tpu.memory_space<semaphore_mem>>
        %dma_start3A_443 = tpu.memref_squeeze %dma_start3A_442 : memref<1x!tpu.dma_semaphore, #tpu.memory_space<semaphore_mem>> -> memref<!tpu.dma_semaphore, #tpu.memory_space<semaphore_mem>>
        %dma_start3A_444 = arith.constant 0 : i32
        %dma_start3A_445 = tpu.memref_slice %arg7[%dma_start3A_436, %dma_start3A_444] : memref<4x80xi32, #tpu.memory_space<vmem>> -> memref<1x80xi32, #tpu.memory_space<vmem>>
        %dma_start3A_446 = tpu.memref_squeeze %dma_start3A_445 : memref<1x80xi32, #tpu.memory_space<vmem>> -> memref<80xi32, #tpu.memory_space<vmem>>
        %dma_start3A_447 = tpu.memref_slice %arg3[%add3A_435] : memref<640000xi32, #tpu.memory_space<hbm>> -> memref<80xi32, #tpu.memory_space<hbm>>
        tpu.enqueue_dma source(%dma_start3A_447 : memref<80xi32, #tpu.memory_space<hbm>>) target(%dma_start3A_446 : memref<80xi32, #tpu.memory_space<vmem>>) target_semaphore(%dma_start3A_443 : memref<!tpu.dma_semaphore, #tpu.memory_space<semaphore_mem>>)
      } else {
      }
      %add3A_397 = arith.constant 4 : i32
      %add3A_398 = arith.addi %add3A_267, %add3A_397 : i32
      %add3A_399 = arith.constant 2 : i32
      %add3A_400 = arith.addi %add3A_398, %add3A_399 : i32
      %lt3A_401 = arith.constant 125 : i32
      %lt3A_402 = arith.cmpi slt, %add3A_400, %lt3A_401 : i32
      %convert_element_type3A_403 = arith.extui %lt3A_402 : i1 to i32
      %cond3A_404 = arith.constant 0 : i32
      %cond3A_405 = arith.cmpi ne, %convert_element_type3A_403, %cond3A_404 : i32
      scf.if %cond3A_405 {
        %mul3A_431 = arith.constant 80 : i32
        %mul3A_432 = arith.muli %add3A_400, %mul3A_431 : i32
        %add3A_433 = arith.addi %mul3A_13, %mul3A_432 : i32
        %dma_wait3A_434 = arith.constant 2 : i32
        %dma_wait3A_435 = arith.constant 2 : i32
        %dma_wait3A_436 = arith.constant 0 : i32
        %dma_wait3A_437 = tpu.memref_slice %arg6[%dma_wait3A_434, %dma_wait3A_436] : memref<4x80xi32, #tpu.memory_space<vmem>> -> memref<1x80xi32, #tpu.memory_space<vmem>>
        %dma_wait3A_438 = tpu.memref_squeeze %dma_wait3A_437 : memref<1x80xi32, #tpu.memory_space<vmem>> -> memref<80xi32, #tpu.memory_space<vmem>>
        %dma_wait3A_439 = tpu.memref_slice %arg3[%add3A_433] : memref<640000xi32, #tpu.memory_space<hbm>> -> memref<80xi32, #tpu.memory_space<hbm>>
        %dma_wait3A_440 = tpu.memref_slice %arg9[%dma_wait3A_435] : memref<4x!tpu.dma_semaphore, #tpu.memory_space<semaphore_mem>> -> memref<1x!tpu.dma_semaphore, #tpu.memory_space<semaphore_mem>>
        %dma_wait3A_441 = tpu.memref_squeeze %dma_wait3A_440 : memref<1x!tpu.dma_semaphore, #tpu.memory_space<semaphore_mem>> -> memref<!tpu.dma_semaphore, #tpu.memory_space<semaphore_mem>>
        %dma_wait3A_442 = arith.constant 0 : i32
        %dma_wait3A_443 = tpu.memref_slice %arg6[%dma_wait3A_434, %dma_wait3A_442] : memref<4x80xi32, #tpu.memory_space<vmem>> -> memref<1x80xi32, #tpu.memory_space<vmem>>
        %dma_wait3A_444 = tpu.memref_squeeze %dma_wait3A_443 : memref<1x80xi32, #tpu.memory_space<vmem>> -> memref<80xi32, #tpu.memory_space<vmem>>
        %dma_wait3A_445 = tpu.memref_slice %arg3[%add3A_433] : memref<640000xi32, #tpu.memory_space<hbm>> -> memref<80xi32, #tpu.memory_space<hbm>>
        tpu.wait_dma2 semaphore(%dma_wait3A_441 : memref<!tpu.dma_semaphore, #tpu.memory_space<semaphore_mem>>) src(%dma_wait3A_445 : memref<80xi32, #tpu.memory_space<hbm>>) dst(%dma_wait3A_444 : memref<80xi32, #tpu.memory_space<vmem>>)
        %dma_start3A_446 = arith.constant 2 : i32
        %dma_start3A_447 = arith.constant 2 : i32
        %dma_start3A_448 = arith.constant 2 : i32
        %dma_start3A_449 = arith.constant 0 : i32
        %dma_start3A_450 = arith.constant 0 : i32
        %dma_start3A_451 = tpu.memref_slice %arg8[%dma_start3A_447, %dma_start3A_449, %dma_start3A_450] : memref<4x80x128xf32, #tpu.memory_space<vmem>> -> memref<1x80x128xf32, #tpu.memory_space<vmem>>
        %dma_start3A_452 = tpu.memref_squeeze %dma_start3A_451 : memref<1x80x128xf32, #tpu.memory_space<vmem>> -> memref<80x128xf32, #tpu.memory_space<vmem>>
        %dma_start3A_453 = arith.constant 0 : i32
        %dma_start3A_454 = tpu.memref_slice %arg6[%dma_start3A_446, %dma_start3A_453] : memref<4x80xi32, #tpu.memory_space<vmem>> -> memref<1x80xi32, #tpu.memory_space<vmem>>
        %dma_start3A_455 = tpu.memref_squeeze %dma_start3A_454 : memref<1x80xi32, #tpu.memory_space<vmem>> -> memref<80xi32, #tpu.memory_space<vmem>>
        %dma_start3A_456 = arith.constant 0 : i32
        %dma_start3A_457 = arith.constant 0 : i32
        %dma_start3A_458 = tpu.memref_slice %arg2[%dma_start3A_456, %dma_start3A_457] : memref<10000x128xf32, #tpu.memory_space<hbm>> -> memref<10000x128xf32, #tpu.memory_space<hbm>>
        %dma_start3A_459 = tpu.memref_slice %arg11[%dma_start3A_448] : memref<4x!tpu.dma_semaphore, #tpu.memory_space<semaphore_mem>> -> memref<1x!tpu.dma_semaphore, #tpu.memory_space<semaphore_mem>>
        %dma_start3A_460 = tpu.memref_squeeze %dma_start3A_459 : memref<1x!tpu.dma_semaphore, #tpu.memory_space<semaphore_mem>> -> memref<!tpu.dma_semaphore, #tpu.memory_space<semaphore_mem>>
        tpu.enqueue_indirect_dma source(%dma_start3A_458 : memref<10000x128xf32, #tpu.memory_space<hbm>>) target(%dma_start3A_452 : memref<80x128xf32, #tpu.memory_space<vmem>>) offsets(%dma_start3A_455 : memref<80xi32, #tpu.memory_space<vmem>>) semaphore(%dma_start3A_460 : memref<!tpu.dma_semaphore, #tpu.memory_space<semaphore_mem>>)
      } else {
      }
      %add3A_406 = arith.constant 3 : i32
      %add3A_407 = arith.addi %add3A_267, %add3A_406 : i32
      %lt3A_408 = arith.constant 125 : i32
      %lt3A_409 = arith.cmpi slt, %add3A_407, %lt3A_408 : i32
      %convert_element_type3A_410 = arith.extui %lt3A_409 : i1 to i32
      %cond3A_411 = arith.constant 0 : i32
      %cond3A_412 = arith.cmpi ne, %convert_element_type3A_410, %cond3A_411 : i32
      scf.if %cond3A_412 {
        %dma_wait3A_431 = arith.constant 3 : i32
        %dma_wait3A_432 = arith.constant 3 : i32
        %dma_wait3A_433 = arith.constant 3 : i32
        %dma_wait3A_434 = arith.constant 0 : i32
        %dma_wait3A_435 = arith.constant 0 : i32
        %dma_wait3A_436 = tpu.memref_slice %arg8[%dma_wait3A_431, %dma_wait3A_434, %dma_wait3A_435] : memref<4x80x128xf32, #tpu.memory_space<vmem>> -> memref<1x80x128xf32, #tpu.memory_space<vmem>>
        %dma_wait3A_437 = tpu.memref_squeeze %dma_wait3A_436 : memref<1x80x128xf32, #tpu.memory_space<vmem>> -> memref<80x128xf32, #tpu.memory_space<vmem>>
        %dma_wait3A_438 = arith.constant 0 : i32
        %dma_wait3A_439 = tpu.memref_slice %arg7[%dma_wait3A_432, %dma_wait3A_438] : memref<4x80xi32, #tpu.memory_space<vmem>> -> memref<1x80xi32, #tpu.memory_space<vmem>>
        %dma_wait3A_440 = tpu.memref_squeeze %dma_wait3A_439 : memref<1x80xi32, #tpu.memory_space<vmem>> -> memref<80xi32, #tpu.memory_space<vmem>>
        %dma_wait3A_441 = arith.constant 0 : i32
        %dma_wait3A_442 = arith.constant 0 : i32
        %dma_wait3A_443 = tpu.memref_slice %arg5[%dma_wait3A_441, %dma_wait3A_442] : memref<10000x128xf32, #tpu.memory_space<vmem_shared>> -> memref<10000x128xf32, #tpu.memory_space<vmem_shared>>
        %dma_wait3A_444 = tpu.memref_slice %arg12[%dma_wait3A_433] : memref<4x!tpu.dma_semaphore, #tpu.memory_space<semaphore_mem>> -> memref<1x!tpu.dma_semaphore, #tpu.memory_space<semaphore_mem>>
        %dma_wait3A_445 = tpu.memref_squeeze %dma_wait3A_444 : memref<1x!tpu.dma_semaphore, #tpu.memory_space<semaphore_mem>> -> memref<!tpu.dma_semaphore, #tpu.memory_space<semaphore_mem>>
        tpu.wait_indirect_dma semaphore(%dma_wait3A_445 : memref<!tpu.dma_semaphore, #tpu.memory_space<semaphore_mem>>) src(%dma_wait3A_437 : memref<80x128xf32, #tpu.memory_space<vmem>>) dst(%dma_wait3A_443 : memref<10000x128xf32, #tpu.memory_space<vmem_shared>>)
      } else {
      }
      %add3A_413 = arith.constant 4 : i32
      %add3A_414 = arith.addi %add3A_267, %add3A_413 : i32
      %add3A_415 = arith.constant 3 : i32
      %add3A_416 = arith.addi %add3A_414, %add3A_415 : i32
      %lt3A_417 = arith.constant 125 : i32
      %lt3A_418 = arith.cmpi slt, %add3A_416, %lt3A_417 : i32
      %convert_element_type3A_419 = arith.extui %lt3A_418 : i1 to i32
      %cond3A_420 = arith.constant 0 : i32
      %cond3A_421 = arith.cmpi ne, %convert_element_type3A_419, %cond3A_420 : i32
      scf.if %cond3A_421 {
        %add3A_431 = arith.constant 320000 : i32
        %add3A_432 = arith.addi %add3A_431, %mul3A_13 : i32
        %mul3A_433 = arith.constant 80 : i32
        %mul3A_434 = arith.muli %add3A_416, %mul3A_433 : i32
        %add3A_435 = arith.addi %add3A_432, %mul3A_434 : i32
        %dma_start3A_436 = arith.constant 3 : i32
        %dma_start3A_437 = arith.constant 3 : i32
        %dma_start3A_438 = arith.constant 0 : i32
        %dma_start3A_439 = tpu.memref_slice %arg7[%dma_start3A_436, %dma_start3A_438] : memref<4x80xi32, #tpu.memory_space<vmem>> -> memref<1x80xi32, #tpu.memory_space<vmem>>
        %dma_start3A_440 = tpu.memref_squeeze %dma_start3A_439 : memref<1x80xi32, #tpu.memory_space<vmem>> -> memref<80xi32, #tpu.memory_space<vmem>>
        %dma_start3A_441 = tpu.memref_slice %arg3[%add3A_435] : memref<640000xi32, #tpu.memory_space<hbm>> -> memref<80xi32, #tpu.memory_space<hbm>>
        %dma_start3A_442 = tpu.memref_slice %arg10[%dma_start3A_437] : memref<4x!tpu.dma_semaphore, #tpu.memory_space<semaphore_mem>> -> memref<1x!tpu.dma_semaphore, #tpu.memory_space<semaphore_mem>>
        %dma_start3A_443 = tpu.memref_squeeze %dma_start3A_442 : memref<1x!tpu.dma_semaphore, #tpu.memory_space<semaphore_mem>> -> memref<!tpu.dma_semaphore, #tpu.memory_space<semaphore_mem>>
        %dma_start3A_444 = arith.constant 0 : i32
        %dma_start3A_445 = tpu.memref_slice %arg7[%dma_start3A_436, %dma_start3A_444] : memref<4x80xi32, #tpu.memory_space<vmem>> -> memref<1x80xi32, #tpu.memory_space<vmem>>
        %dma_start3A_446 = tpu.memref_squeeze %dma_start3A_445 : memref<1x80xi32, #tpu.memory_space<vmem>> -> memref<80xi32, #tpu.memory_space<vmem>>
        %dma_start3A_447 = tpu.memref_slice %arg3[%add3A_435] : memref<640000xi32, #tpu.memory_space<hbm>> -> memref<80xi32, #tpu.memory_space<hbm>>
        tpu.enqueue_dma source(%dma_start3A_447 : memref<80xi32, #tpu.memory_space<hbm>>) target(%dma_start3A_446 : memref<80xi32, #tpu.memory_space<vmem>>) target_semaphore(%dma_start3A_443 : memref<!tpu.dma_semaphore, #tpu.memory_space<semaphore_mem>>)
      } else {
      }
      %add3A_422 = arith.constant 4 : i32
      %add3A_423 = arith.addi %add3A_267, %add3A_422 : i32
      %add3A_424 = arith.constant 3 : i32
      %add3A_425 = arith.addi %add3A_423, %add3A_424 : i32
      %lt3A_426 = arith.constant 125 : i32
      %lt3A_427 = arith.cmpi slt, %add3A_425, %lt3A_426 : i32
      %convert_element_type3A_428 = arith.extui %lt3A_427 : i1 to i32
      %cond3A_429 = arith.constant 0 : i32
      %cond3A_430 = arith.cmpi ne, %convert_element_type3A_428, %cond3A_429 : i32
      scf.if %cond3A_430 {
        %mul3A_431 = arith.constant 80 : i32
        %mul3A_432 = arith.muli %add3A_425, %mul3A_431 : i32
        %add3A_433 = arith.addi %mul3A_13, %mul3A_432 : i32
        %dma_wait3A_434 = arith.constant 3 : i32
        %dma_wait3A_435 = arith.constant 3 : i32
        %dma_wait3A_436 = arith.constant 0 : i32
        %dma_wait3A_437 = tpu.memref_slice %arg6[%dma_wait3A_434, %dma_wait3A_436] : memref<4x80xi32, #tpu.memory_space<vmem>> -> memref<1x80xi32, #tpu.memory_space<vmem>>
        %dma_wait3A_438 = tpu.memref_squeeze %dma_wait3A_437 : memref<1x80xi32, #tpu.memory_space<vmem>> -> memref<80xi32, #tpu.memory_space<vmem>>
        %dma_wait3A_439 = tpu.memref_slice %arg3[%add3A_433] : memref<640000xi32, #tpu.memory_space<hbm>> -> memref<80xi32, #tpu.memory_space<hbm>>
        %dma_wait3A_440 = tpu.memref_slice %arg9[%dma_wait3A_435] : memref<4x!tpu.dma_semaphore, #tpu.memory_space<semaphore_mem>> -> memref<1x!tpu.dma_semaphore, #tpu.memory_space<semaphore_mem>>
        %dma_wait3A_441 = tpu.memref_squeeze %dma_wait3A_440 : memref<1x!tpu.dma_semaphore, #tpu.memory_space<semaphore_mem>> -> memref<!tpu.dma_semaphore, #tpu.memory_space<semaphore_mem>>
        %dma_wait3A_442 = arith.constant 0 : i32
        %dma_wait3A_443 = tpu.memref_slice %arg6[%dma_wait3A_434, %dma_wait3A_442] : memref<4x80xi32, #tpu.memory_space<vmem>> -> memref<1x80xi32, #tpu.memory_space<vmem>>
        %dma_wait3A_444 = tpu.memref_squeeze %dma_wait3A_443 : memref<1x80xi32, #tpu.memory_space<vmem>> -> memref<80xi32, #tpu.memory_space<vmem>>
        %dma_wait3A_445 = tpu.memref_slice %arg3[%add3A_433] : memref<640000xi32, #tpu.memory_space<hbm>> -> memref<80xi32, #tpu.memory_space<hbm>>
        tpu.wait_dma2 semaphore(%dma_wait3A_441 : memref<!tpu.dma_semaphore, #tpu.memory_space<semaphore_mem>>) src(%dma_wait3A_445 : memref<80xi32, #tpu.memory_space<hbm>>) dst(%dma_wait3A_444 : memref<80xi32, #tpu.memory_space<vmem>>)
        %dma_start3A_446 = arith.constant 3 : i32
        %dma_start3A_447 = arith.constant 3 : i32
        %dma_start3A_448 = arith.constant 3 : i32
        %dma_start3A_449 = arith.constant 0 : i32
        %dma_start3A_450 = arith.constant 0 : i32
        %dma_start3A_451 = tpu.memref_slice %arg8[%dma_start3A_447, %dma_start3A_449, %dma_start3A_450] : memref<4x80x128xf32, #tpu.memory_space<vmem>> -> memref<1x80x128xf32, #tpu.memory_space<vmem>>
        %dma_start3A_452 = tpu.memref_squeeze %dma_start3A_451 : memref<1x80x128xf32, #tpu.memory_space<vmem>> -> memref<80x128xf32, #tpu.memory_space<vmem>>
        %dma_start3A_453 = arith.constant 0 : i32
        %dma_start3A_454 = tpu.memref_slice %arg6[%dma_start3A_446, %dma_start3A_453] : memref<4x80xi32, #tpu.memory_space<vmem>> -> memref<1x80xi32, #tpu.memory_space<vmem>>
        %dma_start3A_455 = tpu.memref_squeeze %dma_start3A_454 : memref<1x80xi32, #tpu.memory_space<vmem>> -> memref<80xi32, #tpu.memory_space<vmem>>
        %dma_start3A_456 = arith.constant 0 : i32
        %dma_start3A_457 = arith.constant 0 : i32
        %dma_start3A_458 = tpu.memref_slice %arg2[%dma_start3A_456, %dma_start3A_457] : memref<10000x128xf32, #tpu.memory_space<hbm>> -> memref<10000x128xf32, #tpu.memory_space<hbm>>
        %dma_start3A_459 = tpu.memref_slice %arg11[%dma_start3A_448] : memref<4x!tpu.dma_semaphore, #tpu.memory_space<semaphore_mem>> -> memref<1x!tpu.dma_semaphore, #tpu.memory_space<semaphore_mem>>
        %dma_start3A_460 = tpu.memref_squeeze %dma_start3A_459 : memref<1x!tpu.dma_semaphore, #tpu.memory_space<semaphore_mem>> -> memref<!tpu.dma_semaphore, #tpu.memory_space<semaphore_mem>>
        tpu.enqueue_indirect_dma source(%dma_start3A_458 : memref<10000x128xf32, #tpu.memory_space<hbm>>) target(%dma_start3A_452 : memref<80x128xf32, #tpu.memory_space<vmem>>) offsets(%dma_start3A_455 : memref<80xi32, #tpu.memory_space<vmem>>) semaphore(%dma_start3A_460 : memref<!tpu.dma_semaphore, #tpu.memory_space<semaphore_mem>>)
      } else {
      }
    }
    %scan3A_252 = arith.constant 32 : i32
    %barrier3A_253 = arith.constant 0 : index
    tpu.barrier barrier_id(%barrier3A_253)
    %mul3A_254 = arith.constant 624 : i32
    %mul3A_255 = arith.muli %arg1, %mul3A_254 : i32
    %mul3A_256 = arith.constant 624 : i32
    %mul3A_257 = arith.muli %arg1, %mul3A_256 : i32
    "tpu.region"() ({
      %run_scoped3A = tpu.sem_alloc : memref<!tpu.dma_semaphore, #tpu.memory_space<semaphore_mem>>
      %dma_start3A_263 = arith.constant 0 : i32
      %dma_start3A_264 = tpu.memref_slice %arg4[%arg0, %mul3A_257, %dma_start3A_263] : memref<2x10000x128xf32, #tpu.memory_space<hbm>> -> memref<1x624x128xf32, #tpu.memory_space<hbm>>
      %dma_start3A_265 = tpu.memref_squeeze %dma_start3A_264 : memref<1x624x128xf32, #tpu.memory_space<hbm>> -> memref<624x128xf32, #tpu.memory_space<hbm>>
      %dma_start3A_266 = arith.constant 0 : i32
      %dma_start3A_267 = tpu.memref_slice %arg5[%mul3A_255, %dma_start3A_266] : memref<10000x128xf32, #tpu.memory_space<vmem_shared>> -> memref<624x128xf32, #tpu.memory_space<vmem_shared>>
      tpu.enqueue_dma source(%dma_start3A_267 : memref<624x128xf32, #tpu.memory_space<vmem_shared>>) target(%dma_start3A_265 : memref<624x128xf32, #tpu.memory_space<hbm>>) target_semaphore(%run_scoped3A : memref<!tpu.dma_semaphore, #tpu.memory_space<semaphore_mem>>)
      %dma_wait3A_268 = arith.constant 0 : i32
      %dma_wait3A_269 = tpu.memref_slice %arg4[%arg0, %mul3A_257, %dma_wait3A_268] : memref<2x10000x128xf32, #tpu.memory_space<hbm>> -> memref<1x624x128xf32, #tpu.memory_space<hbm>>
      %dma_wait3A_270 = tpu.memref_squeeze %dma_wait3A_269 : memref<1x624x128xf32, #tpu.memory_space<hbm>> -> memref<624x128xf32, #tpu.memory_space<hbm>>
      %dma_wait3A_271 = arith.constant 0 : i32
      %dma_wait3A_272 = tpu.memref_slice %arg5[%mul3A_255, %dma_wait3A_271] : memref<10000x128xf32, #tpu.memory_space<vmem_shared>> -> memref<624x128xf32, #tpu.memory_space<vmem_shared>>
      tpu.wait_dma2 semaphore(%run_scoped3A : memref<!tpu.dma_semaphore, #tpu.memory_space<semaphore_mem>>) src(%dma_wait3A_272 : memref<624x128xf32, #tpu.memory_space<vmem_shared>>) dst(%dma_wait3A_270 : memref<624x128xf32, #tpu.memory_space<hbm>>)
      tpu.yield
    }) : () -> ()
    %eq3A_258 = arith.constant 0 : i32
    %eq3A_259 = arith.cmpi eq, %arg1, %eq3A_258 : i32
    %convert_element_type3A_260 = arith.extui %eq3A_259 : i1 to i32
    %cond3A_261 = arith.constant 0 : i32
    %cond3A_262 = arith.cmpi ne, %convert_element_type3A_260, %cond3A_261 : i32
    scf.if %cond3A_262 {
      "tpu.region"() ({
        %run_scoped3A = tpu.sem_alloc : memref<!tpu.dma_semaphore, #tpu.memory_space<semaphore_mem>>
        %dma_start3A_263 = arith.constant 9984 : i32
        %dma_start3A_264 = arith.constant 0 : i32
        %dma_start3A_265 = tpu.memref_slice %arg4[%arg0, %dma_start3A_263, %dma_start3A_264] : memref<2x10000x128xf32, #tpu.memory_space<hbm>> -> memref<1x16x128xf32, #tpu.memory_space<hbm>>
        %dma_start3A_266 = tpu.memref_squeeze %dma_start3A_265 : memref<1x16x128xf32, #tpu.memory_space<hbm>> -> memref<16x128xf32, #tpu.memory_space<hbm>>
        %dma_start3A_267 = arith.constant 9984 : i32
        %dma_start3A_268 = arith.constant 0 : i32
        %dma_start3A_269 = tpu.memref_slice %arg5[%dma_start3A_267, %dma_start3A_268] : memref<10000x128xf32, #tpu.memory_space<vmem_shared>> -> memref<16x128xf32, #tpu.memory_space<vmem_shared>>
        tpu.enqueue_dma source(%dma_start3A_269 : memref<16x128xf32, #tpu.memory_space<vmem_shared>>) target(%dma_start3A_266 : memref<16x128xf32, #tpu.memory_space<hbm>>) target_semaphore(%run_scoped3A : memref<!tpu.dma_semaphore, #tpu.memory_space<semaphore_mem>>)
        %dma_wait3A_270 = arith.constant 9984 : i32
        %dma_wait3A_271 = arith.constant 0 : i32
        %dma_wait3A_272 = tpu.memref_slice %arg4[%arg0, %dma_wait3A_270, %dma_wait3A_271] : memref<2x10000x128xf32, #tpu.memory_space<hbm>> -> memref<1x16x128xf32, #tpu.memory_space<hbm>>
        %dma_wait3A_273 = tpu.memref_squeeze %dma_wait3A_272 : memref<1x16x128xf32, #tpu.memory_space<hbm>> -> memref<16x128xf32, #tpu.memory_space<hbm>>
        %dma_wait3A_274 = arith.constant 9984 : i32
        %dma_wait3A_275 = arith.constant 0 : i32
        %dma_wait3A_276 = tpu.memref_slice %arg5[%dma_wait3A_274, %dma_wait3A_275] : memref<10000x128xf32, #tpu.memory_space<vmem_shared>> -> memref<16x128xf32, #tpu.memory_space<vmem_shared>>
        tpu.wait_dma2 semaphore(%run_scoped3A : memref<!tpu.dma_semaphore, #tpu.memory_space<semaphore_mem>>) src(%dma_wait3A_276 : memref<16x128xf32, #tpu.memory_space<vmem_shared>>) dst(%dma_wait3A_273 : memref<16x128xf32, #tpu.memory_space<hbm>>)
        tpu.yield
      }) : () -> ()
    } else {
    }
    return
  }
}

#map = affine_map<(d0, d1) -> (0, 0)>
#map1 = affine_map<(d0, d1) -> (0)>
#map2 = affine_map<(d0, d1) -> (0, 0, 0)>
module attributes {stable_mosaic.version = 14 : i64} {
  func.func @_seg_sum_kernel(%arg0: i32, %arg1: i32, %arg2: memref<10000x128xf32, #tpu.memory_space<hbm>>, %arg3: memref<640000xi32, #tpu.memory_space<hbm>>, %arg4: memref<2x10000x128xf32, #tpu.memory_space<hbm>>, %arg5: memref<10000x128xf32, #tpu.memory_space<vmem_shared>>, %arg6: memref<4x80xi32, #tpu.memory_space<vmem>>, %arg7: memref<4x80xi32, #tpu.memory_space<vmem>>, %arg8: memref<4x80x128xf32, #tpu.memory_space<vmem>>, %arg9: memref<4x!tpu.dma_semaphore, #tpu.memory_space<semaphore_mem>>, %arg10: memref<4x!tpu.dma_semaphore, #tpu.memory_space<semaphore_mem>>, %arg11: memref<4x!tpu.dma_semaphore, #tpu.memory_space<semaphore_mem>>, %arg12: memref<4x!tpu.dma_semaphore, #tpu.memory_space<semaphore_mem>>) attributes {dimension_semantics = [#tpu.dimension_semantics<core_parallel>, #tpu.dimension_semantics<subcore_parallel>], iteration_bounds = array<i64: 2, 16>, scalar_prefetch = 0 : i64, scratch_operands = 8 : i64, tpu.core_type = #tpu.core_type<sc_vector_subcore>, window_params = [{transform_indices = #map}, {transform_indices = #map1}, {transform_indices = #map2}]} {
    %mul3A = arith.constant 2 : i32
    %mul3A_0 = arith.muli %arg1, %mul3A : i32
    %add3A = arith.addi %mul3A_0, %arg0 : i32
    %scan3A = arith.constant 0 : i32
    %scan3A_1 = arith.constant 48 : i32
    %scan3A_2 = arith.addi %scan3A, %scan3A_1 : i32
    %scan3A_3 = arith.constant 1 : i32
    scf.for %scan3A_263 = %scan3A to %scan3A_2 step %scan3A_3  : i32 {
      %mul3A_264 = arith.constant 1 : i32
      %mul3A_265 = arith.muli %scan3A_263, %mul3A_264 : i32
      %add3A_266 = arith.constant 0 : i32
      %add3A_267 = arith.addi %add3A_266, %mul3A_265 : i32
      %scan3A_268 = arith.constant 0 : i32
      %scan3A_269 = arith.constant 8 : i32
      %scan3A_270 = arith.addi %scan3A_268, %scan3A_269 : i32
      %scan3A_271 = arith.constant 1 : i32
      scf.for %scan3A_273 = %scan3A_268 to %scan3A_270 step %scan3A_271  : i32 {
        %mul3A_274 = arith.constant 16 : i32
        %mul3A_275 = arith.muli %scan3A_273, %mul3A_274 : i32
        %add3A_276 = arith.constant 0 : i32
        %add3A_277 = arith.addi %add3A_276, %mul3A_275 : i32
        %broadcast_in_dim3A = arith.constant 0.000000e+00 : f32
        %broadcast_in_dim3A_278 = vector.broadcast %broadcast_in_dim3A : f32 to vector<16xf32>
        %swap3A = arith.constant 0 : i32
        %swap3A_279 = arith.index_cast %swap3A : i32 to index
        %swap3A_280 = arith.index_cast %add3A_267 : i32 to index
        %swap3A_281 = arith.index_cast %add3A_277 : i32 to index
        %swap3A_282 = tpu.vector_load %arg8[%swap3A_279, %swap3A_280, %swap3A_281] {strides = array<i32>} : memref<4x80x128xf32, #tpu.memory_space<vmem>>, vector<1x1x16xf32>,
        %swap3A_283 = vector.shape_cast %swap3A_282 : vector<1x1x16xf32> to vector<16xf32>
        %swap3A_284 = vector.shape_cast %broadcast_in_dim3A_278 : vector<16xf32> to vector<1x1x16xf32>
        tpu.vector_store %arg8[%swap3A_279, %swap3A_280, %swap3A_281], %swap3A_284 {strides = array<i32>} : memref<4x80x128xf32, #tpu.memory_space<vmem>>, vector<1x1x16xf32>,
      }
      %scan3A_272 = arith.constant 8 : i32
    }
    %scan3A_4 = arith.constant 48 : i32
    %scan3A_5 = arith.constant 0 : i32
    %scan3A_6 = arith.constant 13 : i32
    %scan3A_7 = arith.addi %scan3A_5, %scan3A_6 : i32
    %scan3A_8 = arith.constant 1 : i32
    scf.for %scan3A_263 = %scan3A_5 to %scan3A_7 step %scan3A_8  : i32 {
      %mul3A_264 = arith.constant 48 : i32
      %mul3A_265 = arith.muli %scan3A_263, %mul3A_264 : i32
      %add3A_266 = arith.constant 0 : i32
      %add3A_267 = arith.addi %add3A_266, %mul3A_265 : i32
      %mul3A_268 = arith.constant 624 : i32
      %mul3A_269 = arith.muli %arg1, %mul3A_268 : i32
      %add3A_270 = arith.addi %mul3A_269, %add3A_267 : i32
      %run_scoped3A = arith.constant 0 : i32
      "tpu.region"() ({
        %run_scoped3A_271 = tpu.sem_alloc : memref<!tpu.dma_semaphore, #tpu.memory_space<semaphore_mem>>
        %dma_start3A_272 = arith.constant 0 : i32
        %dma_start3A_273 = arith.constant 0 : i32
        %dma_start3A_274 = tpu.memref_slice %arg8[%run_scoped3A, %dma_start3A_272, %dma_start3A_273] : memref<4x80x128xf32, #tpu.memory_space<vmem>> -> memref<1x48x128xf32, #tpu.memory_space<vmem>>
        %dma_start3A_275 = tpu.memref_squeeze %dma_start3A_274 : memref<1x48x128xf32, #tpu.memory_space<vmem>> -> memref<48x128xf32, #tpu.memory_space<vmem>>
        %dma_start3A_276 = arith.constant 0 : i32
        %dma_start3A_277 = tpu.memref_slice %arg5[%add3A_270, %dma_start3A_276] : memref<10000x128xf32, #tpu.memory_space<vmem_shared>> -> memref<48x128xf32, #tpu.memory_space<vmem_shared>>
        %dma_start3A_278 = arith.constant 0 : i32
        %dma_start3A_279 = tpu.memref_slice %arg5[%add3A_270, %dma_start3A_278] : memref<10000x128xf32, #tpu.memory_space<vmem_shared>> -> memref<48x128xf32, #tpu.memory_space<vmem_shared>>
        %dma_start3A_280 = arith.constant 0 : i32
        %dma_start3A_281 = arith.constant 0 : i32
        %dma_start3A_282 = tpu.memref_slice %arg8[%run_scoped3A, %dma_start3A_280, %dma_start3A_281] : memref<4x80x128xf32, #tpu.memory_space<vmem>> -> memref<1x48x128xf32, #tpu.memory_space<vmem>>
        %dma_start3A_283 = tpu.memref_squeeze %dma_start3A_282 : memref<1x48x128xf32, #tpu.memory_space<vmem>> -> memref<48x128xf32, #tpu.memory_space<vmem>>
        tpu.enqueue_dma source(%dma_start3A_283 : memref<48x128xf32, #tpu.memory_space<vmem>>) target(%dma_start3A_279 : memref<48x128xf32, #tpu.memory_space<vmem_shared>>) target_semaphore(%run_scoped3A_271 : memref<!tpu.dma_semaphore, #tpu.memory_space<semaphore_mem>>)
        %dma_wait3A_284 = arith.constant 0 : i32
        %dma_wait3A_285 = arith.constant 0 : i32
        %dma_wait3A_286 = tpu.memref_slice %arg8[%run_scoped3A, %dma_wait3A_284, %dma_wait3A_285] : memref<4x80x128xf32, #tpu.memory_space<vmem>> -> memref<1x48x128xf32, #tpu.memory_space<vmem>>
        %dma_wait3A_287 = tpu.memref_squeeze %dma_wait3A_286 : memref<1x48x128xf32, #tpu.memory_space<vmem>> -> memref<48x128xf32, #tpu.memory_space<vmem>>
        %dma_wait3A_288 = arith.constant 0 : i32
        %dma_wait3A_289 = tpu.memref_slice %arg5[%add3A_270, %dma_wait3A_288] : memref<10000x128xf32, #tpu.memory_space<vmem_shared>> -> memref<48x128xf32, #tpu.memory_space<vmem_shared>>
        %dma_wait3A_290 = arith.constant 0 : i32
        %dma_wait3A_291 = tpu.memref_slice %arg5[%add3A_270, %dma_wait3A_290] : memref<10000x128xf32, #tpu.memory_space<vmem_shared>> -> memref<48x128xf32, #tpu.memory_space<vmem_shared>>
        %dma_wait3A_292 = arith.constant 0 : i32
        %dma_wait3A_293 = arith.constant 0 : i32
        %dma_wait3A_294 = tpu.memref_slice %arg8[%run_scoped3A, %dma_wait3A_292, %dma_wait3A_293] : memref<4x80x128xf32, #tpu.memory_space<vmem>> -> memref<1x48x128xf32, #tpu.memory_space<vmem>>
        %dma_wait3A_295 = tpu.memref_squeeze %dma_wait3A_294 : memref<1x48x128xf32, #tpu.memory_space<vmem>> -> memref<48x128xf32, #tpu.memory_space<vmem>>
        tpu.wait_dma2 semaphore(%run_scoped3A_271 : memref<!tpu.dma_semaphore, #tpu.memory_space<semaphore_mem>>) src(%dma_wait3A_295 : memref<48x128xf32, #tpu.memory_space<vmem>>) dst(%dma_wait3A_291 : memref<48x128xf32, #tpu.memory_space<vmem_shared>>)
        tpu.yield
      }) : () -> ()
    }
    %scan3A_9 = arith.constant 13 : i32
    %eq3A = arith.constant 0 : i32
    %eq3A_10 = arith.cmpi eq, %arg1, %eq3A : i32
    %convert_element_type3A = arith.extui %eq3A_10 : i1 to i32
    %cond3A = arith.constant 0 : i32
    %cond3A_11 = arith.cmpi ne, %convert_element_type3A, %cond3A : i32
    scf.if %cond3A_11 {
      %run_scoped3A = arith.constant 0 : i32
      "tpu.region"() ({
        %run_scoped3A_263 = tpu.sem_alloc : memref<!tpu.dma_semaphore, #tpu.memory_space<semaphore_mem>>
        %dma_start3A_264 = arith.constant 0 : i32
        %dma_start3A_265 = arith.constant 0 : i32
        %dma_start3A_266 = tpu.memref_slice %arg8[%run_scoped3A, %dma_start3A_264, %dma_start3A_265] : memref<4x80x128xf32, #tpu.memory_space<vmem>> -> memref<1x16x128xf32, #tpu.memory_space<vmem>>
        %dma_start3A_267 = tpu.memref_squeeze %dma_start3A_266 : memref<1x16x128xf32, #tpu.memory_space<vmem>> -> memref<16x128xf32, #tpu.memory_space<vmem>>
        %dma_start3A_268 = arith.constant 9984 : i32
        %dma_start3A_269 = arith.constant 0 : i32
        %dma_start3A_270 = tpu.memref_slice %arg5[%dma_start3A_268, %dma_start3A_269] : memref<10000x128xf32, #tpu.memory_space<vmem_shared>> -> memref<16x128xf32, #tpu.memory_space<vmem_shared>>
        %dma_start3A_271 = arith.constant 9984 : i32
        %dma_start3A_272 = arith.constant 0 : i32
        %dma_start3A_273 = tpu.memref_slice %arg5[%dma_start3A_271, %dma_start3A_272] : memref<10000x128xf32, #tpu.memory_space<vmem_shared>> -> memref<16x128xf32, #tpu.memory_space<vmem_shared>>
        %dma_start3A_274 = arith.constant 0 : i32
        %dma_start3A_275 = arith.constant 0 : i32
        %dma_start3A_276 = tpu.memref_slice %arg8[%run_scoped3A, %dma_start3A_274, %dma_start3A_275] : memref<4x80x128xf32, #tpu.memory_space<vmem>> -> memref<1x16x128xf32, #tpu.memory_space<vmem>>
        %dma_start3A_277 = tpu.memref_squeeze %dma_start3A_276 : memref<1x16x128xf32, #tpu.memory_space<vmem>> -> memref<16x128xf32, #tpu.memory_space<vmem>>
        tpu.enqueue_dma source(%dma_start3A_277 : memref<16x128xf32, #tpu.memory_space<vmem>>) target(%dma_start3A_273 : memref<16x128xf32, #tpu.memory_space<vmem_shared>>) target_semaphore(%run_scoped3A_263 : memref<!tpu.dma_semaphore, #tpu.memory_space<semaphore_mem>>)
        %dma_wait3A_278 = arith.constant 0 : i32
        %dma_wait3A_279 = arith.constant 0 : i32
        %dma_wait3A_280 = tpu.memref_slice %arg8[%run_scoped3A, %dma_wait3A_278, %dma_wait3A_279] : memref<4x80x128xf32, #tpu.memory_space<vmem>> -> memref<1x16x128xf32, #tpu.memory_space<vmem>>
        %dma_wait3A_281 = tpu.memref_squeeze %dma_wait3A_280 : memref<1x16x128xf32, #tpu.memory_space<vmem>> -> memref<16x128xf32, #tpu.memory_space<vmem>>
        %dma_wait3A_282 = arith.constant 9984 : i32
        %dma_wait3A_283 = arith.constant 0 : i32
        %dma_wait3A_284 = tpu.memref_slice %arg5[%dma_wait3A_282, %dma_wait3A_283] : memref<10000x128xf32, #tpu.memory_space<vmem_shared>> -> memref<16x128xf32, #tpu.memory_space<vmem_shared>>
        %dma_wait3A_285 = arith.constant 9984 : i32
        %dma_wait3A_286 = arith.constant 0 : i32
        %dma_wait3A_287 = tpu.memref_slice %arg5[%dma_wait3A_285, %dma_wait3A_286] : memref<10000x128xf32, #tpu.memory_space<vmem_shared>> -> memref<16x128xf32, #tpu.memory_space<vmem_shared>>
        %dma_wait3A_288 = arith.constant 0 : i32
        %dma_wait3A_289 = arith.constant 0 : i32
        %dma_wait3A_290 = tpu.memref_slice %arg8[%run_scoped3A, %dma_wait3A_288, %dma_wait3A_289] : memref<4x80x128xf32, #tpu.memory_space<vmem>> -> memref<1x16x128xf32, #tpu.memory_space<vmem>>
        %dma_wait3A_291 = tpu.memref_squeeze %dma_wait3A_290 : memref<1x16x128xf32, #tpu.memory_space<vmem>> -> memref<16x128xf32, #tpu.memory_space<vmem>>
        tpu.wait_dma2 semaphore(%run_scoped3A_263 : memref<!tpu.dma_semaphore, #tpu.memory_space<semaphore_mem>>) src(%dma_wait3A_291 : memref<16x128xf32, #tpu.memory_space<vmem>>) dst(%dma_wait3A_287 : memref<16x128xf32, #tpu.memory_space<vmem_shared>>)
        tpu.yield
      }) : () -> ()
    } else {
    }
    %mul3A_12 = arith.constant 10000 : i32
    %mul3A_13 = arith.muli %add3A, %mul3A_12 : i32
    %add3A_14 = arith.constant 0 : i32
    %add3A_15 = arith.addi %mul3A_13, %add3A_14 : i32
    %dma_start3A = arith.constant 0 : i32
    %dma_start3A_16 = arith.constant 0 : i32
    %dma_start3A_17 = arith.constant 0 : i32
    %dma_start3A_18 = tpu.memref_slice %arg6[%dma_start3A, %dma_start3A_17] : memref<4x80xi32, #tpu.memory_space<vmem>> -> memref<1x80xi32, #tpu.memory_space<vmem>>
    %dma_start3A_19 = tpu.memref_squeeze %dma_start3A_18 : memref<1x80xi32, #tpu.memory_space<vmem>> -> memref<80xi32, #tpu.memory_space<vmem>>
    %dma_start3A_20 = tpu.memref_slice %arg3[%add3A_15] : memref<640000xi32, #tpu.memory_space<hbm>> -> memref<80xi32, #tpu.memory_space<hbm>>
    %dma_start3A_21 = tpu.memref_slice %arg9[%dma_start3A_16] : memref<4x!tpu.dma_semaphore, #tpu.memory_space<semaphore_mem>> -> memref<1x!tpu.dma_semaphore, #tpu.memory_space<semaphore_mem>>
    %dma_start3A_22 = tpu.memref_squeeze %dma_start3A_21 : memref<1x!tpu.dma_semaphore, #tpu.memory_space<semaphore_mem>> -> memref<!tpu.dma_semaphore, #tpu.memory_space<semaphore_mem>>
    %dma_start3A_23 = arith.constant 0 : i32
    %dma_start3A_24 = tpu.memref_slice %arg6[%dma_start3A, %dma_start3A_23] : memref<4x80xi32, #tpu.memory_space<vmem>> -> memref<1x80xi32, #tpu.memory_space<vmem>>
    %dma_start3A_25 = tpu.memref_squeeze %dma_start3A_24 : memref<1x80xi32, #tpu.memory_space<vmem>> -> memref<80xi32, #tpu.memory_space<vmem>>
    %dma_start3A_26 = tpu.memref_slice %arg3[%add3A_15] : memref<640000xi32, #tpu.memory_space<hbm>> -> memref<80xi32, #tpu.memory_space<hbm>>
    tpu.enqueue_dma source(%dma_start3A_26 : memref<80xi32, #tpu.memory_space<hbm>>) target(%dma_start3A_25 : memref<80xi32, #tpu.memory_space<vmem>>) target_semaphore(%dma_start3A_22 : memref<!tpu.dma_semaphore, #tpu.memory_space<semaphore_mem>>)
    %add3A_27 = arith.constant 320000 : i32
    %add3A_28 = arith.addi %add3A_27, %mul3A_13 : i32
    %add3A_29 = arith.constant 0 : i32
    %add3A_30 = arith.addi %add3A_28, %add3A_29 : i32
    %dma_start3A_31 = arith.constant 0 : i32
    %dma_start3A_32 = arith.constant 0 : i32
    %dma_start3A_33 = arith.constant 0 : i32
    %dma_start3A_34 = tpu.memref_slice %arg7[%dma_start3A_31, %dma_start3A_33] : memref<4x80xi32, #tpu.memory_space<vmem>> -> memref<1x80xi32, #tpu.memory_space<vmem>>
    %dma_start3A_35 = tpu.memref_squeeze %dma_start3A_34 : memref<1x80xi32, #tpu.memory_space<vmem>> -> memref<80xi32, #tpu.memory_space<vmem>>
    %dma_start3A_36 = tpu.memref_slice %arg3[%add3A_30] : memref<640000xi32, #tpu.memory_space<hbm>> -> memref<80xi32, #tpu.memory_space<hbm>>
    %dma_start3A_37 = tpu.memref_slice %arg10[%dma_start3A_32] : memref<4x!tpu.dma_semaphore, #tpu.memory_space<semaphore_mem>> -> memref<1x!tpu.dma_semaphore, #tpu.memory_space<semaphore_mem>>
    %dma_start3A_38 = tpu.memref_squeeze %dma_start3A_37 : memref<1x!tpu.dma_semaphore, #tpu.memory_space<semaphore_mem>> -> memref<!tpu.dma_semaphore, #tpu.memory_space<semaphore_mem>>
    %dma_start3A_39 = arith.constant 0 : i32
    %dma_start3A_40 = tpu.memref_slice %arg7[%dma_start3A_31, %dma_start3A_39] : memref<4x80xi32, #tpu.memory_space<vmem>> -> memref<1x80xi32, #tpu.memory_space<vmem>>
    %dma_start3A_41 = tpu.memref_squeeze %dma_start3A_40 : memref<1x80xi32, #tpu.memory_space<vmem>> -> memref<80xi32, #tpu.memory_space<vmem>>
    %dma_start3A_42 = tpu.memref_slice %arg3[%add3A_30] : memref<640000xi32, #tpu.memory_space<hbm>> -> memref<80xi32, #tpu.memory_space<hbm>>
    tpu.enqueue_dma source(%dma_start3A_42 : memref<80xi32, #tpu.memory_space<hbm>>) target(%dma_start3A_41 : memref<80xi32, #tpu.memory_space<vmem>>) target_semaphore(%dma_start3A_38 : memref<!tpu.dma_semaphore, #tpu.memory_space<semaphore_mem>>)
    %add3A_43 = arith.constant 80 : i32
    %add3A_44 = arith.addi %mul3A_13, %add3A_43 : i32
    %dma_start3A_45 = arith.constant 1 : i32
    %dma_start3A_46 = arith.constant 1 : i32
    %dma_start3A_47 = arith.constant 0 : i32
    %dma_start3A_48 = tpu.memref_slice %arg6[%dma_start3A_45, %dma_start3A_47] : memref<4x80xi32, #tpu.memory_space<vmem>> -> memref<1x80xi32, #tpu.memory_space<vmem>>
    %dma_start3A_49 = tpu.memref_squeeze %dma_start3A_48 : memref<1x80xi32, #tpu.memory_space<vmem>> -> memref<80xi32, #tpu.memory_space<vmem>>
    %dma_start3A_50 = tpu.memref_slice %arg3[%add3A_44] : memref<640000xi32, #tpu.memory_space<hbm>> -> memref<80xi32, #tpu.memory_space<hbm>>
    %dma_start3A_51 = tpu.memref_slice %arg9[%dma_start3A_46] : memref<4x!tpu.dma_semaphore, #tpu.memory_space<semaphore_mem>> -> memref<1x!tpu.dma_semaphore, #tpu.memory_space<semaphore_mem>>
    %dma_start3A_52 = tpu.memref_squeeze %dma_start3A_51 : memref<1x!tpu.dma_semaphore, #tpu.memory_space<semaphore_mem>> -> memref<!tpu.dma_semaphore, #tpu.memory_space<semaphore_mem>>
    %dma_start3A_53 = arith.constant 0 : i32
    %dma_start3A_54 = tpu.memref_slice %arg6[%dma_start3A_45, %dma_start3A_53] : memref<4x80xi32, #tpu.memory_space<vmem>> -> memref<1x80xi32, #tpu.memory_space<vmem>>
    %dma_start3A_55 = tpu.memref_squeeze %dma_start3A_54 : memref<1x80xi32, #tpu.memory_space<vmem>> -> memref<80xi32, #tpu.memory_space<vmem>>
    %dma_start3A_56 = tpu.memref_slice %arg3[%add3A_44] : memref<640000xi32, #tpu.memory_space<hbm>> -> memref<80xi32, #tpu.memory_space<hbm>>
    tpu.enqueue_dma source(%dma_start3A_56 : memref<80xi32, #tpu.memory_space<hbm>>) target(%dma_start3A_55 : memref<80xi32, #tpu.memory_space<vmem>>) target_semaphore(%dma_start3A_52 : memref<!tpu.dma_semaphore, #tpu.memory_space<semaphore_mem>>)
    %add3A_57 = arith.constant 320000 : i32
    %add3A_58 = arith.addi %add3A_57, %mul3A_13 : i32
    %add3A_59 = arith.constant 80 : i32
    %add3A_60 = arith.addi %add3A_58, %add3A_59 : i32
    %dma_start3A_61 = arith.constant 1 : i32
    %dma_start3A_62 = arith.constant 1 : i32
    %dma_start3A_63 = arith.constant 0 : i32
    %dma_start3A_64 = tpu.memref_slice %arg7[%dma_start3A_61, %dma_start3A_63] : memref<4x80xi32, #tpu.memory_space<vmem>> -> memref<1x80xi32, #tpu.memory_space<vmem>>
    %dma_start3A_65 = tpu.memref_squeeze %dma_start3A_64 : memref<1x80xi32, #tpu.memory_space<vmem>> -> memref<80xi32, #tpu.memory_space<vmem>>
    %dma_start3A_66 = tpu.memref_slice %arg3[%add3A_60] : memref<640000xi32, #tpu.memory_space<hbm>> -> memref<80xi32, #tpu.memory_space<hbm>>
    %dma_start3A_67 = tpu.memref_slice %arg10[%dma_start3A_62] : memref<4x!tpu.dma_semaphore, #tpu.memory_space<semaphore_mem>> -> memref<1x!tpu.dma_semaphore, #tpu.memory_space<semaphore_mem>>
    %dma_start3A_68 = tpu.memref_squeeze %dma_start3A_67 : memref<1x!tpu.dma_semaphore, #tpu.memory_space<semaphore_mem>> -> memref<!tpu.dma_semaphore, #tpu.memory_space<semaphore_mem>>
    %dma_start3A_69 = arith.constant 0 : i32
    %dma_start3A_70 = tpu.memref_slice %arg7[%dma_start3A_61, %dma_start3A_69] : memref<4x80xi32, #tpu.memory_space<vmem>> -> memref<1x80xi32, #tpu.memory_space<vmem>>
    %dma_start3A_71 = tpu.memref_squeeze %dma_start3A_70 : memref<1x80xi32, #tpu.memory_space<vmem>> -> memref<80xi32, #tpu.memory_space<vmem>>
    %dma_start3A_72 = tpu.memref_slice %arg3[%add3A_60] : memref<640000xi32, #tpu.memory_space<hbm>> -> memref<80xi32, #tpu.memory_space<hbm>>
    tpu.enqueue_dma source(%dma_start3A_72 : memref<80xi32, #tpu.memory_space<hbm>>) target(%dma_start3A_71 : memref<80xi32, #tpu.memory_space<vmem>>) target_semaphore(%dma_start3A_68 : memref<!tpu.dma_semaphore, #tpu.memory_space<semaphore_mem>>)
    %add3A_73 = arith.constant 160 : i32
    %add3A_74 = arith.addi %mul3A_13, %add3A_73 : i32
    %dma_start3A_75 = arith.constant 2 : i32
    %dma_start3A_76 = arith.constant 2 : i32
    %dma_start3A_77 = arith.constant 0 : i32
    %dma_start3A_78 = tpu.memref_slice %arg6[%dma_start3A_75, %dma_start3A_77] : memref<4x80xi32, #tpu.memory_space<vmem>> -> memref<1x80xi32, #tpu.memory_space<vmem>>
    %dma_start3A_79 = tpu.memref_squeeze %dma_start3A_78 : memref<1x80xi32, #tpu.memory_space<vmem>> -> memref<80xi32, #tpu.memory_space<vmem>>
    %dma_start3A_80 = tpu.memref_slice %arg3[%add3A_74] : memref<640000xi32, #tpu.memory_space<hbm>> -> memref<80xi32, #tpu.memory_space<hbm>>
    %dma_start3A_81 = tpu.memref_slice %arg9[%dma_start3A_76] : memref<4x!tpu.dma_semaphore, #tpu.memory_space<semaphore_mem>> -> memref<1x!tpu.dma_semaphore, #tpu.memory_space<semaphore_mem>>
    %dma_start3A_82 = tpu.memref_squeeze %dma_start3A_81 : memref<1x!tpu.dma_semaphore, #tpu.memory_space<semaphore_mem>> -> memref<!tpu.dma_semaphore, #tpu.memory_space<semaphore_mem>>
    %dma_start3A_83 = arith.constant 0 : i32
    %dma_start3A_84 = tpu.memref_slice %arg6[%dma_start3A_75, %dma_start3A_83] : memref<4x80xi32, #tpu.memory_space<vmem>> -> memref<1x80xi32, #tpu.memory_space<vmem>>
    %dma_start3A_85 = tpu.memref_squeeze %dma_start3A_84 : memref<1x80xi32, #tpu.memory_space<vmem>> -> memref<80xi32, #tpu.memory_space<vmem>>
    %dma_start3A_86 = tpu.memref_slice %arg3[%add3A_74] : memref<640000xi32, #tpu.memory_space<hbm>> -> memref<80xi32, #tpu.memory_space<hbm>>
    tpu.enqueue_dma source(%dma_start3A_86 : memref<80xi32, #tpu.memory_space<hbm>>) target(%dma_start3A_85 : memref<80xi32, #tpu.memory_space<vmem>>) target_semaphore(%dma_start3A_82 : memref<!tpu.dma_semaphore, #tpu.memory_space<semaphore_mem>>)
    %add3A_87 = arith.constant 320000 : i32
    %add3A_88 = arith.addi %add3A_87, %mul3A_13 : i32
    %add3A_89 = arith.constant 160 : i32
    %add3A_90 = arith.addi %add3A_88, %add3A_89 : i32
    %dma_start3A_91 = arith.constant 2 : i32
    %dma_start3A_92 = arith.constant 2 : i32
    %dma_start3A_93 = arith.constant 0 : i32
    %dma_start3A_94 = tpu.memref_slice %arg7[%dma_start3A_91, %dma_start3A_93] : memref<4x80xi32, #tpu.memory_space<vmem>> -> memref<1x80xi32, #tpu.memory_space<vmem>>
    %dma_start3A_95 = tpu.memref_squeeze %dma_start3A_94 : memref<1x80xi32, #tpu.memory_space<vmem>> -> memref<80xi32, #tpu.memory_space<vmem>>
    %dma_start3A_96 = tpu.memref_slice %arg3[%add3A_90] : memref<640000xi32, #tpu.memory_space<hbm>> -> memref<80xi32, #tpu.memory_space<hbm>>
    %dma_start3A_97 = tpu.memref_slice %arg10[%dma_start3A_92] : memref<4x!tpu.dma_semaphore, #tpu.memory_space<semaphore_mem>> -> memref<1x!tpu.dma_semaphore, #tpu.memory_space<semaphore_mem>>
    %dma_start3A_98 = tpu.memref_squeeze %dma_start3A_97 : memref<1x!tpu.dma_semaphore, #tpu.memory_space<semaphore_mem>> -> memref<!tpu.dma_semaphore, #tpu.memory_space<semaphore_mem>>
    %dma_start3A_99 = arith.constant 0 : i32
    %dma_start3A_100 = tpu.memref_slice %arg7[%dma_start3A_91, %dma_start3A_99] : memref<4x80xi32, #tpu.memory_space<vmem>> -> memref<1x80xi32, #tpu.memory_space<vmem>>
    %dma_start3A_101 = tpu.memref_squeeze %dma_start3A_100 : memref<1x80xi32, #tpu.memory_space<vmem>> -> memref<80xi32, #tpu.memory_space<vmem>>
    %dma_start3A_102 = tpu.memref_slice %arg3[%add3A_90] : memref<640000xi32, #tpu.memory_space<hbm>> -> memref<80xi32, #tpu.memory_space<hbm>>
    tpu.enqueue_dma source(%dma_start3A_102 : memref<80xi32, #tpu.memory_space<hbm>>) target(%dma_start3A_101 : memref<80xi32, #tpu.memory_space<vmem>>) target_semaphore(%dma_start3A_98 : memref<!tpu.dma_semaphore, #tpu.memory_space<semaphore_mem>>)
    %add3A_103 = arith.constant 240 : i32
    %add3A_104 = arith.addi %mul3A_13, %add3A_103 : i32
    %dma_start3A_105 = arith.constant 3 : i32
    %dma_start3A_106 = arith.constant 3 : i32
    %dma_start3A_107 = arith.constant 0 : i32
    %dma_start3A_108 = tpu.memref_slice %arg6[%dma_start3A_105, %dma_start3A_107] : memref<4x80xi32, #tpu.memory_space<vmem>> -> memref<1x80xi32, #tpu.memory_space<vmem>>
    %dma_start3A_109 = tpu.memref_squeeze %dma_start3A_108 : memref<1x80xi32, #tpu.memory_space<vmem>> -> memref<80xi32, #tpu.memory_space<vmem>>
    %dma_start3A_110 = tpu.memref_slice %arg3[%add3A_104] : memref<640000xi32, #tpu.memory_space<hbm>> -> memref<80xi32, #tpu.memory_space<hbm>>
    %dma_start3A_111 = tpu.memref_slice %arg9[%dma_start3A_106] : memref<4x!tpu.dma_semaphore, #tpu.memory_space<semaphore_mem>> -> memref<1x!tpu.dma_semaphore, #tpu.memory_space<semaphore_mem>>
    %dma_start3A_112 = tpu.memref_squeeze %dma_start3A_111 : memref<1x!tpu.dma_semaphore, #tpu.memory_space<semaphore_mem>> -> memref<!tpu.dma_semaphore, #tpu.memory_space<semaphore_mem>>
    %dma_start3A_113 = arith.constant 0 : i32
    %dma_start3A_114 = tpu.memref_slice %arg6[%dma_start3A_105, %dma_start3A_113] : memref<4x80xi32, #tpu.memory_space<vmem>> -> memref<1x80xi32, #tpu.memory_space<vmem>>
    %dma_start3A_115 = tpu.memref_squeeze %dma_start3A_114 : memref<1x80xi32, #tpu.memory_space<vmem>> -> memref<80xi32, #tpu.memory_space<vmem>>
    %dma_start3A_116 = tpu.memref_slice %arg3[%add3A_104] : memref<640000xi32, #tpu.memory_space<hbm>> -> memref<80xi32, #tpu.memory_space<hbm>>
    tpu.enqueue_dma source(%dma_start3A_116 : memref<80xi32, #tpu.memory_space<hbm>>) target(%dma_start3A_115 : memref<80xi32, #tpu.memory_space<vmem>>) target_semaphore(%dma_start3A_112 : memref<!tpu.dma_semaphore, #tpu.memory_space<semaphore_mem>>)
    %add3A_117 = arith.constant 320000 : i32
    %add3A_118 = arith.addi %add3A_117, %mul3A_13 : i32
    %add3A_119 = arith.constant 240 : i32
    %add3A_120 = arith.addi %add3A_118, %add3A_119 : i32
    %dma_start3A_121 = arith.constant 3 : i32
    %dma_start3A_122 = arith.constant 3 : i32
    %dma_start3A_123 = arith.constant 0 : i32
    %dma_start3A_124 = tpu.memref_slice %arg7[%dma_start3A_121, %dma_start3A_123] : memref<4x80xi32, #tpu.memory_space<vmem>> -> memref<1x80xi32, #tpu.memory_space<vmem>>
    %dma_start3A_125 = tpu.memref_squeeze %dma_start3A_124 : memref<1x80xi32, #tpu.memory_space<vmem>> -> memref<80xi32, #tpu.memory_space<vmem>>
    %dma_start3A_126 = tpu.memref_slice %arg3[%add3A_120] : memref<640000xi32, #tpu.memory_space<hbm>> -> memref<80xi32, #tpu.memory_space<hbm>>
    %dma_start3A_127 = tpu.memref_slice %arg10[%dma_start3A_122] : memref<4x!tpu.dma_semaphore, #tpu.memory_space<semaphore_mem>> -> memref<1x!tpu.dma_semaphore, #tpu.memory_space<semaphore_mem>>
    %dma_start3A_128 = tpu.memref_squeeze %dma_start3A_127 : memref<1x!tpu.dma_semaphore, #tpu.memory_space<semaphore_mem>> -> memref<!tpu.dma_semaphore, #tpu.memory_space<semaphore_mem>>
    %dma_start3A_129 = arith.constant 0 : i32
    %dma_start3A_130 = tpu.memref_slice %arg7[%dma_start3A_121, %dma_start3A_129] : memref<4x80xi32, #tpu.memory_space<vmem>> -> memref<1x80xi32, #tpu.memory_space<vmem>>
    %dma_start3A_131 = tpu.memref_squeeze %dma_start3A_130 : memref<1x80xi32, #tpu.memory_space<vmem>> -> memref<80xi32, #tpu.memory_space<vmem>>
    %dma_start3A_132 = tpu.memref_slice %arg3[%add3A_120] : memref<640000xi32, #tpu.memory_space<hbm>> -> memref<80xi32, #tpu.memory_space<hbm>>
    tpu.enqueue_dma source(%dma_start3A_132 : memref<80xi32, #tpu.memory_space<hbm>>) target(%dma_start3A_131 : memref<80xi32, #tpu.memory_space<vmem>>) target_semaphore(%dma_start3A_128 : memref<!tpu.dma_semaphore, #tpu.memory_space<semaphore_mem>>)
    %add3A_133 = arith.constant 0 : i32
    %add3A_134 = arith.addi %mul3A_13, %add3A_133 : i32
    %dma_wait3A = arith.constant 0 : i32
    %dma_wait3A_135 = arith.constant 0 : i32
    %dma_wait3A_136 = arith.constant 0 : i32
    %dma_wait3A_137 = tpu.memref_slice %arg6[%dma_wait3A, %dma_wait3A_136] : memref<4x80xi32, #tpu.memory_space<vmem>> -> memref<1x80xi32, #tpu.memory_space<vmem>>
    %dma_wait3A_138 = tpu.memref_squeeze %dma_wait3A_137 : memref<1x80xi32, #tpu.memory_space<vmem>> -> memref<80xi32, #tpu.memory_space<vmem>>
    %dma_wait3A_139 = tpu.memref_slice %arg3[%add3A_134] : memref<640000xi32, #tpu.memory_space<hbm>> -> memref<80xi32, #tpu.memory_space<hbm>>
    %dma_wait3A_140 = tpu.memref_slice %arg9[%dma_wait3A_135] : memref<4x!tpu.dma_semaphore, #tpu.memory_space<semaphore_mem>> -> memref<1x!tpu.dma_semaphore, #tpu.memory_space<semaphore_mem>>
    %dma_wait3A_141 = tpu.memref_squeeze %dma_wait3A_140 : memref<1x!tpu.dma_semaphore, #tpu.memory_space<semaphore_mem>> -> memref<!tpu.dma_semaphore, #tpu.memory_space<semaphore_mem>>
    %dma_wait3A_142 = arith.constant 0 : i32
    %dma_wait3A_143 = tpu.memref_slice %arg6[%dma_wait3A, %dma_wait3A_142] : memref<4x80xi32, #tpu.memory_space<vmem>> -> memref<1x80xi32, #tpu.memory_space<vmem>>
    %dma_wait3A_144 = tpu.memref_squeeze %dma_wait3A_143 : memref<1x80xi32, #tpu.memory_space<vmem>> -> memref<80xi32, #tpu.memory_space<vmem>>
    %dma_wait3A_145 = tpu.memref_slice %arg3[%add3A_134] : memref<640000xi32, #tpu.memory_space<hbm>> -> memref<80xi32, #tpu.memory_space<hbm>>
    tpu.wait_dma2 semaphore(%dma_wait3A_141 : memref<!tpu.dma_semaphore, #tpu.memory_space<semaphore_mem>>) src(%dma_wait3A_145 : memref<80xi32, #tpu.memory_space<hbm>>) dst(%dma_wait3A_144 : memref<80xi32, #tpu.memory_space<vmem>>)
    %dma_start3A_146 = arith.constant 0 : i32
    %dma_start3A_147 = arith.constant 0 : i32
    %dma_start3A_148 = arith.constant 0 : i32
    %dma_start3A_149 = arith.constant 0 : i32
    %dma_start3A_150 = arith.constant 0 : i32
    %dma_start3A_151 = tpu.memref_slice %arg8[%dma_start3A_147, %dma_start3A_149, %dma_start3A_150] : memref<4x80x128xf32, #tpu.memory_space<vmem>> -> memref<1x80x128xf32, #tpu.memory_space<vmem>>
    %dma_start3A_152 = tpu.memref_squeeze %dma_start3A_151 : memref<1x80x128xf32, #tpu.memory_space<vmem>> -> memref<80x128xf32, #tpu.memory_space<vmem>>
    %dma_start3A_153 = arith.constant 0 : i32
    %dma_start3A_154 = tpu.memref_slice %arg6[%dma_start3A_146, %dma_start3A_153] : memref<4x80xi32, #tpu.memory_space<vmem>> -> memref<1x80xi32, #tpu.memory_space<vmem>>
    %dma_start3A_155 = tpu.memref_squeeze %dma_start3A_154 : memref<1x80xi32, #tpu.memory_space<vmem>> -> memref<80xi32, #tpu.memory_space<vmem>>
    %dma_start3A_156 = arith.constant 0 : i32
    %dma_start3A_157 = arith.constant 0 : i32
    %dma_start3A_158 = tpu.memref_slice %arg2[%dma_start3A_156, %dma_start3A_157] : memref<10000x128xf32, #tpu.memory_space<hbm>> -> memref<10000x128xf32, #tpu.memory_space<hbm>>
    %dma_start3A_159 = tpu.memref_slice %arg11[%dma_start3A_148] : memref<4x!tpu.dma_semaphore, #tpu.memory_space<semaphore_mem>> -> memref<1x!tpu.dma_semaphore, #tpu.memory_space<semaphore_mem>>
    %dma_start3A_160 = tpu.memref_squeeze %dma_start3A_159 : memref<1x!tpu.dma_semaphore, #tpu.memory_space<semaphore_mem>> -> memref<!tpu.dma_semaphore, #tpu.memory_space<semaphore_mem>>
    tpu.enqueue_indirect_dma source(%dma_start3A_158 : memref<10000x128xf32, #tpu.memory_space<hbm>>) target(%dma_start3A_152 : memref<80x128xf32, #tpu.memory_space<vmem>>) offsets(%dma_start3A_155 : memref<80xi32, #tpu.memory_space<vmem>>) semaphore(%dma_start3A_160 : memref<!tpu.dma_semaphore, #tpu.memory_space<semaphore_mem>>)
    %add3A_161 = arith.constant 80 : i32
    %add3A_162 = arith.addi %mul3A_13, %add3A_161 : i32
    %dma_wait3A_163 = arith.constant 1 : i32
    %dma_wait3A_164 = arith.constant 1 : i32
    %dma_wait3A_165 = arith.constant 0 : i32
    %dma_wait3A_166 = tpu.memref_slice %arg6[%dma_wait3A_163, %dma_wait3A_165] : memref<4x80xi32, #tpu.memory_space<vmem>> -> memref<1x80xi32, #tpu.memory_space<vmem>>
    %dma_wait3A_167 = tpu.memref_squeeze %dma_wait3A_166 : memref<1x80xi32, #tpu.memory_space<vmem>> -> memref<80xi32, #tpu.memory_space<vmem>>
    %dma_wait3A_168 = tpu.memref_slice %arg3[%add3A_162] : memref<640000xi32, #tpu.memory_space<hbm>> -> memref<80xi32, #tpu.memory_space<hbm>>
    %dma_wait3A_169 = tpu.memref_slice %arg9[%dma_wait3A_164] : memref<4x!tpu.dma_semaphore, #tpu.memory_space<semaphore_mem>> -> memref<1x!tpu.dma_semaphore, #tpu.memory_space<semaphore_mem>>
    %dma_wait3A_170 = tpu.memref_squeeze %dma_wait3A_169 : memref<1x!tpu.dma_semaphore, #tpu.memory_space<semaphore_mem>> -> memref<!tpu.dma_semaphore, #tpu.memory_space<semaphore_mem>>
    %dma_wait3A_171 = arith.constant 0 : i32
    %dma_wait3A_172 = tpu.memref_slice %arg6[%dma_wait3A_163, %dma_wait3A_171] : memref<4x80xi32, #tpu.memory_space<vmem>> -> memref<1x80xi32, #tpu.memory_space<vmem>>
    %dma_wait3A_173 = tpu.memref_squeeze %dma_wait3A_172 : memref<1x80xi32, #tpu.memory_space<vmem>> -> memref<80xi32, #tpu.memory_space<vmem>>
    %dma_wait3A_174 = tpu.memref_slice %arg3[%add3A_162] : memref<640000xi32, #tpu.memory_space<hbm>> -> memref<80xi32, #tpu.memory_space<hbm>>
    tpu.wait_dma2 semaphore(%dma_wait3A_170 : memref<!tpu.dma_semaphore, #tpu.memory_space<semaphore_mem>>) src(%dma_wait3A_174 : memref<80xi32, #tpu.memory_space<hbm>>) dst(%dma_wait3A_173 : memref<80xi32, #tpu.memory_space<vmem>>)
    %dma_start3A_175 = arith.constant 1 : i32
    %dma_start3A_176 = arith.constant 1 : i32
    %dma_start3A_177 = arith.constant 1 : i32
    %dma_start3A_178 = arith.constant 0 : i32
    %dma_start3A_179 = arith.constant 0 : i32
    %dma_start3A_180 = tpu.memref_slice %arg8[%dma_start3A_176, %dma_start3A_178, %dma_start3A_179] : memref<4x80x128xf32, #tpu.memory_space<vmem>> -> memref<1x80x128xf32, #tpu.memory_space<vmem>>
    %dma_start3A_181 = tpu.memref_squeeze %dma_start3A_180 : memref<1x80x128xf32, #tpu.memory_space<vmem>> -> memref<80x128xf32, #tpu.memory_space<vmem>>
    %dma_start3A_182 = arith.constant 0 : i32
    %dma_start3A_183 = tpu.memref_slice %arg6[%dma_start3A_175, %dma_start3A_182] : memref<4x80xi32, #tpu.memory_space<vmem>> -> memref<1x80xi32, #tpu.memory_space<vmem>>
    %dma_start3A_184 = tpu.memref_squeeze %dma_start3A_183 : memref<1x80xi32, #tpu.memory_space<vmem>> -> memref<80xi32, #tpu.memory_space<vmem>>
    %dma_start3A_185 = arith.constant 0 : i32
    %dma_start3A_186 = arith.constant 0 : i32
    %dma_start3A_187 = tpu.memref_slice %arg2[%dma_start3A_185, %dma_start3A_186] : memref<10000x128xf32, #tpu.memory_space<hbm>> -> memref<10000x128xf32, #tpu.memory_space<hbm>>
    %dma_start3A_188 = tpu.memref_slice %arg11[%dma_start3A_177] : memref<4x!tpu.dma_semaphore, #tpu.memory_space<semaphore_mem>> -> memref<1x!tpu.dma_semaphore, #tpu.memory_space<semaphore_mem>>
    %dma_start3A_189 = tpu.memref_squeeze %dma_start3A_188 : memref<1x!tpu.dma_semaphore, #tpu.memory_space<semaphore_mem>> -> memref<!tpu.dma_semaphore, #tpu.memory_space<semaphore_mem>>
    tpu.enqueue_indirect_dma source(%dma_start3A_187 : memref<10000x128xf32, #tpu.memory_space<hbm>>) target(%dma_start3A_181 : memref<80x128xf32, #tpu.memory_space<vmem>>) offsets(%dma_start3A_184 : memref<80xi32, #tpu.memory_space<vmem>>) semaphore(%dma_start3A_189 : memref<!tpu.dma_semaphore, #tpu.memory_space<semaphore_mem>>)
    %add3A_190 = arith.constant 160 : i32
    %add3A_191 = arith.addi %mul3A_13, %add3A_190 : i32
    %dma_wait3A_192 = arith.constant 2 : i32
    %dma_wait3A_193 = arith.constant 2 : i32
    %dma_wait3A_194 = arith.constant 0 : i32
    %dma_wait3A_195 = tpu.memref_slice %arg6[%dma_wait3A_192, %dma_wait3A_194] : memref<4x80xi32, #tpu.memory_space<vmem>> -> memref<1x80xi32, #tpu.memory_space<vmem>>
    %dma_wait3A_196 = tpu.memref_squeeze %dma_wait3A_195 : memref<1x80xi32, #tpu.memory_space<vmem>> -> memref<80xi32, #tpu.memory_space<vmem>>
    %dma_wait3A_197 = tpu.memref_slice %arg3[%add3A_191] : memref<640000xi32, #tpu.memory_space<hbm>> -> memref<80xi32, #tpu.memory_space<hbm>>
    %dma_wait3A_198 = tpu.memref_slice %arg9[%dma_wait3A_193] : memref<4x!tpu.dma_semaphore, #tpu.memory_space<semaphore_mem>> -> memref<1x!tpu.dma_semaphore, #tpu.memory_space<semaphore_mem>>
    %dma_wait3A_199 = tpu.memref_squeeze %dma_wait3A_198 : memref<1x!tpu.dma_semaphore, #tpu.memory_space<semaphore_mem>> -> memref<!tpu.dma_semaphore, #tpu.memory_space<semaphore_mem>>
    %dma_wait3A_200 = arith.constant 0 : i32
    %dma_wait3A_201 = tpu.memref_slice %arg6[%dma_wait3A_192, %dma_wait3A_200] : memref<4x80xi32, #tpu.memory_space<vmem>> -> memref<1x80xi32, #tpu.memory_space<vmem>>
    %dma_wait3A_202 = tpu.memref_squeeze %dma_wait3A_201 : memref<1x80xi32, #tpu.memory_space<vmem>> -> memref<80xi32, #tpu.memory_space<vmem>>
    %dma_wait3A_203 = tpu.memref_slice %arg3[%add3A_191] : memref<640000xi32, #tpu.memory_space<hbm>> -> memref<80xi32, #tpu.memory_space<hbm>>
    tpu.wait_dma2 semaphore(%dma_wait3A_199 : memref<!tpu.dma_semaphore, #tpu.memory_space<semaphore_mem>>) src(%dma_wait3A_203 : memref<80xi32, #tpu.memory_space<hbm>>) dst(%dma_wait3A_202 : memref<80xi32, #tpu.memory_space<vmem>>)
    %dma_start3A_204 = arith.constant 2 : i32
    %dma_start3A_205 = arith.constant 2 : i32
    %dma_start3A_206 = arith.constant 2 : i32
    %dma_start3A_207 = arith.constant 0 : i32
    %dma_start3A_208 = arith.constant 0 : i32
    %dma_start3A_209 = tpu.memref_slice %arg8[%dma_start3A_205, %dma_start3A_207, %dma_start3A_208] : memref<4x80x128xf32, #tpu.memory_space<vmem>> -> memref<1x80x128xf32, #tpu.memory_space<vmem>>
    %dma_start3A_210 = tpu.memref_squeeze %dma_start3A_209 : memref<1x80x128xf32, #tpu.memory_space<vmem>> -> memref<80x128xf32, #tpu.memory_space<vmem>>
    %dma_start3A_211 = arith.constant 0 : i32
    %dma_start3A_212 = tpu.memref_slice %arg6[%dma_start3A_204, %dma_start3A_211] : memref<4x80xi32, #tpu.memory_space<vmem>> -> memref<1x80xi32, #tpu.memory_space<vmem>>
    %dma_start3A_213 = tpu.memref_squeeze %dma_start3A_212 : memref<1x80xi32, #tpu.memory_space<vmem>> -> memref<80xi32, #tpu.memory_space<vmem>>
    %dma_start3A_214 = arith.constant 0 : i32
    %dma_start3A_215 = arith.constant 0 : i32
    %dma_start3A_216 = tpu.memref_slice %arg2[%dma_start3A_214, %dma_start3A_215] : memref<10000x128xf32, #tpu.memory_space<hbm>> -> memref<10000x128xf32, #tpu.memory_space<hbm>>
    %dma_start3A_217 = tpu.memref_slice %arg11[%dma_start3A_206] : memref<4x!tpu.dma_semaphore, #tpu.memory_space<semaphore_mem>> -> memref<1x!tpu.dma_semaphore, #tpu.memory_space<semaphore_mem>>
    %dma_start3A_218 = tpu.memref_squeeze %dma_start3A_217 : memref<1x!tpu.dma_semaphore, #tpu.memory_space<semaphore_mem>> -> memref<!tpu.dma_semaphore, #tpu.memory_space<semaphore_mem>>
    tpu.enqueue_indirect_dma source(%dma_start3A_216 : memref<10000x128xf32, #tpu.memory_space<hbm>>) target(%dma_start3A_210 : memref<80x128xf32, #tpu.memory_space<vmem>>) offsets(%dma_start3A_213 : memref<80xi32, #tpu.memory_space<vmem>>) semaphore(%dma_start3A_218 : memref<!tpu.dma_semaphore, #tpu.memory_space<semaphore_mem>>)
    %add3A_219 = arith.constant 240 : i32
    %add3A_220 = arith.addi %mul3A_13, %add3A_219 : i32
    %dma_wait3A_221 = arith.constant 3 : i32
    %dma_wait3A_222 = arith.constant 3 : i32
    %dma_wait3A_223 = arith.constant 0 : i32
    %dma_wait3A_224 = tpu.memref_slice %arg6[%dma_wait3A_221, %dma_wait3A_223] : memref<4x80xi32, #tpu.memory_space<vmem>> -> memref<1x80xi32, #tpu.memory_space<vmem>>
    %dma_wait3A_225 = tpu.memref_squeeze %dma_wait3A_224 : memref<1x80xi32, #tpu.memory_space<vmem>> -> memref<80xi32, #tpu.memory_space<vmem>>
    %dma_wait3A_226 = tpu.memref_slice %arg3[%add3A_220] : memref<640000xi32, #tpu.memory_space<hbm>> -> memref<80xi32, #tpu.memory_space<hbm>>
    %dma_wait3A_227 = tpu.memref_slice %arg9[%dma_wait3A_222] : memref<4x!tpu.dma_semaphore, #tpu.memory_space<semaphore_mem>> -> memref<1x!tpu.dma_semaphore, #tpu.memory_space<semaphore_mem>>
    %dma_wait3A_228 = tpu.memref_squeeze %dma_wait3A_227 : memref<1x!tpu.dma_semaphore, #tpu.memory_space<semaphore_mem>> -> memref<!tpu.dma_semaphore, #tpu.memory_space<semaphore_mem>>
    %dma_wait3A_229 = arith.constant 0 : i32
    %dma_wait3A_230 = tpu.memref_slice %arg6[%dma_wait3A_221, %dma_wait3A_229] : memref<4x80xi32, #tpu.memory_space<vmem>> -> memref<1x80xi32, #tpu.memory_space<vmem>>
    %dma_wait3A_231 = tpu.memref_squeeze %dma_wait3A_230 : memref<1x80xi32, #tpu.memory_space<vmem>> -> memref<80xi32, #tpu.memory_space<vmem>>
    %dma_wait3A_232 = tpu.memref_slice %arg3[%add3A_220] : memref<640000xi32, #tpu.memory_space<hbm>> -> memref<80xi32, #tpu.memory_space<hbm>>
    tpu.wait_dma2 semaphore(%dma_wait3A_228 : memref<!tpu.dma_semaphore, #tpu.memory_space<semaphore_mem>>) src(%dma_wait3A_232 : memref<80xi32, #tpu.memory_space<hbm>>) dst(%dma_wait3A_231 : memref<80xi32, #tpu.memory_space<vmem>>)
    %dma_start3A_233 = arith.constant 3 : i32
    %dma_start3A_234 = arith.constant 3 : i32
    %dma_start3A_235 = arith.constant 3 : i32
    %dma_start3A_236 = arith.constant 0 : i32
    %dma_start3A_237 = arith.constant 0 : i32
    %dma_start3A_238 = tpu.memref_slice %arg8[%dma_start3A_234, %dma_start3A_236, %dma_start3A_237] : memref<4x80x128xf32, #tpu.memory_space<vmem>> -> memref<1x80x128xf32, #tpu.memory_space<vmem>>
    %dma_start3A_239 = tpu.memref_squeeze %dma_start3A_238 : memref<1x80x128xf32, #tpu.memory_space<vmem>> -> memref<80x128xf32, #tpu.memory_space<vmem>>
    %dma_start3A_240 = arith.constant 0 : i32
    %dma_start3A_241 = tpu.memref_slice %arg6[%dma_start3A_233, %dma_start3A_240] : memref<4x80xi32, #tpu.memory_space<vmem>> -> memref<1x80xi32, #tpu.memory_space<vmem>>
    %dma_start3A_242 = tpu.memref_squeeze %dma_start3A_241 : memref<1x80xi32, #tpu.memory_space<vmem>> -> memref<80xi32, #tpu.memory_space<vmem>>
    %dma_start3A_243 = arith.constant 0 : i32
    %dma_start3A_244 = arith.constant 0 : i32
    %dma_start3A_245 = tpu.memref_slice %arg2[%dma_start3A_243, %dma_start3A_244] : memref<10000x128xf32, #tpu.memory_space<hbm>> -> memref<10000x128xf32, #tpu.memory_space<hbm>>
    %dma_start3A_246 = tpu.memref_slice %arg11[%dma_start3A_235] : memref<4x!tpu.dma_semaphore, #tpu.memory_space<semaphore_mem>> -> memref<1x!tpu.dma_semaphore, #tpu.memory_space<semaphore_mem>>
    %dma_start3A_247 = tpu.memref_squeeze %dma_start3A_246 : memref<1x!tpu.dma_semaphore, #tpu.memory_space<semaphore_mem>> -> memref<!tpu.dma_semaphore, #tpu.memory_space<semaphore_mem>>
    tpu.enqueue_indirect_dma source(%dma_start3A_245 : memref<10000x128xf32, #tpu.memory_space<hbm>>) target(%dma_start3A_239 : memref<80x128xf32, #tpu.memory_space<vmem>>) offsets(%dma_start3A_242 : memref<80xi32, #tpu.memory_space<vmem>>) semaphore(%dma_start3A_247 : memref<!tpu.dma_semaphore, #tpu.memory_space<semaphore_mem>>)
    %barrier3A = arith.constant 0 : index
    tpu.barrier barrier_id(%barrier3A)
    %scan3A_248 = arith.constant 0 : i32
    %scan3A_249 = arith.constant 32 : i32
    %scan3A_250 = arith.addi %scan3A_248, %scan3A_249 : i32
    %scan3A_251 = arith.constant 1 : i32
    scf.for %scan3A_263 = %scan3A_248 to %scan3A_250 step %scan3A_251  : i32 {
      %mul3A_264 = arith.constant 4 : i32
      %mul3A_265 = arith.muli %scan3A_263, %mul3A_264 : i32
      %add3A_266 = arith.constant 0 : i32
      %add3A_267 = arith.addi %add3A_266, %mul3A_265 : i32
      %add3A_268 = arith.constant 0 : i32
      %add3A_269 = arith.addi %add3A_267, %add3A_268 : i32
      %lt3A = arith.constant 125 : i32
      %lt3A_270 = arith.cmpi slt, %add3A_269, %lt3A : i32
      %convert_element_type3A_271 = arith.extui %lt3A_270 : i1 to i32
      %cond3A_272 = arith.constant 0 : i32
      %cond3A_273 = arith.cmpi ne, %convert_element_type3A_271, %cond3A_272 : i32
      scf.if %cond3A_273 {
        %add3A_431 = arith.constant 320000 : i32
        %add3A_432 = arith.addi %add3A_431, %mul3A_13 : i32
        %mul3A_433 = arith.constant 80 : i32
        %mul3A_434 = arith.muli %add3A_269, %mul3A_433 : i32
        %add3A_435 = arith.addi %add3A_432, %mul3A_434 : i32
        %dma_wait3A_436 = arith.constant 0 : i32
        %dma_wait3A_437 = arith.constant 0 : i32
        %dma_wait3A_438 = arith.constant 0 : i32
        %dma_wait3A_439 = tpu.memref_slice %arg7[%dma_wait3A_436, %dma_wait3A_438] : memref<4x80xi32, #tpu.memory_space<vmem>> -> memref<1x80xi32, #tpu.memory_space<vmem>>
        %dma_wait3A_440 = tpu.memref_squeeze %dma_wait3A_439 : memref<1x80xi32, #tpu.memory_space<vmem>> -> memref<80xi32, #tpu.memory_space<vmem>>
        %dma_wait3A_441 = tpu.memref_slice %arg3[%add3A_435] : memref<640000xi32, #tpu.memory_space<hbm>> -> memref<80xi32, #tpu.memory_space<hbm>>
        %dma_wait3A_442 = tpu.memref_slice %arg10[%dma_wait3A_437] : memref<4x!tpu.dma_semaphore, #tpu.memory_space<semaphore_mem>> -> memref<1x!tpu.dma_semaphore, #tpu.memory_space<semaphore_mem>>
        %dma_wait3A_443 = tpu.memref_squeeze %dma_wait3A_442 : memref<1x!tpu.dma_semaphore, #tpu.memory_space<semaphore_mem>> -> memref<!tpu.dma_semaphore, #tpu.memory_space<semaphore_mem>>
        %dma_wait3A_444 = arith.constant 0 : i32
        %dma_wait3A_445 = tpu.memref_slice %arg7[%dma_wait3A_436, %dma_wait3A_444] : memref<4x80xi32, #tpu.memory_space<vmem>> -> memref<1x80xi32, #tpu.memory_space<vmem>>
        %dma_wait3A_446 = tpu.memref_squeeze %dma_wait3A_445 : memref<1x80xi32, #tpu.memory_space<vmem>> -> memref<80xi32, #tpu.memory_space<vmem>>
        %dma_wait3A_447 = tpu.memref_slice %arg3[%add3A_435] : memref<640000xi32, #tpu.memory_space<hbm>> -> memref<80xi32, #tpu.memory_space<hbm>>
        tpu.wait_dma2 semaphore(%dma_wait3A_443 : memref<!tpu.dma_semaphore, #tpu.memory_space<semaphore_mem>>) src(%dma_wait3A_447 : memref<80xi32, #tpu.memory_space<hbm>>) dst(%dma_wait3A_446 : memref<80xi32, #tpu.memory_space<vmem>>)
        %dma_wait3A_448 = arith.constant 0 : i32
        %dma_wait3A_449 = arith.constant 0 : i32
        %dma_wait3A_450 = arith.constant 0 : i32
        %dma_wait3A_451 = arith.constant 0 : i32
        %dma_wait3A_452 = arith.constant 0 : i32
        %dma_wait3A_453 = tpu.memref_slice %arg8[%dma_wait3A_449, %dma_wait3A_451, %dma_wait3A_452] : memref<4x80x128xf32, #tpu.memory_space<vmem>> -> memref<1x80x128xf32, #tpu.memory_space<vmem>>
        %dma_wait3A_454 = tpu.memref_squeeze %dma_wait3A_453 : memref<1x80x128xf32, #tpu.memory_space<vmem>> -> memref<80x128xf32, #tpu.memory_space<vmem>>
        %dma_wait3A_455 = arith.constant 0 : i32
        %dma_wait3A_456 = tpu.memref_slice %arg6[%dma_wait3A_448, %dma_wait3A_455] : memref<4x80xi32, #tpu.memory_space<vmem>> -> memref<1x80xi32, #tpu.memory_space<vmem>>
        %dma_wait3A_457 = tpu.memref_squeeze %dma_wait3A_456 : memref<1x80xi32, #tpu.memory_space<vmem>> -> memref<80xi32, #tpu.memory_space<vmem>>
        %dma_wait3A_458 = arith.constant 0 : i32
        %dma_wait3A_459 = arith.constant 0 : i32
        %dma_wait3A_460 = tpu.memref_slice %arg2[%dma_wait3A_458, %dma_wait3A_459] : memref<10000x128xf32, #tpu.memory_space<hbm>> -> memref<10000x128xf32, #tpu.memory_space<hbm>>
        %dma_wait3A_461 = tpu.memref_slice %arg11[%dma_wait3A_450] : memref<4x!tpu.dma_semaphore, #tpu.memory_space<semaphore_mem>> -> memref<1x!tpu.dma_semaphore, #tpu.memory_space<semaphore_mem>>
        %dma_wait3A_462 = tpu.memref_squeeze %dma_wait3A_461 : memref<1x!tpu.dma_semaphore, #tpu.memory_space<semaphore_mem>> -> memref<!tpu.dma_semaphore, #tpu.memory_space<semaphore_mem>>
        tpu.wait_indirect_dma semaphore(%dma_wait3A_462 : memref<!tpu.dma_semaphore, #tpu.memory_space<semaphore_mem>>) src(%dma_wait3A_460 : memref<10000x128xf32, #tpu.memory_space<hbm>>) dst(%dma_wait3A_454 : memref<80x128xf32, #tpu.memory_space<vmem>>)
        %dma_start3A_463 = arith.constant 0 : i32
        %dma_start3A_464 = arith.constant 0 : i32
        %dma_start3A_465 = arith.constant 0 : i32
        %dma_start3A_466 = arith.constant 0 : i32
        %dma_start3A_467 = arith.constant 0 : i32
        %dma_start3A_468 = tpu.memref_slice %arg8[%dma_start3A_463, %dma_start3A_466, %dma_start3A_467] : memref<4x80x128xf32, #tpu.memory_space<vmem>> -> memref<1x80x128xf32, #tpu.memory_space<vmem>>
        %dma_start3A_469 = tpu.memref_squeeze %dma_start3A_468 : memref<1x80x128xf32, #tpu.memory_space<vmem>> -> memref<80x128xf32, #tpu.memory_space<vmem>>
        %dma_start3A_470 = arith.constant 0 : i32
        %dma_start3A_471 = tpu.memref_slice %arg7[%dma_start3A_464, %dma_start3A_470] : memref<4x80xi32, #tpu.memory_space<vmem>> -> memref<1x80xi32, #tpu.memory_space<vmem>>
        %dma_start3A_472 = tpu.memref_squeeze %dma_start3A_471 : memref<1x80xi32, #tpu.memory_space<vmem>> -> memref<80xi32, #tpu.memory_space<vmem>>
        %dma_start3A_473 = arith.constant 0 : i32
        %dma_start3A_474 = arith.constant 0 : i32
        %dma_start3A_475 = tpu.memref_slice %arg5[%dma_start3A_473, %dma_start3A_474] : memref<10000x128xf32, #tpu.memory_space<vmem_shared>> -> memref<10000x128xf32, #tpu.memory_space<vmem_shared>>
        %dma_start3A_476 = tpu.memref_slice %arg12[%dma_start3A_465] : memref<4x!tpu.dma_semaphore, #tpu.memory_space<semaphore_mem>> -> memref<1x!tpu.dma_semaphore, #tpu.memory_space<semaphore_mem>>
        %dma_start3A_477 = tpu.memref_squeeze %dma_start3A_476 : memref<1x!tpu.dma_semaphore, #tpu.memory_space<semaphore_mem>> -> memref<!tpu.dma_semaphore, #tpu.memory_space<semaphore_mem>>
        tpu.enqueue_indirect_dma source(%dma_start3A_469 : memref<80x128xf32, #tpu.memory_space<vmem>>) target(%dma_start3A_475 : memref<10000x128xf32, #tpu.memory_space<vmem_shared>>) offsets(%dma_start3A_472 : memref<80xi32, #tpu.memory_space<vmem>>) semaphore(%dma_start3A_477 : memref<!tpu.dma_semaphore, #tpu.memory_space<semaphore_mem>>) {add = true}
      } else {
      }
      %add3A_274 = arith.constant 1 : i32
      %add3A_275 = arith.addi %add3A_267, %add3A_274 : i32
      %lt3A_276 = arith.constant 125 : i32
      %lt3A_277 = arith.cmpi slt, %add3A_275, %lt3A_276 : i32
      %convert_element_type3A_278 = arith.extui %lt3A_277 : i1 to i32
      %cond3A_279 = arith.constant 0 : i32
      %cond3A_280 = arith.cmpi ne, %convert_element_type3A_278, %cond3A_279 : i32
      scf.if %cond3A_280 {
        %add3A_431 = arith.constant 320000 : i32
        %add3A_432 = arith.addi %add3A_431, %mul3A_13 : i32
        %mul3A_433 = arith.constant 80 : i32
        %mul3A_434 = arith.muli %add3A_275, %mul3A_433 : i32
        %add3A_435 = arith.addi %add3A_432, %mul3A_434 : i32
        %dma_wait3A_436 = arith.constant 1 : i32
        %dma_wait3A_437 = arith.constant 1 : i32
        %dma_wait3A_438 = arith.constant 0 : i32
        %dma_wait3A_439 = tpu.memref_slice %arg7[%dma_wait3A_436, %dma_wait3A_438] : memref<4x80xi32, #tpu.memory_space<vmem>> -> memref<1x80xi32, #tpu.memory_space<vmem>>
        %dma_wait3A_440 = tpu.memref_squeeze %dma_wait3A_439 : memref<1x80xi32, #tpu.memory_space<vmem>> -> memref<80xi32, #tpu.memory_space<vmem>>
        %dma_wait3A_441 = tpu.memref_slice %arg3[%add3A_435] : memref<640000xi32, #tpu.memory_space<hbm>> -> memref<80xi32, #tpu.memory_space<hbm>>
        %dma_wait3A_442 = tpu.memref_slice %arg10[%dma_wait3A_437] : memref<4x!tpu.dma_semaphore, #tpu.memory_space<semaphore_mem>> -> memref<1x!tpu.dma_semaphore, #tpu.memory_space<semaphore_mem>>
        %dma_wait3A_443 = tpu.memref_squeeze %dma_wait3A_442 : memref<1x!tpu.dma_semaphore, #tpu.memory_space<semaphore_mem>> -> memref<!tpu.dma_semaphore, #tpu.memory_space<semaphore_mem>>
        %dma_wait3A_444 = arith.constant 0 : i32
        %dma_wait3A_445 = tpu.memref_slice %arg7[%dma_wait3A_436, %dma_wait3A_444] : memref<4x80xi32, #tpu.memory_space<vmem>> -> memref<1x80xi32, #tpu.memory_space<vmem>>
        %dma_wait3A_446 = tpu.memref_squeeze %dma_wait3A_445 : memref<1x80xi32, #tpu.memory_space<vmem>> -> memref<80xi32, #tpu.memory_space<vmem>>
        %dma_wait3A_447 = tpu.memref_slice %arg3[%add3A_435] : memref<640000xi32, #tpu.memory_space<hbm>> -> memref<80xi32, #tpu.memory_space<hbm>>
        tpu.wait_dma2 semaphore(%dma_wait3A_443 : memref<!tpu.dma_semaphore, #tpu.memory_space<semaphore_mem>>) src(%dma_wait3A_447 : memref<80xi32, #tpu.memory_space<hbm>>) dst(%dma_wait3A_446 : memref<80xi32, #tpu.memory_space<vmem>>)
        %dma_wait3A_448 = arith.constant 1 : i32
        %dma_wait3A_449 = arith.constant 1 : i32
        %dma_wait3A_450 = arith.constant 1 : i32
        %dma_wait3A_451 = arith.constant 0 : i32
        %dma_wait3A_452 = arith.constant 0 : i32
        %dma_wait3A_453 = tpu.memref_slice %arg8[%dma_wait3A_449, %dma_wait3A_451, %dma_wait3A_452] : memref<4x80x128xf32, #tpu.memory_space<vmem>> -> memref<1x80x128xf32, #tpu.memory_space<vmem>>
        %dma_wait3A_454 = tpu.memref_squeeze %dma_wait3A_453 : memref<1x80x128xf32, #tpu.memory_space<vmem>> -> memref<80x128xf32, #tpu.memory_space<vmem>>
        %dma_wait3A_455 = arith.constant 0 : i32
        %dma_wait3A_456 = tpu.memref_slice %arg6[%dma_wait3A_448, %dma_wait3A_455] : memref<4x80xi32, #tpu.memory_space<vmem>> -> memref<1x80xi32, #tpu.memory_space<vmem>>
        %dma_wait3A_457 = tpu.memref_squeeze %dma_wait3A_456 : memref<1x80xi32, #tpu.memory_space<vmem>> -> memref<80xi32, #tpu.memory_space<vmem>>
        %dma_wait3A_458 = arith.constant 0 : i32
        %dma_wait3A_459 = arith.constant 0 : i32
        %dma_wait3A_460 = tpu.memref_slice %arg2[%dma_wait3A_458, %dma_wait3A_459] : memref<10000x128xf32, #tpu.memory_space<hbm>> -> memref<10000x128xf32, #tpu.memory_space<hbm>>
        %dma_wait3A_461 = tpu.memref_slice %arg11[%dma_wait3A_450] : memref<4x!tpu.dma_semaphore, #tpu.memory_space<semaphore_mem>> -> memref<1x!tpu.dma_semaphore, #tpu.memory_space<semaphore_mem>>
        %dma_wait3A_462 = tpu.memref_squeeze %dma_wait3A_461 : memref<1x!tpu.dma_semaphore, #tpu.memory_space<semaphore_mem>> -> memref<!tpu.dma_semaphore, #tpu.memory_space<semaphore_mem>>
        tpu.wait_indirect_dma semaphore(%dma_wait3A_462 : memref<!tpu.dma_semaphore, #tpu.memory_space<semaphore_mem>>) src(%dma_wait3A_460 : memref<10000x128xf32, #tpu.memory_space<hbm>>) dst(%dma_wait3A_454 : memref<80x128xf32, #tpu.memory_space<vmem>>)
        %dma_start3A_463 = arith.constant 1 : i32
        %dma_start3A_464 = arith.constant 1 : i32
        %dma_start3A_465 = arith.constant 1 : i32
        %dma_start3A_466 = arith.constant 0 : i32
        %dma_start3A_467 = arith.constant 0 : i32
        %dma_start3A_468 = tpu.memref_slice %arg8[%dma_start3A_463, %dma_start3A_466, %dma_start3A_467] : memref<4x80x128xf32, #tpu.memory_space<vmem>> -> memref<1x80x128xf32, #tpu.memory_space<vmem>>
        %dma_start3A_469 = tpu.memref_squeeze %dma_start3A_468 : memref<1x80x128xf32, #tpu.memory_space<vmem>> -> memref<80x128xf32, #tpu.memory_space<vmem>>
        %dma_start3A_470 = arith.constant 0 : i32
        %dma_start3A_471 = tpu.memref_slice %arg7[%dma_start3A_464, %dma_start3A_470] : memref<4x80xi32, #tpu.memory_space<vmem>> -> memref<1x80xi32, #tpu.memory_space<vmem>>
        %dma_start3A_472 = tpu.memref_squeeze %dma_start3A_471 : memref<1x80xi32, #tpu.memory_space<vmem>> -> memref<80xi32, #tpu.memory_space<vmem>>
        %dma_start3A_473 = arith.constant 0 : i32
        %dma_start3A_474 = arith.constant 0 : i32
        %dma_start3A_475 = tpu.memref_slice %arg5[%dma_start3A_473, %dma_start3A_474] : memref<10000x128xf32, #tpu.memory_space<vmem_shared>> -> memref<10000x128xf32, #tpu.memory_space<vmem_shared>>
        %dma_start3A_476 = tpu.memref_slice %arg12[%dma_start3A_465] : memref<4x!tpu.dma_semaphore, #tpu.memory_space<semaphore_mem>> -> memref<1x!tpu.dma_semaphore, #tpu.memory_space<semaphore_mem>>
        %dma_start3A_477 = tpu.memref_squeeze %dma_start3A_476 : memref<1x!tpu.dma_semaphore, #tpu.memory_space<semaphore_mem>> -> memref<!tpu.dma_semaphore, #tpu.memory_space<semaphore_mem>>
        tpu.enqueue_indirect_dma source(%dma_start3A_469 : memref<80x128xf32, #tpu.memory_space<vmem>>) target(%dma_start3A_475 : memref<10000x128xf32, #tpu.memory_space<vmem_shared>>) offsets(%dma_start3A_472 : memref<80xi32, #tpu.memory_space<vmem>>) semaphore(%dma_start3A_477 : memref<!tpu.dma_semaphore, #tpu.memory_space<semaphore_mem>>) {add = true}
      } else {
      }
      %add3A_281 = arith.constant 4 : i32
      %add3A_282 = arith.addi %add3A_267, %add3A_281 : i32
      %add3A_283 = arith.constant 0 : i32
      %add3A_284 = arith.addi %add3A_282, %add3A_283 : i32
      %lt3A_285 = arith.constant 125 : i32
      %lt3A_286 = arith.cmpi slt, %add3A_284, %lt3A_285 : i32
      %convert_element_type3A_287 = arith.extui %lt3A_286 : i1 to i32
      %cond3A_288 = arith.constant 0 : i32
      %cond3A_289 = arith.cmpi ne, %convert_element_type3A_287, %cond3A_288 : i32
      scf.if %cond3A_289 {
        %mul3A_431 = arith.constant 80 : i32
        %mul3A_432 = arith.muli %add3A_284, %mul3A_431 : i32
        %add3A_433 = arith.addi %mul3A_13, %mul3A_432 : i32
        %dma_start3A_434 = arith.constant 0 : i32
        %dma_start3A_435 = arith.constant 0 : i32
        %dma_start3A_436 = arith.constant 0 : i32
        %dma_start3A_437 = tpu.memref_slice %arg6[%dma_start3A_434, %dma_start3A_436] : memref<4x80xi32, #tpu.memory_space<vmem>> -> memref<1x80xi32, #tpu.memory_space<vmem>>
        %dma_start3A_438 = tpu.memref_squeeze %dma_start3A_437 : memref<1x80xi32, #tpu.memory_space<vmem>> -> memref<80xi32, #tpu.memory_space<vmem>>
        %dma_start3A_439 = tpu.memref_slice %arg3[%add3A_433] : memref<640000xi32, #tpu.memory_space<hbm>> -> memref<80xi32, #tpu.memory_space<hbm>>
        %dma_start3A_440 = tpu.memref_slice %arg9[%dma_start3A_435] : memref<4x!tpu.dma_semaphore, #tpu.memory_space<semaphore_mem>> -> memref<1x!tpu.dma_semaphore, #tpu.memory_space<semaphore_mem>>
        %dma_start3A_441 = tpu.memref_squeeze %dma_start3A_440 : memref<1x!tpu.dma_semaphore, #tpu.memory_space<semaphore_mem>> -> memref<!tpu.dma_semaphore, #tpu.memory_space<semaphore_mem>>
        %dma_start3A_442 = arith.constant 0 : i32
        %dma_start3A_443 = tpu.memref_slice %arg6[%dma_start3A_434, %dma_start3A_442] : memref<4x80xi32, #tpu.memory_space<vmem>> -> memref<1x80xi32, #tpu.memory_space<vmem>>
        %dma_start3A_444 = tpu.memref_squeeze %dma_start3A_443 : memref<1x80xi32, #tpu.memory_space<vmem>> -> memref<80xi32, #tpu.memory_space<vmem>>
        %dma_start3A_445 = tpu.memref_slice %arg3[%add3A_433] : memref<640000xi32, #tpu.memory_space<hbm>> -> memref<80xi32, #tpu.memory_space<hbm>>
        tpu.enqueue_dma source(%dma_start3A_445 : memref<80xi32, #tpu.memory_space<hbm>>) target(%dma_start3A_444 : memref<80xi32, #tpu.memory_space<vmem>>) target_semaphore(%dma_start3A_441 : memref<!tpu.dma_semaphore, #tpu.memory_space<semaphore_mem>>)
      } else {
      }
      %add3A_290 = arith.constant 4 : i32
      %add3A_291 = arith.addi %add3A_267, %add3A_290 : i32
      %add3A_292 = arith.constant 1 : i32
      %add3A_293 = arith.addi %add3A_291, %add3A_292 : i32
      %lt3A_294 = arith.constant 125 : i32
      %lt3A_295 = arith.cmpi slt, %add3A_293, %lt3A_294 : i32
      %convert_element_type3A_296 = arith.extui %lt3A_295 : i1 to i32
      %cond3A_297 = arith.constant 0 : i32
      %cond3A_298 = arith.cmpi ne, %convert_element_type3A_296, %cond3A_297 : i32
      scf.if %cond3A_298 {
        %mul3A_431 = arith.constant 80 : i32
        %mul3A_432 = arith.muli %add3A_293, %mul3A_431 : i32
        %add3A_433 = arith.addi %mul3A_13, %mul3A_432 : i32
        %dma_start3A_434 = arith.constant 1 : i32
        %dma_start3A_435 = arith.constant 1 : i32
        %dma_start3A_436 = arith.constant 0 : i32
        %dma_start3A_437 = tpu.memref_slice %arg6[%dma_start3A_434, %dma_start3A_436] : memref<4x80xi32, #tpu.memory_space<vmem>> -> memref<1x80xi32, #tpu.memory_space<vmem>>
        %dma_start3A_438 = tpu.memref_squeeze %dma_start3A_437 : memref<1x80xi32, #tpu.memory_space<vmem>> -> memref<80xi32, #tpu.memory_space<vmem>>
        %dma_start3A_439 = tpu.memref_slice %arg3[%add3A_433] : memref<640000xi32, #tpu.memory_space<hbm>> -> memref<80xi32, #tpu.memory_space<hbm>>
        %dma_start3A_440 = tpu.memref_slice %arg9[%dma_start3A_435] : memref<4x!tpu.dma_semaphore, #tpu.memory_space<semaphore_mem>> -> memref<1x!tpu.dma_semaphore, #tpu.memory_space<semaphore_mem>>
        %dma_start3A_441 = tpu.memref_squeeze %dma_start3A_440 : memref<1x!tpu.dma_semaphore, #tpu.memory_space<semaphore_mem>> -> memref<!tpu.dma_semaphore, #tpu.memory_space<semaphore_mem>>
        %dma_start3A_442 = arith.constant 0 : i32
        %dma_start3A_443 = tpu.memref_slice %arg6[%dma_start3A_434, %dma_start3A_442] : memref<4x80xi32, #tpu.memory_space<vmem>> -> memref<1x80xi32, #tpu.memory_space<vmem>>
        %dma_start3A_444 = tpu.memref_squeeze %dma_start3A_443 : memref<1x80xi32, #tpu.memory_space<vmem>> -> memref<80xi32, #tpu.memory_space<vmem>>
        %dma_start3A_445 = tpu.memref_slice %arg3[%add3A_433] : memref<640000xi32, #tpu.memory_space<hbm>> -> memref<80xi32, #tpu.memory_space<hbm>>
        tpu.enqueue_dma source(%dma_start3A_445 : memref<80xi32, #tpu.memory_space<hbm>>) target(%dma_start3A_444 : memref<80xi32, #tpu.memory_space<vmem>>) target_semaphore(%dma_start3A_441 : memref<!tpu.dma_semaphore, #tpu.memory_space<semaphore_mem>>)
      } else {
      }
      %add3A_299 = arith.constant 2 : i32
      %add3A_300 = arith.addi %add3A_267, %add3A_299 : i32
      %lt3A_301 = arith.constant 125 : i32
      %lt3A_302 = arith.cmpi slt, %add3A_300, %lt3A_301 : i32
      %convert_element_type3A_303 = arith.extui %lt3A_302 : i1 to i32
      %cond3A_304 = arith.constant 0 : i32
      %cond3A_305 = arith.cmpi ne, %convert_element_type3A_303, %cond3A_304 : i32
      scf.if %cond3A_305 {
        %add3A_431 = arith.constant 320000 : i32
        %add3A_432 = arith.addi %add3A_431, %mul3A_13 : i32
        %mul3A_433 = arith.constant 80 : i32
        %mul3A_434 = arith.muli %add3A_300, %mul3A_433 : i32
        %add3A_435 = arith.addi %add3A_432, %mul3A_434 : i32
        %dma_wait3A_436 = arith.constant 2 : i32
        %dma_wait3A_437 = arith.constant 2 : i32
        %dma_wait3A_438 = arith.constant 0 : i32
        %dma_wait3A_439 = tpu.memref_slice %arg7[%dma_wait3A_436, %dma_wait3A_438] : memref<4x80xi32, #tpu.memory_space<vmem>> -> memref<1x80xi32, #tpu.memory_space<vmem>>
        %dma_wait3A_440 = tpu.memref_squeeze %dma_wait3A_439 : memref<1x80xi32, #tpu.memory_space<vmem>> -> memref<80xi32, #tpu.memory_space<vmem>>
        %dma_wait3A_441 = tpu.memref_slice %arg3[%add3A_435] : memref<640000xi32, #tpu.memory_space<hbm>> -> memref<80xi32, #tpu.memory_space<hbm>>
        %dma_wait3A_442 = tpu.memref_slice %arg10[%dma_wait3A_437] : memref<4x!tpu.dma_semaphore, #tpu.memory_space<semaphore_mem>> -> memref<1x!tpu.dma_semaphore, #tpu.memory_space<semaphore_mem>>
        %dma_wait3A_443 = tpu.memref_squeeze %dma_wait3A_442 : memref<1x!tpu.dma_semaphore, #tpu.memory_space<semaphore_mem>> -> memref<!tpu.dma_semaphore, #tpu.memory_space<semaphore_mem>>
        %dma_wait3A_444 = arith.constant 0 : i32
        %dma_wait3A_445 = tpu.memref_slice %arg7[%dma_wait3A_436, %dma_wait3A_444] : memref<4x80xi32, #tpu.memory_space<vmem>> -> memref<1x80xi32, #tpu.memory_space<vmem>>
        %dma_wait3A_446 = tpu.memref_squeeze %dma_wait3A_445 : memref<1x80xi32, #tpu.memory_space<vmem>> -> memref<80xi32, #tpu.memory_space<vmem>>
        %dma_wait3A_447 = tpu.memref_slice %arg3[%add3A_435] : memref<640000xi32, #tpu.memory_space<hbm>> -> memref<80xi32, #tpu.memory_space<hbm>>
        tpu.wait_dma2 semaphore(%dma_wait3A_443 : memref<!tpu.dma_semaphore, #tpu.memory_space<semaphore_mem>>) src(%dma_wait3A_447 : memref<80xi32, #tpu.memory_space<hbm>>) dst(%dma_wait3A_446 : memref<80xi32, #tpu.memory_space<vmem>>)
        %dma_wait3A_448 = arith.constant 2 : i32
        %dma_wait3A_449 = arith.constant 2 : i32
        %dma_wait3A_450 = arith.constant 2 : i32
        %dma_wait3A_451 = arith.constant 0 : i32
        %dma_wait3A_452 = arith.constant 0 : i32
        %dma_wait3A_453 = tpu.memref_slice %arg8[%dma_wait3A_449, %dma_wait3A_451, %dma_wait3A_452] : memref<4x80x128xf32, #tpu.memory_space<vmem>> -> memref<1x80x128xf32, #tpu.memory_space<vmem>>
        %dma_wait3A_454 = tpu.memref_squeeze %dma_wait3A_453 : memref<1x80x128xf32, #tpu.memory_space<vmem>> -> memref<80x128xf32, #tpu.memory_space<vmem>>
        %dma_wait3A_455 = arith.constant 0 : i32
        %dma_wait3A_456 = tpu.memref_slice %arg6[%dma_wait3A_448, %dma_wait3A_455] : memref<4x80xi32, #tpu.memory_space<vmem>> -> memref<1x80xi32, #tpu.memory_space<vmem>>
        %dma_wait3A_457 = tpu.memref_squeeze %dma_wait3A_456 : memref<1x80xi32, #tpu.memory_space<vmem>> -> memref<80xi32, #tpu.memory_space<vmem>>
        %dma_wait3A_458 = arith.constant 0 : i32
        %dma_wait3A_459 = arith.constant 0 : i32
        %dma_wait3A_460 = tpu.memref_slice %arg2[%dma_wait3A_458, %dma_wait3A_459] : memref<10000x128xf32, #tpu.memory_space<hbm>> -> memref<10000x128xf32, #tpu.memory_space<hbm>>
        %dma_wait3A_461 = tpu.memref_slice %arg11[%dma_wait3A_450] : memref<4x!tpu.dma_semaphore, #tpu.memory_space<semaphore_mem>> -> memref<1x!tpu.dma_semaphore, #tpu.memory_space<semaphore_mem>>
        %dma_wait3A_462 = tpu.memref_squeeze %dma_wait3A_461 : memref<1x!tpu.dma_semaphore, #tpu.memory_space<semaphore_mem>> -> memref<!tpu.dma_semaphore, #tpu.memory_space<semaphore_mem>>
        tpu.wait_indirect_dma semaphore(%dma_wait3A_462 : memref<!tpu.dma_semaphore, #tpu.memory_space<semaphore_mem>>) src(%dma_wait3A_460 : memref<10000x128xf32, #tpu.memory_space<hbm>>) dst(%dma_wait3A_454 : memref<80x128xf32, #tpu.memory_space<vmem>>)
        %dma_start3A_463 = arith.constant 2 : i32
        %dma_start3A_464 = arith.constant 2 : i32
        %dma_start3A_465 = arith.constant 2 : i32
        %dma_start3A_466 = arith.constant 0 : i32
        %dma_start3A_467 = arith.constant 0 : i32
        %dma_start3A_468 = tpu.memref_slice %arg8[%dma_start3A_463, %dma_start3A_466, %dma_start3A_467] : memref<4x80x128xf32, #tpu.memory_space<vmem>> -> memref<1x80x128xf32, #tpu.memory_space<vmem>>
        %dma_start3A_469 = tpu.memref_squeeze %dma_start3A_468 : memref<1x80x128xf32, #tpu.memory_space<vmem>> -> memref<80x128xf32, #tpu.memory_space<vmem>>
        %dma_start3A_470 = arith.constant 0 : i32
        %dma_start3A_471 = tpu.memref_slice %arg7[%dma_start3A_464, %dma_start3A_470] : memref<4x80xi32, #tpu.memory_space<vmem>> -> memref<1x80xi32, #tpu.memory_space<vmem>>
        %dma_start3A_472 = tpu.memref_squeeze %dma_start3A_471 : memref<1x80xi32, #tpu.memory_space<vmem>> -> memref<80xi32, #tpu.memory_space<vmem>>
        %dma_start3A_473 = arith.constant 0 : i32
        %dma_start3A_474 = arith.constant 0 : i32
        %dma_start3A_475 = tpu.memref_slice %arg5[%dma_start3A_473, %dma_start3A_474] : memref<10000x128xf32, #tpu.memory_space<vmem_shared>> -> memref<10000x128xf32, #tpu.memory_space<vmem_shared>>
        %dma_start3A_476 = tpu.memref_slice %arg12[%dma_start3A_465] : memref<4x!tpu.dma_semaphore, #tpu.memory_space<semaphore_mem>> -> memref<1x!tpu.dma_semaphore, #tpu.memory_space<semaphore_mem>>
        %dma_start3A_477 = tpu.memref_squeeze %dma_start3A_476 : memref<1x!tpu.dma_semaphore, #tpu.memory_space<semaphore_mem>> -> memref<!tpu.dma_semaphore, #tpu.memory_space<semaphore_mem>>
        tpu.enqueue_indirect_dma source(%dma_start3A_469 : memref<80x128xf32, #tpu.memory_space<vmem>>) target(%dma_start3A_475 : memref<10000x128xf32, #tpu.memory_space<vmem_shared>>) offsets(%dma_start3A_472 : memref<80xi32, #tpu.memory_space<vmem>>) semaphore(%dma_start3A_477 : memref<!tpu.dma_semaphore, #tpu.memory_space<semaphore_mem>>) {add = true}
      } else {
      }
      %add3A_306 = arith.constant 3 : i32
      %add3A_307 = arith.addi %add3A_267, %add3A_306 : i32
      %lt3A_308 = arith.constant 125 : i32
      %lt3A_309 = arith.cmpi slt, %add3A_307, %lt3A_308 : i32
      %convert_element_type3A_310 = arith.extui %lt3A_309 : i1 to i32
      %cond3A_311 = arith.constant 0 : i32
      %cond3A_312 = arith.cmpi ne, %convert_element_type3A_310, %cond3A_311 : i32
      scf.if %cond3A_312 {
        %add3A_431 = arith.constant 320000 : i32
        %add3A_432 = arith.addi %add3A_431, %mul3A_13 : i32
        %mul3A_433 = arith.constant 80 : i32
        %mul3A_434 = arith.muli %add3A_307, %mul3A_433 : i32
        %add3A_435 = arith.addi %add3A_432, %mul3A_434 : i32
        %dma_wait3A_436 = arith.constant 3 : i32
        %dma_wait3A_437 = arith.constant 3 : i32
        %dma_wait3A_438 = arith.constant 0 : i32
        %dma_wait3A_439 = tpu.memref_slice %arg7[%dma_wait3A_436, %dma_wait3A_438] : memref<4x80xi32, #tpu.memory_space<vmem>> -> memref<1x80xi32, #tpu.memory_space<vmem>>
        %dma_wait3A_440 = tpu.memref_squeeze %dma_wait3A_439 : memref<1x80xi32, #tpu.memory_space<vmem>> -> memref<80xi32, #tpu.memory_space<vmem>>
        %dma_wait3A_441 = tpu.memref_slice %arg3[%add3A_435] : memref<640000xi32, #tpu.memory_space<hbm>> -> memref<80xi32, #tpu.memory_space<hbm>>
        %dma_wait3A_442 = tpu.memref_slice %arg10[%dma_wait3A_437] : memref<4x!tpu.dma_semaphore, #tpu.memory_space<semaphore_mem>> -> memref<1x!tpu.dma_semaphore, #tpu.memory_space<semaphore_mem>>
        %dma_wait3A_443 = tpu.memref_squeeze %dma_wait3A_442 : memref<1x!tpu.dma_semaphore, #tpu.memory_space<semaphore_mem>> -> memref<!tpu.dma_semaphore, #tpu.memory_space<semaphore_mem>>
        %dma_wait3A_444 = arith.constant 0 : i32
        %dma_wait3A_445 = tpu.memref_slice %arg7[%dma_wait3A_436, %dma_wait3A_444] : memref<4x80xi32, #tpu.memory_space<vmem>> -> memref<1x80xi32, #tpu.memory_space<vmem>>
        %dma_wait3A_446 = tpu.memref_squeeze %dma_wait3A_445 : memref<1x80xi32, #tpu.memory_space<vmem>> -> memref<80xi32, #tpu.memory_space<vmem>>
        %dma_wait3A_447 = tpu.memref_slice %arg3[%add3A_435] : memref<640000xi32, #tpu.memory_space<hbm>> -> memref<80xi32, #tpu.memory_space<hbm>>
        tpu.wait_dma2 semaphore(%dma_wait3A_443 : memref<!tpu.dma_semaphore, #tpu.memory_space<semaphore_mem>>) src(%dma_wait3A_447 : memref<80xi32, #tpu.memory_space<hbm>>) dst(%dma_wait3A_446 : memref<80xi32, #tpu.memory_space<vmem>>)
        %dma_wait3A_448 = arith.constant 3 : i32
        %dma_wait3A_449 = arith.constant 3 : i32
        %dma_wait3A_450 = arith.constant 3 : i32
        %dma_wait3A_451 = arith.constant 0 : i32
        %dma_wait3A_452 = arith.constant 0 : i32
        %dma_wait3A_453 = tpu.memref_slice %arg8[%dma_wait3A_449, %dma_wait3A_451, %dma_wait3A_452] : memref<4x80x128xf32, #tpu.memory_space<vmem>> -> memref<1x80x128xf32, #tpu.memory_space<vmem>>
        %dma_wait3A_454 = tpu.memref_squeeze %dma_wait3A_453 : memref<1x80x128xf32, #tpu.memory_space<vmem>> -> memref<80x128xf32, #tpu.memory_space<vmem>>
        %dma_wait3A_455 = arith.constant 0 : i32
        %dma_wait3A_456 = tpu.memref_slice %arg6[%dma_wait3A_448, %dma_wait3A_455] : memref<4x80xi32, #tpu.memory_space<vmem>> -> memref<1x80xi32, #tpu.memory_space<vmem>>
        %dma_wait3A_457 = tpu.memref_squeeze %dma_wait3A_456 : memref<1x80xi32, #tpu.memory_space<vmem>> -> memref<80xi32, #tpu.memory_space<vmem>>
        %dma_wait3A_458 = arith.constant 0 : i32
        %dma_wait3A_459 = arith.constant 0 : i32
        %dma_wait3A_460 = tpu.memref_slice %arg2[%dma_wait3A_458, %dma_wait3A_459] : memref<10000x128xf32, #tpu.memory_space<hbm>> -> memref<10000x128xf32, #tpu.memory_space<hbm>>
        %dma_wait3A_461 = tpu.memref_slice %arg11[%dma_wait3A_450] : memref<4x!tpu.dma_semaphore, #tpu.memory_space<semaphore_mem>> -> memref<1x!tpu.dma_semaphore, #tpu.memory_space<semaphore_mem>>
        %dma_wait3A_462 = tpu.memref_squeeze %dma_wait3A_461 : memref<1x!tpu.dma_semaphore, #tpu.memory_space<semaphore_mem>> -> memref<!tpu.dma_semaphore, #tpu.memory_space<semaphore_mem>>
        tpu.wait_indirect_dma semaphore(%dma_wait3A_462 : memref<!tpu.dma_semaphore, #tpu.memory_space<semaphore_mem>>) src(%dma_wait3A_460 : memref<10000x128xf32, #tpu.memory_space<hbm>>) dst(%dma_wait3A_454 : memref<80x128xf32, #tpu.memory_space<vmem>>)
        %dma_start3A_463 = arith.constant 3 : i32
        %dma_start3A_464 = arith.constant 3 : i32
        %dma_start3A_465 = arith.constant 3 : i32
        %dma_start3A_466 = arith.constant 0 : i32
        %dma_start3A_467 = arith.constant 0 : i32
        %dma_start3A_468 = tpu.memref_slice %arg8[%dma_start3A_463, %dma_start3A_466, %dma_start3A_467] : memref<4x80x128xf32, #tpu.memory_space<vmem>> -> memref<1x80x128xf32, #tpu.memory_space<vmem>>
        %dma_start3A_469 = tpu.memref_squeeze %dma_start3A_468 : memref<1x80x128xf32, #tpu.memory_space<vmem>> -> memref<80x128xf32, #tpu.memory_space<vmem>>
        %dma_start3A_470 = arith.constant 0 : i32
        %dma_start3A_471 = tpu.memref_slice %arg7[%dma_start3A_464, %dma_start3A_470] : memref<4x80xi32, #tpu.memory_space<vmem>> -> memref<1x80xi32, #tpu.memory_space<vmem>>
        %dma_start3A_472 = tpu.memref_squeeze %dma_start3A_471 : memref<1x80xi32, #tpu.memory_space<vmem>> -> memref<80xi32, #tpu.memory_space<vmem>>
        %dma_start3A_473 = arith.constant 0 : i32
        %dma_start3A_474 = arith.constant 0 : i32
        %dma_start3A_475 = tpu.memref_slice %arg5[%dma_start3A_473, %dma_start3A_474] : memref<10000x128xf32, #tpu.memory_space<vmem_shared>> -> memref<10000x128xf32, #tpu.memory_space<vmem_shared>>
        %dma_start3A_476 = tpu.memref_slice %arg12[%dma_start3A_465] : memref<4x!tpu.dma_semaphore, #tpu.memory_space<semaphore_mem>> -> memref<1x!tpu.dma_semaphore, #tpu.memory_space<semaphore_mem>>
        %dma_start3A_477 = tpu.memref_squeeze %dma_start3A_476 : memref<1x!tpu.dma_semaphore, #tpu.memory_space<semaphore_mem>> -> memref<!tpu.dma_semaphore, #tpu.memory_space<semaphore_mem>>
        tpu.enqueue_indirect_dma source(%dma_start3A_469 : memref<80x128xf32, #tpu.memory_space<vmem>>) target(%dma_start3A_475 : memref<10000x128xf32, #tpu.memory_space<vmem_shared>>) offsets(%dma_start3A_472 : memref<80xi32, #tpu.memory_space<vmem>>) semaphore(%dma_start3A_477 : memref<!tpu.dma_semaphore, #tpu.memory_space<semaphore_mem>>) {add = true}
      } else {
      }
      %add3A_313 = arith.constant 4 : i32
      %add3A_314 = arith.addi %add3A_267, %add3A_313 : i32
      %add3A_315 = arith.constant 2 : i32
      %add3A_316 = arith.addi %add3A_314, %add3A_315 : i32
      %lt3A_317 = arith.constant 125 : i32
      %lt3A_318 = arith.cmpi slt, %add3A_316, %lt3A_317 : i32
      %convert_element_type3A_319 = arith.extui %lt3A_318 : i1 to i32
      %cond3A_320 = arith.constant 0 : i32
      %cond3A_321 = arith.cmpi ne, %convert_element_type3A_319, %cond3A_320 : i32
      scf.if %cond3A_321 {
        %mul3A_431 = arith.constant 80 : i32
        %mul3A_432 = arith.muli %add3A_316, %mul3A_431 : i32
        %add3A_433 = arith.addi %mul3A_13, %mul3A_432 : i32
        %dma_start3A_434 = arith.constant 2 : i32
        %dma_start3A_435 = arith.constant 2 : i32
        %dma_start3A_436 = arith.constant 0 : i32
        %dma_start3A_437 = tpu.memref_slice %arg6[%dma_start3A_434, %dma_start3A_436] : memref<4x80xi32, #tpu.memory_space<vmem>> -> memref<1x80xi32, #tpu.memory_space<vmem>>
        %dma_start3A_438 = tpu.memref_squeeze %dma_start3A_437 : memref<1x80xi32, #tpu.memory_space<vmem>> -> memref<80xi32, #tpu.memory_space<vmem>>
        %dma_start3A_439 = tpu.memref_slice %arg3[%add3A_433] : memref<640000xi32, #tpu.memory_space<hbm>> -> memref<80xi32, #tpu.memory_space<hbm>>
        %dma_start3A_440 = tpu.memref_slice %arg9[%dma_start3A_435] : memref<4x!tpu.dma_semaphore, #tpu.memory_space<semaphore_mem>> -> memref<1x!tpu.dma_semaphore, #tpu.memory_space<semaphore_mem>>
        %dma_start3A_441 = tpu.memref_squeeze %dma_start3A_440 : memref<1x!tpu.dma_semaphore, #tpu.memory_space<semaphore_mem>> -> memref<!tpu.dma_semaphore, #tpu.memory_space<semaphore_mem>>
        %dma_start3A_442 = arith.constant 0 : i32
        %dma_start3A_443 = tpu.memref_slice %arg6[%dma_start3A_434, %dma_start3A_442] : memref<4x80xi32, #tpu.memory_space<vmem>> -> memref<1x80xi32, #tpu.memory_space<vmem>>
        %dma_start3A_444 = tpu.memref_squeeze %dma_start3A_443 : memref<1x80xi32, #tpu.memory_space<vmem>> -> memref<80xi32, #tpu.memory_space<vmem>>
        %dma_start3A_445 = tpu.memref_slice %arg3[%add3A_433] : memref<640000xi32, #tpu.memory_space<hbm>> -> memref<80xi32, #tpu.memory_space<hbm>>
        tpu.enqueue_dma source(%dma_start3A_445 : memref<80xi32, #tpu.memory_space<hbm>>) target(%dma_start3A_444 : memref<80xi32, #tpu.memory_space<vmem>>) target_semaphore(%dma_start3A_441 : memref<!tpu.dma_semaphore, #tpu.memory_space<semaphore_mem>>)
      } else {
      }
      %add3A_322 = arith.constant 4 : i32
      %add3A_323 = arith.addi %add3A_267, %add3A_322 : i32
      %add3A_324 = arith.constant 3 : i32
      %add3A_325 = arith.addi %add3A_323, %add3A_324 : i32
      %lt3A_326 = arith.constant 125 : i32
      %lt3A_327 = arith.cmpi slt, %add3A_325, %lt3A_326 : i32
      %convert_element_type3A_328 = arith.extui %lt3A_327 : i1 to i32
      %cond3A_329 = arith.constant 0 : i32
      %cond3A_330 = arith.cmpi ne, %convert_element_type3A_328, %cond3A_329 : i32
      scf.if %cond3A_330 {
        %mul3A_431 = arith.constant 80 : i32
        %mul3A_432 = arith.muli %add3A_325, %mul3A_431 : i32
        %add3A_433 = arith.addi %mul3A_13, %mul3A_432 : i32
        %dma_start3A_434 = arith.constant 3 : i32
        %dma_start3A_435 = arith.constant 3 : i32
        %dma_start3A_436 = arith.constant 0 : i32
        %dma_start3A_437 = tpu.memref_slice %arg6[%dma_start3A_434, %dma_start3A_436] : memref<4x80xi32, #tpu.memory_space<vmem>> -> memref<1x80xi32, #tpu.memory_space<vmem>>
        %dma_start3A_438 = tpu.memref_squeeze %dma_start3A_437 : memref<1x80xi32, #tpu.memory_space<vmem>> -> memref<80xi32, #tpu.memory_space<vmem>>
        %dma_start3A_439 = tpu.memref_slice %arg3[%add3A_433] : memref<640000xi32, #tpu.memory_space<hbm>> -> memref<80xi32, #tpu.memory_space<hbm>>
        %dma_start3A_440 = tpu.memref_slice %arg9[%dma_start3A_435] : memref<4x!tpu.dma_semaphore, #tpu.memory_space<semaphore_mem>> -> memref<1x!tpu.dma_semaphore, #tpu.memory_space<semaphore_mem>>
        %dma_start3A_441 = tpu.memref_squeeze %dma_start3A_440 : memref<1x!tpu.dma_semaphore, #tpu.memory_space<semaphore_mem>> -> memref<!tpu.dma_semaphore, #tpu.memory_space<semaphore_mem>>
        %dma_start3A_442 = arith.constant 0 : i32
        %dma_start3A_443 = tpu.memref_slice %arg6[%dma_start3A_434, %dma_start3A_442] : memref<4x80xi32, #tpu.memory_space<vmem>> -> memref<1x80xi32, #tpu.memory_space<vmem>>
        %dma_start3A_444 = tpu.memref_squeeze %dma_start3A_443 : memref<1x80xi32, #tpu.memory_space<vmem>> -> memref<80xi32, #tpu.memory_space<vmem>>
        %dma_start3A_445 = tpu.memref_slice %arg3[%add3A_433] : memref<640000xi32, #tpu.memory_space<hbm>> -> memref<80xi32, #tpu.memory_space<hbm>>
        tpu.enqueue_dma source(%dma_start3A_445 : memref<80xi32, #tpu.memory_space<hbm>>) target(%dma_start3A_444 : memref<80xi32, #tpu.memory_space<vmem>>) target_semaphore(%dma_start3A_441 : memref<!tpu.dma_semaphore, #tpu.memory_space<semaphore_mem>>)
      } else {
      }
      %add3A_331 = arith.constant 0 : i32
      %add3A_332 = arith.addi %add3A_267, %add3A_331 : i32
      %lt3A_333 = arith.constant 125 : i32
      %lt3A_334 = arith.cmpi slt, %add3A_332, %lt3A_333 : i32
      %convert_element_type3A_335 = arith.extui %lt3A_334 : i1 to i32
      %cond3A_336 = arith.constant 0 : i32
      %cond3A_337 = arith.cmpi ne, %convert_element_type3A_335, %cond3A_336 : i32
      scf.if %cond3A_337 {
        %dma_wait3A_431 = arith.constant 0 : i32
        %dma_wait3A_432 = arith.constant 0 : i32
        %dma_wait3A_433 = arith.constant 0 : i32
        %dma_wait3A_434 = arith.constant 0 : i32
        %dma_wait3A_435 = arith.constant 0 : i32
        %dma_wait3A_436 = tpu.memref_slice %arg8[%dma_wait3A_431, %dma_wait3A_434, %dma_wait3A_435] : memref<4x80x128xf32, #tpu.memory_space<vmem>> -> memref<1x80x128xf32, #tpu.memory_space<vmem>>
        %dma_wait3A_437 = tpu.memref_squeeze %dma_wait3A_436 : memref<1x80x128xf32, #tpu.memory_space<vmem>> -> memref<80x128xf32, #tpu.memory_space<vmem>>
        %dma_wait3A_438 = arith.constant 0 : i32
        %dma_wait3A_439 = tpu.memref_slice %arg7[%dma_wait3A_432, %dma_wait3A_438] : memref<4x80xi32, #tpu.memory_space<vmem>> -> memref<1x80xi32, #tpu.memory_space<vmem>>
        %dma_wait3A_440 = tpu.memref_squeeze %dma_wait3A_439 : memref<1x80xi32, #tpu.memory_space<vmem>> -> memref<80xi32, #tpu.memory_space<vmem>>
        %dma_wait3A_441 = arith.constant 0 : i32
        %dma_wait3A_442 = arith.constant 0 : i32
        %dma_wait3A_443 = tpu.memref_slice %arg5[%dma_wait3A_441, %dma_wait3A_442] : memref<10000x128xf32, #tpu.memory_space<vmem_shared>> -> memref<10000x128xf32, #tpu.memory_space<vmem_shared>>
        %dma_wait3A_444 = tpu.memref_slice %arg12[%dma_wait3A_433] : memref<4x!tpu.dma_semaphore, #tpu.memory_space<semaphore_mem>> -> memref<1x!tpu.dma_semaphore, #tpu.memory_space<semaphore_mem>>
        %dma_wait3A_445 = tpu.memref_squeeze %dma_wait3A_444 : memref<1x!tpu.dma_semaphore, #tpu.memory_space<semaphore_mem>> -> memref<!tpu.dma_semaphore, #tpu.memory_space<semaphore_mem>>
        tpu.wait_indirect_dma semaphore(%dma_wait3A_445 : memref<!tpu.dma_semaphore, #tpu.memory_space<semaphore_mem>>) src(%dma_wait3A_437 : memref<80x128xf32, #tpu.memory_space<vmem>>) dst(%dma_wait3A_443 : memref<10000x128xf32, #tpu.memory_space<vmem_shared>>)
      } else {
      }
      %add3A_338 = arith.constant 4 : i32
      %add3A_339 = arith.addi %add3A_267, %add3A_338 : i32
      %add3A_340 = arith.constant 0 : i32
      %add3A_341 = arith.addi %add3A_339, %add3A_340 : i32
      %lt3A_342 = arith.constant 125 : i32
      %lt3A_343 = arith.cmpi slt, %add3A_341, %lt3A_342 : i32
      %convert_element_type3A_344 = arith.extui %lt3A_343 : i1 to i32
      %cond3A_345 = arith.constant 0 : i32
      %cond3A_346 = arith.cmpi ne, %convert_element_type3A_344, %cond3A_345 : i32
      scf.if %cond3A_346 {
        %add3A_431 = arith.constant 320000 : i32
        %add3A_432 = arith.addi %add3A_431, %mul3A_13 : i32
        %mul3A_433 = arith.constant 80 : i32
        %mul3A_434 = arith.muli %add3A_341, %mul3A_433 : i32
        %add3A_435 = arith.addi %add3A_432, %mul3A_434 : i32
        %dma_start3A_436 = arith.constant 0 : i32
        %dma_start3A_437 = arith.constant 0 : i32
        %dma_start3A_438 = arith.constant 0 : i32
        %dma_start3A_439 = tpu.memref_slice %arg7[%dma_start3A_436, %dma_start3A_438] : memref<4x80xi32, #tpu.memory_space<vmem>> -> memref<1x80xi32, #tpu.memory_space<vmem>>
        %dma_start3A_440 = tpu.memref_squeeze %dma_start3A_439 : memref<1x80xi32, #tpu.memory_space<vmem>> -> memref<80xi32, #tpu.memory_space<vmem>>
        %dma_start3A_441 = tpu.memref_slice %arg3[%add3A_435] : memref<640000xi32, #tpu.memory_space<hbm>> -> memref<80xi32, #tpu.memory_space<hbm>>
        %dma_start3A_442 = tpu.memref_slice %arg10[%dma_start3A_437] : memref<4x!tpu.dma_semaphore, #tpu.memory_space<semaphore_mem>> -> memref<1x!tpu.dma_semaphore, #tpu.memory_space<semaphore_mem>>
        %dma_start3A_443 = tpu.memref_squeeze %dma_start3A_442 : memref<1x!tpu.dma_semaphore, #tpu.memory_space<semaphore_mem>> -> memref<!tpu.dma_semaphore, #tpu.memory_space<semaphore_mem>>
        %dma_start3A_444 = arith.constant 0 : i32
        %dma_start3A_445 = tpu.memref_slice %arg7[%dma_start3A_436, %dma_start3A_444] : memref<4x80xi32, #tpu.memory_space<vmem>> -> memref<1x80xi32, #tpu.memory_space<vmem>>
        %dma_start3A_446 = tpu.memref_squeeze %dma_start3A_445 : memref<1x80xi32, #tpu.memory_space<vmem>> -> memref<80xi32, #tpu.memory_space<vmem>>
        %dma_start3A_447 = tpu.memref_slice %arg3[%add3A_435] : memref<640000xi32, #tpu.memory_space<hbm>> -> memref<80xi32, #tpu.memory_space<hbm>>
        tpu.enqueue_dma source(%dma_start3A_447 : memref<80xi32, #tpu.memory_space<hbm>>) target(%dma_start3A_446 : memref<80xi32, #tpu.memory_space<vmem>>) target_semaphore(%dma_start3A_443 : memref<!tpu.dma_semaphore, #tpu.memory_space<semaphore_mem>>)
      } else {
      }
      %add3A_347 = arith.constant 4 : i32
      %add3A_348 = arith.addi %add3A_267, %add3A_347 : i32
      %add3A_349 = arith.constant 0 : i32
      %add3A_350 = arith.addi %add3A_348, %add3A_349 : i32
      %lt3A_351 = arith.constant 125 : i32
      %lt3A_352 = arith.cmpi slt, %add3A_350, %lt3A_351 : i32
      %convert_element_type3A_353 = arith.extui %lt3A_352 : i1 to i32
      %cond3A_354 = arith.constant 0 : i32
      %cond3A_355 = arith.cmpi ne, %convert_element_type3A_353, %cond3A_354 : i32
      scf.if %cond3A_355 {
        %mul3A_431 = arith.constant 80 : i32
        %mul3A_432 = arith.muli %add3A_350, %mul3A_431 : i32
        %add3A_433 = arith.addi %mul3A_13, %mul3A_432 : i32
        %dma_wait3A_434 = arith.constant 0 : i32
        %dma_wait3A_435 = arith.constant 0 : i32
        %dma_wait3A_436 = arith.constant 0 : i32
        %dma_wait3A_437 = tpu.memref_slice %arg6[%dma_wait3A_434, %dma_wait3A_436] : memref<4x80xi32, #tpu.memory_space<vmem>> -> memref<1x80xi32, #tpu.memory_space<vmem>>
        %dma_wait3A_438 = tpu.memref_squeeze %dma_wait3A_437 : memref<1x80xi32, #tpu.memory_space<vmem>> -> memref<80xi32, #tpu.memory_space<vmem>>
        %dma_wait3A_439 = tpu.memref_slice %arg3[%add3A_433] : memref<640000xi32, #tpu.memory_space<hbm>> -> memref<80xi32, #tpu.memory_space<hbm>>
        %dma_wait3A_440 = tpu.memref_slice %arg9[%dma_wait3A_435] : memref<4x!tpu.dma_semaphore, #tpu.memory_space<semaphore_mem>> -> memref<1x!tpu.dma_semaphore, #tpu.memory_space<semaphore_mem>>
        %dma_wait3A_441 = tpu.memref_squeeze %dma_wait3A_440 : memref<1x!tpu.dma_semaphore, #tpu.memory_space<semaphore_mem>> -> memref<!tpu.dma_semaphore, #tpu.memory_space<semaphore_mem>>
        %dma_wait3A_442 = arith.constant 0 : i32
        %dma_wait3A_443 = tpu.memref_slice %arg6[%dma_wait3A_434, %dma_wait3A_442] : memref<4x80xi32, #tpu.memory_space<vmem>> -> memref<1x80xi32, #tpu.memory_space<vmem>>
        %dma_wait3A_444 = tpu.memref_squeeze %dma_wait3A_443 : memref<1x80xi32, #tpu.memory_space<vmem>> -> memref<80xi32, #tpu.memory_space<vmem>>
        %dma_wait3A_445 = tpu.memref_slice %arg3[%add3A_433] : memref<640000xi32, #tpu.memory_space<hbm>> -> memref<80xi32, #tpu.memory_space<hbm>>
        tpu.wait_dma2 semaphore(%dma_wait3A_441 : memref<!tpu.dma_semaphore, #tpu.memory_space<semaphore_mem>>) src(%dma_wait3A_445 : memref<80xi32, #tpu.memory_space<hbm>>) dst(%dma_wait3A_444 : memref<80xi32, #tpu.memory_space<vmem>>)
        %dma_start3A_446 = arith.constant 0 : i32
        %dma_start3A_447 = arith.constant 0 : i32
        %dma_start3A_448 = arith.constant 0 : i32
        %dma_start3A_449 = arith.constant 0 : i32
        %dma_start3A_450 = arith.constant 0 : i32
        %dma_start3A_451 = tpu.memref_slice %arg8[%dma_start3A_447, %dma_start3A_449, %dma_start3A_450] : memref<4x80x128xf32, #tpu.memory_space<vmem>> -> memref<1x80x128xf32, #tpu.memory_space<vmem>>
        %dma_start3A_452 = tpu.memref_squeeze %dma_start3A_451 : memref<1x80x128xf32, #tpu.memory_space<vmem>> -> memref<80x128xf32, #tpu.memory_space<vmem>>
        %dma_start3A_453 = arith.constant 0 : i32
        %dma_start3A_454 = tpu.memref_slice %arg6[%dma_start3A_446, %dma_start3A_453] : memref<4x80xi32, #tpu.memory_space<vmem>> -> memref<1x80xi32, #tpu.memory_space<vmem>>
        %dma_start3A_455 = tpu.memref_squeeze %dma_start3A_454 : memref<1x80xi32, #tpu.memory_space<vmem>> -> memref<80xi32, #tpu.memory_space<vmem>>
        %dma_start3A_456 = arith.constant 0 : i32
        %dma_start3A_457 = arith.constant 0 : i32
        %dma_start3A_458 = tpu.memref_slice %arg2[%dma_start3A_456, %dma_start3A_457] : memref<10000x128xf32, #tpu.memory_space<hbm>> -> memref<10000x128xf32, #tpu.memory_space<hbm>>
        %dma_start3A_459 = tpu.memref_slice %arg11[%dma_start3A_448] : memref<4x!tpu.dma_semaphore, #tpu.memory_space<semaphore_mem>> -> memref<1x!tpu.dma_semaphore, #tpu.memory_space<semaphore_mem>>
        %dma_start3A_460 = tpu.memref_squeeze %dma_start3A_459 : memref<1x!tpu.dma_semaphore, #tpu.memory_space<semaphore_mem>> -> memref<!tpu.dma_semaphore, #tpu.memory_space<semaphore_mem>>
        tpu.enqueue_indirect_dma source(%dma_start3A_458 : memref<10000x128xf32, #tpu.memory_space<hbm>>) target(%dma_start3A_452 : memref<80x128xf32, #tpu.memory_space<vmem>>) offsets(%dma_start3A_455 : memref<80xi32, #tpu.memory_space<vmem>>) semaphore(%dma_start3A_460 : memref<!tpu.dma_semaphore, #tpu.memory_space<semaphore_mem>>)
      } else {
      }
      %add3A_356 = arith.constant 1 : i32
      %add3A_357 = arith.addi %add3A_267, %add3A_356 : i32
      %lt3A_358 = arith.constant 125 : i32
      %lt3A_359 = arith.cmpi slt, %add3A_357, %lt3A_358 : i32
      %convert_element_type3A_360 = arith.extui %lt3A_359 : i1 to i32
      %cond3A_361 = arith.constant 0 : i32
      %cond3A_362 = arith.cmpi ne, %convert_element_type3A_360, %cond3A_361 : i32
      scf.if %cond3A_362 {
        %dma_wait3A_431 = arith.constant 1 : i32
        %dma_wait3A_432 = arith.constant 1 : i32
        %dma_wait3A_433 = arith.constant 1 : i32
        %dma_wait3A_434 = arith.constant 0 : i32
        %dma_wait3A_435 = arith.constant 0 : i32
        %dma_wait3A_436 = tpu.memref_slice %arg8[%dma_wait3A_431, %dma_wait3A_434, %dma_wait3A_435] : memref<4x80x128xf32, #tpu.memory_space<vmem>> -> memref<1x80x128xf32, #tpu.memory_space<vmem>>
        %dma_wait3A_437 = tpu.memref_squeeze %dma_wait3A_436 : memref<1x80x128xf32, #tpu.memory_space<vmem>> -> memref<80x128xf32, #tpu.memory_space<vmem>>
        %dma_wait3A_438 = arith.constant 0 : i32
        %dma_wait3A_439 = tpu.memref_slice %arg7[%dma_wait3A_432, %dma_wait3A_438] : memref<4x80xi32, #tpu.memory_space<vmem>> -> memref<1x80xi32, #tpu.memory_space<vmem>>
        %dma_wait3A_440 = tpu.memref_squeeze %dma_wait3A_439 : memref<1x80xi32, #tpu.memory_space<vmem>> -> memref<80xi32, #tpu.memory_space<vmem>>
        %dma_wait3A_441 = arith.constant 0 : i32
        %dma_wait3A_442 = arith.constant 0 : i32
        %dma_wait3A_443 = tpu.memref_slice %arg5[%dma_wait3A_441, %dma_wait3A_442] : memref<10000x128xf32, #tpu.memory_space<vmem_shared>> -> memref<10000x128xf32, #tpu.memory_space<vmem_shared>>
        %dma_wait3A_444 = tpu.memref_slice %arg12[%dma_wait3A_433] : memref<4x!tpu.dma_semaphore, #tpu.memory_space<semaphore_mem>> -> memref<1x!tpu.dma_semaphore, #tpu.memory_space<semaphore_mem>>
        %dma_wait3A_445 = tpu.memref_squeeze %dma_wait3A_444 : memref<1x!tpu.dma_semaphore, #tpu.memory_space<semaphore_mem>> -> memref<!tpu.dma_semaphore, #tpu.memory_space<semaphore_mem>>
        tpu.wait_indirect_dma semaphore(%dma_wait3A_445 : memref<!tpu.dma_semaphore, #tpu.memory_space<semaphore_mem>>) src(%dma_wait3A_437 : memref<80x128xf32, #tpu.memory_space<vmem>>) dst(%dma_wait3A_443 : memref<10000x128xf32, #tpu.memory_space<vmem_shared>>)
      } else {
      }
      %add3A_363 = arith.constant 4 : i32
      %add3A_364 = arith.addi %add3A_267, %add3A_363 : i32
      %add3A_365 = arith.constant 1 : i32
      %add3A_366 = arith.addi %add3A_364, %add3A_365 : i32
      %lt3A_367 = arith.constant 125 : i32
      %lt3A_368 = arith.cmpi slt, %add3A_366, %lt3A_367 : i32
      %convert_element_type3A_369 = arith.extui %lt3A_368 : i1 to i32
      %cond3A_370 = arith.constant 0 : i32
      %cond3A_371 = arith.cmpi ne, %convert_element_type3A_369, %cond3A_370 : i32
      scf.if %cond3A_371 {
        %add3A_431 = arith.constant 320000 : i32
        %add3A_432 = arith.addi %add3A_431, %mul3A_13 : i32
        %mul3A_433 = arith.constant 80 : i32
        %mul3A_434 = arith.muli %add3A_366, %mul3A_433 : i32
        %add3A_435 = arith.addi %add3A_432, %mul3A_434 : i32
        %dma_start3A_436 = arith.constant 1 : i32
        %dma_start3A_437 = arith.constant 1 : i32
        %dma_start3A_438 = arith.constant 0 : i32
        %dma_start3A_439 = tpu.memref_slice %arg7[%dma_start3A_436, %dma_start3A_438] : memref<4x80xi32, #tpu.memory_space<vmem>> -> memref<1x80xi32, #tpu.memory_space<vmem>>
        %dma_start3A_440 = tpu.memref_squeeze %dma_start3A_439 : memref<1x80xi32, #tpu.memory_space<vmem>> -> memref<80xi32, #tpu.memory_space<vmem>>
        %dma_start3A_441 = tpu.memref_slice %arg3[%add3A_435] : memref<640000xi32, #tpu.memory_space<hbm>> -> memref<80xi32, #tpu.memory_space<hbm>>
        %dma_start3A_442 = tpu.memref_slice %arg10[%dma_start3A_437] : memref<4x!tpu.dma_semaphore, #tpu.memory_space<semaphore_mem>> -> memref<1x!tpu.dma_semaphore, #tpu.memory_space<semaphore_mem>>
        %dma_start3A_443 = tpu.memref_squeeze %dma_start3A_442 : memref<1x!tpu.dma_semaphore, #tpu.memory_space<semaphore_mem>> -> memref<!tpu.dma_semaphore, #tpu.memory_space<semaphore_mem>>
        %dma_start3A_444 = arith.constant 0 : i32
        %dma_start3A_445 = tpu.memref_slice %arg7[%dma_start3A_436, %dma_start3A_444] : memref<4x80xi32, #tpu.memory_space<vmem>> -> memref<1x80xi32, #tpu.memory_space<vmem>>
        %dma_start3A_446 = tpu.memref_squeeze %dma_start3A_445 : memref<1x80xi32, #tpu.memory_space<vmem>> -> memref<80xi32, #tpu.memory_space<vmem>>
        %dma_start3A_447 = tpu.memref_slice %arg3[%add3A_435] : memref<640000xi32, #tpu.memory_space<hbm>> -> memref<80xi32, #tpu.memory_space<hbm>>
        tpu.enqueue_dma source(%dma_start3A_447 : memref<80xi32, #tpu.memory_space<hbm>>) target(%dma_start3A_446 : memref<80xi32, #tpu.memory_space<vmem>>) target_semaphore(%dma_start3A_443 : memref<!tpu.dma_semaphore, #tpu.memory_space<semaphore_mem>>)
      } else {
      }
      %add3A_372 = arith.constant 4 : i32
      %add3A_373 = arith.addi %add3A_267, %add3A_372 : i32
      %add3A_374 = arith.constant 1 : i32
      %add3A_375 = arith.addi %add3A_373, %add3A_374 : i32
      %lt3A_376 = arith.constant 125 : i32
      %lt3A_377 = arith.cmpi slt, %add3A_375, %lt3A_376 : i32
      %convert_element_type3A_378 = arith.extui %lt3A_377 : i1 to i32
      %cond3A_379 = arith.constant 0 : i32
      %cond3A_380 = arith.cmpi ne, %convert_element_type3A_378, %cond3A_379 : i32
      scf.if %cond3A_380 {
        %mul3A_431 = arith.constant 80 : i32
        %mul3A_432 = arith.muli %add3A_375, %mul3A_431 : i32
        %add3A_433 = arith.addi %mul3A_13, %mul3A_432 : i32
        %dma_wait3A_434 = arith.constant 1 : i32
        %dma_wait3A_435 = arith.constant 1 : i32
        %dma_wait3A_436 = arith.constant 0 : i32
        %dma_wait3A_437 = tpu.memref_slice %arg6[%dma_wait3A_434, %dma_wait3A_436] : memref<4x80xi32, #tpu.memory_space<vmem>> -> memref<1x80xi32, #tpu.memory_space<vmem>>
        %dma_wait3A_438 = tpu.memref_squeeze %dma_wait3A_437 : memref<1x80xi32, #tpu.memory_space<vmem>> -> memref<80xi32, #tpu.memory_space<vmem>>
        %dma_wait3A_439 = tpu.memref_slice %arg3[%add3A_433] : memref<640000xi32, #tpu.memory_space<hbm>> -> memref<80xi32, #tpu.memory_space<hbm>>
        %dma_wait3A_440 = tpu.memref_slice %arg9[%dma_wait3A_435] : memref<4x!tpu.dma_semaphore, #tpu.memory_space<semaphore_mem>> -> memref<1x!tpu.dma_semaphore, #tpu.memory_space<semaphore_mem>>
        %dma_wait3A_441 = tpu.memref_squeeze %dma_wait3A_440 : memref<1x!tpu.dma_semaphore, #tpu.memory_space<semaphore_mem>> -> memref<!tpu.dma_semaphore, #tpu.memory_space<semaphore_mem>>
        %dma_wait3A_442 = arith.constant 0 : i32
        %dma_wait3A_443 = tpu.memref_slice %arg6[%dma_wait3A_434, %dma_wait3A_442] : memref<4x80xi32, #tpu.memory_space<vmem>> -> memref<1x80xi32, #tpu.memory_space<vmem>>
        %dma_wait3A_444 = tpu.memref_squeeze %dma_wait3A_443 : memref<1x80xi32, #tpu.memory_space<vmem>> -> memref<80xi32, #tpu.memory_space<vmem>>
        %dma_wait3A_445 = tpu.memref_slice %arg3[%add3A_433] : memref<640000xi32, #tpu.memory_space<hbm>> -> memref<80xi32, #tpu.memory_space<hbm>>
        tpu.wait_dma2 semaphore(%dma_wait3A_441 : memref<!tpu.dma_semaphore, #tpu.memory_space<semaphore_mem>>) src(%dma_wait3A_445 : memref<80xi32, #tpu.memory_space<hbm>>) dst(%dma_wait3A_444 : memref<80xi32, #tpu.memory_space<vmem>>)
        %dma_start3A_446 = arith.constant 1 : i32
        %dma_start3A_447 = arith.constant 1 : i32
        %dma_start3A_448 = arith.constant 1 : i32
        %dma_start3A_449 = arith.constant 0 : i32
        %dma_start3A_450 = arith.constant 0 : i32
        %dma_start3A_451 = tpu.memref_slice %arg8[%dma_start3A_447, %dma_start3A_449, %dma_start3A_450] : memref<4x80x128xf32, #tpu.memory_space<vmem>> -> memref<1x80x128xf32, #tpu.memory_space<vmem>>
        %dma_start3A_452 = tpu.memref_squeeze %dma_start3A_451 : memref<1x80x128xf32, #tpu.memory_space<vmem>> -> memref<80x128xf32, #tpu.memory_space<vmem>>
        %dma_start3A_453 = arith.constant 0 : i32
        %dma_start3A_454 = tpu.memref_slice %arg6[%dma_start3A_446, %dma_start3A_453] : memref<4x80xi32, #tpu.memory_space<vmem>> -> memref<1x80xi32, #tpu.memory_space<vmem>>
        %dma_start3A_455 = tpu.memref_squeeze %dma_start3A_454 : memref<1x80xi32, #tpu.memory_space<vmem>> -> memref<80xi32, #tpu.memory_space<vmem>>
        %dma_start3A_456 = arith.constant 0 : i32
        %dma_start3A_457 = arith.constant 0 : i32
        %dma_start3A_458 = tpu.memref_slice %arg2[%dma_start3A_456, %dma_start3A_457] : memref<10000x128xf32, #tpu.memory_space<hbm>> -> memref<10000x128xf32, #tpu.memory_space<hbm>>
        %dma_start3A_459 = tpu.memref_slice %arg11[%dma_start3A_448] : memref<4x!tpu.dma_semaphore, #tpu.memory_space<semaphore_mem>> -> memref<1x!tpu.dma_semaphore, #tpu.memory_space<semaphore_mem>>
        %dma_start3A_460 = tpu.memref_squeeze %dma_start3A_459 : memref<1x!tpu.dma_semaphore, #tpu.memory_space<semaphore_mem>> -> memref<!tpu.dma_semaphore, #tpu.memory_space<semaphore_mem>>
        tpu.enqueue_indirect_dma source(%dma_start3A_458 : memref<10000x128xf32, #tpu.memory_space<hbm>>) target(%dma_start3A_452 : memref<80x128xf32, #tpu.memory_space<vmem>>) offsets(%dma_start3A_455 : memref<80xi32, #tpu.memory_space<vmem>>) semaphore(%dma_start3A_460 : memref<!tpu.dma_semaphore, #tpu.memory_space<semaphore_mem>>)
      } else {
      }
      %add3A_381 = arith.constant 2 : i32
      %add3A_382 = arith.addi %add3A_267, %add3A_381 : i32
      %lt3A_383 = arith.constant 125 : i32
      %lt3A_384 = arith.cmpi slt, %add3A_382, %lt3A_383 : i32
      %convert_element_type3A_385 = arith.extui %lt3A_384 : i1 to i32
      %cond3A_386 = arith.constant 0 : i32
      %cond3A_387 = arith.cmpi ne, %convert_element_type3A_385, %cond3A_386 : i32
      scf.if %cond3A_387 {
        %dma_wait3A_431 = arith.constant 2 : i32
        %dma_wait3A_432 = arith.constant 2 : i32
        %dma_wait3A_433 = arith.constant 2 : i32
        %dma_wait3A_434 = arith.constant 0 : i32
        %dma_wait3A_435 = arith.constant 0 : i32
        %dma_wait3A_436 = tpu.memref_slice %arg8[%dma_wait3A_431, %dma_wait3A_434, %dma_wait3A_435] : memref<4x80x128xf32, #tpu.memory_space<vmem>> -> memref<1x80x128xf32, #tpu.memory_space<vmem>>
        %dma_wait3A_437 = tpu.memref_squeeze %dma_wait3A_436 : memref<1x80x128xf32, #tpu.memory_space<vmem>> -> memref<80x128xf32, #tpu.memory_space<vmem>>
        %dma_wait3A_438 = arith.constant 0 : i32
        %dma_wait3A_439 = tpu.memref_slice %arg7[%dma_wait3A_432, %dma_wait3A_438] : memref<4x80xi32, #tpu.memory_space<vmem>> -> memref<1x80xi32, #tpu.memory_space<vmem>>
        %dma_wait3A_440 = tpu.memref_squeeze %dma_wait3A_439 : memref<1x80xi32, #tpu.memory_space<vmem>> -> memref<80xi32, #tpu.memory_space<vmem>>
        %dma_wait3A_441 = arith.constant 0 : i32
        %dma_wait3A_442 = arith.constant 0 : i32
        %dma_wait3A_443 = tpu.memref_slice %arg5[%dma_wait3A_441, %dma_wait3A_442] : memref<10000x128xf32, #tpu.memory_space<vmem_shared>> -> memref<10000x128xf32, #tpu.memory_space<vmem_shared>>
        %dma_wait3A_444 = tpu.memref_slice %arg12[%dma_wait3A_433] : memref<4x!tpu.dma_semaphore, #tpu.memory_space<semaphore_mem>> -> memref<1x!tpu.dma_semaphore, #tpu.memory_space<semaphore_mem>>
        %dma_wait3A_445 = tpu.memref_squeeze %dma_wait3A_444 : memref<1x!tpu.dma_semaphore, #tpu.memory_space<semaphore_mem>> -> memref<!tpu.dma_semaphore, #tpu.memory_space<semaphore_mem>>
        tpu.wait_indirect_dma semaphore(%dma_wait3A_445 : memref<!tpu.dma_semaphore, #tpu.memory_space<semaphore_mem>>) src(%dma_wait3A_437 : memref<80x128xf32, #tpu.memory_space<vmem>>) dst(%dma_wait3A_443 : memref<10000x128xf32, #tpu.memory_space<vmem_shared>>)
      } else {
      }
      %add3A_388 = arith.constant 4 : i32
      %add3A_389 = arith.addi %add3A_267, %add3A_388 : i32
      %add3A_390 = arith.constant 2 : i32
      %add3A_391 = arith.addi %add3A_389, %add3A_390 : i32
      %lt3A_392 = arith.constant 125 : i32
      %lt3A_393 = arith.cmpi slt, %add3A_391, %lt3A_392 : i32
      %convert_element_type3A_394 = arith.extui %lt3A_393 : i1 to i32
      %cond3A_395 = arith.constant 0 : i32
      %cond3A_396 = arith.cmpi ne, %convert_element_type3A_394, %cond3A_395 : i32
      scf.if %cond3A_396 {
        %add3A_431 = arith.constant 320000 : i32
        %add3A_432 = arith.addi %add3A_431, %mul3A_13 : i32
        %mul3A_433 = arith.constant 80 : i32
        %mul3A_434 = arith.muli %add3A_391, %mul3A_433 : i32
        %add3A_435 = arith.addi %add3A_432, %mul3A_434 : i32
        %dma_start3A_436 = arith.constant 2 : i32
        %dma_start3A_437 = arith.constant 2 : i32
        %dma_start3A_438 = arith.constant 0 : i32
        %dma_start3A_439 = tpu.memref_slice %arg7[%dma_start3A_436, %dma_start3A_438] : memref<4x80xi32, #tpu.memory_space<vmem>> -> memref<1x80xi32, #tpu.memory_space<vmem>>
        %dma_start3A_440 = tpu.memref_squeeze %dma_start3A_439 : memref<1x80xi32, #tpu.memory_space<vmem>> -> memref<80xi32, #tpu.memory_space<vmem>>
        %dma_start3A_441 = tpu.memref_slice %arg3[%add3A_435] : memref<640000xi32, #tpu.memory_space<hbm>> -> memref<80xi32, #tpu.memory_space<hbm>>
        %dma_start3A_442 = tpu.memref_slice %arg10[%dma_start3A_437] : memref<4x!tpu.dma_semaphore, #tpu.memory_space<semaphore_mem>> -> memref<1x!tpu.dma_semaphore, #tpu.memory_space<semaphore_mem>>
        %dma_start3A_443 = tpu.memref_squeeze %dma_start3A_442 : memref<1x!tpu.dma_semaphore, #tpu.memory_space<semaphore_mem>> -> memref<!tpu.dma_semaphore, #tpu.memory_space<semaphore_mem>>
        %dma_start3A_444 = arith.constant 0 : i32
        %dma_start3A_445 = tpu.memref_slice %arg7[%dma_start3A_436, %dma_start3A_444] : memref<4x80xi32, #tpu.memory_space<vmem>> -> memref<1x80xi32, #tpu.memory_space<vmem>>
        %dma_start3A_446 = tpu.memref_squeeze %dma_start3A_445 : memref<1x80xi32, #tpu.memory_space<vmem>> -> memref<80xi32, #tpu.memory_space<vmem>>
        %dma_start3A_447 = tpu.memref_slice %arg3[%add3A_435] : memref<640000xi32, #tpu.memory_space<hbm>> -> memref<80xi32, #tpu.memory_space<hbm>>
        tpu.enqueue_dma source(%dma_start3A_447 : memref<80xi32, #tpu.memory_space<hbm>>) target(%dma_start3A_446 : memref<80xi32, #tpu.memory_space<vmem>>) target_semaphore(%dma_start3A_443 : memref<!tpu.dma_semaphore, #tpu.memory_space<semaphore_mem>>)
      } else {
      }
      %add3A_397 = arith.constant 4 : i32
      %add3A_398 = arith.addi %add3A_267, %add3A_397 : i32
      %add3A_399 = arith.constant 2 : i32
      %add3A_400 = arith.addi %add3A_398, %add3A_399 : i32
      %lt3A_401 = arith.constant 125 : i32
      %lt3A_402 = arith.cmpi slt, %add3A_400, %lt3A_401 : i32
      %convert_element_type3A_403 = arith.extui %lt3A_402 : i1 to i32
      %cond3A_404 = arith.constant 0 : i32
      %cond3A_405 = arith.cmpi ne, %convert_element_type3A_403, %cond3A_404 : i32
      scf.if %cond3A_405 {
        %mul3A_431 = arith.constant 80 : i32
        %mul3A_432 = arith.muli %add3A_400, %mul3A_431 : i32
        %add3A_433 = arith.addi %mul3A_13, %mul3A_432 : i32
        %dma_wait3A_434 = arith.constant 2 : i32
        %dma_wait3A_435 = arith.constant 2 : i32
        %dma_wait3A_436 = arith.constant 0 : i32
        %dma_wait3A_437 = tpu.memref_slice %arg6[%dma_wait3A_434, %dma_wait3A_436] : memref<4x80xi32, #tpu.memory_space<vmem>> -> memref<1x80xi32, #tpu.memory_space<vmem>>
        %dma_wait3A_438 = tpu.memref_squeeze %dma_wait3A_437 : memref<1x80xi32, #tpu.memory_space<vmem>> -> memref<80xi32, #tpu.memory_space<vmem>>
        %dma_wait3A_439 = tpu.memref_slice %arg3[%add3A_433] : memref<640000xi32, #tpu.memory_space<hbm>> -> memref<80xi32, #tpu.memory_space<hbm>>
        %dma_wait3A_440 = tpu.memref_slice %arg9[%dma_wait3A_435] : memref<4x!tpu.dma_semaphore, #tpu.memory_space<semaphore_mem>> -> memref<1x!tpu.dma_semaphore, #tpu.memory_space<semaphore_mem>>
        %dma_wait3A_441 = tpu.memref_squeeze %dma_wait3A_440 : memref<1x!tpu.dma_semaphore, #tpu.memory_space<semaphore_mem>> -> memref<!tpu.dma_semaphore, #tpu.memory_space<semaphore_mem>>
        %dma_wait3A_442 = arith.constant 0 : i32
        %dma_wait3A_443 = tpu.memref_slice %arg6[%dma_wait3A_434, %dma_wait3A_442] : memref<4x80xi32, #tpu.memory_space<vmem>> -> memref<1x80xi32, #tpu.memory_space<vmem>>
        %dma_wait3A_444 = tpu.memref_squeeze %dma_wait3A_443 : memref<1x80xi32, #tpu.memory_space<vmem>> -> memref<80xi32, #tpu.memory_space<vmem>>
        %dma_wait3A_445 = tpu.memref_slice %arg3[%add3A_433] : memref<640000xi32, #tpu.memory_space<hbm>> -> memref<80xi32, #tpu.memory_space<hbm>>
        tpu.wait_dma2 semaphore(%dma_wait3A_441 : memref<!tpu.dma_semaphore, #tpu.memory_space<semaphore_mem>>) src(%dma_wait3A_445 : memref<80xi32, #tpu.memory_space<hbm>>) dst(%dma_wait3A_444 : memref<80xi32, #tpu.memory_space<vmem>>)
        %dma_start3A_446 = arith.constant 2 : i32
        %dma_start3A_447 = arith.constant 2 : i32
        %dma_start3A_448 = arith.constant 2 : i32
        %dma_start3A_449 = arith.constant 0 : i32
        %dma_start3A_450 = arith.constant 0 : i32
        %dma_start3A_451 = tpu.memref_slice %arg8[%dma_start3A_447, %dma_start3A_449, %dma_start3A_450] : memref<4x80x128xf32, #tpu.memory_space<vmem>> -> memref<1x80x128xf32, #tpu.memory_space<vmem>>
        %dma_start3A_452 = tpu.memref_squeeze %dma_start3A_451 : memref<1x80x128xf32, #tpu.memory_space<vmem>> -> memref<80x128xf32, #tpu.memory_space<vmem>>
        %dma_start3A_453 = arith.constant 0 : i32
        %dma_start3A_454 = tpu.memref_slice %arg6[%dma_start3A_446, %dma_start3A_453] : memref<4x80xi32, #tpu.memory_space<vmem>> -> memref<1x80xi32, #tpu.memory_space<vmem>>
        %dma_start3A_455 = tpu.memref_squeeze %dma_start3A_454 : memref<1x80xi32, #tpu.memory_space<vmem>> -> memref<80xi32, #tpu.memory_space<vmem>>
        %dma_start3A_456 = arith.constant 0 : i32
        %dma_start3A_457 = arith.constant 0 : i32
        %dma_start3A_458 = tpu.memref_slice %arg2[%dma_start3A_456, %dma_start3A_457] : memref<10000x128xf32, #tpu.memory_space<hbm>> -> memref<10000x128xf32, #tpu.memory_space<hbm>>
        %dma_start3A_459 = tpu.memref_slice %arg11[%dma_start3A_448] : memref<4x!tpu.dma_semaphore, #tpu.memory_space<semaphore_mem>> -> memref<1x!tpu.dma_semaphore, #tpu.memory_space<semaphore_mem>>
        %dma_start3A_460 = tpu.memref_squeeze %dma_start3A_459 : memref<1x!tpu.dma_semaphore, #tpu.memory_space<semaphore_mem>> -> memref<!tpu.dma_semaphore, #tpu.memory_space<semaphore_mem>>
        tpu.enqueue_indirect_dma source(%dma_start3A_458 : memref<10000x128xf32, #tpu.memory_space<hbm>>) target(%dma_start3A_452 : memref<80x128xf32, #tpu.memory_space<vmem>>) offsets(%dma_start3A_455 : memref<80xi32, #tpu.memory_space<vmem>>) semaphore(%dma_start3A_460 : memref<!tpu.dma_semaphore, #tpu.memory_space<semaphore_mem>>)
      } else {
      }
      %add3A_406 = arith.constant 3 : i32
      %add3A_407 = arith.addi %add3A_267, %add3A_406 : i32
      %lt3A_408 = arith.constant 125 : i32
      %lt3A_409 = arith.cmpi slt, %add3A_407, %lt3A_408 : i32
      %convert_element_type3A_410 = arith.extui %lt3A_409 : i1 to i32
      %cond3A_411 = arith.constant 0 : i32
      %cond3A_412 = arith.cmpi ne, %convert_element_type3A_410, %cond3A_411 : i32
      scf.if %cond3A_412 {
        %dma_wait3A_431 = arith.constant 3 : i32
        %dma_wait3A_432 = arith.constant 3 : i32
        %dma_wait3A_433 = arith.constant 3 : i32
        %dma_wait3A_434 = arith.constant 0 : i32
        %dma_wait3A_435 = arith.constant 0 : i32
        %dma_wait3A_436 = tpu.memref_slice %arg8[%dma_wait3A_431, %dma_wait3A_434, %dma_wait3A_435] : memref<4x80x128xf32, #tpu.memory_space<vmem>> -> memref<1x80x128xf32, #tpu.memory_space<vmem>>
        %dma_wait3A_437 = tpu.memref_squeeze %dma_wait3A_436 : memref<1x80x128xf32, #tpu.memory_space<vmem>> -> memref<80x128xf32, #tpu.memory_space<vmem>>
        %dma_wait3A_438 = arith.constant 0 : i32
        %dma_wait3A_439 = tpu.memref_slice %arg7[%dma_wait3A_432, %dma_wait3A_438] : memref<4x80xi32, #tpu.memory_space<vmem>> -> memref<1x80xi32, #tpu.memory_space<vmem>>
        %dma_wait3A_440 = tpu.memref_squeeze %dma_wait3A_439 : memref<1x80xi32, #tpu.memory_space<vmem>> -> memref<80xi32, #tpu.memory_space<vmem>>
        %dma_wait3A_441 = arith.constant 0 : i32
        %dma_wait3A_442 = arith.constant 0 : i32
        %dma_wait3A_443 = tpu.memref_slice %arg5[%dma_wait3A_441, %dma_wait3A_442] : memref<10000x128xf32, #tpu.memory_space<vmem_shared>> -> memref<10000x128xf32, #tpu.memory_space<vmem_shared>>
        %dma_wait3A_444 = tpu.memref_slice %arg12[%dma_wait3A_433] : memref<4x!tpu.dma_semaphore, #tpu.memory_space<semaphore_mem>> -> memref<1x!tpu.dma_semaphore, #tpu.memory_space<semaphore_mem>>
        %dma_wait3A_445 = tpu.memref_squeeze %dma_wait3A_444 : memref<1x!tpu.dma_semaphore, #tpu.memory_space<semaphore_mem>> -> memref<!tpu.dma_semaphore, #tpu.memory_space<semaphore_mem>>
        tpu.wait_indirect_dma semaphore(%dma_wait3A_445 : memref<!tpu.dma_semaphore, #tpu.memory_space<semaphore_mem>>) src(%dma_wait3A_437 : memref<80x128xf32, #tpu.memory_space<vmem>>) dst(%dma_wait3A_443 : memref<10000x128xf32, #tpu.memory_space<vmem_shared>>)
      } else {
      }
      %add3A_413 = arith.constant 4 : i32
      %add3A_414 = arith.addi %add3A_267, %add3A_413 : i32
      %add3A_415 = arith.constant 3 : i32
      %add3A_416 = arith.addi %add3A_414, %add3A_415 : i32
      %lt3A_417 = arith.constant 125 : i32
      %lt3A_418 = arith.cmpi slt, %add3A_416, %lt3A_417 : i32
      %convert_element_type3A_419 = arith.extui %lt3A_418 : i1 to i32
      %cond3A_420 = arith.constant 0 : i32
      %cond3A_421 = arith.cmpi ne, %convert_element_type3A_419, %cond3A_420 : i32
      scf.if %cond3A_421 {
        %add3A_431 = arith.constant 320000 : i32
        %add3A_432 = arith.addi %add3A_431, %mul3A_13 : i32
        %mul3A_433 = arith.constant 80 : i32
        %mul3A_434 = arith.muli %add3A_416, %mul3A_433 : i32
        %add3A_435 = arith.addi %add3A_432, %mul3A_434 : i32
        %dma_start3A_436 = arith.constant 3 : i32
        %dma_start3A_437 = arith.constant 3 : i32
        %dma_start3A_438 = arith.constant 0 : i32
        %dma_start3A_439 = tpu.memref_slice %arg7[%dma_start3A_436, %dma_start3A_438] : memref<4x80xi32, #tpu.memory_space<vmem>> -> memref<1x80xi32, #tpu.memory_space<vmem>>
        %dma_start3A_440 = tpu.memref_squeeze %dma_start3A_439 : memref<1x80xi32, #tpu.memory_space<vmem>> -> memref<80xi32, #tpu.memory_space<vmem>>
        %dma_start3A_441 = tpu.memref_slice %arg3[%add3A_435] : memref<640000xi32, #tpu.memory_space<hbm>> -> memref<80xi32, #tpu.memory_space<hbm>>
        %dma_start3A_442 = tpu.memref_slice %arg10[%dma_start3A_437] : memref<4x!tpu.dma_semaphore, #tpu.memory_space<semaphore_mem>> -> memref<1x!tpu.dma_semaphore, #tpu.memory_space<semaphore_mem>>
        %dma_start3A_443 = tpu.memref_squeeze %dma_start3A_442 : memref<1x!tpu.dma_semaphore, #tpu.memory_space<semaphore_mem>> -> memref<!tpu.dma_semaphore, #tpu.memory_space<semaphore_mem>>
        %dma_start3A_444 = arith.constant 0 : i32
        %dma_start3A_445 = tpu.memref_slice %arg7[%dma_start3A_436, %dma_start3A_444] : memref<4x80xi32, #tpu.memory_space<vmem>> -> memref<1x80xi32, #tpu.memory_space<vmem>>
        %dma_start3A_446 = tpu.memref_squeeze %dma_start3A_445 : memref<1x80xi32, #tpu.memory_space<vmem>> -> memref<80xi32, #tpu.memory_space<vmem>>
        %dma_start3A_447 = tpu.memref_slice %arg3[%add3A_435] : memref<640000xi32, #tpu.memory_space<hbm>> -> memref<80xi32, #tpu.memory_space<hbm>>
        tpu.enqueue_dma source(%dma_start3A_447 : memref<80xi32, #tpu.memory_space<hbm>>) target(%dma_start3A_446 : memref<80xi32, #tpu.memory_space<vmem>>) target_semaphore(%dma_start3A_443 : memref<!tpu.dma_semaphore, #tpu.memory_space<semaphore_mem>>)
      } else {
      }
      %add3A_422 = arith.constant 4 : i32
      %add3A_423 = arith.addi %add3A_267, %add3A_422 : i32
      %add3A_424 = arith.constant 3 : i32
      %add3A_425 = arith.addi %add3A_423, %add3A_424 : i32
      %lt3A_426 = arith.constant 125 : i32
      %lt3A_427 = arith.cmpi slt, %add3A_425, %lt3A_426 : i32
      %convert_element_type3A_428 = arith.extui %lt3A_427 : i1 to i32
      %cond3A_429 = arith.constant 0 : i32
      %cond3A_430 = arith.cmpi ne, %convert_element_type3A_428, %cond3A_429 : i32
      scf.if %cond3A_430 {
        %mul3A_431 = arith.constant 80 : i32
        %mul3A_432 = arith.muli %add3A_425, %mul3A_431 : i32
        %add3A_433 = arith.addi %mul3A_13, %mul3A_432 : i32
        %dma_wait3A_434 = arith.constant 3 : i32
        %dma_wait3A_435 = arith.constant 3 : i32
        %dma_wait3A_436 = arith.constant 0 : i32
        %dma_wait3A_437 = tpu.memref_slice %arg6[%dma_wait3A_434, %dma_wait3A_436] : memref<4x80xi32, #tpu.memory_space<vmem>> -> memref<1x80xi32, #tpu.memory_space<vmem>>
        %dma_wait3A_438 = tpu.memref_squeeze %dma_wait3A_437 : memref<1x80xi32, #tpu.memory_space<vmem>> -> memref<80xi32, #tpu.memory_space<vmem>>
        %dma_wait3A_439 = tpu.memref_slice %arg3[%add3A_433] : memref<640000xi32, #tpu.memory_space<hbm>> -> memref<80xi32, #tpu.memory_space<hbm>>
        %dma_wait3A_440 = tpu.memref_slice %arg9[%dma_wait3A_435] : memref<4x!tpu.dma_semaphore, #tpu.memory_space<semaphore_mem>> -> memref<1x!tpu.dma_semaphore, #tpu.memory_space<semaphore_mem>>
        %dma_wait3A_441 = tpu.memref_squeeze %dma_wait3A_440 : memref<1x!tpu.dma_semaphore, #tpu.memory_space<semaphore_mem>> -> memref<!tpu.dma_semaphore, #tpu.memory_space<semaphore_mem>>
        %dma_wait3A_442 = arith.constant 0 : i32
        %dma_wait3A_443 = tpu.memref_slice %arg6[%dma_wait3A_434, %dma_wait3A_442] : memref<4x80xi32, #tpu.memory_space<vmem>> -> memref<1x80xi32, #tpu.memory_space<vmem>>
        %dma_wait3A_444 = tpu.memref_squeeze %dma_wait3A_443 : memref<1x80xi32, #tpu.memory_space<vmem>> -> memref<80xi32, #tpu.memory_space<vmem>>
        %dma_wait3A_445 = tpu.memref_slice %arg3[%add3A_433] : memref<640000xi32, #tpu.memory_space<hbm>> -> memref<80xi32, #tpu.memory_space<hbm>>
        tpu.wait_dma2 semaphore(%dma_wait3A_441 : memref<!tpu.dma_semaphore, #tpu.memory_space<semaphore_mem>>) src(%dma_wait3A_445 : memref<80xi32, #tpu.memory_space<hbm>>) dst(%dma_wait3A_444 : memref<80xi32, #tpu.memory_space<vmem>>)
        %dma_start3A_446 = arith.constant 3 : i32
        %dma_start3A_447 = arith.constant 3 : i32
        %dma_start3A_448 = arith.constant 3 : i32
        %dma_start3A_449 = arith.constant 0 : i32
        %dma_start3A_450 = arith.constant 0 : i32
        %dma_start3A_451 = tpu.memref_slice %arg8[%dma_start3A_447, %dma_start3A_449, %dma_start3A_450] : memref<4x80x128xf32, #tpu.memory_space<vmem>> -> memref<1x80x128xf32, #tpu.memory_space<vmem>>
        %dma_start3A_452 = tpu.memref_squeeze %dma_start3A_451 : memref<1x80x128xf32, #tpu.memory_space<vmem>> -> memref<80x128xf32, #tpu.memory_space<vmem>>
        %dma_start3A_453 = arith.constant 0 : i32
        %dma_start3A_454 = tpu.memref_slice %arg6[%dma_start3A_446, %dma_start3A_453] : memref<4x80xi32, #tpu.memory_space<vmem>> -> memref<1x80xi32, #tpu.memory_space<vmem>>
        %dma_start3A_455 = tpu.memref_squeeze %dma_start3A_454 : memref<1x80xi32, #tpu.memory_space<vmem>> -> memref<80xi32, #tpu.memory_space<vmem>>
        %dma_start3A_456 = arith.constant 0 : i32
        %dma_start3A_457 = arith.constant 0 : i32
        %dma_start3A_458 = tpu.memref_slice %arg2[%dma_start3A_456, %dma_start3A_457] : memref<10000x128xf32, #tpu.memory_space<hbm>> -> memref<10000x128xf32, #tpu.memory_space<hbm>>
        %dma_start3A_459 = tpu.memref_slice %arg11[%dma_start3A_448] : memref<4x!tpu.dma_semaphore, #tpu.memory_space<semaphore_mem>> -> memref<1x!tpu.dma_semaphore, #tpu.memory_space<semaphore_mem>>
        %dma_start3A_460 = tpu.memref_squeeze %dma_start3A_459 : memref<1x!tpu.dma_semaphore, #tpu.memory_space<semaphore_mem>> -> memref<!tpu.dma_semaphore, #tpu.memory_space<semaphore_mem>>
        tpu.enqueue_indirect_dma source(%dma_start3A_458 : memref<10000x128xf32, #tpu.memory_space<hbm>>) target(%dma_start3A_452 : memref<80x128xf32, #tpu.memory_space<vmem>>) offsets(%dma_start3A_455 : memref<80xi32, #tpu.memory_space<vmem>>) semaphore(%dma_start3A_460 : memref<!tpu.dma_semaphore, #tpu.memory_space<semaphore_mem>>)
      } else {
      }
    }
    %scan3A_252 = arith.constant 32 : i32
    %barrier3A_253 = arith.constant 0 : index
    tpu.barrier barrier_id(%barrier3A_253)
    %mul3A_254 = arith.constant 624 : i32
    %mul3A_255 = arith.muli %arg1, %mul3A_254 : i32
    %mul3A_256 = arith.constant 624 : i32
    %mul3A_257 = arith.muli %arg1, %mul3A_256 : i32
    "tpu.region"() ({
      %run_scoped3A = tpu.sem_alloc : memref<!tpu.dma_semaphore, #tpu.memory_space<semaphore_mem>>
      %dma_start3A_263 = arith.constant 0 : i32
      %dma_start3A_264 = tpu.memref_slice %arg4[%arg0, %mul3A_257, %dma_start3A_263] : memref<2x10000x128xf32, #tpu.memory_space<hbm>> -> memref<1x624x128xf32, #tpu.memory_space<hbm>>
      %dma_start3A_265 = tpu.memref_squeeze %dma_start3A_264 : memref<1x624x128xf32, #tpu.memory_space<hbm>> -> memref<624x128xf32, #tpu.memory_space<hbm>>
      %dma_start3A_266 = arith.constant 0 : i32
      %dma_start3A_267 = tpu.memref_slice %arg5[%mul3A_255, %dma_start3A_266] : memref<10000x128xf32, #tpu.memory_space<vmem_shared>> -> memref<624x128xf32, #tpu.memory_space<vmem_shared>>
      tpu.enqueue_dma source(%dma_start3A_267 : memref<624x128xf32, #tpu.memory_space<vmem_shared>>) target(%dma_start3A_265 : memref<624x128xf32, #tpu.memory_space<hbm>>) target_semaphore(%run_scoped3A : memref<!tpu.dma_semaphore, #tpu.memory_space<semaphore_mem>>)
      %dma_wait3A_268 = arith.constant 0 : i32
      %dma_wait3A_269 = tpu.memref_slice %arg4[%arg0, %mul3A_257, %dma_wait3A_268] : memref<2x10000x128xf32, #tpu.memory_space<hbm>> -> memref<1x624x128xf32, #tpu.memory_space<hbm>>
      %dma_wait3A_270 = tpu.memref_squeeze %dma_wait3A_269 : memref<1x624x128xf32, #tpu.memory_space<hbm>> -> memref<624x128xf32, #tpu.memory_space<hbm>>
      %dma_wait3A_271 = arith.constant 0 : i32
      %dma_wait3A_272 = tpu.memref_slice %arg5[%mul3A_255, %dma_wait3A_271] : memref<10000x128xf32, #tpu.memory_space<vmem_shared>> -> memref<624x128xf32, #tpu.memory_space<vmem_shared>>
      tpu.wait_dma2 semaphore(%run_scoped3A : memref<!tpu.dma_semaphore, #tpu.memory_space<semaphore_mem>>) src(%dma_wait3A_272 : memref<624x128xf32, #tpu.memory_space<vmem_shared>>) dst(%dma_wait3A_270 : memref<624x128xf32, #tpu.memory_space<hbm>>)
      tpu.yield
    }) : () -> ()
    %eq3A_258 = arith.constant 0 : i32
    %eq3A_259 = arith.cmpi eq, %arg1, %eq3A_258 : i32
    %convert_element_type3A_260 = arith.extui %eq3A_259 : i1 to i32
    %cond3A_261 = arith.constant 0 : i32
    %cond3A_262 = arith.cmpi ne, %convert_element_type3A_260, %cond3A_261 : i32
    scf.if %cond3A_262 {
      "tpu.region"() ({
        %run_scoped3A = tpu.sem_alloc : memref<!tpu.dma_semaphore, #tpu.memory_space<semaphore_mem>>
        %dma_start3A_263 = arith.constant 9984 : i32
        %dma_start3A_264 = arith.constant 0 : i32
        %dma_start3A_265 = tpu.memref_slice %arg4[%arg0, %dma_start3A_263, %dma_start3A_264] : memref<2x10000x128xf32, #tpu.memory_space<hbm>> -> memref<1x16x128xf32, #tpu.memory_space<hbm>>
        %dma_start3A_266 = tpu.memref_squeeze %dma_start3A_265 : memref<1x16x128xf32, #tpu.memory_space<hbm>> -> memref<16x128xf32, #tpu.memory_space<hbm>>
        %dma_start3A_267 = arith.constant 9984 : i32
        %dma_start3A_268 = arith.constant 0 : i32
        %dma_start3A_269 = tpu.memref_slice %arg5[%dma_start3A_267, %dma_start3A_268] : memref<10000x128xf32, #tpu.memory_space<vmem_shared>> -> memref<16x128xf32, #tpu.memory_space<vmem_shared>>
        tpu.enqueue_dma source(%dma_start3A_269 : memref<16x128xf32, #tpu.memory_space<vmem_shared>>) target(%dma_start3A_266 : memref<16x128xf32, #tpu.memory_space<hbm>>) target_semaphore(%run_scoped3A : memref<!tpu.dma_semaphore, #tpu.memory_space<semaphore_mem>>)
        %dma_wait3A_270 = arith.constant 9984 : i32
        %dma_wait3A_271 = arith.constant 0 : i32
        %dma_wait3A_272 = tpu.memref_slice %arg4[%arg0, %dma_wait3A_270, %dma_wait3A_271] : memref<2x10000x128xf32, #tpu.memory_space<hbm>> -> memref<1x16x128xf32, #tpu.memory_space<hbm>>
        %dma_wait3A_273 = tpu.memref_squeeze %dma_wait3A_272 : memref<1x16x128xf32, #tpu.memory_space<hbm>> -> memref<16x128xf32, #tpu.memory_space<hbm>>
        %dma_wait3A_274 = arith.constant 9984 : i32
        %dma_wait3A_275 = arith.constant 0 : i32
        %dma_wait3A_276 = tpu.memref_slice %arg5[%dma_wait3A_274, %dma_wait3A_275] : memref<10000x128xf32, #tpu.memory_space<vmem_shared>> -> memref<16x128xf32, #tpu.memory_space<vmem_shared>>
        tpu.wait_dma2 semaphore(%run_scoped3A : memref<!tpu.dma_semaphore, #tpu.memory_space<semaphore_mem>>) src(%dma_wait3A_276 : memref<16x128xf32, #tpu.memory_space<vmem_shared>>) dst(%dma_wait3A_273 : memref<16x128xf32, #tpu.memory_space<hbm>>)
        tpu.yield
      }) : () -> ()
    } else {
    }
    return
  }
}

module attributes {stable_mosaic.version = 14 : i64} {
  func.func @_pre_body(%arg0: i32, %arg1: memref<2000x128xf32, #tpu.memory_space<vmem>>, %arg2: memref<128x128xf32, #tpu.memory_space<vmem>>, %arg3: memref<1x128xf32, #tpu.memory_space<vmem>>, %arg4: memref<2000x128xf32, #tpu.memory_space<vmem>>) attributes {dimension_semantics = [#tpu.dimension_semantics<arbitrary>], iteration_bounds = array<i64: 5>, scalar_prefetch = 0 : i64, scratch_operands = 0 : i64, tpu.core_type = #tpu.core_type<tc>, window_params = [{transform_indices = @transform_0, window_bounds = array<i64: 2000, 128>}, {pipeline_mode = #tpu.pipeline_mode<synchronous>, transform_indices = @transform_1, window_bounds = array<i64: 128, 128>}, {pipeline_mode = #tpu.pipeline_mode<synchronous>, transform_indices = @transform_2, window_bounds = array<i64: 1, 128>}, {transform_indices = @transform_3, window_bounds = array<i64: 2000, 128>}]} {
    %get3A = arith.constant 0 : index
    %get3A_0 = arith.constant 0 : index
    %get3A_1 = vector.load %arg1[%get3A, %get3A_0] : memref<2000x128xf32, #tpu.memory_space<vmem>>, vector<2000x128xf32>
    %get3A_2 = arith.constant 0 : index
    %get3A_3 = arith.constant 0 : index
    %get3A_4 = vector.load %arg2[%get3A_2, %get3A_3] : memref<128x128xf32, #tpu.memory_space<vmem>>, vector<128x128xf32>
    %dot_general3A = arith.constant dense<0.000000e+00> : vector<2000x128xf32>
    %dot_general3A_5 = tpu.matmul %get3A_1, %get3A_4, %dot_general3A {dimension_numbers = #tpu.dot_dimension_numbers<[1], [0], [0], [1], [0, 0, 1, 1], [], []>, transpose_lhs_hint = false} : vector<2000x128xf32>, vector<128x128xf32>, vector<2000x128xf32> -> vector<2000x128xf32>
    %get3A_6 = arith.constant 0 : index
    %get3A_7 = arith.constant 0 : index
    %get3A_8 = vector.load %arg3[%get3A_6, %get3A_7] : memref<1x128xf32, #tpu.memory_space<vmem>>, vector<1x128xf32>
    %add3A = vector.broadcast %get3A_8 : vector<1x128xf32> to vector<2000x128xf32>
    %add3A_9 = arith.addf %dot_general3A_5, %add3A : vector<2000x128xf32>
    %swap3A = arith.constant 0 : index
    %swap3A_10 = arith.constant 0 : index
    %swap3A_11 = vector.load %arg4[%swap3A, %swap3A_10] : memref<2000x128xf32, #tpu.memory_space<vmem>>, vector<2000x128xf32>
    tpu.vector_store %arg4[%swap3A, %swap3A_10], %add3A_9 {strides = array<i32>} : memref<2000x128xf32, #tpu.memory_space<vmem>>, vector<2000x128xf32>,
    return
  }
  func.func @transform_0(%arg0: i32) -> (i32, i32) {
    %c0_i32 = arith.constant 0 : i32
    %c0_i32_0 = arith.constant 0 : i32
    return %arg0, %c0_i32 : i32, i32
  }
  func.func @transform_1(%arg0: i32) -> (i32, i32) {
    %c0_i32 = arith.constant 0 : i32
    %c0_i32_0 = arith.constant 0 : i32
    %c0_i32_1 = arith.constant 0 : i32
    return %c0_i32, %c0_i32_0 : i32, i32
  }
  func.func @transform_2(%arg0: i32) -> (i32, i32) {
    %c0_i32 = arith.constant 0 : i32
    %c0_i32_0 = arith.constant 0 : i32
    %c0_i32_1 = arith.constant 0 : i32
    return %c0_i32, %c0_i32_0 : i32, i32
  }
  func.func @transform_3(%arg0: i32) -> (i32, i32) {
    %c0_i32 = arith.constant 0 : i32
    %c0_i32_0 = arith.constant 0 : i32
    return %arg0, %c0_i32 : i32, i32
  }
}

module attributes {stable_mosaic.version = 14 : i64} {
  func.func @_post_body(%arg0: i32, %arg1: memref<2x2000x128xf32, #tpu.memory_space<vmem>>, %arg2: memref<2000x128xf32, #tpu.memory_space<vmem>>, %arg3: memref<128x128xf32, #tpu.memory_space<vmem>>, %arg4: memref<2000x128xf32, #tpu.memory_space<vmem>>) attributes {dimension_semantics = [#tpu.dimension_semantics<arbitrary>], iteration_bounds = array<i64: 5>, scalar_prefetch = 0 : i64, scratch_operands = 0 : i64, tpu.core_type = #tpu.core_type<tc>, window_params = [{transform_indices = @transform_0, window_bounds = array<i64: 2, 2000, 128>}, {transform_indices = @transform_1, window_bounds = array<i64: 2000, 128>}, {pipeline_mode = #tpu.pipeline_mode<synchronous>, transform_indices = @transform_2, window_bounds = array<i64: 128, 128>}, {transform_indices = @transform_3, window_bounds = array<i64: 2000, 128>}]} {
    %get3A = arith.constant 0 : index
    %get3A_0 = arith.constant 0 : index
    %get3A_1 = arith.constant 0 : index
    %get3A_2 = vector.load %arg1[%get3A, %get3A_0, %get3A_1] : memref<2x2000x128xf32, #tpu.memory_space<vmem>>, vector<1x2000x128xf32>
    %get3A_3 = vector.shape_cast %get3A_2 : vector<1x2000x128xf32> to vector<2000x128xf32>
    %get3A_4 = arith.constant 1 : index
    %get3A_5 = arith.constant 0 : index
    %get3A_6 = arith.constant 0 : index
    %get3A_7 = vector.load %arg1[%get3A_4, %get3A_5, %get3A_6] : memref<2x2000x128xf32, #tpu.memory_space<vmem>>, vector<1x2000x128xf32>
    %get3A_8 = vector.shape_cast %get3A_7 : vector<1x2000x128xf32> to vector<2000x128xf32>
    %add3A = arith.addf %get3A_3, %get3A_8 : vector<2000x128xf32>
    %get3A_9 = arith.constant 0 : index
    %get3A_10 = arith.constant 0 : index
    %get3A_11 = vector.load %arg3[%get3A_9, %get3A_10] : memref<128x128xf32, #tpu.memory_space<vmem>>, vector<128x128xf32>
    %dot_general3A = arith.constant dense<0.000000e+00> : vector<2000x128xf32>
    %dot_general3A_12 = tpu.matmul %add3A, %get3A_11, %dot_general3A {dimension_numbers = #tpu.dot_dimension_numbers<[1], [0], [0], [1], [0, 0, 1, 1], [], []>, transpose_lhs_hint = false} : vector<2000x128xf32>, vector<128x128xf32>, vector<2000x128xf32> -> vector<2000x128xf32>
    %get3A_13 = arith.constant 0 : index
    %get3A_14 = arith.constant 0 : index
    %get3A_15 = vector.load %arg2[%get3A_13, %get3A_14] : memref<2000x128xf32, #tpu.memory_space<vmem>>, vector<2000x128xf32>
    %add3A_16 = arith.addf %dot_general3A_12, %get3A_15 : vector<2000x128xf32>
    %max3A = arith.constant 0.000000e+00 : f32
    %max3A_17 = vector.broadcast %max3A : f32 to vector<2000x128xf32>
    %max3A_18 = arith.maximumf %add3A_16, %max3A_17 : vector<2000x128xf32>
    %swap3A = arith.constant 0 : index
    %swap3A_19 = arith.constant 0 : index
    %swap3A_20 = vector.load %arg4[%swap3A, %swap3A_19] : memref<2000x128xf32, #tpu.memory_space<vmem>>, vector<2000x128xf32>
    tpu.vector_store %arg4[%swap3A, %swap3A_19], %max3A_18 {strides = array<i32>} : memref<2000x128xf32, #tpu.memory_space<vmem>>, vector<2000x128xf32>,
    return
  }
  func.func @transform_0(%arg0: i32) -> (i32, i32, i32) {
    %c0_i32 = arith.constant 0 : i32
    %c0_i32_0 = arith.constant 0 : i32
    %c0_i32_1 = arith.constant 0 : i32
    return %c0_i32, %arg0, %c0_i32_0 : i32, i32, i32
  }
  func.func @transform_1(%arg0: i32) -> (i32, i32) {
    %c0_i32 = arith.constant 0 : i32
    %c0_i32_0 = arith.constant 0 : i32
    return %arg0, %c0_i32 : i32, i32
  }
  func.func @transform_2(%arg0: i32) -> (i32, i32) {
    %c0_i32 = arith.constant 0 : i32
    %c0_i32_0 = arith.constant 0 : i32
    %c0_i32_1 = arith.constant 0 : i32
    return %c0_i32, %c0_i32_0 : i32, i32
  }
  func.func @transform_3(%arg0: i32) -> (i32, i32) {
    %c0_i32 = arith.constant 0 : i32
    %c0_i32_0 = arith.constant 0 : i32
    return %arg0, %c0_i32 : i32, i32
  }
}

module attributes {stable_mosaic.version = 14 : i64} {
  func.func @_final_body(%arg0: i32, %arg1: memref<2x2000x128xf32, #tpu.memory_space<vmem>>, %arg2: memref<2000x128xf32, #tpu.memory_space<vmem>>, %arg3: memref<128x128xf32, #tpu.memory_space<vmem>>, %arg4: memref<1x1x2000xi32, #tpu.memory_space<vmem>>, %arg5: memref<128x128xf32, #tpu.memory_space<vmem>>, %arg6: memref<1x128xf32, #tpu.memory_space<vmem>>, %arg7: memref<64x128xf32, #tpu.memory_space<vmem>>, %arg8: memref<64x128xf32, #tpu.memory_space<vmem>>, %arg9: memref<64x128xf32, #tpu.memory_space<vmem>>) attributes {dimension_semantics = [#tpu.dimension_semantics<arbitrary>], iteration_bounds = array<i64: 5>, scalar_prefetch = 0 : i64, scratch_operands = 2 : i64, tpu.core_type = #tpu.core_type<tc>, window_params = [{transform_indices = @transform_0, window_bounds = array<i64: 2, 2000, 128>}, {transform_indices = @transform_1, window_bounds = array<i64: 2000, 128>}, {pipeline_mode = #tpu.pipeline_mode<synchronous>, transform_indices = @transform_2, window_bounds = array<i64: 128, 128>}, {transform_indices = @transform_3, window_bounds = array<i64: 1, 1, 2000>}, {pipeline_mode = #tpu.pipeline_mode<synchronous>, transform_indices = @transform_4, window_bounds = array<i64: 128, 128>}, {pipeline_mode = #tpu.pipeline_mode<synchronous>, transform_indices = @transform_5, window_bounds = array<i64: 1, 128>}, {pipeline_mode = #tpu.pipeline_mode<synchronous>, transform_indices = @transform_6, window_bounds = array<i64: 64, 128>}]} {
    %eq3A = arith.constant 0 : i32
    %eq3A_0 = arith.cmpi eq, %arg0, %eq3A : i32
    %convert_element_type3A = arith.extui %eq3A_0 : i1 to i32
    %cond3A = arith.constant 0 : i32
    %cond3A_1 = arith.cmpi ne, %convert_element_type3A, %cond3A : i32
    scf.if %cond3A_1 {
      %broadcast_in_dim3A_50 = arith.constant 0.000000e+00 : f32
      %broadcast_in_dim3A_51 = vector.broadcast %broadcast_in_dim3A_50 : f32 to vector<64x128xf32>
      %swap3A_52 = arith.constant 0 : index
      %swap3A_53 = arith.constant 0 : index
      %swap3A_54 = vector.load %arg8[%swap3A_52, %swap3A_53] : memref<64x128xf32, #tpu.memory_space<vmem>>, vector<64x128xf32>
      tpu.vector_store %arg8[%swap3A_52, %swap3A_53], %broadcast_in_dim3A_51 {strides = array<i32>} : memref<64x128xf32, #tpu.memory_space<vmem>>, vector<64x128xf32>,
      %broadcast_in_dim3A_55 = arith.constant 0.000000e+00 : f32
      %broadcast_in_dim3A_56 = vector.broadcast %broadcast_in_dim3A_55 : f32 to vector<64x128xf32>
      %swap3A_57 = arith.constant 0 : index
      %swap3A_58 = arith.constant 0 : index
      %swap3A_59 = vector.load %arg9[%swap3A_57, %swap3A_58] : memref<64x128xf32, #tpu.memory_space<vmem>>, vector<64x128xf32>
      tpu.vector_store %arg9[%swap3A_57, %swap3A_58], %broadcast_in_dim3A_56 {strides = array<i32>} : memref<64x128xf32, #tpu.memory_space<vmem>>, vector<64x128xf32>,
    } else {
    }
    %get3A = arith.constant 0 : index
    %get3A_2 = arith.constant 0 : index
    %get3A_3 = arith.constant 0 : index
    %get3A_4 = vector.load %arg1[%get3A, %get3A_2, %get3A_3] : memref<2x2000x128xf32, #tpu.memory_space<vmem>>, vector<1x2000x128xf32>
    %get3A_5 = vector.shape_cast %get3A_4 : vector<1x2000x128xf32> to vector<2000x128xf32>
    %get3A_6 = arith.constant 1 : index
    %get3A_7 = arith.constant 0 : index
    %get3A_8 = arith.constant 0 : index
    %get3A_9 = vector.load %arg1[%get3A_6, %get3A_7, %get3A_8] : memref<2x2000x128xf32, #tpu.memory_space<vmem>>, vector<1x2000x128xf32>
    %get3A_10 = vector.shape_cast %get3A_9 : vector<1x2000x128xf32> to vector<2000x128xf32>
    %add3A = arith.addf %get3A_5, %get3A_10 : vector<2000x128xf32>
    %get3A_11 = arith.constant 0 : index
    %get3A_12 = arith.constant 0 : index
    %get3A_13 = vector.load %arg3[%get3A_11, %get3A_12] : memref<128x128xf32, #tpu.memory_space<vmem>>, vector<128x128xf32>
    %dot_general3A = arith.constant dense<0.000000e+00> : vector<2000x128xf32>
    %dot_general3A_14 = tpu.matmul %add3A, %get3A_13, %dot_general3A {dimension_numbers = #tpu.dot_dimension_numbers<[1], [0], [0], [1], [0, 0, 1, 1], [], []>, transpose_lhs_hint = false} : vector<2000x128xf32>, vector<128x128xf32>, vector<2000x128xf32> -> vector<2000x128xf32>
    %get3A_15 = arith.constant 0 : index
    %get3A_16 = arith.constant 0 : index
    %get3A_17 = vector.load %arg2[%get3A_15, %get3A_16] : memref<2000x128xf32, #tpu.memory_space<vmem>>, vector<2000x128xf32>
    %add3A_18 = arith.addf %dot_general3A_14, %get3A_17 : vector<2000x128xf32>
    %get3A_19 = arith.constant 0 : index
    %get3A_20 = arith.constant 0 : index
    %get3A_21 = arith.constant 0 : index
    %get3A_22 = vector.load %arg4[%get3A_19, %get3A_20, %get3A_21] : memref<1x1x2000xi32, #tpu.memory_space<vmem>>, vector<1x1x2000xi32>
    %reshape3A = vector.shape_cast %get3A_22 : vector<1x1x2000xi32> to vector<1x2000xi32>
    %iota3A = tpu.iota {dimensions = array<i32: 0>} : vector<64x2000xi32>
    %eq3A_23 = vector.broadcast %reshape3A : vector<1x2000xi32> to vector<64x2000xi32>
    %eq3A_24 = arith.cmpi eq, %iota3A, %eq3A_23 : vector<64x2000xi32>
    %convert_element_type3A_25 = arith.extui %eq3A_24 : vector<64x2000xi1> to vector<64x2000xi32>
    %convert_element_type3A_26 = arith.sitofp %convert_element_type3A_25 : vector<64x2000xi32> to vector<64x2000xf32>
    %get3A_27 = arith.constant 0 : index
    %get3A_28 = arith.constant 0 : index
    %get3A_29 = vector.load %arg8[%get3A_27, %get3A_28] : memref<64x128xf32, #tpu.memory_space<vmem>>, vector<64x128xf32>
    %dot_general3A_30 = arith.constant dense<0.000000e+00> : vector<64x128xf32>
    %dot_general3A_31 = tpu.matmul %convert_element_type3A_26, %add3A_18, %dot_general3A_30 {dimension_numbers = #tpu.dot_dimension_numbers<[1], [0], [0], [1], [0, 0, 1, 1], [], []>, transpose_lhs_hint = false} : vector<64x2000xf32>, vector<2000x128xf32>, vector<64x128xf32> -> vector<64x128xf32>
    %add3A_32 = arith.addf %get3A_29, %dot_general3A_31 : vector<64x128xf32>
    %swap3A = arith.constant 0 : index
    %swap3A_33 = arith.constant 0 : index
    %swap3A_34 = vector.load %arg8[%swap3A, %swap3A_33] : memref<64x128xf32, #tpu.memory_space<vmem>>, vector<64x128xf32>
    tpu.vector_store %arg8[%swap3A, %swap3A_33], %add3A_32 {strides = array<i32>} : memref<64x128xf32, #tpu.memory_space<vmem>>, vector<64x128xf32>,
    %get3A_35 = arith.constant 0 : index
    %get3A_36 = arith.constant 0 : index
    %get3A_37 = vector.load %arg9[%get3A_35, %get3A_36] : memref<64x128xf32, #tpu.memory_space<vmem>>, vector<64x128xf32>
    %broadcast_in_dim3A = arith.constant 1.000000e+00 : f32
    %broadcast_in_dim3A_38 = vector.broadcast %broadcast_in_dim3A : f32 to vector<2000x128xf32>
    %dot_general3A_39 = arith.constant dense<0.000000e+00> : vector<64x128xf32>
    %dot_general3A_40 = tpu.matmul %convert_element_type3A_26, %broadcast_in_dim3A_38, %dot_general3A_39 {dimension_numbers = #tpu.dot_dimension_numbers<[1], [0], [0], [1], [0, 0, 1, 1], [], []>, transpose_lhs_hint = false} : vector<64x2000xf32>, vector<2000x128xf32>, vector<64x128xf32> -> vector<64x128xf32>
    %add3A_41 = arith.addf %get3A_37, %dot_general3A_40 : vector<64x128xf32>
    %swap3A_42 = arith.constant 0 : index
    %swap3A_43 = arith.constant 0 : index
    %swap3A_44 = vector.load %arg9[%swap3A_42, %swap3A_43] : memref<64x128xf32, #tpu.memory_space<vmem>>, vector<64x128xf32>
    tpu.vector_store %arg9[%swap3A_42, %swap3A_43], %add3A_41 {strides = array<i32>} : memref<64x128xf32, #tpu.memory_space<vmem>>, vector<64x128xf32>,
    %eq3A_45 = arith.constant 4 : i32
    %eq3A_46 = arith.cmpi eq, %arg0, %eq3A_45 : i32
    %convert_element_type3A_47 = arith.extui %eq3A_46 : i1 to i32
    %cond3A_48 = arith.constant 0 : i32
    %cond3A_49 = arith.cmpi ne, %convert_element_type3A_47, %cond3A_48 : i32
    scf.if %cond3A_49 {
      %get3A_50 = arith.constant 0 : index
      %get3A_51 = arith.constant 0 : index
      %get3A_52 = vector.load %arg8[%get3A_50, %get3A_51] : memref<64x128xf32, #tpu.memory_space<vmem>>, vector<64x128xf32>
      %get3A_53 = arith.constant 0 : index
      %get3A_54 = arith.constant 0 : index
      %get3A_55 = vector.load %arg9[%get3A_53, %get3A_54] : memref<64x128xf32, #tpu.memory_space<vmem>>, vector<64x128xf32>
      %max3A = arith.constant 1.000000e+00 : f32
      %max3A_56 = vector.broadcast %max3A : f32 to vector<64x128xf32>
      %max3A_57 = arith.maximumf %get3A_55, %max3A_56 : vector<64x128xf32>
      %div3A = arith.divf %get3A_52, %max3A_57 : vector<64x128xf32>
      %get3A_58 = arith.constant 0 : index
      %get3A_59 = arith.constant 0 : index
      %get3A_60 = vector.load %arg5[%get3A_58, %get3A_59] : memref<128x128xf32, #tpu.memory_space<vmem>>, vector<128x128xf32>
      %dot_general3A_61 = arith.constant dense<0.000000e+00> : vector<64x128xf32>
      %dot_general3A_62 = tpu.matmul %div3A, %get3A_60, %dot_general3A_61 {dimension_numbers = #tpu.dot_dimension_numbers<[1], [0], [0], [1], [0, 0, 1, 1], [], []>, transpose_lhs_hint = false} : vector<64x128xf32>, vector<128x128xf32>, vector<64x128xf32> -> vector<64x128xf32>
      %get3A_63 = arith.constant 0 : index
      %get3A_64 = arith.constant 0 : index
      %get3A_65 = vector.load %arg6[%get3A_63, %get3A_64] : memref<1x128xf32, #tpu.memory_space<vmem>>, vector<1x128xf32>
      %add3A_66 = vector.broadcast %get3A_65 : vector<1x128xf32> to vector<64x128xf32>
      %add3A_67 = arith.addf %dot_general3A_62, %add3A_66 : vector<64x128xf32>
      %swap3A_68 = arith.constant 0 : index
      %swap3A_69 = arith.constant 0 : index
      %swap3A_70 = vector.load %arg7[%swap3A_68, %swap3A_69] : memref<64x128xf32, #tpu.memory_space<vmem>>, vector<64x128xf32>
      tpu.vector_store %arg7[%swap3A_68, %swap3A_69], %add3A_67 {strides = array<i32>} : memref<64x128xf32, #tpu.memory_space<vmem>>, vector<64x128xf32>,
    } else {
    }
    return
  }
  func.func @transform_0(%arg0: i32) -> (i32, i32, i32) {
    %c0_i32 = arith.constant 0 : i32
    %c0_i32_0 = arith.constant 0 : i32
    %c0_i32_1 = arith.constant 0 : i32
    return %c0_i32, %arg0, %c0_i32_0 : i32, i32, i32
  }
  func.func @transform_1(%arg0: i32) -> (i32, i32) {
    %c0_i32 = arith.constant 0 : i32
    %c0_i32_0 = arith.constant 0 : i32
    return %arg0, %c0_i32 : i32, i32
  }
  func.func @transform_2(%arg0: i32) -> (i32, i32) {
    %c0_i32 = arith.constant 0 : i32
    %c0_i32_0 = arith.constant 0 : i32
    %c0_i32_1 = arith.constant 0 : i32
    return %c0_i32, %c0_i32_0 : i32, i32
  }
  func.func @transform_3(%arg0: i32) -> (i32, i32, i32) {
    %c0_i32 = arith.constant 0 : i32
    %c0_i32_0 = arith.constant 0 : i32
    %c0_i32_1 = arith.constant 0 : i32
    return %arg0, %c0_i32, %c0_i32_0 : i32, i32, i32
  }
  func.func @transform_4(%arg0: i32) -> (i32, i32) {
    %c0_i32 = arith.constant 0 : i32
    %c0_i32_0 = arith.constant 0 : i32
    %c0_i32_1 = arith.constant 0 : i32
    return %c0_i32, %c0_i32_0 : i32, i32
  }
  func.func @transform_5(%arg0: i32) -> (i32, i32) {
    %c0_i32 = arith.constant 0 : i32
    %c0_i32_0 = arith.constant 0 : i32
    %c0_i32_1 = arith.constant 0 : i32
    return %c0_i32, %c0_i32_0 : i32, i32
  }
  func.func @transform_6(%arg0: i32) -> (i32, i32) {
    %c0_i32 = arith.constant 0 : i32
    %c0_i32_0 = arith.constant 0 : i32
    %c0_i32_1 = arith.constant 0 : i32
    return %c0_i32, %c0_i32_0 : i32, i32
  }
}

</mosaic_0001>

<sc_bundles>
// kernel: kernel.11.cloned.1.call-start
scs
__scs_entry_jumppad:
0x0: {  	(pc) =	sbr.rel $0x88, $3  }
0x1: {  	(tag) =	ssettag $0x0;
	lr =	simm.s32 $0x1  }
0x2: {  	[smem:$0x3F93] =	sst lr;
	_ =	strace $0xD0000000  }
0x3: {  	_ = 	snop  }
0x4: {  	_ = 	snop  }
0x5: {  	_ = 	snop  }
0x6: {  	_ = 	snop  }
0x7: {  	_ = 	snop  }
__scs_overlays_trampoline_lowered:
0x8: {  	[smem:$0x3FA2] =	sst s0  }
0x9: {  	[smem:$0x3FA3] =	sst s1  }
0xa: {  	[smem:$0x3FA4] =	sst s2  }
0xb: {  	[smem:$0x3FA5] =	sst s3  }
0xc: {  	[smem:$0x3FA6] =	sst s4  }
0xd: {  	[smem:$0x3FA7] =	sst s5  }
0xe: {  	[smem:$0x3FA8] =	sst s6  }
0xf: {  	[smem:$0x3FA9] =	sst s7  }
0x10: {  	[smem:$0x3FAA] =	sst s8  }
0x11: {  	[smem:$0x3FAB] =	sst s9;
	s0 =	simm.s32 @!p0 $0x0  }
0x12: {  	s1 =	sld [smem:$0x3F91];
	s0 =	simm.s32 @p0 $0x1  }
0x13: {  	[smem:$0x3FAC] =	sst s0;
	s0 =	simm.s32 @!p1 $0x0  }
0x14: {  	s2 =	sld [smem:$0x3F90];
	s0 =	simm.s32 @p1 $0x1  }
0x15: {  	[smem:$0x3FAD] =	sst s0;
	s0 =	simm.s32 @!p2 $0x0  }
0x16: {  	s3 =	sld [smem:$0x3FDB];
	s0 =	simm.s32 @p2 $0x1  }
0x17: {  	s4 =	simm.s32 $0x1BF5;
	[smem:$0x3FAF] =	sst s0  }
0x18: {  	s0 =	sld [smem:$0x3F92];
	_ =	swait.ge [sflag:s4], $0x0  }
0x19: {  	s7 =	sld [smem:$0x3F93]  }
0x1a: {  	s8 =	sadd.s32 $0xFFFFE003, lr  }
0x1b: {  	s9 =	sadd.s32 $0xFFFFFEF7, lr;
	s5 =	simm.s32 $0xFFFFFFFF;
	p2 =	slt.u32 s8, $0xFFFFF086  }
0x1c: {  	p1 =	slt.u32 s9, $0xF7A;
	s5 =	simm.s32 @!p2 $0x0  }
0x1d: {  	s5 =	simm.s32 @p1 $0x1;
	p0 =	seq.s32 s7, s2  }
0x1e: {  	s7 =	smul.u32 @!p0 $0xF7A, s2;
	p2 =	seq.s32 @!p0 s5, $0x0  }
0x1f: {  	s9 =	smul.u32 $0xF7A, s1;
	s8 =	simm.s32 @!p0 $0x1BF5;
	p2 =	por !p2, p0  }
0x20: {  	[sflag:s8] =	ssyncset.s32 @!p0 $0xFFFFF086;
	s6 =	sadd.s32 @!p0 s3, s7;
	s7 =	simm.s32 @!p0 $0x108  }
0x21: {  	s3 =	sadd.s32 s3, s9;
	s6 =	sadd.s32 @!p0 $0x88, s6;
	s7 =	simm.s32 @p2 $0x1082  }
0x22: {  	[simem:s7], [sflag:s8] =	dma.local @!p0 [hbm:s6], $0xF7A  }
0x23: {  	s9 =	sor.u32 $0xD0000000, s2;
	s6 =	simm.s32 $0x108;
	_ =	swait.ge @!p0 [sflag:s8], $0x0  }
0x24: {  	s3 =	sadd.s32 $0x88, s3;
	s6 =	simm.s32 @!p1 $0x1082;
	[sflag:s4] =	ssyncset.s32 $0xFFFFF086  }
0x25: {  	[simem:s6], [sflag:s4] =	dma.local [hbm:s3], $0xF7A  }
0x26: {  	[smem:$0x3F93] =	sst s1;
	(tag) =	ssettag s2;
	_ =	strace s9  }
0x27: {  	s1 =	sld [smem:$0x3FA3]  }
0x28: {  	s2 =	sld [smem:$0x3FA4]  }
0x29: {  	s4 =	sld [smem:$0x3FA6]  }
0x2a: {  	p0 =	seq.s32 s5, $0x0;
	s5 =	sld [smem:$0x3FA7]  }
0x2b: {  	s6 =	sld [smem:$0x3FA8]  }
0x2c: {  	s7 =	sld [smem:$0x3FA9]  }
0x2d: {  	s3 =	simm.s32 $0x108;
	s8 =	sld [smem:$0x3FAA]  }
0x2e: {  	s3 =	simm.s32 @!p0 $0x1082;
	s9 =	sld [smem:$0x3FAB]  }
0x2f: {  	lr =	sadd.s32 s0, s3;
	s0 =	sld [smem:$0x3FA2]  }
0x30: {  	s3 =	sld [smem:$0x3FA5]  }
0x31: {  	[smem:$0x3FAE] =	sst s10  }
0x32: {  	s10 =	sld [smem:$0x3FAC];
	_ =	sdelay $0x3  }
0x33: {  	p0 =	seq.s32 s10, $0x1;
	s10 =	sld [smem:$0x3FAE];
	_ =	sdelay $0x3  }
0x34: {  	[smem:$0x3FAE] =	sst s10  }
0x35: {  	s10 =	sld [smem:$0x3FAD];
	_ =	sdelay $0x3  }
0x36: {  	p1 =	seq.s32 s10, $0x1;
	s10 =	sld [smem:$0x3FAE];
	_ =	sdelay $0x3  }
0x37: {  	[smem:$0x3FAE] =	sst s10  }
0x38: {  	s10 =	sld [smem:$0x3FAF]  }
0x39: {  	_ = 	snop;
	(pc) =	sbr.ind lr, $3  }
0x3a: {  	_ = 	snop  }
0x3b: {  	_ = 	snop  }
0x3c: {  	p2 =	seq.s32 s10, $0x1;
	s10 =	sld [smem:$0x3FAE]  }
0x3d: {  	_ =	shalt  }
0x3e: {  	_ =	shalt  }
0x3f: {  	_ =	shalt  }
0x40: {  	_ =	shalt  }
0x41: {  	_ =	shalt  }
0x42: {  	_ =	shalt  }
0x43: {  	_ =	shalt  }
0x44: {  	_ =	shalt  }
0x45: {  	_ =	shalt  }
0x46: {  	_ =	shalt  }
0x47: {  	_ =	shalt  }
0x48: {  	_ =	shalt  }
0x49: {  	_ =	shalt  }
0x4a: {  	_ =	shalt  }
0x4b: {  	_ =	shalt  }
0x4c: {  	_ =	shalt  }
0x4d: {  	_ =	shalt  }
0x4e: {  	_ =	shalt  }
0x4f: {  	_ =	shalt  }
0x50: {  	_ =	shalt  }
0x51: {  	_ =	shalt  }
0x52: {  	_ =	shalt  }
0x53: {  	_ =	shalt  }
0x54: {  	_ =	shalt  }
0x55: {  	_ =	shalt  }
0x56: {  	_ =	shalt  }
0x57: {  	_ =	shalt  }
0x58: {  	_ =	shalt  }
0x59: {  	_ =	shalt  }
0x5a: {  	_ =	shalt  }
0x5b: {  	_ =	shalt  }
0x5c: {  	_ =	shalt  }
0x5d: {  	_ =	shalt  }
0x5e: {  	_ =	shalt  }
0x5f: {  	_ =	shalt  }
0x60: {  	_ =	shalt  }
0x61: {  	_ =	shalt  }
0x62: {  	_ =	shalt  }
0x63: {  	_ =	shalt  }
0x64: {  	_ =	shalt  }
0x65: {  	_ =	shalt  }
0x66: {  	_ =	shalt  }
0x67: {  	_ =	shalt  }
0x68: {  	_ =	shalt  }
0x69: {  	_ =	shalt  }
0x6a: {  	_ =	shalt  }
0x6b: {  	_ =	shalt  }
0x6c: {  	_ =	shalt  }
0x6d: {  	_ =	shalt  }
0x6e: {  	_ =	shalt  }
0x6f: {  	_ =	shalt  }
0x70: {  	_ =	shalt  }
0x71: {  	_ =	shalt  }
0x72: {  	_ =	shalt  }
0x73: {  	_ =	shalt  }
0x74: {  	_ =	shalt  }
0x75: {  	_ =	shalt  }
0x76: {  	_ =	shalt  }
0x77: {  	_ =	shalt  }
0x78: {  	_ =	shalt  }
0x79: {  	_ =	shalt  }
0x7a: {  	_ =	shalt  }
0x7b: {  	_ =	shalt  }
0x7c: {  	_ =	shalt  }
0x7d: {  	_ =	shalt  }
0x7e: {  	_ =	shalt  }
0x7f: {  	_ =	shalt  }
0x80: {  	_ =	shalt  }
0x81: {  	_ =	shalt  }
0x82: {  	_ =	shalt  }
0x83: {  	_ =	shalt  }
0x84: {  	_ =	shalt  }
0x85: {  	_ =	shalt  }
0x86: {  	_ =	shalt  }
0x87: {  	_ =	shalt  }
.Lfunc_end0:
.L_simem_size_0:
called_computation_lowered:
.L_overlay_start_0:
0x88: {  	s2 =	sld [smem:$0x3FD9]  }
0x89: {  	s3 =	sld [smem:$0x3FFE];
	_ =	sdelay $0x1  }
0x8a: {  	s1 =	srdreg.scid  }
0x8b: {  	s0 =	sand.u32 $0x1, s1  }
0x8c: {  	s17 =	sshll.u32 s0, $0xA;
	s2 =	sadd.s32 s3, s2  }
0x8d: {  	s2 =	sadd.s32 s2, s17  }
0x8e: {  	[smem:$0x3FBA] =	sst s2  }
0x8f: {  	_ = 	snop  }
0x90: {  	s2 =	sld [smem:$0x3FC9];
	(tm) =	ssettm $0x1  }
0x91: {  	s18 =	sld [smem:$0x3FFB];
	_ =	sdelay $0x3  }
0x92: {  	_ =	strace s18  }
0x93: {  	s3 =	sld [smem:$0x3FFC];
	_ =	sdelay $0x3  }
0x94: {  	_ =	strace s3  }
0x95: {  	s3 =	sld [smem:$0x3FFD];
	_ =	sdelay $0x3  }
0x96: {  	_ =	strace s3  }
0x97: {  	_ =	strace $0x8FFFFFFF  }
0x98: {  	s19 =	sld [smem:$0x3FDB];
	_ =	sdelay $0x1  }
0x99: {  	s4 =	simm.s32 $_scs_section_size  }
0x9a: {  	s5 =	simm.s32 $_size__tile_overlayer_lowered;
	s6 =	simm.s32 $_tile_overlayer_lowered  }
0x9b: {  	s22 =	simm.s32 $0x1BFF;
	s21 =	sshll.u32 s6, $0x1;
	s3 =	sadd.s32 s4, s19  }
0x9c: {  	s7 =	simm.s32 $0x0;
	s20 =	sshll.u32 s5, $0x1;
	s5 =	sadd.s32 s21, s3  }
0x9d: {  	[timem:s7], [sflag:s22] =	dma.local [hbm:s5], s20  }
0x9e: {  	_ =	swait.ge [sflag:s22], s20  }
0x9f: {  	s4 =	ssub.s32 $0x0, s20;
	[sflag:s22] =	ssyncset.done $0x0  }
0xa0: {  	[sflag:s22] =	ssyncadd.s32 s4;
	_ =	sdelay $0x1  }
0xa1: {  	s23 =	simm.s32 $0x1B8B  }
0xa2: {  	_ =	swait.ge [sflag:s23], $0x1  }
0xa3: {  	[sflag:s23] =	ssyncset.done $0x0  }
0xa4: {  	s25 =	simm.s32 $0x1B8E;
	s24 =	sld [smem:$0x3FFE];
	[sflag:s23] =	ssyncadd.s32 $0xFFFFFFFF  }
0xa5: {  	s26 =	simm.s32 $execute0_lowered;
	[smem:$0x3FD2] =	sst s25  }
0xa6: {  	s5 =	sshll.u32 s26, $0x1;
	_ =	strace $0x80000046;
	[dreg:$0x1] =	wrdreg $0xFFFFFFFF  }
0xa7: {  	s28 =	simm.s32 $_size_execute0_lowered;
	s3 =	sadd.s32 s3, s5;
	[dreg:$0x0] =	wrdreg $0x0  }
0xa8: {  	s5 =	sshll.u32 s28, $0x1;
	[dreg:$0x2] =	wrdreg s3  }
0xa9: {  	[dreg:$0x3] =	wrdreg s5  }
0xaa: {  	[dreg:$0x4] =	wrdreg $0xC0  }
0xab: {  	_ =	task [dreg:s7], $0x5FFFF  }
0xac: {  	[dreg:$0x1] =	wrdreg $0xFFFFFFFF  }
0xad: {  	[dreg:$0x0] =	wrdreg $0x60  }
0xae: {  	[dreg:$0x2] =	wrdreg s2  }
0xaf: {  	[dreg:$0x3] =	wrdreg s24  }
0xb0: {  	[dreg:$0x4] =	wrdreg $0x0  }
0xb1: {  	[dreg:$0x5] =	wrdreg $0x9  }
0xb2: {  	_ =	task.clear_ibuf [dreg:s7], $0x6FFFF;
	_ =	strace $0x90000046  }
0xb3: {  	s29 =	simm.s32 $0x9;
	_ =	strace $0x80000048  }
0xb4: {  	_ =	swait.ge [sflag:s29], $0x1  }
0xb5: {  	[sflag:s29] =	ssyncadd.s32 $0xFFFFFFFF  }
0xb6: {  	_ =	strace $0x90000048  }
0xb7: {  	_ =	sfence  }
0xb8: {  	s30 =	sld [smem:$0x0];
	_ =	sdelay $0x2  }
0xb9: {  	s31 =	sshll.u32 s1, $0xD;
	s1 =	sshrl.u32 s1, $0x2  }
0xba: {  	s3 =	sand.u32 $0x4000, s31;
	s1 =	sadd.s32 s1, s30  }
0xbb: {  	s0 =	sor.u32 s3, s0;
	s1 =	sshll.u32 s1, $0x11  }
0xbc: {  	s0 =	sor.u32 s1, s0  }
0xbd: {  	s0 =	sadd.s32 $0x8F2B, s0  }
0xbe: {  	[sflag:s0] =	ssyncadd.remote.s32 $0x1  }
0xbf: {  	_ =	sfence.sel $0xFFFF  }
0xc0: {  	[dreg:$0x0] =	wrdreg $0xFFFFFFFF;
	(pc) =	sbr.abs _section_cstart, $3  }
0xc1: {  	[dreg:$0x1] =	wrdreg $0xFFFFFFFF  }
0xc2: {  	_ =	task.clear_ibuf [dreg:s7], $0x2FFFF;
	_ =	strace $0x9FFFFFFF  }
0xc3: {  	(tm) =	ssettm $0x7FFFFFFF  }
tec
execute0_lowered:
.L_overlay_start_1:
0x0: {  	(tag) =	ssettag $0x1  }
0x1: {  	s1 =	rddreg [dreg:$0x0]  }
0x2: {  	s0 =	rddreg [dreg:$0x1]  }
0x3: {  	s2 =	rddreg [dreg:$0x2];
	s3 =	srdreg.scid  }
0x4: {  	s11 =	stileid.u32;
	s4 =	simm.s32 $0x0;
	s3 =	sand.u32 $0x1, s3  }
0x5: {  	s5 =	sshll.u32 s11, $0x1;
	[smem:$0x7FF] =	sst s4;
	s17 =	sadd.s32 $0x138000, s2  }
0x6: {  	s18 =	smul.u32 $0x13800, s11;
	s5 =	sor.u32 s3, s5;
	s6 =	ssub.s32 $0x2, s3  }
0x7: {  	_ =	strace $0x80000047;
	s8 =	smul.u32 $0x2710, s5;
	s7 =	sshrl.u32 s6, $0x1  }
0x8: {  	[dreg:$0x4] =	wrdreg s17;
	s5 =	sadd.s32 $0x3600, s0;
	s6 =	ssub.s32 s6, s7  }
0x9: {  	s7 =	sadd.s32 $0x4E200, s8;
	s8 =	sshrl.u32 s8, $0x3;
	s6 =	smax.u32 s6, $0x1  }
0xa: {  	s9 =	sshrl.u32 s7, $0x3;
	s12 =	sadd.s32 s5, s8;
	[dreg:$0x10] =	wrdreg s6  }
0xb: {  	s25 =	smul.u32 $0x4E000, s11;
	s16 =	sadd.s32 s5, s9;
	[dreg:$0x5] =	wrdreg s12  }
0xc: {  	s30 =	smul.u32 $0x4E20, s11;
	s19 =	sadd.s32 $0xA, s12;
	[dreg:$0x6] =	wrdreg s16  }
0xd: {  	s10 =	smul.u32 $0x138800, s3;
	s20 =	sadd.s32 $0x9C4A, s12;
	[dreg:$0x7] =	wrdreg s19  }
0xe: {  	s3 =	smul.u32 $0x2710, s3;
	s21 =	sadd.s32 $0x14, s12;
	[dreg:$0x8] =	wrdreg s20  }
0xf: {  	s0 =	sadd.s32 $0x17000, s0;
	s22 =	sadd.s32 $0x9C54, s12;
	[dreg:$0x9] =	wrdreg s21  }
0x10: {  	s26 =	sshrl.u32 s10, $0x3;
	s23 =	sadd.s32 $0x1E, s12;
	[dreg:$0xa] =	wrdreg s22  }
0x11: {  	s8 =	sadd.s32 s18, s10;
	s24 =	sadd.s32 $0x9C5E, s12;
	[dreg:$0xb] =	wrdreg s23  }
0x12: {  	s8 =	sshrl.u32 s8, $0x3;
	s12 =	sadd.s32 s3, s30;
	[dreg:$0xc] =	wrdreg s24  }
0x13: {  	s9 =	sshrl.u32 s25, $0x2;
	s8 =	sadd.s32 s0, s8;
	[dreg:$0x13] =	wrdreg s12  }
0x14: {  	s0 =	sadd.s32 s0, s26;
	s18 =	sadd.s32 s9, s2;
	[dreg:$0xd] =	wrdreg s8  }
0x15: {  	s28 =	simm.s32 $0xB;
	s0 =	sadd.s32 $0x27000, s0;
	[dreg:$0xe] =	wrdreg s18  }
0x16: {  	s29 =	simm.s32 $0x8;
	s8 =	sadd.s32 $0x1800, s18;
	[dreg:$0xf] =	wrdreg s0  }
0x17: {  	s31 =	simm.s32 $0xC;
	s9 =	sadd.s32 $0x3000, s18;
	[dreg:$0x11] =	wrdreg s8  }
0x18: {  	p0 =	sne.s32 s11, $0x0;
	s16 =	sadd.s32 $0x4800, s18;
	[dreg:$0x12] =	wrdreg s9  }
0x19: {  	s11 =	simm.s32 $0xA;
	s19 =	sadd.s32 $0x6000, s18;
	[dreg:$0x17] =	wrdreg s16  }
0x1a: {  	s10 =	simm.s32 $0x6;
	s20 =	sadd.s32 $0x7800, s18;
	[dreg:$0x18] =	wrdreg s19  }
0x1b: {  	s13 =	sadd.s32 $0x1E0, s12;
	s21 =	sadd.s32 $0x9000, s18;
	[dreg:$0x19] =	wrdreg s20  }
0x1c: {  	s3 =	sadd.s32 $0x190, s12;
	s22 =	sadd.s32 $0xA800, s18;
	[dreg:$0x1a] =	wrdreg s21  }
0x1d: {  	s6 =	sadd.s32 $0x230, s12;
	s23 =	sadd.s32 $0xC000, s18;
	[dreg:$0x1b] =	wrdreg s22  }
0x1e: {  	s12 =	simm.s32 $0x13C80;
	s24 =	sadd.s32 $0xD800, s18;
	[dreg:$0x1c] =	wrdreg s23  }
0x1f: {  	s3 =	sshrl.u32 s3, $0x3;
	s25 =	sadd.s32 $0xF000, s18;
	[dreg:$0x1d] =	wrdreg s24  }
0x20: {  	s6 =	sshrl.u32 s6, $0x3;
	s26 =	sadd.s32 $0x10800, s18;
	[dreg:$0x1e] =	wrdreg s25  }
0x21: {  	s30 =	sadd.s32 $0x12000, s18;
	s0 =	sshrl.u32 s13, $0x3;
	[dreg:$0x1f] =	wrdreg s26  }
0x22: {  	s14 =	sadd.s32 s3, s5;
	s15 =	sadd.s32 s6, s5;
	[smem:$0x7FD] =	sst s30  }
.Ltmp0:
0x23: {  	s19 =	simm.s32 $0x11;
	s26 =	simm.s32 $0x1;
	(pc) =	sbr.rel .LBB2_1-.Ltmp0, $4  }
0x24: {  	s24 =	simm.s32 $0x50;
	s3 =	simm.s32 $0x5;
	s9 =	simm.s32 $0x9  }
0x25: {  	s8 =	simm.s32 $0x7;
	s6 =	simm.s32 $0xD;
	[dreg:$0x15] =	wrdreg s14  }
0x26: {  	s16 =	simm.s32 $0x0;
	s0 =	sadd.s32 s0, s5;
	[dreg:$0x16] =	wrdreg s15  }
0x27: {  	v0 =	vimm.f32 $0.0e+00;
	s14 =	simm.s32 $0x13880;
	s15 =	simm.s32 $0x13A80;
	[dreg:$0x14] =	wrdreg s0  }
.LBB2_20:
0x28: {  	s0 =	stileid.u32;
	[bflag:$0x0] =	sbarrier.arrive $0xFFFF  }
0x29: {  	s19 =	simm.s32 $0x11;
	s0 =	sshll.u32 s0, $0x6;
	s18 =	rddreg [dreg:$0xe]  }
0x2a: {  	s16 =	rddreg [dreg:$0xd];
	s0 =	sor.u32 $0x1C11, s0;
	s13 =	sshrl.u32 s18, $0x3  }
0x2b: {  	[hbm:s16], [sflag:s0] =	dma.local [spmem:s13], $0x2700  }
0x2c: {  	_ =	swait.ge [sflag:s19], $0x2700  }
0x2d: {  	[sflag:s19] =	ssyncset.done $0x0;
	s17 =	rddreg [dreg:$0x4]  }
0x2e: {  	s16 =	rddreg [dreg:$0xf];
	[sflag:s19] =	ssyncadd.s32 $0xFFFFD900;
	s13 =	sshrl.u32 @!p0 s17, $0x3  }
0x2f: {  	[hbm:s16], [sflag:s0] =	dma.local @!p0 [spmem:s13], $0x100  }
0x30: {  	s0 =	simm.s32 @!p0 $0x11  }
0x31: {  	_ =	swait.ge @!p0 [sflag:s0], $0x100  }
0x32: {  	s25 =	sld [smem:$0x7FC];
	_ =	sdelay $0x2  }
0x33: {  	s30 =	rddreg [dreg:$0x10];
	s16 =	sadd.s32 $0x1, s25  }
0x34: {  	p1 =	sne.s32 s16, s30  }
.Ltmp1:
0x35: {  	_ = 	snop;
	(pc) =	sbr.rel @!p1 .LBB2_21-.Ltmp1, $3  }
0x36: {  	_ =	sdelay $0x1  }
0x37: {  	[sflag:s0] =	ssyncset.done @!p0 $0x0  }
0x38: {  	[sflag:s0] =	ssyncadd.s32 @!p0 $0xFFFFFF00  }
.LBB2_1:
0x39: {  	[smem:$0x7FC] =	sst s16;
	s0 =	simm.s32 $0x70;
	s16 =	simm.s32 $0x3C0  }
.LBB2_2:
0x3a: {  	p1 =	sne.s32 s16, $0x5FC0;
	[tilespmem:s0+$0x13C80] =	vst v0  }
0x3b: {  	[tilespmem:s0+$0x13C10] =	vst v0  }
0x3c: {  	[tilespmem:s0+$0x13C20] =	vst v0  }
.Ltmp2:
0x3d: {  	[tilespmem:s0+$0x13C30] =	vst v0;
	(pc) =	sbr.rel @p1 .LBB2_2-.Ltmp2, $4  }
0x3e: {  	[tilespmem:s0+$0x13C40] =	vst v0  }
0x3f: {  	[tilespmem:s0+$0x13C50] =	vst v0  }
0x40: {  	[tilespmem:s0+$0x13C60] =	vst v0  }
0x41: {  	[tilespmem:s0+$0x13C70] =	vst v0;
	s0 =	sshra.s32 s16, $0x2;
	s16 =	sadd.s32 $0x200, s16  }
0x42: {  	[tilespmem:s0+$0x13C80] =	vst v0  }
0x43: {  	[tilespmem:s0+$0x13C10] =	vst v0  }
0x44: {  	[tilespmem:s0+$0x13C20] =	vst v0  }
0x45: {  	[tilespmem:s0+$0x13C30] =	vst v0  }
0x46: {  	[tilespmem:s0+$0x13C40] =	vst v0  }
0x47: {  	[tilespmem:s0+$0x13C50] =	vst v0  }
0x48: {  	[tilespmem:s0+$0x13C60] =	vst v0  }
0x49: {  	[tilespmem:s0+$0x13C70] =	vst v0  }
0x4a: {  	[spmem:s18] =	stream.linear.scatter [tilespmem:s12], [sflag:$0x11], $0x1800, $0x38;
	[tilespmem:$0x1DC80] =	vst v63  }
0x4b: {  	_ =	swait.ge [sflag:s19], $0x1800  }
0x4c: {  	[sflag:s19] =	ssyncset.done $0x0  }
0x4d: {  	s23 =	rddreg [dreg:$0x11];
	[sflag:s19] =	ssyncadd.s32 $0xFFFFE800  }
0x4e: {  	[spmem:s23] =	stream.linear.scatter [tilespmem:s12], [sflag:$0x11], $0x1800, $0x38;
	[tilespmem:$0x1DC80] =	vst v63  }
0x4f: {  	_ =	swait.ge [sflag:s19], $0x1800  }
0x50: {  	[sflag:s19] =	ssyncset.done $0x0  }
0x51: {  	s25 =	rddreg [dreg:$0x12];
	[sflag:s19] =	ssyncadd.s32 $0xFFFFE800  }
0x52: {  	[spmem:s25] =	stream.linear.scatter [tilespmem:s12], [sflag:$0x11], $0x1800, $0x38;
	[tilespmem:$0x1DC80] =	vst v63  }
0x53: {  	_ =	swait.ge [sflag:s19], $0x1800  }
0x54: {  	[sflag:s19] =	ssyncset.done $0x0  }
0x55: {  	s30 =	rddreg [dreg:$0x17];
	[sflag:s19] =	ssyncadd.s32 $0xFFFFE800  }
0x56: {  	[spmem:s30] =	stream.linear.scatter [tilespmem:s12], [sflag:$0x11], $0x1800, $0x38;
	[tilespmem:$0x1DC80] =	vst v63  }
0x57: {  	_ =	swait.ge [sflag:s19], $0x1800  }
0x58: {  	[sflag:s19] =	ssyncset.done $0x0  }
0x59: {  	s13 =	rddreg [dreg:$0x18];
	[sflag:s19] =	ssyncadd.s32 $0xFFFFE800  }
0x5a: {  	[spmem:s13] =	stream.linear.scatter [tilespmem:s12], [sflag:$0x11], $0x1800, $0x38;
	[tilespmem:$0x1DC80] =	vst v63  }
0x5b: {  	_ =	swait.ge [sflag:s19], $0x1800  }
0x5c: {  	[sflag:s19] =	ssyncset.done $0x0  }
0x5d: {  	s16 =	rddreg [dreg:$0x19];
	[sflag:s19] =	ssyncadd.s32 $0xFFFFE800  }
0x5e: {  	[spmem:s16] =	stream.linear.scatter [tilespmem:s12], [sflag:$0x11], $0x1800, $0x38;
	[tilespmem:$0x1DC80] =	vst v63  }
0x5f: {  	_ =	swait.ge [sflag:s19], $0x1800  }
0x60: {  	[sflag:s19] =	ssyncset.done $0x0  }
0x61: {  	s18 =	rddreg [dreg:$0x1a];
	[sflag:s19] =	ssyncadd.s32 $0xFFFFE800  }
0x62: {  	[spmem:s18] =	stream.linear.scatter [tilespmem:s12], [sflag:$0x11], $0x1800, $0x38;
	[tilespmem:$0x1DC80] =	vst v63  }
0x63: {  	_ =	swait.ge [sflag:s19], $0x1800  }
0x64: {  	[sflag:s19] =	ssyncset.done $0x0  }
0x65: {  	s20 =	rddreg [dreg:$0x1b];
	[sflag:s19] =	ssyncadd.s32 $0xFFFFE800  }
0x66: {  	[spmem:s20] =	stream.linear.scatter [tilespmem:s12], [sflag:$0x11], $0x1800, $0x38;
	[tilespmem:$0x1DC80] =	vst v63  }
0x67: {  	_ =	swait.ge [sflag:s19], $0x1800  }
0x68: {  	[sflag:s19] =	ssyncset.done $0x0  }
0x69: {  	s21 =	rddreg [dreg:$0x1c];
	[sflag:s19] =	ssyncadd.s32 $0xFFFFE800  }
0x6a: {  	[spmem:s21] =	stream.linear.scatter [tilespmem:s12], [sflag:$0x11], $0x1800, $0x38;
	[tilespmem:$0x1DC80] =	vst v63  }
0x6b: {  	_ =	swait.ge [sflag:s19], $0x1800  }
0x6c: {  	[sflag:s19] =	ssyncset.done $0x0  }
0x6d: {  	s22 =	rddreg [dreg:$0x1d];
	[sflag:s19] =	ssyncadd.s32 $0xFFFFE800  }
0x6e: {  	[spmem:s22] =	stream.linear.scatter [tilespmem:s12], [sflag:$0x11], $0x1800, $0x38;
	[tilespmem:$0x1DC80] =	vst v63  }
0x6f: {  	_ =	swait.ge [sflag:s19], $0x1800  }
0x70: {  	[sflag:s19] =	ssyncset.done $0x0  }
0x71: {  	s23 =	rddreg [dreg:$0x1e];
	[sflag:s19] =	ssyncadd.s32 $0xFFFFE800  }
0x72: {  	[spmem:s23] =	stream.linear.scatter [tilespmem:s12], [sflag:$0x11], $0x1800, $0x38;
	[tilespmem:$0x1DC80] =	vst v63  }
0x73: {  	_ =	swait.ge [sflag:s19], $0x1800  }
0x74: {  	[sflag:s19] =	ssyncset.done $0x0  }
0x75: {  	s25 =	rddreg [dreg:$0x1f];
	[sflag:s19] =	ssyncadd.s32 $0xFFFFE800  }
0x76: {  	[spmem:s25] =	stream.linear.scatter [tilespmem:s12], [sflag:$0x11], $0x1800, $0x38;
	[tilespmem:$0x1DC80] =	vst v63  }
0x77: {  	_ =	swait.ge [sflag:s19], $0x1800  }
0x78: {  	s30 =	sld [smem:$0x7FD]  }
0x79: {  	[sflag:s19] =	ssyncset.done $0x0  }
0x7a: {  	[sflag:s19] =	ssyncadd.s32 $0xFFFFE800  }
0x7b: {  	[spmem:s30] =	stream.linear.scatter [tilespmem:s12], [sflag:$0x11], $0x1800, $0x38;
	[tilespmem:$0x1DC80] =	vst v63  }
0x7c: {  	_ =	swait.ge [sflag:s19], $0x1800  }
0x7d: {  	[sflag:s19] =	ssyncset.done $0x0  }
0x7e: {  	s0 =	simm.s32 @!p0 $0x13C80;
	[sflag:s19] =	ssyncadd.s32 $0xFFFFE800  }
0x7f: {  	[spmem:s17] =	stream.linear.scatter @!p0 [tilespmem:s0], [sflag:$0x11], $0x800, $0x38;
	[tilespmem:$0x1DC80] =	vst v63  }
0x80: {  	s0 =	simm.s32 @!p0 $0x11  }
0x81: {  	_ =	swait.ge @!p0 [sflag:s0], $0x800  }
0x82: {  	[sflag:s0] =	ssyncset.done @!p0 $0x0  }
0x83: {  	s19 =	simm.s32 $0x0;
	s13 =	rddreg [dreg:$0x5];
	[sflag:s0] =	ssyncadd.s32 @!p0 $0xFFFFF800  }
0x84: {  	[tilespmem:s14], [sflag:$0x1] =	stream.linear.gather [hbm4b:s13+s19], $0x50, $0x38;
	[tilespmem:$0x1DC80] =	vst v63  }
0x85: {  	s16 =	rddreg [dreg:$0x6]  }
0x86: {  	[tilespmem:s15], [sflag:$0x5] =	stream.linear.gather [hbm4b:s16+s19], $0x50, $0x38;
	[tilespmem:$0x1DC80] =	vst v63  }
0x87: {  	s17 =	rddreg [dreg:$0x7];
	s13 =	simm.s32 $0x13900  }
0x88: {  	[tilespmem:s13], [sflag:$0x2] =	stream.linear.gather [hbm4b:s17+s19], $0x50, $0x38;
	[tilespmem:$0x1DC80] =	vst v63  }
0x89: {  	s18 =	rddreg [dreg:$0x8];
	s16 =	simm.s32 $0x13B00  }
0x8a: {  	[tilespmem:s16], [sflag:$0x6] =	stream.linear.gather [hbm4b:s18+s19], $0x50, $0x38;
	[tilespmem:$0x1DC80] =	vst v63  }
0x8b: {  	s20 =	rddreg [dreg:$0x9];
	s16 =	simm.s32 $0x13980  }
0x8c: {  	[tilespmem:s16], [sflag:$0x3] =	stream.linear.gather [hbm4b:s20+s19], $0x50, $0x38;
	[tilespmem:$0x1DC80] =	vst v63  }
0x8d: {  	s22 =	simm.s32 $0x13B80;
	s21 =	rddreg [dreg:$0xa]  }
0x8e: {  	[tilespmem:s22], [sflag:$0x7] =	stream.linear.gather [hbm4b:s21+s19], $0x50, $0x38;
	[tilespmem:$0x1DC80] =	vst v63  }
0x8f: {  	s23 =	rddreg [dreg:$0xb];
	s17 =	simm.s32 $0x13A00  }
0x90: {  	[tilespmem:s17], [sflag:$0x4] =	stream.linear.gather [hbm4b:s23+s19], $0x50, $0x38;
	[tilespmem:$0x1DC80] =	vst v63  }
0x91: {  	s30 =	simm.s32 $0x13C00;
	s25 =	rddreg [dreg:$0xc]  }
0x92: {  	[tilespmem:s30], [sflag:$0x8] =	stream.linear.gather [hbm4b:s25+s19], $0x50, $0x38;
	[tilespmem:$0x1DC80] =	vst v63  }
0x93: {  	_ =	swait.ge [sflag:s26], $0x50  }
0x94: {  	[sflag:s26] =	ssyncset.done $0x0  }
0x95: {  	s20 =	simm.s32 $0x2;
	[sflag:s26] =	ssyncadd.s32 $0xFFFFFFB0  }
0x96: {  	[tilespmem:s12], [sflag:$0x9] =	stream.indirect.gather [hbm4b:s1+s24], $0x80, s14, s24, $0xb8;
	[tilespmem:$0x1DC80] =	vst v63  }
0x97: {  	_ =	swait.ge [sflag:s20], $0x50  }
0x98: {  	[sflag:s20] =	ssyncset.done $0x0  }
0x99: {  	s21 =	simm.s32 $0x16480;
	s22 =	simm.s32 $0x3;
	[sflag:s20] =	ssyncadd.s32 $0xFFFFFFB0  }
0x9a: {  	[tilespmem:s21], [sflag:$0xA] =	stream.indirect.gather [hbm4b:s1+s24], $0x80, s13, s24, $0xb8;
	[tilespmem:$0x1DC80] =	vst v63  }
0x9b: {  	_ =	swait.ge [sflag:s22], $0x50  }
0x9c: {  	[sflag:s22] =	ssyncset.done $0x0  }
0x9d: {  	s23 =	simm.s32 $0x18C80;
	s25 =	simm.s32 $0x4;
	[sflag:s22] =	ssyncadd.s32 $0xFFFFFFB0  }
0x9e: {  	[tilespmem:s23], [sflag:$0xB] =	stream.indirect.gather [hbm4b:s1+s24], $0x80, s16, s24, $0xb8;
	[tilespmem:$0x1DC80] =	vst v63  }
0x9f: {  	_ =	swait.ge [sflag:s25], $0x50  }
0xa0: {  	[sflag:s25] =	ssyncset.done $0x0  }
0xa1: {  	s30 =	simm.s32 $0x1B480;
	[sflag:s25] =	ssyncadd.s32 $0xFFFFFFB0  }
0xa2: {  	[tilespmem:s30], [sflag:$0xC] =	stream.indirect.gather [hbm4b:s1+s24], $0x80, s17, s24, $0xb8;
	[tilespmem:$0x1DC80] =	vst v63  }
.Ltmp3:
0xa3: {  	_ = 	snop;
	(pc) =	sbr.rel .LBB2_4-.Ltmp3, $4  }
0xa4: {  	[bflag:$0x0] =	sbarrier.arrive $0xFFFF  }
0xa5: {  	s17 =	rddreg [dreg:$0x16]  }
0xa6: {  	s18 =	rddreg [dreg:$0x15]  }
0xa7: {  	s21 =	simm.s32 $0x7;
	s16 =	simm.s32 $0x140;
	s25 =	rddreg [dreg:$0x14]  }
.LBB2_16:
0xa8: {  	s0 =	sadd.s32 $0x7, s23;
	p3 =	por $0x0, $0x0  }
.LBB2_19:
0xa9: {  	s20 =	smul.u32 @p3 $0x50, s20  }
0xaa: {  	s23 =	simm.s32 @!p1 $0xE  }
0xab: {  	_ =	swait.ge @!p1 [sflag:s23], $0x2800;
	s20 =	sadd.s32 @p3 s7, s20  }
0xac: {  	s13 =	simm.s32 @p3 $0x13B00;
	[sflag:s23] =	ssyncset.done @!p1 $0x0;
	s20 =	sshrl.u32 @p3 s20, $0x3  }
0xad: {  	[sflag:s23] =	ssyncadd.s32 @!p1 $0xFFFFD800;
	s23 =	simm.s32 @p3 $0x0;
	s20 =	sadd.s32 @p3 s5, s20  }
0xae: {  	[tilespmem:s13], [sflag:$0x6] =	stream.linear.gather @p3 [hbm4b:s20+s23], $0x50, $0x38;
	[tilespmem:$0x1DC80] =	vst v63  }
0xaf: {  	s13 =	simm.s32 @p3 $0x2  }
0xb0: {  	_ =	swait.ge @p3 [sflag:s13], $0x50  }
0xb1: {  	s22 =	simm.s32 @p3 $0x16480;
	[sflag:s13] =	ssyncset.done @p3 $0x0  }
0xb2: {  	s20 =	simm.s32 @p3 $0x13900;
	[sflag:s13] =	ssyncadd.s32 @p3 $0xFFFFFFB0;
	s13 =	simm.s32 @p3 $0x50  }
0xb3: {  	[tilespmem:s22], [sflag:$0xA] =	stream.indirect.gather @p3 [hbm4b:s1+s13], $0x80, s20, s13, $0xb8;
	[tilespmem:$0x1DC80] =	vst v63  }
0xb4: {  	s20 =	smul.u32 @p3 $0x50, s30  }
0xb5: {  	s22 =	simm.s32 @p2 $0xF  }
0xb6: {  	_ =	swait.ge @p2 [sflag:s22], $0x2800;
	s20 =	sadd.s32 @p3 s7, s20  }
0xb7: {  	[sflag:s22] =	ssyncset.done @p2 $0x0;
	s20 =	sshrl.u32 @p3 s20, $0x3  }
0xb8: {  	[sflag:s22] =	ssyncadd.s32 @p2 $0xFFFFD800;
	s22 =	simm.s32 @p3 $0x13B80;
	s20 =	sadd.s32 @p3 s5, s20  }
0xb9: {  	[tilespmem:s22], [sflag:$0x7] =	stream.linear.gather @p3 [hbm4b:s20+s23], $0x50, $0x38;
	[tilespmem:$0x1DC80] =	vst v63  }
0xba: {  	s20 =	simm.s32 @p3 $0x3  }
0xbb: {  	_ =	swait.ge @p3 [sflag:s20], $0x50  }
0xbc: {  	s0 =	smul.u32 @p3 $0x50, s0;
	[sflag:s20] =	ssyncset.done @p3 $0x0  }
0xbd: {  	s22 =	simm.s32 @p3 $0x18C80;
	[sflag:s20] =	ssyncadd.s32 @p3 $0xFFFFFFB0;
	s20 =	simm.s32 @p3 $0x13980  }
0xbe: {  	[tilespmem:s22], [sflag:$0xB] =	stream.indirect.gather @p3 [hbm4b:s1+s13], $0x80, s20, s13, $0xb8;
	[tilespmem:$0x1DC80] =	vst v63  }
0xbf: {  	s20 =	simm.s32 @p2 $0x10  }
0xc0: {  	s21 =	sadd.s32 $0x4, s21;
	s0 =	sadd.s32 @p3 s7, s0;
	_ =	swait.ge @p2 [sflag:s20], $0x2800  }
0xc1: {  	s0 =	sshrl.u32 @p3 s0, $0x3;
	p1 =	sne.s32 s21, $0x87;
	[sflag:s20] =	ssyncset.done @p2 $0x0  }
0xc2: {  	s0 =	sadd.s32 @p3 s5, s0;
	[sflag:s20] =	ssyncadd.s32 @p2 $0xFFFFD800;
	s20 =	simm.s32 @p3 $0x13C00  }
0xc3: {  	[tilespmem:s20], [sflag:$0x8] =	stream.linear.gather @p3 [hbm4b:s0+s23], $0x50, $0x38;
	[tilespmem:$0x1DC80] =	vst v63  }
.Ltmp4:
0xc4: {  	s19 =	sadd.s32 $0x1, s19;
	s0 =	simm.s32 @p3 $0x4;
	(pc) =	sbr.rel @!p1 .LBB2_20-.Ltmp4, $4  }
0xc5: {  	s16 =	sadd.s32 $0x140, s16;
	s25 =	sadd.s32 $0x28, s25;
	_ =	swait.ge @p3 [sflag:s0], $0x50  }
0xc6: {  	s18 =	sadd.s32 $0x28, s18;
	s17 =	sadd.s32 $0x28, s17;
	[sflag:s0] =	ssyncset.done @p3 $0x0  }
0xc7: {  	s20 =	simm.s32 @p3 $0x1B480;
	[sflag:s0] =	ssyncadd.s32 @p3 $0xFFFFFFB0;
	s0 =	simm.s32 @p3 $0x13A00  }
0xc8: {  	[tilespmem:s20], [sflag:$0xC] =	stream.indirect.gather @p3 [hbm4b:s1+s13], $0x80, s0, s13, $0xb8;
	[tilespmem:$0x1DC80] =	vst v63  }
.LBB2_4:
0xc9: {  	_ =	swait.ge [sflag:s3], $0x50  }
0xca: {  	p1 =	sgt.u32 s19, $0x1E;
	[sflag:s3] =	ssyncset.done $0x0  }
.Ltmp5:
0xcb: {  	[sflag:s3] =	ssyncadd.s32 $0xFFFFFFB0;
	(pc) =	sbr.rel @p1 .LBB2_8-.Ltmp5, $4  }
0xcc: {  	_ =	swait.ge [sflag:s9], $0x2800  }
0xcd: {  	[sflag:s9] =	ssyncset.done $0x0  }
0xce: {  	s23 =	sshll.u32 s19, $0x2;
	[sflag:s9] =	ssyncadd.s32 $0xFFFFD800  }
0xcf: {  	[spmem:s2] =	stream.indirect.scatter.add.f32 [tilespmem:s12], [sflag:$0xD], $0x80, s15, s24, $0xb8;
	[tilespmem:$0x1DC80] =	vst v63  }
0xd0: {  	_ =	swait.ge [sflag:s10], $0x50  }
0xd1: {  	[sflag:s10] =	ssyncset.done $0x0  }
.Ltmp6:
0xd2: {  	[sflag:s10] =	ssyncadd.s32 $0xFFFFFFB0;
	(pc) =	sbr.rel .LBB2_6-.Ltmp6, $4  }
0xd3: {  	_ =	swait.ge [sflag:s11], $0x2800  }
0xd4: {  	[sflag:s11] =	ssyncset.done $0x0  }
0xd5: {  	s0 =	simm.s32 $0x13B00;
	s13 =	simm.s32 $0x16480;
	[sflag:s11] =	ssyncadd.s32 $0xFFFFD800  }
0xd6: {  	[spmem:s2] =	stream.indirect.scatter.add.f32 [tilespmem:s13], [sflag:$0xE], $0x80, s0, s24, $0xb8;
	[tilespmem:$0x1DC80] =	vst v63  }
.LBB2_8:
0xd7: {  	p2 =	seq.s32 s21, $0x83  }
.Ltmp7:
0xd8: {  	_ = 	snop;
	(pc) =	sbr.rel @!p2 .LBB2_6-.Ltmp7, $1  }
0xd9: {  	_ =	sdelay $0x3  }
.Ltmp8:
0xda: {  	(pc) =	sbr.rel .LBB2_15-.Ltmp8, $3  }
0xdb: {  	_ =	sdelay $0x1  }
0xdc: {  	s0 =	sadd.s32 $0x4, s23;
	s20 =	simm.s32 $0x81  }
0xdd: {  	p2 =	por $0x0, $0x0;
	s30 =	simm.s32 $0x82;
	p3 =	por $0x1, $0x1  }
.LBB2_6:
0xde: {  	s0 =	rddreg [dreg:$0x13];
	p2 =	sgt.u32 s19, $0x1D  }
.Ltmp9:
0xdf: {  	s0 =	sadd.s32 s16, s0;
	(pc) =	sbr.rel @p2 .LBB2_10-.Ltmp9, $4  }
0xe0: {  	s0 =	sshrl.u32 s0, $0x3  }
0xe1: {  	s0 =	sadd.s32 s5, s0  }
0xe2: {  	[tilespmem:s14], [sflag:$0x1] =	stream.linear.gather [hbm4b:s0+s4], $0x50, $0x38;
	[tilespmem:$0x1DC80] =	vst v63  }
0xe3: {  	s20 =	sadd.s32 $0xFFFFFFFE, s21;
	s0 =	sadd.s32 $0xFFFFFFFD, s21  }
.Ltmp10:
0xe4: {  	(pc) =	sbr.rel .LBB2_11-.Ltmp10, $3  }
0xe5: {  	_ =	sdelay $0x1  }
0xe6: {  	s13 =	simm.s32 $0x13900  }
0xe7: {  	[tilespmem:s13], [sflag:$0x2] =	stream.linear.gather [hbm4b:s18+s4], $0x50, $0x38;
	[tilespmem:$0x1DC80] =	vst v63  }
.LBB2_10:
.Ltmp11:
0xe8: {  	(pc) =	sbr.rel @p1 .LBB2_14-.Ltmp11, $1  }
0xe9: {  	_ =	sdelay $0x3  }
.LBB2_11:
0xea: {  	_ =	swait.ge [sflag:s8], $0x50  }
0xeb: {  	[sflag:s8] =	ssyncset.done $0x0  }
0xec: {  	[sflag:s8] =	ssyncadd.s32 $0xFFFFFFB0  }
0xed: {  	_ =	swait.ge [sflag:s28], $0x2800  }
0xee: {  	[sflag:s28] =	ssyncset.done $0x0  }
0xef: {  	s13 =	simm.s32 $0x13B80;
	s22 =	simm.s32 $0x18C80;
	[sflag:s28] =	ssyncadd.s32 $0xFFFFD800  }
0xf0: {  	[spmem:s2] =	stream.indirect.scatter.add.f32 [tilespmem:s22], [sflag:$0xF], $0x80, s13, s24, $0xb8;
	[tilespmem:$0x1DC80] =	vst v63  }
0xf1: {  	_ =	swait.ge [sflag:s29], $0x50  }
0xf2: {  	p2 =	slt.u32 s19, $0x1E;
	[sflag:s29] =	ssyncset.done $0x0  }
.Ltmp12:
0xf3: {  	[sflag:s29] =	ssyncadd.s32 $0xFFFFFFB0;
	(pc) =	sbr.rel @!p2 .LBB2_12-.Ltmp12, $4  }
0xf4: {  	_ =	swait.ge [sflag:s31], $0x2800  }
0xf5: {  	s30 =	sadd.s32 $0xFFFFFFFF, s21;
	[sflag:s31] =	ssyncset.done $0x0  }
0xf6: {  	s13 =	simm.s32 $0x13C00;
	s22 =	simm.s32 $0x1B480;
	[sflag:s31] =	ssyncadd.s32 $0xFFFFD800  }
0xf7: {  	[spmem:s2] =	stream.indirect.scatter.add.f32 [tilespmem:s22], [sflag:$0x10], $0x80, s13, s24, $0xb8;
	[tilespmem:$0x1DC80] =	vst v63  }
0xf8: {  	s0 =	simm.s32 $0x13980  }
0xf9: {  	[tilespmem:s0], [sflag:$0x3] =	stream.linear.gather [hbm4b:s25+s4], $0x50, $0x38;
	[tilespmem:$0x1DC80] =	vst v63  }
.Ltmp13:
0xfa: {  	s23 =	simm.s32 $0x13A00;
	(pc) =	sbr.rel .LBB2_18-.Ltmp13, $4  }
0xfb: {  	[tilespmem:s23], [sflag:$0x4] =	stream.linear.gather [hbm4b:s17+s4], $0x50, $0x38;
	[tilespmem:$0x1DC80] =	vst v63  }
0xfc: {  	_ =	swait.ge [sflag:s6], $0x2800  }
0xfd: {  	p2 =	por $0x1, $0x1;
	[sflag:s6] =	ssyncset.done $0x0  }
0xfe: {  	p3 =	por $0x1, $0x1;
	s0 =	smov.u32 s16;
	[sflag:s6] =	ssyncadd.s32 $0xFFFFD800  }
.LBB2_12:
.Ltmp14:
0xff: {  	(pc) =	sbr.rel .LBB2_15-.Ltmp14, $2  }
0x100: {  	_ =	sdelay $0x2  }
0x101: {  	p2 =	por $0x1, $0x1;
	p3 =	por $0x0, $0x0  }
.LBB2_14:
0x102: {  	s30 =	sadd.s32 $0x6, s23;
	p3 =	por $0x0, $0x0;
	p2 =	por $0x0, $0x0  }
.LBB2_15:
.Ltmp15:
0x103: {  	(pc) =	sbr.rel @p3 .LBB2_16-.Ltmp15, $4  }
0x104: {  	_ = 	snop  }
0x105: {  	_ =	swait.ge [sflag:s6], $0x2800  }
0x106: {  	[sflag:s6] =	ssyncset.done $0x0  }
0x107: {  	[sflag:s6] =	ssyncadd.s32 $0xFFFFD800  }
0x108: {  	s0 =	smul.u32 $0x50, s0;
	p3 =	por $0x0, $0x0  }
.LBB2_18:
0x109: {  	_ = 	snop  }
0x10a: {  	s0 =	sadd.s32 s7, s0  }
0x10b: {  	s0 =	sshrl.u32 s0, $0x3  }
0x10c: {  	s0 =	sadd.s32 s5, s0  }
0x10d: {  	[tilespmem:s15], [sflag:$0x5] =	stream.linear.gather [hbm4b:s0+s4], $0x50, $0x38;
	[tilespmem:$0x1DC80] =	vst v63  }
.Ltmp16:
0x10e: {  	_ = 	snop;
	(pc) =	sbr.rel .LBB2_19-.Ltmp16, $4  }
0x10f: {  	_ =	swait.ge [sflag:s26], $0x50  }
0x110: {  	[sflag:s26] =	ssyncset.done $0x0  }
0x111: {  	s0 =	smov.u32 s21;
	[sflag:s26] =	ssyncadd.s32 $0xFFFFFFB0  }
0x112: {  	[tilespmem:s12], [sflag:$0x9] =	stream.indirect.gather [hbm4b:s1+s24], $0x80, s14, s24, $0xb8;
	[tilespmem:$0x1DC80] =	vst v63  }
.LBB2_21:
0x113: {  	_ =	sfence.sel $0x180000  }
0x114: {  	[bflag:$0x0] =	sbarrier.arrive $0xFFFF  }
0x115: {  	_ =	strace $0x90000047  }
0x116: {  	[bflag:$0x2] =	sbarrier.arrive $0xFFFF  }
0x117: {  	s0 =	rddreg [dreg:$0x3]  }
0x118: {  	s0 =	sadd.s32 @!p0 $0x100000, s0  }
0x119: {  	[sflag:s0] =	ssyncadd.tile.s32 @!p0 $0x1;
	_ =	shalt  }
.Lfunc_end2:
_tile_overlayer_lowered:
.L_overlay_start_2:
0x11a: {  	(tag) =	ssettag $0x2  }
0x11b: {  	s0 =	rddreg [dreg:$0x0];
	s2 =	stileid.u32  }
0x11c: {  	s1 =	rddreg [dreg:$0x1];
	p0 =	sne.s32 s2, $0x0  }
0x11d: {  	s3 =	rddreg [dreg:$0x2];
	[bflag:$0x3] =	sbarrier.arrive $0xFFFF;
	s2 =	simm.s32 @!p0 $0x1C11  }
0x11e: {  	[timem:s3], [sflag:s2] =	dma.local @!p0 [hbm:s0], s1  }
0x11f: {  	s0 =	simm.s32 @!p0 $0x11  }
0x120: {  	_ =	swait.ge @!p0 [sflag:s0], s1  }
0x121: {  	s1 =	ssub.s32 @!p0 $0x0, s1;
	[sflag:s0] =	ssyncset.done @!p0 $0x0  }
0x122: {  	[sflag:s0] =	ssyncadd.s32 @!p0 s1  }
0x123: {  	[bflag:$0x3] =	sbarrier.arrive $0xFFFF  }
0x124: {  	_ =	shalt  }

// kernel: kernel.14.cloned.1.call-start
scs
__scs_entry_jumppad:
0x0: {  	(pc) =	sbr.rel $0x88, $3  }
0x1: {  	(tag) =	ssettag $0x0;
	lr =	simm.s32 $0x1  }
0x2: {  	[smem:$0x3F93] =	sst lr;
	_ =	strace $0xD0000000  }
0x3: {  	_ = 	snop  }
0x4: {  	_ = 	snop  }
0x5: {  	_ = 	snop  }
0x6: {  	_ = 	snop  }
0x7: {  	_ = 	snop  }
__scs_overlays_trampoline_lowered:
0x8: {  	[smem:$0x3FA2] =	sst s0  }
0x9: {  	[smem:$0x3FA3] =	sst s1  }
0xa: {  	[smem:$0x3FA4] =	sst s2  }
0xb: {  	[smem:$0x3FA5] =	sst s3  }
0xc: {  	[smem:$0x3FA6] =	sst s4  }
0xd: {  	[smem:$0x3FA7] =	sst s5  }
0xe: {  	[smem:$0x3FA8] =	sst s6  }
0xf: {  	[smem:$0x3FA9] =	sst s7  }
0x10: {  	[smem:$0x3FAA] =	sst s8  }
0x11: {  	[smem:$0x3FAB] =	sst s9;
	s0 =	simm.s32 @!p0 $0x0  }
0x12: {  	s1 =	sld [smem:$0x3F91];
	s0 =	simm.s32 @p0 $0x1  }
0x13: {  	[smem:$0x3FAC] =	sst s0;
	s0 =	simm.s32 @!p1 $0x0  }
0x14: {  	s2 =	sld [smem:$0x3F90];
	s0 =	simm.s32 @p1 $0x1  }
0x15: {  	[smem:$0x3FAD] =	sst s0;
	s0 =	simm.s32 @!p2 $0x0  }
0x16: {  	s3 =	sld [smem:$0x3FDB];
	s0 =	simm.s32 @p2 $0x1  }
0x17: {  	s4 =	simm.s32 $0x1BF5;
	[smem:$0x3FAF] =	sst s0  }
0x18: {  	s0 =	sld [smem:$0x3F92];
	_ =	swait.ge [sflag:s4], $0x0  }
0x19: {  	s7 =	sld [smem:$0x3F93]  }
0x1a: {  	s8 =	sadd.s32 $0xFFFFE003, lr  }
0x1b: {  	s9 =	sadd.s32 $0xFFFFFEF7, lr;
	s5 =	simm.s32 $0xFFFFFFFF;
	p2 =	slt.u32 s8, $0xFFFFF086  }
0x1c: {  	p1 =	slt.u32 s9, $0xF7A;
	s5 =	simm.s32 @!p2 $0x0  }
0x1d: {  	s5 =	simm.s32 @p1 $0x1;
	p0 =	seq.s32 s7, s2  }
0x1e: {  	s7 =	smul.u32 @!p0 $0xF7A, s2;
	p2 =	seq.s32 @!p0 s5, $0x0  }
0x1f: {  	s9 =	smul.u32 $0xF7A, s1;
	s8 =	simm.s32 @!p0 $0x1BF5;
	p2 =	por !p2, p0  }
0x20: {  	[sflag:s8] =	ssyncset.s32 @!p0 $0xFFFFF086;
	s6 =	sadd.s32 @!p0 s3, s7;
	s7 =	simm.s32 @!p0 $0x108  }
0x21: {  	s3 =	sadd.s32 s3, s9;
	s6 =	sadd.s32 @!p0 $0x88, s6;
	s7 =	simm.s32 @p2 $0x1082  }
0x22: {  	[simem:s7], [sflag:s8] =	dma.local @!p0 [hbm:s6], $0xF7A  }
0x23: {  	s9 =	sor.u32 $0xD0000000, s2;
	s6 =	simm.s32 $0x108;
	_ =	swait.ge @!p0 [sflag:s8], $0x0  }
0x24: {  	s3 =	sadd.s32 $0x88, s3;
	s6 =	simm.s32 @!p1 $0x1082;
	[sflag:s4] =	ssyncset.s32 $0xFFFFF086  }
0x25: {  	[simem:s6], [sflag:s4] =	dma.local [hbm:s3], $0xF7A  }
0x26: {  	[smem:$0x3F93] =	sst s1;
	(tag) =	ssettag s2;
	_ =	strace s9  }
0x27: {  	s1 =	sld [smem:$0x3FA3]  }
0x28: {  	s2 =	sld [smem:$0x3FA4]  }
0x29: {  	s4 =	sld [smem:$0x3FA6]  }
0x2a: {  	p0 =	seq.s32 s5, $0x0;
	s5 =	sld [smem:$0x3FA7]  }
0x2b: {  	s6 =	sld [smem:$0x3FA8]  }
0x2c: {  	s7 =	sld [smem:$0x3FA9]  }
0x2d: {  	s3 =	simm.s32 $0x108;
	s8 =	sld [smem:$0x3FAA]  }
0x2e: {  	s3 =	simm.s32 @!p0 $0x1082;
	s9 =	sld [smem:$0x3FAB]  }
0x2f: {  	lr =	sadd.s32 s0, s3;
	s0 =	sld [smem:$0x3FA2]  }
0x30: {  	s3 =	sld [smem:$0x3FA5]  }
0x31: {  	[smem:$0x3FAE] =	sst s10  }
0x32: {  	s10 =	sld [smem:$0x3FAC];
	_ =	sdelay $0x3  }
0x33: {  	p0 =	seq.s32 s10, $0x1;
	s10 =	sld [smem:$0x3FAE];
	_ =	sdelay $0x3  }
0x34: {  	[smem:$0x3FAE] =	sst s10  }
0x35: {  	s10 =	sld [smem:$0x3FAD];
	_ =	sdelay $0x3  }
0x36: {  	p1 =	seq.s32 s10, $0x1;
	s10 =	sld [smem:$0x3FAE];
	_ =	sdelay $0x3  }
0x37: {  	[smem:$0x3FAE] =	sst s10  }
0x38: {  	s10 =	sld [smem:$0x3FAF]  }
0x39: {  	_ = 	snop;
	(pc) =	sbr.ind lr, $3  }
0x3a: {  	_ = 	snop  }
0x3b: {  	_ = 	snop  }
0x3c: {  	p2 =	seq.s32 s10, $0x1;
	s10 =	sld [smem:$0x3FAE]  }
0x3d: {  	_ =	shalt  }
0x3e: {  	_ =	shalt  }
0x3f: {  	_ =	shalt  }
0x40: {  	_ =	shalt  }
0x41: {  	_ =	shalt  }
0x42: {  	_ =	shalt  }
0x43: {  	_ =	shalt  }
0x44: {  	_ =	shalt  }
0x45: {  	_ =	shalt  }
0x46: {  	_ =	shalt  }
0x47: {  	_ =	shalt  }
0x48: {  	_ =	shalt  }
0x49: {  	_ =	shalt  }
0x4a: {  	_ =	shalt  }
0x4b: {  	_ =	shalt  }
0x4c: {  	_ =	shalt  }
0x4d: {  	_ =	shalt  }
0x4e: {  	_ =	shalt  }
0x4f: {  	_ =	shalt  }
0x50: {  	_ =	shalt  }
0x51: {  	_ =	shalt  }
0x52: {  	_ =	shalt  }
0x53: {  	_ =	shalt  }
0x54: {  	_ =	shalt  }
0x55: {  	_ =	shalt  }
0x56: {  	_ =	shalt  }
0x57: {  	_ =	shalt  }
0x58: {  	_ =	shalt  }
0x59: {  	_ =	shalt  }
0x5a: {  	_ =	shalt  }
0x5b: {  	_ =	shalt  }
0x5c: {  	_ =	shalt  }
0x5d: {  	_ =	shalt  }
0x5e: {  	_ =	shalt  }
0x5f: {  	_ =	shalt  }
0x60: {  	_ =	shalt  }
0x61: {  	_ =	shalt  }
0x62: {  	_ =	shalt  }
0x63: {  	_ =	shalt  }
0x64: {  	_ =	shalt  }
0x65: {  	_ =	shalt  }
0x66: {  	_ =	shalt  }
0x67: {  	_ =	shalt  }
0x68: {  	_ =	shalt  }
0x69: {  	_ =	shalt  }
0x6a: {  	_ =	shalt  }
0x6b: {  	_ =	shalt  }
0x6c: {  	_ =	shalt  }
0x6d: {  	_ =	shalt  }
0x6e: {  	_ =	shalt  }
0x6f: {  	_ =	shalt  }
0x70: {  	_ =	shalt  }
0x71: {  	_ =	shalt  }
0x72: {  	_ =	shalt  }
0x73: {  	_ =	shalt  }
0x74: {  	_ =	shalt  }
0x75: {  	_ =	shalt  }
0x76: {  	_ =	shalt  }
0x77: {  	_ =	shalt  }
0x78: {  	_ =	shalt  }
0x79: {  	_ =	shalt  }
0x7a: {  	_ =	shalt  }
0x7b: {  	_ =	shalt  }
0x7c: {  	_ =	shalt  }
0x7d: {  	_ =	shalt  }
0x7e: {  	_ =	shalt  }
0x7f: {  	_ =	shalt  }
0x80: {  	_ =	shalt  }
0x81: {  	_ =	shalt  }
0x82: {  	_ =	shalt  }
0x83: {  	_ =	shalt  }
0x84: {  	_ =	shalt  }
0x85: {  	_ =	shalt  }
0x86: {  	_ =	shalt  }
0x87: {  	_ =	shalt  }
.Lfunc_end0:
.L_simem_size_0:
called_computation.1_lowered:
.L_overlay_start_0:
0x88: {  	s2 =	sld [smem:$0x3FD9]  }
0x89: {  	s3 =	sld [smem:$0x3FFE];
	_ =	sdelay $0x1  }
0x8a: {  	s1 =	srdreg.scid  }
0x8b: {  	s0 =	sand.u32 $0x1, s1  }
0x8c: {  	s16 =	sshll.u32 s0, $0xA;
	s2 =	sadd.s32 s3, s2  }
0x8d: {  	s2 =	sadd.s32 s2, s16  }
0x8e: {  	[smem:$0x3FBA] =	sst s2  }
0x8f: {  	_ = 	snop  }
0x90: {  	(tm) =	ssettm $0x1  }
0x91: {  	s17 =	sld [smem:$0x3FFB];
	_ =	sdelay $0x3  }
0x92: {  	_ =	strace s17  }
0x93: {  	s2 =	sld [smem:$0x3FFC];
	_ =	sdelay $0x3  }
0x94: {  	_ =	strace s2  }
0x95: {  	s2 =	sld [smem:$0x3FFD];
	_ =	sdelay $0x3  }
0x96: {  	_ =	strace s2  }
0x97: {  	_ =	strace $0x8FFFFFFF  }
0x98: {  	s18 =	sld [smem:$0x3FDB];
	_ =	sdelay $0x1  }
0x99: {  	s19 =	simm.s32 $_scs_section_size  }
0x9a: {  	s4 =	simm.s32 $_size__tile_overlayer_lowered;
	s5 =	simm.s32 $_tile_overlayer_lowered  }
0x9b: {  	s22 =	simm.s32 $0x1BFF;
	s21 =	sshll.u32 s5, $0x1;
	s2 =	sadd.s32 s19, s18  }
0x9c: {  	s6 =	simm.s32 $0x0;
	s20 =	sshll.u32 s4, $0x1;
	s4 =	sadd.s32 s21, s2  }
0x9d: {  	[timem:s6], [sflag:s22] =	dma.local [hbm:s4], s20  }
0x9e: {  	_ =	swait.ge [sflag:s22], s20  }
0x9f: {  	s3 =	ssub.s32 $0x0, s20;
	[sflag:s22] =	ssyncset.done $0x0  }
0xa0: {  	[sflag:s22] =	ssyncadd.s32 s3;
	_ =	sdelay $0x1  }
0xa1: {  	s23 =	simm.s32 $0x1B8B  }
0xa2: {  	_ =	swait.ge [sflag:s23], $0x1  }
0xa3: {  	[sflag:s23] =	ssyncset.done $0x0  }
0xa4: {  	s25 =	simm.s32 $0x1B8E;
	s24 =	sld [smem:$0x3FFE];
	[sflag:s23] =	ssyncadd.s32 $0xFFFFFFFF  }
0xa5: {  	s26 =	simm.s32 $execute0_lowered;
	[smem:$0x3FD2] =	sst s25  }
0xa6: {  	s4 =	sshll.u32 s26, $0x1;
	_ =	strace $0x80000049;
	[dreg:$0x1] =	wrdreg $0xFFFFFFFF  }
0xa7: {  	s28 =	simm.s32 $_size_execute0_lowered;
	s2 =	sadd.s32 s2, s4;
	[dreg:$0x0] =	wrdreg $0x0  }
0xa8: {  	s4 =	sshll.u32 s28, $0x1;
	[dreg:$0x2] =	wrdreg s2  }
0xa9: {  	[dreg:$0x3] =	wrdreg s4  }
0xaa: {  	[dreg:$0x4] =	wrdreg $0xC0  }
0xab: {  	_ =	task [dreg:s6], $0x5FFFF  }
0xac: {  	[dreg:$0x1] =	wrdreg $0xFFFFFFFF  }
0xad: {  	[dreg:$0x0] =	wrdreg $0x60  }
0xae: {  	[dreg:$0x2] =	wrdreg s24  }
0xaf: {  	[dreg:$0x3] =	wrdreg $0x0  }
0xb0: {  	[dreg:$0x4] =	wrdreg $0x9  }
0xb1: {  	_ =	task.clear_ibuf [dreg:s6], $0x5FFFF;
	_ =	strace $0x90000049  }
0xb2: {  	s29 =	simm.s32 $0x9;
	_ =	strace $0x8000004B  }
0xb3: {  	_ =	swait.ge [sflag:s29], $0x1  }
0xb4: {  	[sflag:s29] =	ssyncadd.s32 $0xFFFFFFFF  }
0xb5: {  	_ =	strace $0x9000004B  }
0xb6: {  	_ =	sfence  }
0xb7: {  	s30 =	sld [smem:$0x0];
	_ =	sdelay $0x2  }
0xb8: {  	s31 =	sshll.u32 s1, $0xD;
	s1 =	sshrl.u32 s1, $0x2  }
0xb9: {  	s3 =	sand.u32 $0x4000, s31;
	s1 =	sadd.s32 s1, s30  }
0xba: {  	s0 =	sor.u32 s3, s0;
	s1 =	sshll.u32 s1, $0x11  }
0xbb: {  	s0 =	sor.u32 s1, s0  }
0xbc: {  	s0 =	sadd.s32 $0x8F2B, s0  }
0xbd: {  	[sflag:s0] =	ssyncadd.remote.s32 $0x1  }
0xbe: {  	_ =	sfence.sel $0xFFFF  }
0xbf: {  	[dreg:$0x0] =	wrdreg $0xFFFFFFFF;
	(pc) =	sbr.abs _section_cstart, $3  }
0xc0: {  	[dreg:$0x1] =	wrdreg $0xFFFFFFFF  }
0xc1: {  	_ =	task.clear_ibuf [dreg:s6], $0x2FFFF;
	_ =	strace $0x9FFFFFFF  }
0xc2: {  	(tm) =	ssettm $0x7FFFFFFF  }
0xc3: {  	_ =	shalt  }
tec
execute0_lowered:
.L_overlay_start_1:
0x0: {  	(tag) =	ssettag $0x1  }
0x1: {  	s0 =	rddreg [dreg:$0x0]  }
0x2: {  	s1 =	rddreg [dreg:$0x1];
	s2 =	simm.s32 $0x0;
	s3 =	srdreg.scid  }
0x3: {  	s11 =	stileid.u32;
	[smem:$0x7FF] =	sst s2;
	s3 =	sand.u32 $0x1, s3  }
0x4: {  	s4 =	sshll.u32 s11, $0x1;
	s17 =	sadd.s32 $0x138000, s1;
	s18 =	smul.u32 $0x13800, s11  }
0x5: {  	s25 =	smul.u32 $0x4E000, s11;
	s5 =	sor.u32 s3, s4;
	s6 =	ssub.s32 $0x2, s3  }
0x6: {  	_ =	strace $0x8000004A;
	s8 =	smul.u32 $0x2710, s5;
	s7 =	sshrl.u32 s6, $0x1  }
0x7: {  	[dreg:$0x3] =	wrdreg s17;
	s5 =	sadd.s32 $0x3600, s0;
	s6 =	ssub.s32 s6, s7  }
0x8: {  	s7 =	sadd.s32 $0x4E200, s8;
	s8 =	sshrl.u32 s8, $0x3;
	s6 =	smax.u32 s6, $0x1  }
0x9: {  	s9 =	sshrl.u32 s7, $0x3;
	s12 =	sadd.s32 s5, s8;
	[dreg:$0xf] =	wrdreg s6  }
0xa: {  	s30 =	smul.u32 $0x4E20, s11;
	s16 =	sadd.s32 s5, s9;
	[dreg:$0x4] =	wrdreg s12  }
0xb: {  	s4 =	sadd.s32 $0x17000, s0;
	s19 =	sadd.s32 $0xA, s12;
	[dreg:$0x5] =	wrdreg s16  }
0xc: {  	s10 =	smul.u32 $0x138800, s3;
	s20 =	sadd.s32 $0x9C4A, s12;
	[dreg:$0x6] =	wrdreg s19  }
0xd: {  	s3 =	smul.u32 $0x2710, s3;
	s21 =	sadd.s32 $0x14, s12;
	[dreg:$0x7] =	wrdreg s20  }
0xe: {  	s0 =	sadd.s32 $0x3E200, s0;
	s22 =	sadd.s32 $0x9C54, s12;
	[dreg:$0x8] =	wrdreg s21  }
0xf: {  	s26 =	sshrl.u32 s10, $0x3;
	s23 =	sadd.s32 $0x1E, s12;
	[dreg:$0x9] =	wrdreg s22  }
0x10: {  	s8 =	sadd.s32 s18, s10;
	s24 =	sadd.s32 $0x9C5E, s12;
	[dreg:$0xa] =	wrdreg s23  }
0x11: {  	s8 =	sshrl.u32 s8, $0x3;
	s12 =	sadd.s32 s3, s30;
	[dreg:$0xb] =	wrdreg s24  }
0x12: {  	s9 =	sshrl.u32 s25, $0x2;
	s8 =	sadd.s32 s0, s8;
	[dreg:$0x12] =	wrdreg s12  }
0x13: {  	s0 =	sadd.s32 s0, s26;
	s18 =	sadd.s32 s9, s1;
	[dreg:$0xc] =	wrdreg s8  }
0x14: {  	s28 =	simm.s32 $0xB;
	s0 =	sadd.s32 $0x27000, s0;
	[dreg:$0xd] =	wrdreg s18  }
0x15: {  	s29 =	simm.s32 $0x8;
	s8 =	sadd.s32 $0x1800, s18;
	[dreg:$0xe] =	wrdreg s0  }
0x16: {  	s31 =	simm.s32 $0xC;
	s9 =	sadd.s32 $0x3000, s18;
	[dreg:$0x10] =	wrdreg s8  }
0x17: {  	p0 =	sne.s32 s11, $0x0;
	s16 =	sadd.s32 $0x4800, s18;
	[dreg:$0x11] =	wrdreg s9  }
0x18: {  	s11 =	simm.s32 $0xA;
	s19 =	sadd.s32 $0x6000, s18;
	[dreg:$0x16] =	wrdreg s16  }
0x19: {  	s10 =	simm.s32 $0x6;
	s20 =	sadd.s32 $0x7800, s18;
	[dreg:$0x17] =	wrdreg s19  }
0x1a: {  	s13 =	sadd.s32 $0x1E0, s12;
	s21 =	sadd.s32 $0x9000, s18;
	[dreg:$0x18] =	wrdreg s20  }
0x1b: {  	s3 =	sadd.s32 $0x190, s12;
	s22 =	sadd.s32 $0xA800, s18;
	[dreg:$0x19] =	wrdreg s21  }
0x1c: {  	s6 =	sadd.s32 $0x230, s12;
	s23 =	sadd.s32 $0xC000, s18;
	[dreg:$0x1a] =	wrdreg s22  }
0x1d: {  	s12 =	simm.s32 $0x13C80;
	s24 =	sadd.s32 $0xD800, s18;
	[dreg:$0x1b] =	wrdreg s23  }
0x1e: {  	s3 =	sshrl.u32 s3, $0x3;
	s25 =	sadd.s32 $0xF000, s18;
	[dreg:$0x1c] =	wrdreg s24  }
0x1f: {  	s6 =	sshrl.u32 s6, $0x3;
	s26 =	sadd.s32 $0x10800, s18;
	[dreg:$0x1d] =	wrdreg s25  }
0x20: {  	s30 =	sadd.s32 $0x12000, s18;
	s0 =	sshrl.u32 s13, $0x3;
	[dreg:$0x1e] =	wrdreg s26  }
0x21: {  	s14 =	sadd.s32 s3, s5;
	s15 =	sadd.s32 s6, s5;
	[dreg:$0x1f] =	wrdreg s30  }
.Ltmp0:
0x22: {  	s19 =	simm.s32 $0x11;
	s26 =	simm.s32 $0x1;
	(pc) =	sbr.rel .LBB2_1-.Ltmp0, $4  }
0x23: {  	s24 =	simm.s32 $0x50;
	s3 =	simm.s32 $0x5;
	s9 =	simm.s32 $0x9  }
0x24: {  	s8 =	simm.s32 $0x7;
	s6 =	simm.s32 $0xD;
	[dreg:$0x14] =	wrdreg s14  }
0x25: {  	s16 =	simm.s32 $0x0;
	s0 =	sadd.s32 s0, s5;
	[dreg:$0x15] =	wrdreg s15  }
0x26: {  	v0 =	vimm.f32 $0.0e+00;
	s14 =	simm.s32 $0x13880;
	s15 =	simm.s32 $0x13A80;
	[dreg:$0x13] =	wrdreg s0  }
.LBB2_20:
0x27: {  	s0 =	stileid.u32;
	[bflag:$0x0] =	sbarrier.arrive $0xFFFF  }
0x28: {  	s19 =	simm.s32 $0x11;
	s0 =	sshll.u32 s0, $0x6;
	s18 =	rddreg [dreg:$0xd]  }
0x29: {  	s16 =	rddreg [dreg:$0xc];
	s0 =	sor.u32 $0x1C11, s0;
	s13 =	sshrl.u32 s18, $0x3  }
0x2a: {  	[hbm:s16], [sflag:s0] =	dma.local [spmem:s13], $0x2700  }
0x2b: {  	_ =	swait.ge [sflag:s19], $0x2700  }
0x2c: {  	[sflag:s19] =	ssyncset.done $0x0;
	s17 =	rddreg [dreg:$0x3]  }
0x2d: {  	s16 =	rddreg [dreg:$0xe];
	[sflag:s19] =	ssyncadd.s32 $0xFFFFD900;
	s13 =	sshrl.u32 @!p0 s17, $0x3  }
0x2e: {  	[hbm:s16], [sflag:s0] =	dma.local @!p0 [spmem:s13], $0x100  }
0x2f: {  	s0 =	simm.s32 @!p0 $0x11  }
0x30: {  	_ =	swait.ge @!p0 [sflag:s0], $0x100  }
0x31: {  	s25 =	sld [smem:$0x7FD];
	_ =	sdelay $0x2  }
0x32: {  	s30 =	rddreg [dreg:$0xf];
	s16 =	sadd.s32 $0x1, s25  }
0x33: {  	p1 =	sne.s32 s16, s30  }
.Ltmp1:
0x34: {  	_ = 	snop;
	(pc) =	sbr.rel @!p1 .LBB2_21-.Ltmp1, $3  }
0x35: {  	_ =	sdelay $0x1  }
0x36: {  	[sflag:s0] =	ssyncset.done @!p0 $0x0  }
0x37: {  	[sflag:s0] =	ssyncadd.s32 @!p0 $0xFFFFFF00  }
.LBB2_1:
0x38: {  	[smem:$0x7FD] =	sst s16;
	s0 =	simm.s32 $0x70;
	s16 =	simm.s32 $0x3C0  }
.LBB2_2:
0x39: {  	p1 =	sne.s32 s16, $0x5FC0;
	[tilespmem:s0+$0x13C80] =	vst v0  }
0x3a: {  	[tilespmem:s0+$0x13C10] =	vst v0  }
0x3b: {  	[tilespmem:s0+$0x13C20] =	vst v0  }
.Ltmp2:
0x3c: {  	[tilespmem:s0+$0x13C30] =	vst v0;
	(pc) =	sbr.rel @p1 .LBB2_2-.Ltmp2, $4  }
0x3d: {  	[tilespmem:s0+$0x13C40] =	vst v0  }
0x3e: {  	[tilespmem:s0+$0x13C50] =	vst v0  }
0x3f: {  	[tilespmem:s0+$0x13C60] =	vst v0  }
0x40: {  	[tilespmem:s0+$0x13C70] =	vst v0;
	s0 =	sshra.s32 s16, $0x2;
	s16 =	sadd.s32 $0x200, s16  }
0x41: {  	[tilespmem:s0+$0x13C80] =	vst v0  }
0x42: {  	[tilespmem:s0+$0x13C10] =	vst v0  }
0x43: {  	[tilespmem:s0+$0x13C20] =	vst v0  }
0x44: {  	[tilespmem:s0+$0x13C30] =	vst v0  }
0x45: {  	[tilespmem:s0+$0x13C40] =	vst v0  }
0x46: {  	[tilespmem:s0+$0x13C50] =	vst v0  }
0x47: {  	[tilespmem:s0+$0x13C60] =	vst v0  }
0x48: {  	[tilespmem:s0+$0x13C70] =	vst v0  }
0x49: {  	[spmem:s18] =	stream.linear.scatter [tilespmem:s12], [sflag:$0x11], $0x1800, $0x38;
	[tilespmem:$0x1DC80] =	vst v63  }
0x4a: {  	_ =	swait.ge [sflag:s19], $0x1800  }
0x4b: {  	[sflag:s19] =	ssyncset.done $0x0  }
0x4c: {  	s23 =	rddreg [dreg:$0x10];
	[sflag:s19] =	ssyncadd.s32 $0xFFFFE800  }
0x4d: {  	[spmem:s23] =	stream.linear.scatter [tilespmem:s12], [sflag:$0x11], $0x1800, $0x38;
	[tilespmem:$0x1DC80] =	vst v63  }
0x4e: {  	_ =	swait.ge [sflag:s19], $0x1800  }
0x4f: {  	[sflag:s19] =	ssyncset.done $0x0  }
0x50: {  	s25 =	rddreg [dreg:$0x11];
	[sflag:s19] =	ssyncadd.s32 $0xFFFFE800  }
0x51: {  	[spmem:s25] =	stream.linear.scatter [tilespmem:s12], [sflag:$0x11], $0x1800, $0x38;
	[tilespmem:$0x1DC80] =	vst v63  }
0x52: {  	_ =	swait.ge [sflag:s19], $0x1800  }
0x53: {  	[sflag:s19] =	ssyncset.done $0x0  }
0x54: {  	s30 =	rddreg [dreg:$0x16];
	[sflag:s19] =	ssyncadd.s32 $0xFFFFE800  }
0x55: {  	[spmem:s30] =	stream.linear.scatter [tilespmem:s12], [sflag:$0x11], $0x1800, $0x38;
	[tilespmem:$0x1DC80] =	vst v63  }
0x56: {  	_ =	swait.ge [sflag:s19], $0x1800  }
0x57: {  	[sflag:s19] =	ssyncset.done $0x0  }
0x58: {  	s13 =	rddreg [dreg:$0x17];
	[sflag:s19] =	ssyncadd.s32 $0xFFFFE800  }
0x59: {  	[spmem:s13] =	stream.linear.scatter [tilespmem:s12], [sflag:$0x11], $0x1800, $0x38;
	[tilespmem:$0x1DC80] =	vst v63  }
0x5a: {  	_ =	swait.ge [sflag:s19], $0x1800  }
0x5b: {  	[sflag:s19] =	ssyncset.done $0x0  }
0x5c: {  	s16 =	rddreg [dreg:$0x18];
	[sflag:s19] =	ssyncadd.s32 $0xFFFFE800  }
0x5d: {  	[spmem:s16] =	stream.linear.scatter [tilespmem:s12], [sflag:$0x11], $0x1800, $0x38;
	[tilespmem:$0x1DC80] =	vst v63  }
0x5e: {  	_ =	swait.ge [sflag:s19], $0x1800  }
0x5f: {  	[sflag:s19] =	ssyncset.done $0x0  }
0x60: {  	s18 =	rddreg [dreg:$0x19];
	[sflag:s19] =	ssyncadd.s32 $0xFFFFE800  }
0x61: {  	[spmem:s18] =	stream.linear.scatter [tilespmem:s12], [sflag:$0x11], $0x1800, $0x38;
	[tilespmem:$0x1DC80] =	vst v63  }
0x62: {  	_ =	swait.ge [sflag:s19], $0x1800  }
0x63: {  	[sflag:s19] =	ssyncset.done $0x0  }
0x64: {  	s20 =	rddreg [dreg:$0x1a];
	[sflag:s19] =	ssyncadd.s32 $0xFFFFE800  }
0x65: {  	[spmem:s20] =	stream.linear.scatter [tilespmem:s12], [sflag:$0x11], $0x1800, $0x38;
	[tilespmem:$0x1DC80] =	vst v63  }
0x66: {  	_ =	swait.ge [sflag:s19], $0x1800  }
0x67: {  	[sflag:s19] =	ssyncset.done $0x0  }
0x68: {  	s21 =	rddreg [dreg:$0x1b];
	[sflag:s19] =	ssyncadd.s32 $0xFFFFE800  }
0x69: {  	[spmem:s21] =	stream.linear.scatter [tilespmem:s12], [sflag:$0x11], $0x1800, $0x38;
	[tilespmem:$0x1DC80] =	vst v63  }
0x6a: {  	_ =	swait.ge [sflag:s19], $0x1800  }
0x6b: {  	[sflag:s19] =	ssyncset.done $0x0  }
0x6c: {  	s22 =	rddreg [dreg:$0x1c];
	[sflag:s19] =	ssyncadd.s32 $0xFFFFE800  }
0x6d: {  	[spmem:s22] =	stream.linear.scatter [tilespmem:s12], [sflag:$0x11], $0x1800, $0x38;
	[tilespmem:$0x1DC80] =	vst v63  }
0x6e: {  	_ =	swait.ge [sflag:s19], $0x1800  }
0x6f: {  	[sflag:s19] =	ssyncset.done $0x0  }
0x70: {  	s23 =	rddreg [dreg:$0x1d];
	[sflag:s19] =	ssyncadd.s32 $0xFFFFE800  }
0x71: {  	[spmem:s23] =	stream.linear.scatter [tilespmem:s12], [sflag:$0x11], $0x1800, $0x38;
	[tilespmem:$0x1DC80] =	vst v63  }
0x72: {  	_ =	swait.ge [sflag:s19], $0x1800  }
0x73: {  	[sflag:s19] =	ssyncset.done $0x0  }
0x74: {  	s25 =	rddreg [dreg:$0x1e];
	[sflag:s19] =	ssyncadd.s32 $0xFFFFE800  }
0x75: {  	[spmem:s25] =	stream.linear.scatter [tilespmem:s12], [sflag:$0x11], $0x1800, $0x38;
	[tilespmem:$0x1DC80] =	vst v63  }
0x76: {  	_ =	swait.ge [sflag:s19], $0x1800  }
0x77: {  	[sflag:s19] =	ssyncset.done $0x0  }
0x78: {  	s30 =	rddreg [dreg:$0x1f];
	[sflag:s19] =	ssyncadd.s32 $0xFFFFE800  }
0x79: {  	[spmem:s30] =	stream.linear.scatter [tilespmem:s12], [sflag:$0x11], $0x1800, $0x38;
	[tilespmem:$0x1DC80] =	vst v63  }
0x7a: {  	_ =	swait.ge [sflag:s19], $0x1800  }
0x7b: {  	[sflag:s19] =	ssyncset.done $0x0  }
0x7c: {  	s0 =	simm.s32 @!p0 $0x13C80;
	[sflag:s19] =	ssyncadd.s32 $0xFFFFE800  }
0x7d: {  	[spmem:s17] =	stream.linear.scatter @!p0 [tilespmem:s0], [sflag:$0x11], $0x800, $0x38;
	[tilespmem:$0x1DC80] =	vst v63  }
0x7e: {  	s0 =	simm.s32 @!p0 $0x11  }
0x7f: {  	_ =	swait.ge @!p0 [sflag:s0], $0x800  }
0x80: {  	[sflag:s0] =	ssyncset.done @!p0 $0x0  }
0x81: {  	s19 =	simm.s32 $0x0;
	s13 =	rddreg [dreg:$0x4];
	[sflag:s0] =	ssyncadd.s32 @!p0 $0xFFFFF800  }
0x82: {  	[tilespmem:s14], [sflag:$0x1] =	stream.linear.gather [hbm4b:s13+s19], $0x50, $0x38;
	[tilespmem:$0x1DC80] =	vst v63  }
0x83: {  	s16 =	rddreg [dreg:$0x5]  }
0x84: {  	[tilespmem:s15], [sflag:$0x5] =	stream.linear.gather [hbm4b:s16+s19], $0x50, $0x38;
	[tilespmem:$0x1DC80] =	vst v63  }
0x85: {  	s17 =	rddreg [dreg:$0x6];
	s13 =	simm.s32 $0x13900  }
0x86: {  	[tilespmem:s13], [sflag:$0x2] =	stream.linear.gather [hbm4b:s17+s19], $0x50, $0x38;
	[tilespmem:$0x1DC80] =	vst v63  }
0x87: {  	s18 =	rddreg [dreg:$0x7];
	s16 =	simm.s32 $0x13B00  }
0x88: {  	[tilespmem:s16], [sflag:$0x6] =	stream.linear.gather [hbm4b:s18+s19], $0x50, $0x38;
	[tilespmem:$0x1DC80] =	vst v63  }
0x89: {  	s20 =	rddreg [dreg:$0x8];
	s16 =	simm.s32 $0x13980  }
0x8a: {  	[tilespmem:s16], [sflag:$0x3] =	stream.linear.gather [hbm4b:s20+s19], $0x50, $0x38;
	[tilespmem:$0x1DC80] =	vst v63  }
0x8b: {  	s22 =	simm.s32 $0x13B80;
	s21 =	rddreg [dreg:$0x9]  }
0x8c: {  	[tilespmem:s22], [sflag:$0x7] =	stream.linear.gather [hbm4b:s21+s19], $0x50, $0x38;
	[tilespmem:$0x1DC80] =	vst v63  }
0x8d: {  	s23 =	rddreg [dreg:$0xa];
	s17 =	simm.s32 $0x13A00  }
0x8e: {  	[tilespmem:s17], [sflag:$0x4] =	stream.linear.gather [hbm4b:s23+s19], $0x50, $0x38;
	[tilespmem:$0x1DC80] =	vst v63  }
0x8f: {  	s30 =	simm.s32 $0x13C00;
	s25 =	rddreg [dreg:$0xb]  }
0x90: {  	[tilespmem:s30], [sflag:$0x8] =	stream.linear.gather [hbm4b:s25+s19], $0x50, $0x38;
	[tilespmem:$0x1DC80] =	vst v63  }
0x91: {  	_ =	swait.ge [sflag:s26], $0x50  }
0x92: {  	[sflag:s26] =	ssyncset.done $0x0  }
0x93: {  	s20 =	simm.s32 $0x2;
	[sflag:s26] =	ssyncadd.s32 $0xFFFFFFB0  }
0x94: {  	[tilespmem:s12], [sflag:$0x9] =	stream.indirect.gather [hbm4b:s4+s24], $0x80, s14, s24, $0xb8;
	[tilespmem:$0x1DC80] =	vst v63  }
0x95: {  	_ =	swait.ge [sflag:s20], $0x50  }
0x96: {  	[sflag:s20] =	ssyncset.done $0x0  }
0x97: {  	s21 =	simm.s32 $0x16480;
	s22 =	simm.s32 $0x3;
	[sflag:s20] =	ssyncadd.s32 $0xFFFFFFB0  }
0x98: {  	[tilespmem:s21], [sflag:$0xA] =	stream.indirect.gather [hbm4b:s4+s24], $0x80, s13, s24, $0xb8;
	[tilespmem:$0x1DC80] =	vst v63  }
0x99: {  	_ =	swait.ge [sflag:s22], $0x50  }
0x9a: {  	[sflag:s22] =	ssyncset.done $0x0  }
0x9b: {  	s23 =	simm.s32 $0x18C80;
	s25 =	simm.s32 $0x4;
	[sflag:s22] =	ssyncadd.s32 $0xFFFFFFB0  }
0x9c: {  	[tilespmem:s23], [sflag:$0xB] =	stream.indirect.gather [hbm4b:s4+s24], $0x80, s16, s24, $0xb8;
	[tilespmem:$0x1DC80] =	vst v63  }
0x9d: {  	_ =	swait.ge [sflag:s25], $0x50  }
0x9e: {  	[sflag:s25] =	ssyncset.done $0x0  }
0x9f: {  	s30 =	simm.s32 $0x1B480;
	[sflag:s25] =	ssyncadd.s32 $0xFFFFFFB0  }
0xa0: {  	[tilespmem:s30], [sflag:$0xC] =	stream.indirect.gather [hbm4b:s4+s24], $0x80, s17, s24, $0xb8;
	[tilespmem:$0x1DC80] =	vst v63  }
.Ltmp3:
0xa1: {  	_ = 	snop;
	(pc) =	sbr.rel .LBB2_4-.Ltmp3, $4  }
0xa2: {  	[bflag:$0x0] =	sbarrier.arrive $0xFFFF  }
0xa3: {  	s17 =	rddreg [dreg:$0x15]  }
0xa4: {  	s18 =	rddreg [dreg:$0x14]  }
0xa5: {  	s21 =	simm.s32 $0x7;
	s16 =	simm.s32 $0x140;
	s25 =	rddreg [dreg:$0x13]  }
.LBB2_16:
0xa6: {  	s0 =	sadd.s32 $0x7, s23;
	p3 =	por $0x0, $0x0  }
.LBB2_19:
0xa7: {  	s20 =	smul.u32 @p3 $0x50, s20  }
0xa8: {  	s23 =	simm.s32 @!p1 $0xE  }
0xa9: {  	_ =	swait.ge @!p1 [sflag:s23], $0x2800;
	s20 =	sadd.s32 @p3 s7, s20  }
0xaa: {  	s13 =	simm.s32 @p3 $0x13B00;
	[sflag:s23] =	ssyncset.done @!p1 $0x0;
	s20 =	sshrl.u32 @p3 s20, $0x3  }
0xab: {  	[sflag:s23] =	ssyncadd.s32 @!p1 $0xFFFFD800;
	s23 =	simm.s32 @p3 $0x0;
	s20 =	sadd.s32 @p3 s5, s20  }
0xac: {  	[tilespmem:s13], [sflag:$0x6] =	stream.linear.gather @p3 [hbm4b:s20+s23], $0x50, $0x38;
	[tilespmem:$0x1DC80] =	vst v63  }
0xad: {  	s13 =	simm.s32 @p3 $0x2  }
0xae: {  	_ =	swait.ge @p3 [sflag:s13], $0x50  }
0xaf: {  	s22 =	simm.s32 @p3 $0x16480;
	[sflag:s13] =	ssyncset.done @p3 $0x0  }
0xb0: {  	s20 =	simm.s32 @p3 $0x13900;
	[sflag:s13] =	ssyncadd.s32 @p3 $0xFFFFFFB0;
	s13 =	simm.s32 @p3 $0x50  }
0xb1: {  	[tilespmem:s22], [sflag:$0xA] =	stream.indirect.gather @p3 [hbm4b:s4+s13], $0x80, s20, s13, $0xb8;
	[tilespmem:$0x1DC80] =	vst v63  }
0xb2: {  	s20 =	smul.u32 @p3 $0x50, s30  }
0xb3: {  	s22 =	simm.s32 @p2 $0xF  }
0xb4: {  	_ =	swait.ge @p2 [sflag:s22], $0x2800;
	s20 =	sadd.s32 @p3 s7, s20  }
0xb5: {  	[sflag:s22] =	ssyncset.done @p2 $0x0;
	s20 =	sshrl.u32 @p3 s20, $0x3  }
0xb6: {  	[sflag:s22] =	ssyncadd.s32 @p2 $0xFFFFD800;
	s22 =	simm.s32 @p3 $0x13B80;
	s20 =	sadd.s32 @p3 s5, s20  }
0xb7: {  	[tilespmem:s22], [sflag:$0x7] =	stream.linear.gather @p3 [hbm4b:s20+s23], $0x50, $0x38;
	[tilespmem:$0x1DC80] =	vst v63  }
0xb8: {  	s20 =	simm.s32 @p3 $0x3  }
0xb9: {  	_ =	swait.ge @p3 [sflag:s20], $0x50  }
0xba: {  	s0 =	smul.u32 @p3 $0x50, s0;
	[sflag:s20] =	ssyncset.done @p3 $0x0  }
0xbb: {  	s22 =	simm.s32 @p3 $0x18C80;
	[sflag:s20] =	ssyncadd.s32 @p3 $0xFFFFFFB0;
	s20 =	simm.s32 @p3 $0x13980  }
0xbc: {  	[tilespmem:s22], [sflag:$0xB] =	stream.indirect.gather @p3 [hbm4b:s4+s13], $0x80, s20, s13, $0xb8;
	[tilespmem:$0x1DC80] =	vst v63  }
0xbd: {  	s20 =	simm.s32 @p2 $0x10  }
0xbe: {  	s21 =	sadd.s32 $0x4, s21;
	s0 =	sadd.s32 @p3 s7, s0;
	_ =	swait.ge @p2 [sflag:s20], $0x2800  }
0xbf: {  	s0 =	sshrl.u32 @p3 s0, $0x3;
	p1 =	sne.s32 s21, $0x87;
	[sflag:s20] =	ssyncset.done @p2 $0x0  }
0xc0: {  	s0 =	sadd.s32 @p3 s5, s0;
	[sflag:s20] =	ssyncadd.s32 @p2 $0xFFFFD800;
	s20 =	simm.s32 @p3 $0x13C00  }
0xc1: {  	[tilespmem:s20], [sflag:$0x8] =	stream.linear.gather @p3 [hbm4b:s0+s23], $0x50, $0x38;
	[tilespmem:$0x1DC80] =	vst v63  }
.Ltmp4:
0xc2: {  	s19 =	sadd.s32 $0x1, s19;
	s0 =	simm.s32 @p3 $0x4;
	(pc) =	sbr.rel @!p1 .LBB2_20-.Ltmp4, $4  }
0xc3: {  	s16 =	sadd.s32 $0x140, s16;
	s25 =	sadd.s32 $0x28, s25;
	_ =	swait.ge @p3 [sflag:s0], $0x50  }
0xc4: {  	s18 =	sadd.s32 $0x28, s18;
	s17 =	sadd.s32 $0x28, s17;
	[sflag:s0] =	ssyncset.done @p3 $0x0  }
0xc5: {  	s20 =	simm.s32 @p3 $0x1B480;
	[sflag:s0] =	ssyncadd.s32 @p3 $0xFFFFFFB0;
	s0 =	simm.s32 @p3 $0x13A00  }
0xc6: {  	[tilespmem:s20], [sflag:$0xC] =	stream.indirect.gather @p3 [hbm4b:s4+s13], $0x80, s0, s13, $0xb8;
	[tilespmem:$0x1DC80] =	vst v63  }
.LBB2_4:
0xc7: {  	_ =	swait.ge [sflag:s3], $0x50  }
0xc8: {  	p1 =	sgt.u32 s19, $0x1E;
	[sflag:s3] =	ssyncset.done $0x0  }
.Ltmp5:
0xc9: {  	[sflag:s3] =	ssyncadd.s32 $0xFFFFFFB0;
	(pc) =	sbr.rel @p1 .LBB2_8-.Ltmp5, $4  }
0xca: {  	_ =	swait.ge [sflag:s9], $0x2800  }
0xcb: {  	[sflag:s9] =	ssyncset.done $0x0  }
0xcc: {  	s23 =	sshll.u32 s19, $0x2;
	[sflag:s9] =	ssyncadd.s32 $0xFFFFD800  }
0xcd: {  	[spmem:s1] =	stream.indirect.scatter.add.f32 [tilespmem:s12], [sflag:$0xD], $0x80, s15, s24, $0xb8;
	[tilespmem:$0x1DC80] =	vst v63  }
0xce: {  	_ =	swait.ge [sflag:s10], $0x50  }
0xcf: {  	[sflag:s10] =	ssyncset.done $0x0  }
.Ltmp6:
0xd0: {  	[sflag:s10] =	ssyncadd.s32 $0xFFFFFFB0;
	(pc) =	sbr.rel .LBB2_6-.Ltmp6, $4  }
0xd1: {  	_ =	swait.ge [sflag:s11], $0x2800  }
0xd2: {  	[sflag:s11] =	ssyncset.done $0x0  }
0xd3: {  	s0 =	simm.s32 $0x13B00;
	s13 =	simm.s32 $0x16480;
	[sflag:s11] =	ssyncadd.s32 $0xFFFFD800  }
0xd4: {  	[spmem:s1] =	stream.indirect.scatter.add.f32 [tilespmem:s13], [sflag:$0xE], $0x80, s0, s24, $0xb8;
	[tilespmem:$0x1DC80] =	vst v63  }
.LBB2_8:
0xd5: {  	p2 =	seq.s32 s21, $0x83  }
.Ltmp7:
0xd6: {  	_ = 	snop;
	(pc) =	sbr.rel @!p2 .LBB2_6-.Ltmp7, $1  }
0xd7: {  	_ =	sdelay $0x3  }
.Ltmp8:
0xd8: {  	(pc) =	sbr.rel .LBB2_15-.Ltmp8, $3  }
0xd9: {  	_ =	sdelay $0x1  }
0xda: {  	s0 =	sadd.s32 $0x4, s23;
	s20 =	simm.s32 $0x81  }
0xdb: {  	p2 =	por $0x0, $0x0;
	s30 =	simm.s32 $0x82;
	p3 =	por $0x1, $0x1  }
.LBB2_6:
0xdc: {  	s0 =	rddreg [dreg:$0x12];
	p2 =	sgt.u32 s19, $0x1D  }
.Ltmp9:
0xdd: {  	s0 =	sadd.s32 s16, s0;
	(pc) =	sbr.rel @p2 .LBB2_10-.Ltmp9, $4  }
0xde: {  	s0 =	sshrl.u32 s0, $0x3  }
0xdf: {  	s0 =	sadd.s32 s5, s0  }
0xe0: {  	[tilespmem:s14], [sflag:$0x1] =	stream.linear.gather [hbm4b:s0+s2], $0x50, $0x38;
	[tilespmem:$0x1DC80] =	vst v63  }
0xe1: {  	s20 =	sadd.s32 $0xFFFFFFFE, s21;
	s0 =	sadd.s32 $0xFFFFFFFD, s21  }
.Ltmp10:
0xe2: {  	(pc) =	sbr.rel .LBB2_11-.Ltmp10, $3  }
0xe3: {  	_ =	sdelay $0x1  }
0xe4: {  	s13 =	simm.s32 $0x13900  }
0xe5: {  	[tilespmem:s13], [sflag:$0x2] =	stream.linear.gather [hbm4b:s18+s2], $0x50, $0x38;
	[tilespmem:$0x1DC80] =	vst v63  }
.LBB2_10:
.Ltmp11:
0xe6: {  	(pc) =	sbr.rel @p1 .LBB2_14-.Ltmp11, $1  }
0xe7: {  	_ =	sdelay $0x3  }
.LBB2_11:
0xe8: {  	_ =	swait.ge [sflag:s8], $0x50  }
0xe9: {  	[sflag:s8] =	ssyncset.done $0x0  }
0xea: {  	[sflag:s8] =	ssyncadd.s32 $0xFFFFFFB0  }
0xeb: {  	_ =	swait.ge [sflag:s28], $0x2800  }
0xec: {  	[sflag:s28] =	ssyncset.done $0x0  }
0xed: {  	s13 =	simm.s32 $0x13B80;
	s22 =	simm.s32 $0x18C80;
	[sflag:s28] =	ssyncadd.s32 $0xFFFFD800  }
0xee: {  	[spmem:s1] =	stream.indirect.scatter.add.f32 [tilespmem:s22], [sflag:$0xF], $0x80, s13, s24, $0xb8;
	[tilespmem:$0x1DC80] =	vst v63  }
0xef: {  	_ =	swait.ge [sflag:s29], $0x50  }
0xf0: {  	p2 =	slt.u32 s19, $0x1E;
	[sflag:s29] =	ssyncset.done $0x0  }
.Ltmp12:
0xf1: {  	[sflag:s29] =	ssyncadd.s32 $0xFFFFFFB0;
	(pc) =	sbr.rel @!p2 .LBB2_12-.Ltmp12, $4  }
0xf2: {  	_ =	swait.ge [sflag:s31], $0x2800  }
0xf3: {  	s30 =	sadd.s32 $0xFFFFFFFF, s21;
	[sflag:s31] =	ssyncset.done $0x0  }
0xf4: {  	s13 =	simm.s32 $0x13C00;
	s22 =	simm.s32 $0x1B480;
	[sflag:s31] =	ssyncadd.s32 $0xFFFFD800  }
0xf5: {  	[spmem:s1] =	stream.indirect.scatter.add.f32 [tilespmem:s22], [sflag:$0x10], $0x80, s13, s24, $0xb8;
	[tilespmem:$0x1DC80] =	vst v63  }
0xf6: {  	s0 =	simm.s32 $0x13980  }
0xf7: {  	[tilespmem:s0], [sflag:$0x3] =	stream.linear.gather [hbm4b:s25+s2], $0x50, $0x38;
	[tilespmem:$0x1DC80] =	vst v63  }
.Ltmp13:
0xf8: {  	s23 =	simm.s32 $0x13A00;
	(pc) =	sbr.rel .LBB2_18-.Ltmp13, $4  }
0xf9: {  	[tilespmem:s23], [sflag:$0x4] =	stream.linear.gather [hbm4b:s17+s2], $0x50, $0x38;
	[tilespmem:$0x1DC80] =	vst v63  }
0xfa: {  	_ =	swait.ge [sflag:s6], $0x2800  }
0xfb: {  	p2 =	por $0x1, $0x1;
	[sflag:s6] =	ssyncset.done $0x0  }
0xfc: {  	p3 =	por $0x1, $0x1;
	s0 =	smov.u32 s16;
	[sflag:s6] =	ssyncadd.s32 $0xFFFFD800  }
.LBB2_12:
.Ltmp14:
0xfd: {  	(pc) =	sbr.rel .LBB2_15-.Ltmp14, $2  }
0xfe: {  	_ =	sdelay $0x2  }
0xff: {  	p2 =	por $0x1, $0x1;
	p3 =	por $0x0, $0x0  }
.LBB2_14:
0x100: {  	s30 =	sadd.s32 $0x6, s23;
	p3 =	por $0x0, $0x0;
	p2 =	por $0x0, $0x0  }
.LBB2_15:
.Ltmp15:
0x101: {  	(pc) =	sbr.rel @p3 .LBB2_16-.Ltmp15, $4  }
0x102: {  	_ = 	snop  }
0x103: {  	_ =	swait.ge [sflag:s6], $0x2800  }
0x104: {  	[sflag:s6] =	ssyncset.done $0x0  }
0x105: {  	[sflag:s6] =	ssyncadd.s32 $0xFFFFD800  }
0x106: {  	s0 =	smul.u32 $0x50, s0;
	p3 =	por $0x0, $0x0  }
.LBB2_18:
0x107: {  	_ = 	snop  }
0x108: {  	s0 =	sadd.s32 s7, s0  }
0x109: {  	s0 =	sshrl.u32 s0, $0x3  }
0x10a: {  	s0 =	sadd.s32 s5, s0  }
0x10b: {  	[tilespmem:s15], [sflag:$0x5] =	stream.linear.gather [hbm4b:s0+s2], $0x50, $0x38;
	[tilespmem:$0x1DC80] =	vst v63  }
.Ltmp16:
0x10c: {  	_ = 	snop;
	(pc) =	sbr.rel .LBB2_19-.Ltmp16, $4  }
0x10d: {  	_ =	swait.ge [sflag:s26], $0x50  }
0x10e: {  	[sflag:s26] =	ssyncset.done $0x0  }
0x10f: {  	s0 =	smov.u32 s21;
	[sflag:s26] =	ssyncadd.s32 $0xFFFFFFB0  }
0x110: {  	[tilespmem:s12], [sflag:$0x9] =	stream.indirect.gather [hbm4b:s4+s24], $0x80, s14, s24, $0xb8;
	[tilespmem:$0x1DC80] =	vst v63  }
.LBB2_21:
0x111: {  	_ =	sfence.sel $0x180000  }
0x112: {  	[bflag:$0x0] =	sbarrier.arrive $0xFFFF  }
0x113: {  	_ =	strace $0x9000004A  }
0x114: {  	[bflag:$0x2] =	sbarrier.arrive $0xFFFF  }
0x115: {  	s0 =	rddreg [dreg:$0x2]  }
0x116: {  	s0 =	sadd.s32 @!p0 $0x100000, s0  }
0x117: {  	[sflag:s0] =	ssyncadd.tile.s32 @!p0 $0x1;
	_ =	shalt  }
.Lfunc_end2:
_tile_overlayer_lowered:
.L_overlay_start_2:
0x118: {  	(tag) =	ssettag $0x2  }
0x119: {  	s0 =	rddreg [dreg:$0x0];
	s2 =	stileid.u32  }
0x11a: {  	s1 =	rddreg [dreg:$0x1];
	p0 =	sne.s32 s2, $0x0  }
0x11b: {  	s3 =	rddreg [dreg:$0x2];
	[bflag:$0x3] =	sbarrier.arrive $0xFFFF;
	s2 =	simm.s32 @!p0 $0x1C11  }
0x11c: {  	[timem:s3], [sflag:s2] =	dma.local @!p0 [hbm:s0], s1  }
0x11d: {  	s0 =	simm.s32 @!p0 $0x11  }
0x11e: {  	_ =	swait.ge @!p0 [sflag:s0], s1  }
0x11f: {  	s1 =	ssub.s32 @!p0 $0x0, s1;
	[sflag:s0] =	ssyncset.done @!p0 $0x0  }
0x120: {  	[sflag:s0] =	ssyncadd.s32 @!p0 s1  }
0x121: {  	[bflag:$0x3] =	sbarrier.arrive $0xFFFF  }
0x122: {  	_ =	shalt  }

// kernel: kernel.17.cloned.1.call-start
scs
__scs_entry_jumppad:
0x0: {  	(pc) =	sbr.rel $0x88, $3  }
0x1: {  	(tag) =	ssettag $0x0;
	lr =	simm.s32 $0x1  }
0x2: {  	[smem:$0x3F93] =	sst lr;
	_ =	strace $0xD0000000  }
0x3: {  	_ = 	snop  }
0x4: {  	_ = 	snop  }
0x5: {  	_ = 	snop  }
0x6: {  	_ = 	snop  }
0x7: {  	_ = 	snop  }
__scs_overlays_trampoline_lowered:
0x8: {  	[smem:$0x3FA2] =	sst s0  }
0x9: {  	[smem:$0x3FA3] =	sst s1  }
0xa: {  	[smem:$0x3FA4] =	sst s2  }
0xb: {  	[smem:$0x3FA5] =	sst s3  }
0xc: {  	[smem:$0x3FA6] =	sst s4  }
0xd: {  	[smem:$0x3FA7] =	sst s5  }
0xe: {  	[smem:$0x3FA8] =	sst s6  }
0xf: {  	[smem:$0x3FA9] =	sst s7  }
0x10: {  	[smem:$0x3FAA] =	sst s8  }
0x11: {  	[smem:$0x3FAB] =	sst s9;
	s0 =	simm.s32 @!p0 $0x0  }
0x12: {  	s1 =	sld [smem:$0x3F91];
	s0 =	simm.s32 @p0 $0x1  }
0x13: {  	[smem:$0x3FAC] =	sst s0;
	s0 =	simm.s32 @!p1 $0x0  }
0x14: {  	s2 =	sld [smem:$0x3F90];
	s0 =	simm.s32 @p1 $0x1  }
0x15: {  	[smem:$0x3FAD] =	sst s0;
	s0 =	simm.s32 @!p2 $0x0  }
0x16: {  	s3 =	sld [smem:$0x3FDB];
	s0 =	simm.s32 @p2 $0x1  }
0x17: {  	s4 =	simm.s32 $0x1BF5;
	[smem:$0x3FAF] =	sst s0  }
0x18: {  	s0 =	sld [smem:$0x3F92];
	_ =	swait.ge [sflag:s4], $0x0  }
0x19: {  	s7 =	sld [smem:$0x3F93]  }
0x1a: {  	s8 =	sadd.s32 $0xFFFFE003, lr  }
0x1b: {  	s9 =	sadd.s32 $0xFFFFFEF7, lr;
	s5 =	simm.s32 $0xFFFFFFFF;
	p2 =	slt.u32 s8, $0xFFFFF086  }
0x1c: {  	p1 =	slt.u32 s9, $0xF7A;
	s5 =	simm.s32 @!p2 $0x0  }
0x1d: {  	s5 =	simm.s32 @p1 $0x1;
	p0 =	seq.s32 s7, s2  }
0x1e: {  	s7 =	smul.u32 @!p0 $0xF7A, s2;
	p2 =	seq.s32 @!p0 s5, $0x0  }
0x1f: {  	s9 =	smul.u32 $0xF7A, s1;
	s8 =	simm.s32 @!p0 $0x1BF5;
	p2 =	por !p2, p0  }
0x20: {  	[sflag:s8] =	ssyncset.s32 @!p0 $0xFFFFF086;
	s6 =	sadd.s32 @!p0 s3, s7;
	s7 =	simm.s32 @!p0 $0x108  }
0x21: {  	s3 =	sadd.s32 s3, s9;
	s6 =	sadd.s32 @!p0 $0x88, s6;
	s7 =	simm.s32 @p2 $0x1082  }
0x22: {  	[simem:s7], [sflag:s8] =	dma.local @!p0 [hbm:s6], $0xF7A  }
0x23: {  	s9 =	sor.u32 $0xD0000000, s2;
	s6 =	simm.s32 $0x108;
	_ =	swait.ge @!p0 [sflag:s8], $0x0  }
0x24: {  	s3 =	sadd.s32 $0x88, s3;
	s6 =	simm.s32 @!p1 $0x1082;
	[sflag:s4] =	ssyncset.s32 $0xFFFFF086  }
0x25: {  	[simem:s6], [sflag:s4] =	dma.local [hbm:s3], $0xF7A  }
0x26: {  	[smem:$0x3F93] =	sst s1;
	(tag) =	ssettag s2;
	_ =	strace s9  }
0x27: {  	s1 =	sld [smem:$0x3FA3]  }
0x28: {  	s2 =	sld [smem:$0x3FA4]  }
0x29: {  	s4 =	sld [smem:$0x3FA6]  }
0x2a: {  	p0 =	seq.s32 s5, $0x0;
	s5 =	sld [smem:$0x3FA7]  }
0x2b: {  	s6 =	sld [smem:$0x3FA8]  }
0x2c: {  	s7 =	sld [smem:$0x3FA9]  }
0x2d: {  	s3 =	simm.s32 $0x108;
	s8 =	sld [smem:$0x3FAA]  }
0x2e: {  	s3 =	simm.s32 @!p0 $0x1082;
	s9 =	sld [smem:$0x3FAB]  }
0x2f: {  	lr =	sadd.s32 s0, s3;
	s0 =	sld [smem:$0x3FA2]  }
0x30: {  	s3 =	sld [smem:$0x3FA5]  }
0x31: {  	[smem:$0x3FAE] =	sst s10  }
0x32: {  	s10 =	sld [smem:$0x3FAC];
	_ =	sdelay $0x3  }
0x33: {  	p0 =	seq.s32 s10, $0x1;
	s10 =	sld [smem:$0x3FAE];
	_ =	sdelay $0x3  }
0x34: {  	[smem:$0x3FAE] =	sst s10  }
0x35: {  	s10 =	sld [smem:$0x3FAD];
	_ =	sdelay $0x3  }
0x36: {  	p1 =	seq.s32 s10, $0x1;
	s10 =	sld [smem:$0x3FAE];
	_ =	sdelay $0x3  }
0x37: {  	[smem:$0x3FAE] =	sst s10  }
0x38: {  	s10 =	sld [smem:$0x3FAF]  }
0x39: {  	_ = 	snop;
	(pc) =	sbr.ind lr, $3  }
0x3a: {  	_ = 	snop  }
0x3b: {  	_ = 	snop  }
0x3c: {  	p2 =	seq.s32 s10, $0x1;
	s10 =	sld [smem:$0x3FAE]  }
0x3d: {  	_ =	shalt  }
0x3e: {  	_ =	shalt  }
0x3f: {  	_ =	shalt  }
0x40: {  	_ =	shalt  }
0x41: {  	_ =	shalt  }
0x42: {  	_ =	shalt  }
0x43: {  	_ =	shalt  }
0x44: {  	_ =	shalt  }
0x45: {  	_ =	shalt  }
0x46: {  	_ =	shalt  }
0x47: {  	_ =	shalt  }
0x48: {  	_ =	shalt  }
0x49: {  	_ =	shalt  }
0x4a: {  	_ =	shalt  }
0x4b: {  	_ =	shalt  }
0x4c: {  	_ =	shalt  }
0x4d: {  	_ =	shalt  }
0x4e: {  	_ =	shalt  }
0x4f: {  	_ =	shalt  }
0x50: {  	_ =	shalt  }
0x51: {  	_ =	shalt  }
0x52: {  	_ =	shalt  }
0x53: {  	_ =	shalt  }
0x54: {  	_ =	shalt  }
0x55: {  	_ =	shalt  }
0x56: {  	_ =	shalt  }
0x57: {  	_ =	shalt  }
0x58: {  	_ =	shalt  }
0x59: {  	_ =	shalt  }
0x5a: {  	_ =	shalt  }
0x5b: {  	_ =	shalt  }
0x5c: {  	_ =	shalt  }
0x5d: {  	_ =	shalt  }
0x5e: {  	_ =	shalt  }
0x5f: {  	_ =	shalt  }
0x60: {  	_ =	shalt  }
0x61: {  	_ =	shalt  }
0x62: {  	_ =	shalt  }
0x63: {  	_ =	shalt  }
0x64: {  	_ =	shalt  }
0x65: {  	_ =	shalt  }
0x66: {  	_ =	shalt  }
0x67: {  	_ =	shalt  }
0x68: {  	_ =	shalt  }
0x69: {  	_ =	shalt  }
0x6a: {  	_ =	shalt  }
0x6b: {  	_ =	shalt  }
0x6c: {  	_ =	shalt  }
0x6d: {  	_ =	shalt  }
0x6e: {  	_ =	shalt  }
0x6f: {  	_ =	shalt  }
0x70: {  	_ =	shalt  }
0x71: {  	_ =	shalt  }
0x72: {  	_ =	shalt  }
0x73: {  	_ =	shalt  }
0x74: {  	_ =	shalt  }
0x75: {  	_ =	shalt  }
0x76: {  	_ =	shalt  }
0x77: {  	_ =	shalt  }
0x78: {  	_ =	shalt  }
0x79: {  	_ =	shalt  }
0x7a: {  	_ =	shalt  }
0x7b: {  	_ =	shalt  }
0x7c: {  	_ =	shalt  }
0x7d: {  	_ =	shalt  }
0x7e: {  	_ =	shalt  }
0x7f: {  	_ =	shalt  }
0x80: {  	_ =	shalt  }
0x81: {  	_ =	shalt  }
0x82: {  	_ =	shalt  }
0x83: {  	_ =	shalt  }
0x84: {  	_ =	shalt  }
0x85: {  	_ =	shalt  }
0x86: {  	_ =	shalt  }
0x87: {  	_ =	shalt  }
.Lfunc_end0:
.L_simem_size_0:
called_computation.2_lowered:
.L_overlay_start_0:
0x88: {  	s2 =	sld [smem:$0x3FD9]  }
0x89: {  	s3 =	sld [smem:$0x3FFE];
	_ =	sdelay $0x1  }
0x8a: {  	s1 =	srdreg.scid  }
0x8b: {  	s0 =	sand.u32 $0x1, s1  }
0x8c: {  	s16 =	sshll.u32 s0, $0xA;
	s2 =	sadd.s32 s3, s2  }
0x8d: {  	s2 =	sadd.s32 s2, s16  }
0x8e: {  	[smem:$0x3FBA] =	sst s2  }
0x8f: {  	_ = 	snop  }
0x90: {  	(tm) =	ssettm $0x1  }
0x91: {  	s17 =	sld [smem:$0x3FFB];
	_ =	sdelay $0x3  }
0x92: {  	_ =	strace s17  }
0x93: {  	s2 =	sld [smem:$0x3FFC];
	_ =	sdelay $0x3  }
0x94: {  	_ =	strace s2  }
0x95: {  	s2 =	sld [smem:$0x3FFD];
	_ =	sdelay $0x3  }
0x96: {  	_ =	strace s2  }
0x97: {  	_ =	strace $0x8FFFFFFF  }
0x98: {  	s18 =	sld [smem:$0x3FDB];
	_ =	sdelay $0x1  }
0x99: {  	s19 =	simm.s32 $_scs_section_size  }
0x9a: {  	s4 =	simm.s32 $_size__tile_overlayer_lowered;
	s5 =	simm.s32 $_tile_overlayer_lowered  }
0x9b: {  	s22 =	simm.s32 $0x1BFF;
	s21 =	sshll.u32 s5, $0x1;
	s2 =	sadd.s32 s19, s18  }
0x9c: {  	s6 =	simm.s32 $0x0;
	s20 =	sshll.u32 s4, $0x1;
	s4 =	sadd.s32 s21, s2  }
0x9d: {  	[timem:s6], [sflag:s22] =	dma.local [hbm:s4], s20  }
0x9e: {  	_ =	swait.ge [sflag:s22], s20  }
0x9f: {  	s3 =	ssub.s32 $0x0, s20;
	[sflag:s22] =	ssyncset.done $0x0  }
0xa0: {  	[sflag:s22] =	ssyncadd.s32 s3;
	_ =	sdelay $0x1  }
0xa1: {  	s23 =	simm.s32 $0x1B8B  }
0xa2: {  	_ =	swait.ge [sflag:s23], $0x1  }
0xa3: {  	[sflag:s23] =	ssyncset.done $0x0  }
0xa4: {  	s25 =	simm.s32 $0x1B8E;
	s24 =	sld [smem:$0x3FFE];
	[sflag:s23] =	ssyncadd.s32 $0xFFFFFFFF  }
0xa5: {  	s26 =	simm.s32 $execute0_lowered;
	[smem:$0x3FD2] =	sst s25  }
0xa6: {  	s4 =	sshll.u32 s26, $0x1;
	_ =	strace $0x8000004C;
	[dreg:$0x1] =	wrdreg $0xFFFFFFFF  }
0xa7: {  	s28 =	simm.s32 $_size_execute0_lowered;
	s2 =	sadd.s32 s2, s4;
	[dreg:$0x0] =	wrdreg $0x0  }
0xa8: {  	s4 =	sshll.u32 s28, $0x1;
	[dreg:$0x2] =	wrdreg s2  }
0xa9: {  	[dreg:$0x3] =	wrdreg s4  }
0xaa: {  	[dreg:$0x4] =	wrdreg $0xC0  }
0xab: {  	_ =	task [dreg:s6], $0x5FFFF  }
0xac: {  	[dreg:$0x1] =	wrdreg $0xFFFFFFFF  }
0xad: {  	[dreg:$0x0] =	wrdreg $0x60  }
0xae: {  	[dreg:$0x2] =	wrdreg s24  }
0xaf: {  	[dreg:$0x3] =	wrdreg $0x0  }
0xb0: {  	[dreg:$0x4] =	wrdreg $0x9  }
0xb1: {  	_ =	task.clear_ibuf [dreg:s6], $0x5FFFF;
	_ =	strace $0x9000004C  }
0xb2: {  	s29 =	simm.s32 $0x9;
	_ =	strace $0x8000004E  }
0xb3: {  	_ =	swait.ge [sflag:s29], $0x1  }
0xb4: {  	[sflag:s29] =	ssyncadd.s32 $0xFFFFFFFF  }
0xb5: {  	_ =	strace $0x9000004E  }
0xb6: {  	_ =	sfence  }
0xb7: {  	s30 =	sld [smem:$0x0];
	_ =	sdelay $0x2  }
0xb8: {  	s31 =	sshll.u32 s1, $0xD;
	s1 =	sshrl.u32 s1, $0x2  }
0xb9: {  	s3 =	sand.u32 $0x4000, s31;
	s1 =	sadd.s32 s1, s30  }
0xba: {  	s0 =	sor.u32 s3, s0;
	s1 =	sshll.u32 s1, $0x11  }
0xbb: {  	s0 =	sor.u32 s1, s0  }
0xbc: {  	s0 =	sadd.s32 $0x8F2B, s0  }
0xbd: {  	[sflag:s0] =	ssyncadd.remote.s32 $0x1  }
0xbe: {  	_ =	sfence.sel $0xFFFF  }
0xbf: {  	[dreg:$0x0] =	wrdreg $0xFFFFFFFF;
	(pc) =	sbr.abs _section_cstart, $3  }
0xc0: {  	[dreg:$0x1] =	wrdreg $0xFFFFFFFF  }
0xc1: {  	_ =	task.clear_ibuf [dreg:s6], $0x2FFFF;
	_ =	strace $0x9FFFFFFF  }
0xc2: {  	(tm) =	ssettm $0x7FFFFFFF  }
0xc3: {  	_ =	shalt  }
tec
execute0_lowered:
.L_overlay_start_1:
0x0: {  	(tag) =	ssettag $0x1  }
0x1: {  	s0 =	rddreg [dreg:$0x0]  }
0x2: {  	s1 =	rddreg [dreg:$0x1];
	s2 =	simm.s32 $0x0;
	s3 =	srdreg.scid  }
0x3: {  	s11 =	stileid.u32;
	[smem:$0x7FF] =	sst s2;
	s3 =	sand.u32 $0x1, s3  }
0x4: {  	s4 =	sshll.u32 s11, $0x1;
	s17 =	sadd.s32 $0x138000, s1;
	s18 =	smul.u32 $0x13800, s11  }
0x5: {  	s25 =	smul.u32 $0x4E000, s11;
	s5 =	sor.u32 s3, s4;
	s6 =	ssub.s32 $0x2, s3  }
0x6: {  	_ =	strace $0x8000004D;
	s8 =	smul.u32 $0x2710, s5;
	s7 =	sshrl.u32 s6, $0x1  }
0x7: {  	[dreg:$0x3] =	wrdreg s17;
	s5 =	sadd.s32 $0x3600, s0;
	s6 =	ssub.s32 s6, s7  }
0x8: {  	s7 =	sadd.s32 $0x4E200, s8;
	s8 =	sshrl.u32 s8, $0x3;
	s6 =	smax.u32 s6, $0x1  }
0x9: {  	s9 =	sshrl.u32 s7, $0x3;
	s12 =	sadd.s32 s5, s8;
	[dreg:$0xf] =	wrdreg s6  }
0xa: {  	s30 =	smul.u32 $0x4E20, s11;
	s16 =	sadd.s32 s5, s9;
	[dreg:$0x4] =	wrdreg s12  }
0xb: {  	s4 =	sadd.s32 $0x17000, s0;
	s19 =	sadd.s32 $0xA, s12;
	[dreg:$0x5] =	wrdreg s16  }
0xc: {  	s10 =	smul.u32 $0x138800, s3;
	s20 =	sadd.s32 $0x9C4A, s12;
	[dreg:$0x6] =	wrdreg s19  }
0xd: {  	s3 =	smul.u32 $0x2710, s3;
	s21 =	sadd.s32 $0x14, s12;
	[dreg:$0x7] =	wrdreg s20  }
0xe: {  	s0 =	sadd.s32 $0x3E200, s0;
	s22 =	sadd.s32 $0x9C54, s12;
	[dreg:$0x8] =	wrdreg s21  }
0xf: {  	s26 =	sshrl.u32 s10, $0x3;
	s23 =	sadd.s32 $0x1E, s12;
	[dreg:$0x9] =	wrdreg s22  }
0x10: {  	s8 =	sadd.s32 s18, s10;
	s24 =	sadd.s32 $0x9C5E, s12;
	[dreg:$0xa] =	wrdreg s23  }
0x11: {  	s8 =	sshrl.u32 s8, $0x3;
	s12 =	sadd.s32 s3, s30;
	[dreg:$0xb] =	wrdreg s24  }
0x12: {  	s9 =	sshrl.u32 s25, $0x2;
	s8 =	sadd.s32 s0, s8;
	[dreg:$0x12] =	wrdreg s12  }
0x13: {  	s0 =	sadd.s32 s0, s26;
	s18 =	sadd.s32 s9, s1;
	[dreg:$0xc] =	wrdreg s8  }
0x14: {  	s28 =	simm.s32 $0xB;
	s0 =	sadd.s32 $0x27000, s0;
	[dreg:$0xd] =	wrdreg s18  }
0x15: {  	s29 =	simm.s32 $0x8;
	s8 =	sadd.s32 $0x1800, s18;
	[dreg:$0xe] =	wrdreg s0  }
0x16: {  	s31 =	simm.s32 $0xC;
	s9 =	sadd.s32 $0x3000, s18;
	[dreg:$0x10] =	wrdreg s8  }
0x17: {  	p0 =	sne.s32 s11, $0x0;
	s16 =	sadd.s32 $0x4800, s18;
	[dreg:$0x11] =	wrdreg s9  }
0x18: {  	s11 =	simm.s32 $0xA;
	s19 =	sadd.s32 $0x6000, s18;
	[dreg:$0x16] =	wrdreg s16  }
0x19: {  	s10 =	simm.s32 $0x6;
	s20 =	sadd.s32 $0x7800, s18;
	[dreg:$0x17] =	wrdreg s19  }
0x1a: {  	s13 =	sadd.s32 $0x1E0, s12;
	s21 =	sadd.s32 $0x9000, s18;
	[dreg:$0x18] =	wrdreg s20  }
0x1b: {  	s3 =	sadd.s32 $0x190, s12;
	s22 =	sadd.s32 $0xA800, s18;
	[dreg:$0x19] =	wrdreg s21  }
0x1c: {  	s6 =	sadd.s32 $0x230, s12;
	s23 =	sadd.s32 $0xC000, s18;
	[dreg:$0x1a] =	wrdreg s22  }
0x1d: {  	s12 =	simm.s32 $0x13C80;
	s24 =	sadd.s32 $0xD800, s18;
	[dreg:$0x1b] =	wrdreg s23  }
0x1e: {  	s3 =	sshrl.u32 s3, $0x3;
	s25 =	sadd.s32 $0xF000, s18;
	[dreg:$0x1c] =	wrdreg s24  }
0x1f: {  	s6 =	sshrl.u32 s6, $0x3;
	s26 =	sadd.s32 $0x10800, s18;
	[dreg:$0x1d] =	wrdreg s25  }
0x20: {  	s30 =	sadd.s32 $0x12000, s18;
	s0 =	sshrl.u32 s13, $0x3;
	[dreg:$0x1e] =	wrdreg s26  }
0x21: {  	s14 =	sadd.s32 s3, s5;
	s15 =	sadd.s32 s6, s5;
	[dreg:$0x1f] =	wrdreg s30  }
.Ltmp0:
0x22: {  	s19 =	simm.s32 $0x11;
	s26 =	simm.s32 $0x1;
	(pc) =	sbr.rel .LBB2_1-.Ltmp0, $4  }
0x23: {  	s24 =	simm.s32 $0x50;
	s3 =	simm.s32 $0x5;
	s9 =	simm.s32 $0x9  }
0x24: {  	s8 =	simm.s32 $0x7;
	s6 =	simm.s32 $0xD;
	[dreg:$0x14] =	wrdreg s14  }
0x25: {  	s16 =	simm.s32 $0x0;
	s0 =	sadd.s32 s0, s5;
	[dreg:$0x15] =	wrdreg s15  }
0x26: {  	v0 =	vimm.f32 $0.0e+00;
	s14 =	simm.s32 $0x13880;
	s15 =	simm.s32 $0x13A80;
	[dreg:$0x13] =	wrdreg s0  }
.LBB2_20:
0x27: {  	s0 =	stileid.u32;
	[bflag:$0x0] =	sbarrier.arrive $0xFFFF  }
0x28: {  	s19 =	simm.s32 $0x11;
	s0 =	sshll.u32 s0, $0x6;
	s18 =	rddreg [dreg:$0xd]  }
0x29: {  	s16 =	rddreg [dreg:$0xc];
	s0 =	sor.u32 $0x1C11, s0;
	s13 =	sshrl.u32 s18, $0x3  }
0x2a: {  	[hbm:s16], [sflag:s0] =	dma.local [spmem:s13], $0x2700  }
0x2b: {  	_ =	swait.ge [sflag:s19], $0x2700  }
0x2c: {  	[sflag:s19] =	ssyncset.done $0x0;
	s17 =	rddreg [dreg:$0x3]  }
0x2d: {  	s16 =	rddreg [dreg:$0xe];
	[sflag:s19] =	ssyncadd.s32 $0xFFFFD900;
	s13 =	sshrl.u32 @!p0 s17, $0x3  }
0x2e: {  	[hbm:s16], [sflag:s0] =	dma.local @!p0 [spmem:s13], $0x100  }
0x2f: {  	s0 =	simm.s32 @!p0 $0x11  }
0x30: {  	_ =	swait.ge @!p0 [sflag:s0], $0x100  }
0x31: {  	s25 =	sld [smem:$0x7FD];
	_ =	sdelay $0x2  }
0x32: {  	s30 =	rddreg [dreg:$0xf];
	s16 =	sadd.s32 $0x1, s25  }
0x33: {  	p1 =	sne.s32 s16, s30  }
.Ltmp1:
0x34: {  	_ = 	snop;
	(pc) =	sbr.rel @!p1 .LBB2_21-.Ltmp1, $3  }
0x35: {  	_ =	sdelay $0x1  }
0x36: {  	[sflag:s0] =	ssyncset.done @!p0 $0x0  }
0x37: {  	[sflag:s0] =	ssyncadd.s32 @!p0 $0xFFFFFF00  }
.LBB2_1:
0x38: {  	[smem:$0x7FD] =	sst s16;
	s0 =	simm.s32 $0x70;
	s16 =	simm.s32 $0x3C0  }
.LBB2_2:
0x39: {  	p1 =	sne.s32 s16, $0x5FC0;
	[tilespmem:s0+$0x13C80] =	vst v0  }
0x3a: {  	[tilespmem:s0+$0x13C10] =	vst v0  }
0x3b: {  	[tilespmem:s0+$0x13C20] =	vst v0  }
.Ltmp2:
0x3c: {  	[tilespmem:s0+$0x13C30] =	vst v0;
	(pc) =	sbr.rel @p1 .LBB2_2-.Ltmp2, $4  }
0x3d: {  	[tilespmem:s0+$0x13C40] =	vst v0  }
0x3e: {  	[tilespmem:s0+$0x13C50] =	vst v0  }
0x3f: {  	[tilespmem:s0+$0x13C60] =	vst v0  }
0x40: {  	[tilespmem:s0+$0x13C70] =	vst v0;
	s0 =	sshra.s32 s16, $0x2;
	s16 =	sadd.s32 $0x200, s16  }
0x41: {  	[tilespmem:s0+$0x13C80] =	vst v0  }
0x42: {  	[tilespmem:s0+$0x13C10] =	vst v0  }
0x43: {  	[tilespmem:s0+$0x13C20] =	vst v0  }
0x44: {  	[tilespmem:s0+$0x13C30] =	vst v0  }
0x45: {  	[tilespmem:s0+$0x13C40] =	vst v0  }
0x46: {  	[tilespmem:s0+$0x13C50] =	vst v0  }
0x47: {  	[tilespmem:s0+$0x13C60] =	vst v0  }
0x48: {  	[tilespmem:s0+$0x13C70] =	vst v0  }
0x49: {  	[spmem:s18] =	stream.linear.scatter [tilespmem:s12], [sflag:$0x11], $0x1800, $0x38;
	[tilespmem:$0x1DC80] =	vst v63  }
0x4a: {  	_ =	swait.ge [sflag:s19], $0x1800  }
0x4b: {  	[sflag:s19] =	ssyncset.done $0x0  }
0x4c: {  	s23 =	rddreg [dreg:$0x10];
	[sflag:s19] =	ssyncadd.s32 $0xFFFFE800  }
0x4d: {  	[spmem:s23] =	stream.linear.scatter [tilespmem:s12], [sflag:$0x11], $0x1800, $0x38;
	[tilespmem:$0x1DC80] =	vst v63  }
0x4e: {  	_ =	swait.ge [sflag:s19], $0x1800  }
0x4f: {  	[sflag:s19] =	ssyncset.done $0x0  }
0x50: {  	s25 =	rddreg [dreg:$0x11];
	[sflag:s19] =	ssyncadd.s32 $0xFFFFE800  }
0x51: {  	[spmem:s25] =	stream.linear.scatter [tilespmem:s12], [sflag:$0x11], $0x1800, $0x38;
	[tilespmem:$0x1DC80] =	vst v63  }
0x52: {  	_ =	swait.ge [sflag:s19], $0x1800  }
0x53: {  	[sflag:s19] =	ssyncset.done $0x0  }
0x54: {  	s30 =	rddreg [dreg:$0x16];
	[sflag:s19] =	ssyncadd.s32 $0xFFFFE800  }
0x55: {  	[spmem:s30] =	stream.linear.scatter [tilespmem:s12], [sflag:$0x11], $0x1800, $0x38;
	[tilespmem:$0x1DC80] =	vst v63  }
0x56: {  	_ =	swait.ge [sflag:s19], $0x1800  }
0x57: {  	[sflag:s19] =	ssyncset.done $0x0  }
0x58: {  	s13 =	rddreg [dreg:$0x17];
	[sflag:s19] =	ssyncadd.s32 $0xFFFFE800  }
0x59: {  	[spmem:s13] =	stream.linear.scatter [tilespmem:s12], [sflag:$0x11], $0x1800, $0x38;
	[tilespmem:$0x1DC80] =	vst v63  }
0x5a: {  	_ =	swait.ge [sflag:s19], $0x1800  }
0x5b: {  	[sflag:s19] =	ssyncset.done $0x0  }
0x5c: {  	s16 =	rddreg [dreg:$0x18];
	[sflag:s19] =	ssyncadd.s32 $0xFFFFE800  }
0x5d: {  	[spmem:s16] =	stream.linear.scatter [tilespmem:s12], [sflag:$0x11], $0x1800, $0x38;
	[tilespmem:$0x1DC80] =	vst v63  }
0x5e: {  	_ =	swait.ge [sflag:s19], $0x1800  }
0x5f: {  	[sflag:s19] =	ssyncset.done $0x0  }
0x60: {  	s18 =	rddreg [dreg:$0x19];
	[sflag:s19] =	ssyncadd.s32 $0xFFFFE800  }
0x61: {  	[spmem:s18] =	stream.linear.scatter [tilespmem:s12], [sflag:$0x11], $0x1800, $0x38;
	[tilespmem:$0x1DC80] =	vst v63  }
0x62: {  	_ =	swait.ge [sflag:s19], $0x1800  }
0x63: {  	[sflag:s19] =	ssyncset.done $0x0  }
0x64: {  	s20 =	rddreg [dreg:$0x1a];
	[sflag:s19] =	ssyncadd.s32 $0xFFFFE800  }
0x65: {  	[spmem:s20] =	stream.linear.scatter [tilespmem:s12], [sflag:$0x11], $0x1800, $0x38;
	[tilespmem:$0x1DC80] =	vst v63  }
0x66: {  	_ =	swait.ge [sflag:s19], $0x1800  }
0x67: {  	[sflag:s19] =	ssyncset.done $0x0  }
0x68: {  	s21 =	rddreg [dreg:$0x1b];
	[sflag:s19] =	ssyncadd.s32 $0xFFFFE800  }
0x69: {  	[spmem:s21] =	stream.linear.scatter [tilespmem:s12], [sflag:$0x11], $0x1800, $0x38;
	[tilespmem:$0x1DC80] =	vst v63  }
0x6a: {  	_ =	swait.ge [sflag:s19], $0x1800  }
0x6b: {  	[sflag:s19] =	ssyncset.done $0x0  }
0x6c: {  	s22 =	rddreg [dreg:$0x1c];
	[sflag:s19] =	ssyncadd.s32 $0xFFFFE800  }
0x6d: {  	[spmem:s22] =	stream.linear.scatter [tilespmem:s12], [sflag:$0x11], $0x1800, $0x38;
	[tilespmem:$0x1DC80] =	vst v63  }
0x6e: {  	_ =	swait.ge [sflag:s19], $0x1800  }
0x6f: {  	[sflag:s19] =	ssyncset.done $0x0  }
0x70: {  	s23 =	rddreg [dreg:$0x1d];
	[sflag:s19] =	ssyncadd.s32 $0xFFFFE800  }
0x71: {  	[spmem:s23] =	stream.linear.scatter [tilespmem:s12], [sflag:$0x11], $0x1800, $0x38;
	[tilespmem:$0x1DC80] =	vst v63  }
0x72: {  	_ =	swait.ge [sflag:s19], $0x1800  }
0x73: {  	[sflag:s19] =	ssyncset.done $0x0  }
0x74: {  	s25 =	rddreg [dreg:$0x1e];
	[sflag:s19] =	ssyncadd.s32 $0xFFFFE800  }
0x75: {  	[spmem:s25] =	stream.linear.scatter [tilespmem:s12], [sflag:$0x11], $0x1800, $0x38;
	[tilespmem:$0x1DC80] =	vst v63  }
0x76: {  	_ =	swait.ge [sflag:s19], $0x1800  }
0x77: {  	[sflag:s19] =	ssyncset.done $0x0  }
0x78: {  	s30 =	rddreg [dreg:$0x1f];
	[sflag:s19] =	ssyncadd.s32 $0xFFFFE800  }
0x79: {  	[spmem:s30] =	stream.linear.scatter [tilespmem:s12], [sflag:$0x11], $0x1800, $0x38;
	[tilespmem:$0x1DC80] =	vst v63  }
0x7a: {  	_ =	swait.ge [sflag:s19], $0x1800  }
0x7b: {  	[sflag:s19] =	ssyncset.done $0x0  }
0x7c: {  	s0 =	simm.s32 @!p0 $0x13C80;
	[sflag:s19] =	ssyncadd.s32 $0xFFFFE800  }
0x7d: {  	[spmem:s17] =	stream.linear.scatter @!p0 [tilespmem:s0], [sflag:$0x11], $0x800, $0x38;
	[tilespmem:$0x1DC80] =	vst v63  }
0x7e: {  	s0 =	simm.s32 @!p0 $0x11  }
0x7f: {  	_ =	swait.ge @!p0 [sflag:s0], $0x800  }
0x80: {  	[sflag:s0] =	ssyncset.done @!p0 $0x0  }
0x81: {  	s19 =	simm.s32 $0x0;
	s13 =	rddreg [dreg:$0x4];
	[sflag:s0] =	ssyncadd.s32 @!p0 $0xFFFFF800  }
0x82: {  	[tilespmem:s14], [sflag:$0x1] =	stream.linear.gather [hbm4b:s13+s19], $0x50, $0x38;
	[tilespmem:$0x1DC80] =	vst v63  }
0x83: {  	s16 =	rddreg [dreg:$0x5]  }
0x84: {  	[tilespmem:s15], [sflag:$0x5] =	stream.linear.gather [hbm4b:s16+s19], $0x50, $0x38;
	[tilespmem:$0x1DC80] =	vst v63  }
0x85: {  	s17 =	rddreg [dreg:$0x6];
	s13 =	simm.s32 $0x13900  }
0x86: {  	[tilespmem:s13], [sflag:$0x2] =	stream.linear.gather [hbm4b:s17+s19], $0x50, $0x38;
	[tilespmem:$0x1DC80] =	vst v63  }
0x87: {  	s18 =	rddreg [dreg:$0x7];
	s16 =	simm.s32 $0x13B00  }
0x88: {  	[tilespmem:s16], [sflag:$0x6] =	stream.linear.gather [hbm4b:s18+s19], $0x50, $0x38;
	[tilespmem:$0x1DC80] =	vst v63  }
0x89: {  	s20 =	rddreg [dreg:$0x8];
	s16 =	simm.s32 $0x13980  }
0x8a: {  	[tilespmem:s16], [sflag:$0x3] =	stream.linear.gather [hbm4b:s20+s19], $0x50, $0x38;
	[tilespmem:$0x1DC80] =	vst v63  }
0x8b: {  	s22 =	simm.s32 $0x13B80;
	s21 =	rddreg [dreg:$0x9]  }
0x8c: {  	[tilespmem:s22], [sflag:$0x7] =	stream.linear.gather [hbm4b:s21+s19], $0x50, $0x38;
	[tilespmem:$0x1DC80] =	vst v63  }
0x8d: {  	s23 =	rddreg [dreg:$0xa];
	s17 =	simm.s32 $0x13A00  }
0x8e: {  	[tilespmem:s17], [sflag:$0x4] =	stream.linear.gather [hbm4b:s23+s19], $0x50, $0x38;
	[tilespmem:$0x1DC80] =	vst v63  }
0x8f: {  	s30 =	simm.s32 $0x13C00;
	s25 =	rddreg [dreg:$0xb]  }
0x90: {  	[tilespmem:s30], [sflag:$0x8] =	stream.linear.gather [hbm4b:s25+s19], $0x50, $0x38;
	[tilespmem:$0x1DC80] =	vst v63  }
0x91: {  	_ =	swait.ge [sflag:s26], $0x50  }
0x92: {  	[sflag:s26] =	ssyncset.done $0x0  }
0x93: {  	s20 =	simm.s32 $0x2;
	[sflag:s26] =	ssyncadd.s32 $0xFFFFFFB0  }
0x94: {  	[tilespmem:s12], [sflag:$0x9] =	stream.indirect.gather [hbm4b:s4+s24], $0x80, s14, s24, $0xb8;
	[tilespmem:$0x1DC80] =	vst v63  }
0x95: {  	_ =	swait.ge [sflag:s20], $0x50  }
0x96: {  	[sflag:s20] =	ssyncset.done $0x0  }
0x97: {  	s21 =	simm.s32 $0x16480;
	s22 =	simm.s32 $0x3;
	[sflag:s20] =	ssyncadd.s32 $0xFFFFFFB0  }
0x98: {  	[tilespmem:s21], [sflag:$0xA] =	stream.indirect.gather [hbm4b:s4+s24], $0x80, s13, s24, $0xb8;
	[tilespmem:$0x1DC80] =	vst v63  }
0x99: {  	_ =	swait.ge [sflag:s22], $0x50  }
0x9a: {  	[sflag:s22] =	ssyncset.done $0x0  }
0x9b: {  	s23 =	simm.s32 $0x18C80;
	s25 =	simm.s32 $0x4;
	[sflag:s22] =	ssyncadd.s32 $0xFFFFFFB0  }
0x9c: {  	[tilespmem:s23], [sflag:$0xB] =	stream.indirect.gather [hbm4b:s4+s24], $0x80, s16, s24, $0xb8;
	[tilespmem:$0x1DC80] =	vst v63  }
0x9d: {  	_ =	swait.ge [sflag:s25], $0x50  }
0x9e: {  	[sflag:s25] =	ssyncset.done $0x0  }
0x9f: {  	s30 =	simm.s32 $0x1B480;
	[sflag:s25] =	ssyncadd.s32 $0xFFFFFFB0  }
0xa0: {  	[tilespmem:s30], [sflag:$0xC] =	stream.indirect.gather [hbm4b:s4+s24], $0x80, s17, s24, $0xb8;
	[tilespmem:$0x1DC80] =	vst v63  }
.Ltmp3:
0xa1: {  	_ = 	snop;
	(pc) =	sbr.rel .LBB2_4-.Ltmp3, $4  }
0xa2: {  	[bflag:$0x0] =	sbarrier.arrive $0xFFFF  }
0xa3: {  	s17 =	rddreg [dreg:$0x15]  }
0xa4: {  	s18 =	rddreg [dreg:$0x14]  }
0xa5: {  	s21 =	simm.s32 $0x7;
	s16 =	simm.s32 $0x140;
	s25 =	rddreg [dreg:$0x13]  }
.LBB2_16:
0xa6: {  	s0 =	sadd.s32 $0x7, s23;
	p3 =	por $0x0, $0x0  }
.LBB2_19:
0xa7: {  	s20 =	smul.u32 @p3 $0x50, s20  }
0xa8: {  	s23 =	simm.s32 @!p1 $0xE  }
0xa9: {  	_ =	swait.ge @!p1 [sflag:s23], $0x2800;
	s20 =	sadd.s32 @p3 s7, s20  }
0xaa: {  	s13 =	simm.s32 @p3 $0x13B00;
	[sflag:s23] =	ssyncset.done @!p1 $0x0;
	s20 =	sshrl.u32 @p3 s20, $0x3  }
0xab: {  	[sflag:s23] =	ssyncadd.s32 @!p1 $0xFFFFD800;
	s23 =	simm.s32 @p3 $0x0;
	s20 =	sadd.s32 @p3 s5, s20  }
0xac: {  	[tilespmem:s13], [sflag:$0x6] =	stream.linear.gather @p3 [hbm4b:s20+s23], $0x50, $0x38;
	[tilespmem:$0x1DC80] =	vst v63  }
0xad: {  	s13 =	simm.s32 @p3 $0x2  }
0xae: {  	_ =	swait.ge @p3 [sflag:s13], $0x50  }
0xaf: {  	s22 =	simm.s32 @p3 $0x16480;
	[sflag:s13] =	ssyncset.done @p3 $0x0  }
0xb0: {  	s20 =	simm.s32 @p3 $0x13900;
	[sflag:s13] =	ssyncadd.s32 @p3 $0xFFFFFFB0;
	s13 =	simm.s32 @p3 $0x50  }
0xb1: {  	[tilespmem:s22], [sflag:$0xA] =	stream.indirect.gather @p3 [hbm4b:s4+s13], $0x80, s20, s13, $0xb8;
	[tilespmem:$0x1DC80] =	vst v63  }
0xb2: {  	s20 =	smul.u32 @p3 $0x50, s30  }
0xb3: {  	s22 =	simm.s32 @p2 $0xF  }
0xb4: {  	_ =	swait.ge @p2 [sflag:s22], $0x2800;
	s20 =	sadd.s32 @p3 s7, s20  }
0xb5: {  	[sflag:s22] =	ssyncset.done @p2 $0x0;
	s20 =	sshrl.u32 @p3 s20, $0x3  }
0xb6: {  	[sflag:s22] =	ssyncadd.s32 @p2 $0xFFFFD800;
	s22 =	simm.s32 @p3 $0x13B80;
	s20 =	sadd.s32 @p3 s5, s20  }
0xb7: {  	[tilespmem:s22], [sflag:$0x7] =	stream.linear.gather @p3 [hbm4b:s20+s23], $0x50, $0x38;
	[tilespmem:$0x1DC80] =	vst v63  }
0xb8: {  	s20 =	simm.s32 @p3 $0x3  }
0xb9: {  	_ =	swait.ge @p3 [sflag:s20], $0x50  }
0xba: {  	s0 =	smul.u32 @p3 $0x50, s0;
	[sflag:s20] =	ssyncset.done @p3 $0x0  }
0xbb: {  	s22 =	simm.s32 @p3 $0x18C80;
	[sflag:s20] =	ssyncadd.s32 @p3 $0xFFFFFFB0;
	s20 =	simm.s32 @p3 $0x13980  }
0xbc: {  	[tilespmem:s22], [sflag:$0xB] =	stream.indirect.gather @p3 [hbm4b:s4+s13], $0x80, s20, s13, $0xb8;
	[tilespmem:$0x1DC80] =	vst v63  }
0xbd: {  	s20 =	simm.s32 @p2 $0x10  }
0xbe: {  	s21 =	sadd.s32 $0x4, s21;
	s0 =	sadd.s32 @p3 s7, s0;
	_ =	swait.ge @p2 [sflag:s20], $0x2800  }
0xbf: {  	s0 =	sshrl.u32 @p3 s0, $0x3;
	p1 =	sne.s32 s21, $0x87;
	[sflag:s20] =	ssyncset.done @p2 $0x0  }
0xc0: {  	s0 =	sadd.s32 @p3 s5, s0;
	[sflag:s20] =	ssyncadd.s32 @p2 $0xFFFFD800;
	s20 =	simm.s32 @p3 $0x13C00  }
0xc1: {  	[tilespmem:s20], [sflag:$0x8] =	stream.linear.gather @p3 [hbm4b:s0+s23], $0x50, $0x38;
	[tilespmem:$0x1DC80] =	vst v63  }
.Ltmp4:
0xc2: {  	s19 =	sadd.s32 $0x1, s19;
	s0 =	simm.s32 @p3 $0x4;
	(pc) =	sbr.rel @!p1 .LBB2_20-.Ltmp4, $4  }
0xc3: {  	s16 =	sadd.s32 $0x140, s16;
	s25 =	sadd.s32 $0x28, s25;
	_ =	swait.ge @p3 [sflag:s0], $0x50  }
0xc4: {  	s18 =	sadd.s32 $0x28, s18;
	s17 =	sadd.s32 $0x28, s17;
	[sflag:s0] =	ssyncset.done @p3 $0x0  }
0xc5: {  	s20 =	simm.s32 @p3 $0x1B480;
	[sflag:s0] =	ssyncadd.s32 @p3 $0xFFFFFFB0;
	s0 =	simm.s32 @p3 $0x13A00  }
0xc6: {  	[tilespmem:s20], [sflag:$0xC] =	stream.indirect.gather @p3 [hbm4b:s4+s13], $0x80, s0, s13, $0xb8;
	[tilespmem:$0x1DC80] =	vst v63  }
.LBB2_4:
0xc7: {  	_ =	swait.ge [sflag:s3], $0x50  }
0xc8: {  	p1 =	sgt.u32 s19, $0x1E;
	[sflag:s3] =	ssyncset.done $0x0  }
.Ltmp5:
0xc9: {  	[sflag:s3] =	ssyncadd.s32 $0xFFFFFFB0;
	(pc) =	sbr.rel @p1 .LBB2_8-.Ltmp5, $4  }
0xca: {  	_ =	swait.ge [sflag:s9], $0x2800  }
0xcb: {  	[sflag:s9] =	ssyncset.done $0x0  }
0xcc: {  	s23 =	sshll.u32 s19, $0x2;
	[sflag:s9] =	ssyncadd.s32 $0xFFFFD800  }
0xcd: {  	[spmem:s1] =	stream.indirect.scatter.add.f32 [tilespmem:s12], [sflag:$0xD], $0x80, s15, s24, $0xb8;
	[tilespmem:$0x1DC80] =	vst v63  }
0xce: {  	_ =	swait.ge [sflag:s10], $0x50  }
0xcf: {  	[sflag:s10] =	ssyncset.done $0x0  }
.Ltmp6:
0xd0: {  	[sflag:s10] =	ssyncadd.s32 $0xFFFFFFB0;
	(pc) =	sbr.rel .LBB2_6-.Ltmp6, $4  }
0xd1: {  	_ =	swait.ge [sflag:s11], $0x2800  }
0xd2: {  	[sflag:s11] =	ssyncset.done $0x0  }
0xd3: {  	s0 =	simm.s32 $0x13B00;
	s13 =	simm.s32 $0x16480;
	[sflag:s11] =	ssyncadd.s32 $0xFFFFD800  }
0xd4: {  	[spmem:s1] =	stream.indirect.scatter.add.f32 [tilespmem:s13], [sflag:$0xE], $0x80, s0, s24, $0xb8;
	[tilespmem:$0x1DC80] =	vst v63  }
.LBB2_8:
0xd5: {  	p2 =	seq.s32 s21, $0x83  }
.Ltmp7:
0xd6: {  	_ = 	snop;
	(pc) =	sbr.rel @!p2 .LBB2_6-.Ltmp7, $1  }
0xd7: {  	_ =	sdelay $0x3  }
.Ltmp8:
0xd8: {  	(pc) =	sbr.rel .LBB2_15-.Ltmp8, $3  }
0xd9: {  	_ =	sdelay $0x1  }
0xda: {  	s0 =	sadd.s32 $0x4, s23;
	s20 =	simm.s32 $0x81  }
0xdb: {  	p2 =	por $0x0, $0x0;
	s30 =	simm.s32 $0x82;
	p3 =	por $0x1, $0x1  }
.LBB2_6:
0xdc: {  	s0 =	rddreg [dreg:$0x12];
	p2 =	sgt.u32 s19, $0x1D  }
.Ltmp9:
0xdd: {  	s0 =	sadd.s32 s16, s0;
	(pc) =	sbr.rel @p2 .LBB2_10-.Ltmp9, $4  }
0xde: {  	s0 =	sshrl.u32 s0, $0x3  }
0xdf: {  	s0 =	sadd.s32 s5, s0  }
0xe0: {  	[tilespmem:s14], [sflag:$0x1] =	stream.linear.gather [hbm4b:s0+s2], $0x50, $0x38;
	[tilespmem:$0x1DC80] =	vst v63  }
0xe1: {  	s20 =	sadd.s32 $0xFFFFFFFE, s21;
	s0 =	sadd.s32 $0xFFFFFFFD, s21  }
.Ltmp10:
0xe2: {  	(pc) =	sbr.rel .LBB2_11-.Ltmp10, $3  }
0xe3: {  	_ =	sdelay $0x1  }
0xe4: {  	s13 =	simm.s32 $0x13900  }
0xe5: {  	[tilespmem:s13], [sflag:$0x2] =	stream.linear.gather [hbm4b:s18+s2], $0x50, $0x38;
	[tilespmem:$0x1DC80] =	vst v63  }
.LBB2_10:
.Ltmp11:
0xe6: {  	(pc) =	sbr.rel @p1 .LBB2_14-.Ltmp11, $1  }
0xe7: {  	_ =	sdelay $0x3  }
.LBB2_11:
0xe8: {  	_ =	swait.ge [sflag:s8], $0x50  }
0xe9: {  	[sflag:s8] =	ssyncset.done $0x0  }
0xea: {  	[sflag:s8] =	ssyncadd.s32 $0xFFFFFFB0  }
0xeb: {  	_ =	swait.ge [sflag:s28], $0x2800  }
0xec: {  	[sflag:s28] =	ssyncset.done $0x0  }
0xed: {  	s13 =	simm.s32 $0x13B80;
	s22 =	simm.s32 $0x18C80;
	[sflag:s28] =	ssyncadd.s32 $0xFFFFD800  }
0xee: {  	[spmem:s1] =	stream.indirect.scatter.add.f32 [tilespmem:s22], [sflag:$0xF], $0x80, s13, s24, $0xb8;
	[tilespmem:$0x1DC80] =	vst v63  }
0xef: {  	_ =	swait.ge [sflag:s29], $0x50  }
0xf0: {  	p2 =	slt.u32 s19, $0x1E;
	[sflag:s29] =	ssyncset.done $0x0  }
.Ltmp12:
0xf1: {  	[sflag:s29] =	ssyncadd.s32 $0xFFFFFFB0;
	(pc) =	sbr.rel @!p2 .LBB2_12-.Ltmp12, $4  }
0xf2: {  	_ =	swait.ge [sflag:s31], $0x2800  }
0xf3: {  	s30 =	sadd.s32 $0xFFFFFFFF, s21;
	[sflag:s31] =	ssyncset.done $0x0  }
0xf4: {  	s13 =	simm.s32 $0x13C00;
	s22 =	simm.s32 $0x1B480;
	[sflag:s31] =	ssyncadd.s32 $0xFFFFD800  }
0xf5: {  	[spmem:s1] =	stream.indirect.scatter.add.f32 [tilespmem:s22], [sflag:$0x10], $0x80, s13, s24, $0xb8;
	[tilespmem:$0x1DC80] =	vst v63  }
0xf6: {  	s0 =	simm.s32 $0x13980  }
0xf7: {  	[tilespmem:s0], [sflag:$0x3] =	stream.linear.gather [hbm4b:s25+s2], $0x50, $0x38;
	[tilespmem:$0x1DC80] =	vst v63  }
.Ltmp13:
0xf8: {  	s23 =	simm.s32 $0x13A00;
	(pc) =	sbr.rel .LBB2_18-.Ltmp13, $4  }
0xf9: {  	[tilespmem:s23], [sflag:$0x4] =	stream.linear.gather [hbm4b:s17+s2], $0x50, $0x38;
	[tilespmem:$0x1DC80] =	vst v63  }
0xfa: {  	_ =	swait.ge [sflag:s6], $0x2800  }
0xfb: {  	p2 =	por $0x1, $0x1;
	[sflag:s6] =	ssyncset.done $0x0  }
0xfc: {  	p3 =	por $0x1, $0x1;
	s0 =	smov.u32 s16;
	[sflag:s6] =	ssyncadd.s32 $0xFFFFD800  }
.LBB2_12:
.Ltmp14:
0xfd: {  	(pc) =	sbr.rel .LBB2_15-.Ltmp14, $2  }
0xfe: {  	_ =	sdelay $0x2  }
0xff: {  	p2 =	por $0x1, $0x1;
	p3 =	por $0x0, $0x0  }
.LBB2_14:
0x100: {  	s30 =	sadd.s32 $0x6, s23;
	p3 =	por $0x0, $0x0;
	p2 =	por $0x0, $0x0  }
.LBB2_15:
.Ltmp15:
0x101: {  	(pc) =	sbr.rel @p3 .LBB2_16-.Ltmp15, $4  }
0x102: {  	_ = 	snop  }
0x103: {  	_ =	swait.ge [sflag:s6], $0x2800  }
0x104: {  	[sflag:s6] =	ssyncset.done $0x0  }
0x105: {  	[sflag:s6] =	ssyncadd.s32 $0xFFFFD800  }
0x106: {  	s0 =	smul.u32 $0x50, s0;
	p3 =	por $0x0, $0x0  }
.LBB2_18:
0x107: {  	_ = 	snop  }
0x108: {  	s0 =	sadd.s32 s7, s0  }
0x109: {  	s0 =	sshrl.u32 s0, $0x3  }
0x10a: {  	s0 =	sadd.s32 s5, s0  }
0x10b: {  	[tilespmem:s15], [sflag:$0x5] =	stream.linear.gather [hbm4b:s0+s2], $0x50, $0x38;
	[tilespmem:$0x1DC80] =	vst v63  }
.Ltmp16:
0x10c: {  	_ = 	snop;
	(pc) =	sbr.rel .LBB2_19-.Ltmp16, $4  }
0x10d: {  	_ =	swait.ge [sflag:s26], $0x50  }
0x10e: {  	[sflag:s26] =	ssyncset.done $0x0  }
0x10f: {  	s0 =	smov.u32 s21;
	[sflag:s26] =	ssyncadd.s32 $0xFFFFFFB0  }
0x110: {  	[tilespmem:s12], [sflag:$0x9] =	stream.indirect.gather [hbm4b:s4+s24], $0x80, s14, s24, $0xb8;
	[tilespmem:$0x1DC80] =	vst v63  }
.LBB2_21:
0x111: {  	_ =	sfence.sel $0x180000  }
0x112: {  	[bflag:$0x0] =	sbarrier.arrive $0xFFFF  }
0x113: {  	_ =	strace $0x9000004D  }
0x114: {  	[bflag:$0x2] =	sbarrier.arrive $0xFFFF  }
0x115: {  	s0 =	rddreg [dreg:$0x2]  }
0x116: {  	s0 =	sadd.s32 @!p0 $0x100000, s0  }
0x117: {  	[sflag:s0] =	ssyncadd.tile.s32 @!p0 $0x1;
	_ =	shalt  }
.Lfunc_end2:
_tile_overlayer_lowered:
.L_overlay_start_2:
0x118: {  	(tag) =	ssettag $0x2  }
0x119: {  	s0 =	rddreg [dreg:$0x0];
	s2 =	stileid.u32  }
0x11a: {  	s1 =	rddreg [dreg:$0x1];
	p0 =	sne.s32 s2, $0x0  }
0x11b: {  	s3 =	rddreg [dreg:$0x2];
	[bflag:$0x3] =	sbarrier.arrive $0xFFFF;
	s2 =	simm.s32 @!p0 $0x1C11  }
0x11c: {  	[timem:s3], [sflag:s2] =	dma.local @!p0 [hbm:s0], s1  }
0x11d: {  	s0 =	simm.s32 @!p0 $0x11  }
0x11e: {  	_ =	swait.ge @!p0 [sflag:s0], s1  }
0x11f: {  	s1 =	ssub.s32 @!p0 $0x0, s1;
	[sflag:s0] =	ssyncset.done @!p0 $0x0  }
0x120: {  	[sflag:s0] =	ssyncadd.s32 @!p0 s1  }
0x121: {  	[bflag:$0x3] =	sbarrier.arrive $0xFFFF  }
0x122: {  	_ =	shalt  }

</sc_bundles>
